<compile_context>
chip_gen: v7x
topology: tpu7x:2x2x1
jax: 0.10.2.dev20260603
libtpu: 0.0.44.dev20260713+nightly
codegen_flags: <defaults>
</compile_context>

<pallas_src>
import functools

import jax
import jax.numpy as jnp
from jax import lax
from jax.experimental import pallas as pl
from jax.experimental.pallas import tpu as pltpu
from jax.experimental.pallas import tpu_sc as plsc

N = 10000
D = 128
E = 320000

NC = 2
NS = 16
NW = NC * NS
CHUNK = 128
K = 80
E_PAD = NW * CHUNK * K
NPAD = 10240
ROWS_PER_TILE = NPAD // NS
L = 16
NBUF = 1

_BLK = 2000


SB = 8
NSB = K // SB


@functools.lru_cache(maxsize=None)
def _make_agg(with_deg):
    mesh = plsc.VectorSubcoreMesh(core_axis_name="c", subcore_axis_name="s",
                                  num_cores=NC, num_subcores=NS)
    out_type = [jax.ShapeDtypeStruct((NC, NPAD, D), jnp.float32)]
    scratch = [
        pltpu.VMEM((2, SB, CHUNK), jnp.int32),
        pltpu.VMEM((2, SB, CHUNK), jnp.int32),
        pltpu.VMEM((2, CHUNK, D), jnp.float32),
        pltpu.VMEM_SHARED((NPAD, D), jnp.float32),
        pltpu.SemaphoreType.DMA,
        pltpu.SemaphoreType.DMA,
        pltpu.SemaphoreType.DMA,
        pltpu.SemaphoreType.DMA,
    ]
    if with_deg:
        out_type.append(jax.ShapeDtypeStruct((NW * NPAD,), jnp.float32))
        scratch.append(pltpu.VMEM((NPAD,), jnp.float32))

    @functools.partial(pl.kernel, out_type=out_type, mesh=mesh,
                       compiler_params=pltpu.CompilerParams(needs_layout_passes=False),
                       scratch_types=scratch)
    def agg(*refs):
        if with_deg:
            (feat_hbm, src_hbm, dst_hbm, zrows_hbm, zdeg_hbm, out_hbm, deg_hbm,
             sidx, didx, rows_v, acc_s, sem_s, sem_i, sem_g0, sem_g1, deg_v) = refs
        else:
            (feat_hbm, src_hbm, dst_hbm, zrows_hbm, out_hbm,
             sidx, didx, rows_v, acc_s, sem_s, sem_i, sem_g0, sem_g1) = refs
        sem_g = (sem_g0, sem_g1)
        c = lax.axis_index("c")
        s = lax.axis_index("s")
        w = c * NS + s
        rbase = s * ROWS_PER_TILE

        def idx_fill(sb, buf):
            base = w * K + sb * SB
            pltpu.async_copy(src_hbm.at[pl.ds(base, SB)], sidx.at[buf], sem_i)
            pltpu.async_copy(dst_hbm.at[pl.ds(base, SB)], didx.at[buf], sem_i)

        def idx_wait(sb, buf):
            base = w * K + sb * SB
            pltpu.make_async_copy(src_hbm.at[pl.ds(base, SB)], sidx.at[buf],
                                  sem_i).wait()
            pltpu.make_async_copy(dst_hbm.at[pl.ds(base, SB)], didx.at[buf],
                                  sem_i).wait()

        def drain_scatter(buf, row):
            pltpu.make_async_copy(rows_v.at[buf], acc_s.at[didx.at[0, row]],
                                  sem_s).wait()

        idx_fill(0, 0)
        pltpu.sync_copy(zrows_hbm, acc_s.at[pl.ds(rbase, ROWS_PER_TILE)])
        if with_deg:
            pltpu.sync_copy(zdeg_hbm, deg_v)
        plsc.subcore_barrier()

        def do_sb(sb, buf):
            @pl.when(sb > 0)
            def _():
                drain_scatter(0, 0)
                drain_scatter(1, 0)

            @pl.when(sb < NSB - 1)
            def _():
                idx_fill(sb + 1, 1 - buf)

            idx_wait(sb, buf)
            if with_deg:
                for r in range(SB):
                    for i in range(CHUNK // L):
                        idx = didx[buf, r, pl.ds(i * L, L)]
                        cnt, last = plsc.scan_count(idx)
                        plsc.addupdate_scatter(deg_v, [idx],
                                               cnt.astype(jnp.float32), mask=last)
            for g in range(SB // 2):
                gathers = []
                for b in range(2):
                    r = 2 * g + b
                    if g > 0:
                        drain_scatter(b, 0)
                    gathers.append(pltpu.async_copy(
                        feat_hbm.at[sidx.at[buf, r]], rows_v.at[b], sem_g[b]))
                for b in range(2):
                    r = 2 * g + b
                    gathers[b].wait()
                    pltpu.async_copy(rows_v.at[b], acc_s.at[didx.at[buf, r]],
                                     sem_s, add=True)

        def body(t, carry):
            do_sb(2 * t, 0)
            do_sb(2 * t + 1, 1)
            return carry

        lax.fori_loop(0, NSB // 2, body, 0)
        drain_scatter(0, 0)
        drain_scatter(1, 0)
        plsc.subcore_barrier()
        pltpu.sync_copy(acc_s.at[pl.ds(rbase, ROWS_PER_TILE)],
                        out_hbm.at[c, pl.ds(rbase, ROWS_PER_TILE)])
        if with_deg:
            pltpu.sync_copy(deg_v, deg_hbm.at[pl.ds(w * NPAD, NPAD)])

    return agg


def _l1_body(x_ref, p_ref, degp_ref, ws_ref, wn_ref, b_ref, h_ref, rdeg_ref):
    deg = jnp.sum(degp_ref[...], axis=1)
    r = (1.0 / jnp.maximum(deg, 1.0))[:, None]
    mean = (p_ref[0] + p_ref[1]) * r
    acc = jnp.dot(x_ref[...], ws_ref[...], preferred_element_type=jnp.float32)
    acc += jnp.dot(mean, wn_ref[...], preferred_element_type=jnp.float32)
    acc += b_ref[...]
    h_ref[...] = jnp.maximum(acc, 0.0)
    rdeg_ref[...] = r


def _l2_body(h_ref, p_ref, rdeg_ref, ws_ref, wn_ref, b_ref, o_ref):
    mean = (p_ref[0] + p_ref[1]) * rdeg_ref[...]
    acc = jnp.dot(h_ref[...], ws_ref[...], preferred_element_type=jnp.float32)
    acc += jnp.dot(mean, wn_ref[...], preferred_element_type=jnp.float32)
    o_ref[...] = acc + b_ref[...]


def _layer1(x, p1, degp, w_self, w_neigh, b):
    return pl.pallas_call(
        _l1_body,
        grid=(N // _BLK,),
        in_specs=[
            pl.BlockSpec((_BLK, D), lambda i: (i, 0)),
            pl.BlockSpec((NC, _BLK, D), lambda i: (0, i, 0)),
            pl.BlockSpec((_BLK, NW), lambda i: (i, 0)),
            pl.BlockSpec((D, D), lambda i: (0, 0)),
            pl.BlockSpec((D, D), lambda i: (0, 0)),
            pl.BlockSpec((1, D), lambda i: (0, 0)),
        ],
        out_specs=[
            pl.BlockSpec((_BLK, D), lambda i: (i, 0)),
            pl.BlockSpec((_BLK, 1), lambda i: (i, 0)),
        ],
        out_shape=[
            jax.ShapeDtypeStruct((N, D), jnp.float32),
            jax.ShapeDtypeStruct((N, 1), jnp.float32),
        ],
    )(x, p1, degp, w_self, w_neigh, b.reshape(1, D))


def _layer2(h, p2, rdeg, w_self, w_neigh, b):
    return pl.pallas_call(
        _l2_body,
        grid=(N // _BLK,),
        in_specs=[
            pl.BlockSpec((_BLK, D), lambda i: (i, 0)),
            pl.BlockSpec((NC, _BLK, D), lambda i: (0, i, 0)),
            pl.BlockSpec((_BLK, 1), lambda i: (i, 0)),
            pl.BlockSpec((D, D), lambda i: (0, 0)),
            pl.BlockSpec((D, D), lambda i: (0, 0)),
            pl.BlockSpec((1, D), lambda i: (0, 0)),
        ],
        out_specs=pl.BlockSpec((_BLK, D), lambda i: (i, 0)),
        out_shape=jax.ShapeDtypeStruct((N, D), jnp.float32),
    )(h, p2, rdeg, w_self, w_neigh, b.reshape(1, D))


def kernel(x, edge_index, W1_self, W1_neigh, b1, W2_self, W2_neigh, b2):
    src = edge_index[0]
    dst = edge_index[1]
    pad = E_PAD - E
    pad_src = jnp.arange(pad, dtype=jnp.int32) % N
    pad_dst = N + (jnp.arange(pad, dtype=jnp.int32) % (NPAD - N))
    src_p = jnp.concatenate([src, pad_src]).reshape(NW * K, CHUNK)
    dst_p = jnp.concatenate([dst, pad_dst]).reshape(NW * K, CHUNK)
    zrows = jnp.zeros((ROWS_PER_TILE, D), jnp.float32)
    zdeg = jnp.zeros((NPAD,), jnp.float32)

    p1, degf = _make_agg(True)(x, src_p, dst_p, zrows, zdeg)
    degp = degf.reshape(NW, NPAD).T
    h, rdeg = _layer1(x, p1, degp, W1_self, W1_neigh, b1)
    [p2] = _make_agg(False)(h, src_p, dst_p, zrows)
    return _layer2(h, p2, rdeg, W2_self, W2_neigh, b2)

# --- scband reference (transcript-rebuilt; emitter-appended) ---
"""Pipeline reference for scband-graph-sagewith-embeds-46651934769897 (READ-ONLY COPY).

The authoritative reference and input builder live on the scoring server;
editing this copy changes nothing except your own understanding.
"""

import jax, jax.numpy as jnp
import numpy as np

N = 10000
E = 320000
D = 128


def setup_inputs(seed: int = 0) -> dict:
    key = jax.random.key(seed)
    ks = jax.random.split(key, 8)
    x = jax.random.normal(ks[0], (N, D), dtype=jnp.float32)
    edge_index = jax.random.randint(ks[1], (2, E), 0, N, dtype=jnp.int32)
    scale = 1.0 / np.sqrt(D)
    W1_self = jax.random.normal(ks[2], (D, D), dtype=jnp.float32) * scale
    W1_neigh = jax.random.normal(ks[3], (D, D), dtype=jnp.float32) * scale
    b1 = jnp.zeros((D,), dtype=jnp.float32)
    W2_self = jax.random.normal(ks[4], (D, D), dtype=jnp.float32) * scale
    W2_neigh = jax.random.normal(ks[5], (D, D), dtype=jnp.float32) * scale
    b2 = jnp.zeros((D,), dtype=jnp.float32)
    return {"x": x, "edge_index": edge_index, "W1_self": W1_self, "W1_neigh": W1_neigh, "b1": b1, "W2_self": W2_self, "W2_neigh": W2_neigh, "b2": b2}


def _sage_conv(h, src, dst, W_self, W_neigh, b):
    # message = gather source features; aggregate = mean over incoming edges per dst node
    msgs = jnp.take(h, src, axis=0)
    agg = jax.ops.segment_sum(msgs, dst, num_segments=N)
    deg = jax.ops.segment_sum(jnp.ones((src.shape[0],), dtype=h.dtype), dst, num_segments=N)
    mean = agg / jnp.maximum(deg, 1.0)[:, None]
    return h @ W_self + mean @ W_neigh + b


def reference(x, edge_index, W1_self, W1_neigh, b1, W2_self, W2_neigh, b2):
    src = edge_index[0]
    dst = edge_index[1]
    h = jax.nn.relu(_sage_conv(x, src, dst, W1_self, W1_neigh, b1))
    out = _sage_conv(h, src, dst, W2_self, W2_neigh, b2)
    return out

if __name__ == "__main__":
    import jax
    _d = setup_inputs()
    print(jax.jit(kernel)(*tuple(_d.values())))

</pallas_src>

<mosaic_0001>
#map = affine_map<(d0, d1) -> (0, 0)>
#map1 = affine_map<(d0, d1) -> (0, 0, 0)>
module attributes {stable_mosaic.version = 14 : i64} {
  func.func @agg(%arg0: i32, %arg1: i32, %arg2: memref<10000x128xf32, #tpu.memory_space<hbm>>, %arg3: memref<2560x128xi32, #tpu.memory_space<hbm>>, %arg4: memref<2560x128xi32, #tpu.memory_space<hbm>>, %arg5: memref<640x128xf32, #tpu.memory_space<hbm>>, %arg6: memref<2x10240x128xf32, #tpu.memory_space<hbm>>, %arg7: memref<2x8x128xi32, #tpu.memory_space<vmem>>, %arg8: memref<2x8x128xi32, #tpu.memory_space<vmem>>, %arg9: memref<2x128x128xf32, #tpu.memory_space<vmem>>, %arg10: memref<10240x128xf32, #tpu.memory_space<vmem_shared>>, %arg11: memref<!tpu.dma_semaphore, #tpu.memory_space<semaphore_mem>>, %arg12: memref<!tpu.dma_semaphore, #tpu.memory_space<semaphore_mem>>, %arg13: memref<!tpu.dma_semaphore, #tpu.memory_space<semaphore_mem>>, %arg14: memref<!tpu.dma_semaphore, #tpu.memory_space<semaphore_mem>>) attributes {dimension_semantics = [#tpu.dimension_semantics<core_parallel>, #tpu.dimension_semantics<subcore_parallel>], iteration_bounds = array<i64: 2, 16>, scalar_prefetch = 0 : i64, scratch_operands = 8 : i64, tpu.core_type = #tpu.core_type<sc_vector_subcore>, window_params = [{transform_indices = #map}, {transform_indices = #map}, {transform_indices = #map}, {transform_indices = #map}, {transform_indices = #map1}]} {
    %mul3A = arith.constant 16 : i32
    %mul3A_0 = arith.muli %arg0, %mul3A : i32
    %add3A = arith.addi %mul3A_0, %arg1 : i32
    %mul3A_1 = arith.constant 640 : i32
    %mul3A_2 = arith.muli %arg1, %mul3A_1 : i32
    %mul3A_3 = arith.constant 80 : i32
    %mul3A_4 = arith.muli %add3A, %mul3A_3 : i32
    %add3A_5 = arith.constant 0 : i32
    %add3A_6 = arith.addi %mul3A_4, %add3A_5 : i32
    %dma_start3A = arith.constant 0 : i32
    %dma_start3A_7 = arith.constant 0 : i32
    %dma_start3A_8 = arith.constant 0 : i32
    %dma_start3A_9 = tpu.memref_slice %arg7[%dma_start3A, %dma_start3A_7, %dma_start3A_8] : memref<2x8x128xi32, #tpu.memory_space<vmem>> -> memref<1x8x128xi32, #tpu.memory_space<vmem>>
    %dma_start3A_10 = tpu.memref_squeeze %dma_start3A_9 : memref<1x8x128xi32, #tpu.memory_space<vmem>> -> memref<8x128xi32, #tpu.memory_space<vmem>>
    %dma_start3A_11 = arith.constant 0 : i32
    %dma_start3A_12 = tpu.memref_slice %arg3[%add3A_6, %dma_start3A_11] : memref<2560x128xi32, #tpu.memory_space<hbm>> -> memref<8x128xi32, #tpu.memory_space<hbm>>
    %dma_start3A_13 = arith.constant 0 : i32
    %dma_start3A_14 = arith.constant 0 : i32
    %dma_start3A_15 = tpu.memref_slice %arg7[%dma_start3A, %dma_start3A_13, %dma_start3A_14] : memref<2x8x128xi32, #tpu.memory_space<vmem>> -> memref<1x8x128xi32, #tpu.memory_space<vmem>>
    %dma_start3A_16 = tpu.memref_squeeze %dma_start3A_15 : memref<1x8x128xi32, #tpu.memory_space<vmem>> -> memref<8x128xi32, #tpu.memory_space<vmem>>
    %dma_start3A_17 = arith.constant 0 : i32
    %dma_start3A_18 = tpu.memref_slice %arg3[%add3A_6, %dma_start3A_17] : memref<2560x128xi32, #tpu.memory_space<hbm>> -> memref<8x128xi32, #tpu.memory_space<hbm>>
    tpu.enqueue_dma source(%dma_start3A_18 : memref<8x128xi32, #tpu.memory_space<hbm>>) target(%dma_start3A_16 : memref<8x128xi32, #tpu.memory_space<vmem>>) target_semaphore(%arg12 : memref<!tpu.dma_semaphore, #tpu.memory_space<semaphore_mem>>)
    %dma_start3A_19 = arith.constant 0 : i32
    %dma_start3A_20 = arith.constant 0 : i32
    %dma_start3A_21 = arith.constant 0 : i32
    %dma_start3A_22 = tpu.memref_slice %arg8[%dma_start3A_19, %dma_start3A_20, %dma_start3A_21] : memref<2x8x128xi32, #tpu.memory_space<vmem>> -> memref<1x8x128xi32, #tpu.memory_space<vmem>>
    %dma_start3A_23 = tpu.memref_squeeze %dma_start3A_22 : memref<1x8x128xi32, #tpu.memory_space<vmem>> -> memref<8x128xi32, #tpu.memory_space<vmem>>
    %dma_start3A_24 = arith.constant 0 : i32
    %dma_start3A_25 = tpu.memref_slice %arg4[%add3A_6, %dma_start3A_24] : memref<2560x128xi32, #tpu.memory_space<hbm>> -> memref<8x128xi32, #tpu.memory_space<hbm>>
    %dma_start3A_26 = arith.constant 0 : i32
    %dma_start3A_27 = arith.constant 0 : i32
    %dma_start3A_28 = tpu.memref_slice %arg8[%dma_start3A_19, %dma_start3A_26, %dma_start3A_27] : memref<2x8x128xi32, #tpu.memory_space<vmem>> -> memref<1x8x128xi32, #tpu.memory_space<vmem>>
    %dma_start3A_29 = tpu.memref_squeeze %dma_start3A_28 : memref<1x8x128xi32, #tpu.memory_space<vmem>> -> memref<8x128xi32, #tpu.memory_space<vmem>>
    %dma_start3A_30 = arith.constant 0 : i32
    %dma_start3A_31 = tpu.memref_slice %arg4[%add3A_6, %dma_start3A_30] : memref<2560x128xi32, #tpu.memory_space<hbm>> -> memref<8x128xi32, #tpu.memory_space<hbm>>
    tpu.enqueue_dma source(%dma_start3A_31 : memref<8x128xi32, #tpu.memory_space<hbm>>) target(%dma_start3A_29 : memref<8x128xi32, #tpu.memory_space<vmem>>) target_semaphore(%arg12 : memref<!tpu.dma_semaphore, #tpu.memory_space<semaphore_mem>>)
    "tpu.region"() ({
      %run_scoped3A = tpu.sem_alloc : memref<!tpu.dma_semaphore, #tpu.memory_space<semaphore_mem>>
      %dma_start3A_63 = arith.constant 0 : i32
      %dma_start3A_64 = tpu.memref_slice %arg10[%mul3A_2, %dma_start3A_63] : memref<10240x128xf32, #tpu.memory_space<vmem_shared>> -> memref<640x128xf32, #tpu.memory_space<vmem_shared>>
      tpu.enqueue_dma source(%arg5 : memref<640x128xf32, #tpu.memory_space<hbm>>) target(%dma_start3A_64 : memref<640x128xf32, #tpu.memory_space<vmem_shared>>) target_semaphore(%run_scoped3A : memref<!tpu.dma_semaphore, #tpu.memory_space<semaphore_mem>>)
      %dma_wait3A_65 = arith.constant 0 : i32
      %dma_wait3A_66 = tpu.memref_slice %arg10[%mul3A_2, %dma_wait3A_65] : memref<10240x128xf32, #tpu.memory_space<vmem_shared>> -> memref<640x128xf32, #tpu.memory_space<vmem_shared>>
      tpu.wait_dma2 semaphore(%run_scoped3A : memref<!tpu.dma_semaphore, #tpu.memory_space<semaphore_mem>>) src(%arg5 : memref<640x128xf32, #tpu.memory_space<hbm>>) dst(%dma_wait3A_66 : memref<640x128xf32, #tpu.memory_space<vmem_shared>>)
      tpu.yield
    }) : () -> ()
    %barrier3A = arith.constant 0 : index
    tpu.barrier barrier_id(%barrier3A)
    %scan3A = arith.constant 0 : i32
    %scan3A_32 = arith.constant 0 : i32
    %scan3A_33 = arith.constant 5 : i32
    %scan3A_34 = arith.addi %scan3A_32, %scan3A_33 : i32
    %scan3A_35 = arith.constant 1 : i32
    scf.for %scan3A_63 = %scan3A_32 to %scan3A_34 step %scan3A_35  : i32 {
      %mul3A_64 = arith.constant 2 : i32
      %mul3A_65 = arith.muli %mul3A_64, %scan3A_63 : i32
      %gt3A = arith.constant 0 : i32
      %gt3A_66 = arith.cmpi sgt, %mul3A_65, %gt3A : i32
      %convert_element_type3A = arith.extui %gt3A_66 : i1 to i32
      %cond3A = arith.constant 0 : i32
      %cond3A_67 = arith.cmpi ne, %convert_element_type3A, %cond3A : i32
      scf.if %cond3A_67 {
        %dma_wait3A_928 = arith.constant 0 : i32
        %dma_wait3A_929 = arith.constant 0 : i32
        %dma_wait3A_930 = arith.constant 0 : i32
        %dma_wait3A_931 = arith.constant 0 : i32
        %dma_wait3A_932 = arith.constant 0 : i32
        %dma_wait3A_933 = tpu.memref_slice %arg9[%dma_wait3A_928, %dma_wait3A_931, %dma_wait3A_932] : memref<2x128x128xf32, #tpu.memory_space<vmem>> -> memref<1x128x128xf32, #tpu.memory_space<vmem>>
        %dma_wait3A_934 = tpu.memref_squeeze %dma_wait3A_933 : memref<1x128x128xf32, #tpu.memory_space<vmem>> -> memref<128x128xf32, #tpu.memory_space<vmem>>
        %dma_wait3A_935 = arith.constant 0 : i32
        %dma_wait3A_936 = tpu.memref_slice %arg8[%dma_wait3A_929, %dma_wait3A_930, %dma_wait3A_935] : memref<2x8x128xi32, #tpu.memory_space<vmem>> -> memref<1x1x128xi32, #tpu.memory_space<vmem>>
        %dma_wait3A_937 = tpu.memref_squeeze %dma_wait3A_936 : memref<1x1x128xi32, #tpu.memory_space<vmem>> -> memref<128xi32, #tpu.memory_space<vmem>>
        %dma_wait3A_938 = arith.constant 0 : i32
        %dma_wait3A_939 = arith.constant 0 : i32
        %dma_wait3A_940 = tpu.memref_slice %arg10[%dma_wait3A_938, %dma_wait3A_939] : memref<10240x128xf32, #tpu.memory_space<vmem_shared>> -> memref<10240x128xf32, #tpu.memory_space<vmem_shared>>
        tpu.wait_indirect_dma semaphore(%arg11 : memref<!tpu.dma_semaphore, #tpu.memory_space<semaphore_mem>>) src(%dma_wait3A_934 : memref<128x128xf32, #tpu.memory_space<vmem>>) dst(%dma_wait3A_940 : memref<10240x128xf32, #tpu.memory_space<vmem_shared>>)
        %dma_wait3A_941 = arith.constant 1 : i32
        %dma_wait3A_942 = arith.constant 0 : i32
        %dma_wait3A_943 = arith.constant 0 : i32
        %dma_wait3A_944 = arith.constant 0 : i32
        %dma_wait3A_945 = arith.constant 0 : i32
        %dma_wait3A_946 = tpu.memref_slice %arg9[%dma_wait3A_941, %dma_wait3A_944, %dma_wait3A_945] : memref<2x128x128xf32, #tpu.memory_space<vmem>> -> memref<1x128x128xf32, #tpu.memory_space<vmem>>
        %dma_wait3A_947 = tpu.memref_squeeze %dma_wait3A_946 : memref<1x128x128xf32, #tpu.memory_space<vmem>> -> memref<128x128xf32, #tpu.memory_space<vmem>>
        %dma_wait3A_948 = arith.constant 0 : i32
        %dma_wait3A_949 = tpu.memref_slice %arg8[%dma_wait3A_942, %dma_wait3A_943, %dma_wait3A_948] : memref<2x8x128xi32, #tpu.memory_space<vmem>> -> memref<1x1x128xi32, #tpu.memory_space<vmem>>
        %dma_wait3A_950 = tpu.memref_squeeze %dma_wait3A_949 : memref<1x1x128xi32, #tpu.memory_space<vmem>> -> memref<128xi32, #tpu.memory_space<vmem>>
        %dma_wait3A_951 = arith.constant 0 : i32
        %dma_wait3A_952 = arith.constant 0 : i32
        %dma_wait3A_953 = tpu.memref_slice %arg10[%dma_wait3A_951, %dma_wait3A_952] : memref<10240x128xf32, #tpu.memory_space<vmem_shared>> -> memref<10240x128xf32, #tpu.memory_space<vmem_shared>>
        tpu.wait_indirect_dma semaphore(%arg11 : memref<!tpu.dma_semaphore, #tpu.memory_space<semaphore_mem>>) src(%dma_wait3A_947 : memref<128x128xf32, #tpu.memory_space<vmem>>) dst(%dma_wait3A_953 : memref<10240x128xf32, #tpu.memory_space<vmem_shared>>)
      } else {
      }
      %lt3A = arith.constant 9 : i32
      %lt3A_68 = arith.cmpi slt, %mul3A_65, %lt3A : i32
      %convert_element_type3A_69 = arith.extui %lt3A_68 : i1 to i32
      %cond3A_70 = arith.constant 0 : i32
      %cond3A_71 = arith.cmpi ne, %convert_element_type3A_69, %cond3A_70 : i32
      scf.if %cond3A_71 {
        %add3A_928 = arith.constant 1 : i32
        %add3A_929 = arith.addi %mul3A_65, %add3A_928 : i32
        %mul3A_930 = arith.constant 80 : i32
        %mul3A_931 = arith.muli %add3A, %mul3A_930 : i32
        %mul3A_932 = arith.constant 8 : i32
        %mul3A_933 = arith.muli %add3A_929, %mul3A_932 : i32
        %add3A_934 = arith.addi %mul3A_931, %mul3A_933 : i32
        %dma_start3A_935 = arith.constant 1 : i32
        %dma_start3A_936 = arith.constant 0 : i32
        %dma_start3A_937 = arith.constant 0 : i32
        %dma_start3A_938 = tpu.memref_slice %arg7[%dma_start3A_935, %dma_start3A_936, %dma_start3A_937] : memref<2x8x128xi32, #tpu.memory_space<vmem>> -> memref<1x8x128xi32, #tpu.memory_space<vmem>>
        %dma_start3A_939 = tpu.memref_squeeze %dma_start3A_938 : memref<1x8x128xi32, #tpu.memory_space<vmem>> -> memref<8x128xi32, #tpu.memory_space<vmem>>
        %dma_start3A_940 = arith.constant 0 : i32
        %dma_start3A_941 = tpu.memref_slice %arg3[%add3A_934, %dma_start3A_940] : memref<2560x128xi32, #tpu.memory_space<hbm>> -> memref<8x128xi32, #tpu.memory_space<hbm>>
        %dma_start3A_942 = arith.constant 0 : i32
        %dma_start3A_943 = arith.constant 0 : i32
        %dma_start3A_944 = tpu.memref_slice %arg7[%dma_start3A_935, %dma_start3A_942, %dma_start3A_943] : memref<2x8x128xi32, #tpu.memory_space<vmem>> -> memref<1x8x128xi32, #tpu.memory_space<vmem>>
        %dma_start3A_945 = tpu.memref_squeeze %dma_start3A_944 : memref<1x8x128xi32, #tpu.memory_space<vmem>> -> memref<8x128xi32, #tpu.memory_space<vmem>>
        %dma_start3A_946 = arith.constant 0 : i32
        %dma_start3A_947 = tpu.memref_slice %arg3[%add3A_934, %dma_start3A_946] : memref<2560x128xi32, #tpu.memory_space<hbm>> -> memref<8x128xi32, #tpu.memory_space<hbm>>
        tpu.enqueue_dma source(%dma_start3A_947 : memref<8x128xi32, #tpu.memory_space<hbm>>) target(%dma_start3A_945 : memref<8x128xi32, #tpu.memory_space<vmem>>) target_semaphore(%arg12 : memref<!tpu.dma_semaphore, #tpu.memory_space<semaphore_mem>>)
        %dma_start3A_948 = arith.constant 1 : i32
        %dma_start3A_949 = arith.constant 0 : i32
        %dma_start3A_950 = arith.constant 0 : i32
        %dma_start3A_951 = tpu.memref_slice %arg8[%dma_start3A_948, %dma_start3A_949, %dma_start3A_950] : memref<2x8x128xi32, #tpu.memory_space<vmem>> -> memref<1x8x128xi32, #tpu.memory_space<vmem>>
        %dma_start3A_952 = tpu.memref_squeeze %dma_start3A_951 : memref<1x8x128xi32, #tpu.memory_space<vmem>> -> memref<8x128xi32, #tpu.memory_space<vmem>>
        %dma_start3A_953 = arith.constant 0 : i32
        %dma_start3A_954 = tpu.memref_slice %arg4[%add3A_934, %dma_start3A_953] : memref<2560x128xi32, #tpu.memory_space<hbm>> -> memref<8x128xi32, #tpu.memory_space<hbm>>
        %dma_start3A_955 = arith.constant 0 : i32
        %dma_start3A_956 = arith.constant 0 : i32
        %dma_start3A_957 = tpu.memref_slice %arg8[%dma_start3A_948, %dma_start3A_955, %dma_start3A_956] : memref<2x8x128xi32, #tpu.memory_space<vmem>> -> memref<1x8x128xi32, #tpu.memory_space<vmem>>
        %dma_start3A_958 = tpu.memref_squeeze %dma_start3A_957 : memref<1x8x128xi32, #tpu.memory_space<vmem>> -> memref<8x128xi32, #tpu.memory_space<vmem>>
        %dma_start3A_959 = arith.constant 0 : i32
        %dma_start3A_960 = tpu.memref_slice %arg4[%add3A_934, %dma_start3A_959] : memref<2560x128xi32, #tpu.memory_space<hbm>> -> memref<8x128xi32, #tpu.memory_space<hbm>>
        tpu.enqueue_dma source(%dma_start3A_960 : memref<8x128xi32, #tpu.memory_space<hbm>>) target(%dma_start3A_958 : memref<8x128xi32, #tpu.memory_space<vmem>>) target_semaphore(%arg12 : memref<!tpu.dma_semaphore, #tpu.memory_space<semaphore_mem>>)
      } else {
      }
      %mul3A_72 = arith.constant 80 : i32
      %mul3A_73 = arith.muli %add3A, %mul3A_72 : i32
      %mul3A_74 = arith.constant 8 : i32
      %mul3A_75 = arith.muli %mul3A_65, %mul3A_74 : i32
      %add3A_76 = arith.addi %mul3A_73, %mul3A_75 : i32
      %dma_wait3A_77 = arith.constant 0 : i32
      %dma_wait3A_78 = arith.constant 0 : i32
      %dma_wait3A_79 = arith.constant 0 : i32
      %dma_wait3A_80 = tpu.memref_slice %arg7[%dma_wait3A_77, %dma_wait3A_78, %dma_wait3A_79] : memref<2x8x128xi32, #tpu.memory_space<vmem>> -> memref<1x8x128xi32, #tpu.memory_space<vmem>>
      %dma_wait3A_81 = tpu.memref_squeeze %dma_wait3A_80 : memref<1x8x128xi32, #tpu.memory_space<vmem>> -> memref<8x128xi32, #tpu.memory_space<vmem>>
      %dma_wait3A_82 = arith.constant 0 : i32
      %dma_wait3A_83 = tpu.memref_slice %arg3[%add3A_76, %dma_wait3A_82] : memref<2560x128xi32, #tpu.memory_space<hbm>> -> memref<8x128xi32, #tpu.memory_space<hbm>>
      %dma_wait3A_84 = arith.constant 0 : i32
      %dma_wait3A_85 = arith.constant 0 : i32
      %dma_wait3A_86 = tpu.memref_slice %arg7[%dma_wait3A_77, %dma_wait3A_84, %dma_wait3A_85] : memref<2x8x128xi32, #tpu.memory_space<vmem>> -> memref<1x8x128xi32, #tpu.memory_space<vmem>>
      %dma_wait3A_87 = tpu.memref_squeeze %dma_wait3A_86 : memref<1x8x128xi32, #tpu.memory_space<vmem>> -> memref<8x128xi32, #tpu.memory_space<vmem>>
      %dma_wait3A_88 = arith.constant 0 : i32
      %dma_wait3A_89 = tpu.memref_slice %arg3[%add3A_76, %dma_wait3A_88] : memref<2560x128xi32, #tpu.memory_space<hbm>> -> memref<8x128xi32, #tpu.memory_space<hbm>>
      tpu.wait_dma2 semaphore(%arg12 : memref<!tpu.dma_semaphore, #tpu.memory_space<semaphore_mem>>) src(%dma_wait3A_89 : memref<8x128xi32, #tpu.memory_space<hbm>>) dst(%dma_wait3A_87 : memref<8x128xi32, #tpu.memory_space<vmem>>)
      %dma_wait3A_90 = arith.constant 0 : i32
      %dma_wait3A_91 = arith.constant 0 : i32
      %dma_wait3A_92 = arith.constant 0 : i32
      %dma_wait3A_93 = tpu.memref_slice %arg8[%dma_wait3A_90, %dma_wait3A_91, %dma_wait3A_92] : memref<2x8x128xi32, #tpu.memory_space<vmem>> -> memref<1x8x128xi32, #tpu.memory_space<vmem>>
      %dma_wait3A_94 = tpu.memref_squeeze %dma_wait3A_93 : memref<1x8x128xi32, #tpu.memory_space<vmem>> -> memref<8x128xi32, #tpu.memory_space<vmem>>
      %dma_wait3A_95 = arith.constant 0 : i32
      %dma_wait3A_96 = tpu.memref_slice %arg4[%add3A_76, %dma_wait3A_95] : memref<2560x128xi32, #tpu.memory_space<hbm>> -> memref<8x128xi32, #tpu.memory_space<hbm>>
      %dma_wait3A_97 = arith.constant 0 : i32
      %dma_wait3A_98 = arith.constant 0 : i32
      %dma_wait3A_99 = tpu.memref_slice %arg8[%dma_wait3A_90, %dma_wait3A_97, %dma_wait3A_98] : memref<2x8x128xi32, #tpu.memory_space<vmem>> -> memref<1x8x128xi32, #tpu.memory_space<vmem>>
      %dma_wait3A_100 = tpu.memref_squeeze %dma_wait3A_99 : memref<1x8x128xi32, #tpu.memory_space<vmem>> -> memref<8x128xi32, #tpu.memory_space<vmem>>
      %dma_wait3A_101 = arith.constant 0 : i32
      %dma_wait3A_102 = tpu.memref_slice %arg4[%add3A_76, %dma_wait3A_101] : memref<2560x128xi32, #tpu.memory_space<hbm>> -> memref<8x128xi32, #tpu.memory_space<hbm>>
      tpu.wait_dma2 semaphore(%arg12 : memref<!tpu.dma_semaphore, #tpu.memory_space<semaphore_mem>>) src(%dma_wait3A_102 : memref<8x128xi32, #tpu.memory_space<hbm>>) dst(%dma_wait3A_100 : memref<8x128xi32, #tpu.memory_space<vmem>>)
      %dma_start3A_103 = arith.constant 0 : i32
      %dma_start3A_104 = arith.constant 0 : i32
      %dma_start3A_105 = arith.constant 0 : i32
      %dma_start3A_106 = arith.constant 0 : i32
      %dma_start3A_107 = arith.constant 0 : i32
      %dma_start3A_108 = tpu.memref_slice %arg9[%dma_start3A_105, %dma_start3A_106, %dma_start3A_107] : memref<2x128x128xf32, #tpu.memory_space<vmem>> -> memref<1x128x128xf32, #tpu.memory_space<vmem>>
      %dma_start3A_109 = tpu.memref_squeeze %dma_start3A_108 : memref<1x128x128xf32, #tpu.memory_space<vmem>> -> memref<128x128xf32, #tpu.memory_space<vmem>>
      %dma_start3A_110 = arith.constant 0 : i32
      %dma_start3A_111 = tpu.memref_slice %arg7[%dma_start3A_103, %dma_start3A_104, %dma_start3A_110] : memref<2x8x128xi32, #tpu.memory_space<vmem>> -> memref<1x1x128xi32, #tpu.memory_space<vmem>>
      %dma_start3A_112 = tpu.memref_squeeze %dma_start3A_111 : memref<1x1x128xi32, #tpu.memory_space<vmem>> -> memref<128xi32, #tpu.memory_space<vmem>>
      %dma_start3A_113 = arith.constant 0 : i32
      %dma_start3A_114 = arith.constant 0 : i32
      %dma_start3A_115 = tpu.memref_slice %arg2[%dma_start3A_113, %dma_start3A_114] : memref<10000x128xf32, #tpu.memory_space<hbm>> -> memref<10000x128xf32, #tpu.memory_space<hbm>>
      tpu.enqueue_indirect_dma source(%dma_start3A_115 : memref<10000x128xf32, #tpu.memory_space<hbm>>) target(%dma_start3A_109 : memref<128x128xf32, #tpu.memory_space<vmem>>) offsets(%dma_start3A_112 : memref<128xi32, #tpu.memory_space<vmem>>) semaphore(%arg13 : memref<!tpu.dma_semaphore, #tpu.memory_space<semaphore_mem>>)
      %dma_start3A_116 = arith.constant 0 : i32
      %dma_start3A_117 = arith.constant 1 : i32
      %dma_start3A_118 = arith.constant 1 : i32
      %dma_start3A_119 = arith.constant 0 : i32
      %dma_start3A_120 = arith.constant 0 : i32
      %dma_start3A_121 = tpu.memref_slice %arg9[%dma_start3A_118, %dma_start3A_119, %dma_start3A_120] : memref<2x128x128xf32, #tpu.memory_space<vmem>> -> memref<1x128x128xf32, #tpu.memory_space<vmem>>
      %dma_start3A_122 = tpu.memref_squeeze %dma_start3A_121 : memref<1x128x128xf32, #tpu.memory_space<vmem>> -> memref<128x128xf32, #tpu.memory_space<vmem>>
      %dma_start3A_123 = arith.constant 0 : i32
      %dma_start3A_124 = tpu.memref_slice %arg7[%dma_start3A_116, %dma_start3A_117, %dma_start3A_123] : memref<2x8x128xi32, #tpu.memory_space<vmem>> -> memref<1x1x128xi32, #tpu.memory_space<vmem>>
      %dma_start3A_125 = tpu.memref_squeeze %dma_start3A_124 : memref<1x1x128xi32, #tpu.memory_space<vmem>> -> memref<128xi32, #tpu.memory_space<vmem>>
      %dma_start3A_126 = arith.constant 0 : i32
      %dma_start3A_127 = arith.constant 0 : i32
      %dma_start3A_128 = tpu.memref_slice %arg2[%dma_start3A_126, %dma_start3A_127] : memref<10000x128xf32, #tpu.memory_space<hbm>> -> memref<10000x128xf32, #tpu.memory_space<hbm>>
      tpu.enqueue_indirect_dma source(%dma_start3A_128 : memref<10000x128xf32, #tpu.memory_space<hbm>>) target(%dma_start3A_122 : memref<128x128xf32, #tpu.memory_space<vmem>>) offsets(%dma_start3A_125 : memref<128xi32, #tpu.memory_space<vmem>>) semaphore(%arg14 : memref<!tpu.dma_semaphore, #tpu.memory_space<semaphore_mem>>)
      %dma_wait3A_129 = arith.constant 0 : i32
      %dma_wait3A_130 = arith.constant 0 : i32
      %dma_wait3A_131 = arith.constant 0 : i32
      %dma_wait3A_132 = arith.constant 0 : i32
      %dma_wait3A_133 = arith.constant 0 : i32
      %dma_wait3A_134 = tpu.memref_slice %arg9[%dma_wait3A_131, %dma_wait3A_132, %dma_wait3A_133] : memref<2x128x128xf32, #tpu.memory_space<vmem>> -> memref<1x128x128xf32, #tpu.memory_space<vmem>>
      %dma_wait3A_135 = tpu.memref_squeeze %dma_wait3A_134 : memref<1x128x128xf32, #tpu.memory_space<vmem>> -> memref<128x128xf32, #tpu.memory_space<vmem>>
      %dma_wait3A_136 = arith.constant 0 : i32
      %dma_wait3A_137 = tpu.memref_slice %arg7[%dma_wait3A_129, %dma_wait3A_130, %dma_wait3A_136] : memref<2x8x128xi32, #tpu.memory_space<vmem>> -> memref<1x1x128xi32, #tpu.memory_space<vmem>>
      %dma_wait3A_138 = tpu.memref_squeeze %dma_wait3A_137 : memref<1x1x128xi32, #tpu.memory_space<vmem>> -> memref<128xi32, #tpu.memory_space<vmem>>
      %dma_wait3A_139 = arith.constant 0 : i32
      %dma_wait3A_140 = arith.constant 0 : i32
      %dma_wait3A_141 = tpu.memref_slice %arg2[%dma_wait3A_139, %dma_wait3A_140] : memref<10000x128xf32, #tpu.memory_space<hbm>> -> memref<10000x128xf32, #tpu.memory_space<hbm>>
      tpu.wait_indirect_dma semaphore(%arg13 : memref<!tpu.dma_semaphore, #tpu.memory_space<semaphore_mem>>) src(%dma_wait3A_141 : memref<10000x128xf32, #tpu.memory_space<hbm>>) dst(%dma_wait3A_135 : memref<128x128xf32, #tpu.memory_space<vmem>>)
      %dma_start3A_142 = arith.constant 0 : i32
      %dma_start3A_143 = arith.constant 0 : i32
      %dma_start3A_144 = arith.constant 0 : i32
      %dma_start3A_145 = arith.constant 0 : i32
      %dma_start3A_146 = arith.constant 0 : i32
      %dma_start3A_147 = tpu.memref_slice %arg9[%dma_start3A_142, %dma_start3A_145, %dma_start3A_146] : memref<2x128x128xf32, #tpu.memory_space<vmem>> -> memref<1x128x128xf32, #tpu.memory_space<vmem>>
      %dma_start3A_148 = tpu.memref_squeeze %dma_start3A_147 : memref<1x128x128xf32, #tpu.memory_space<vmem>> -> memref<128x128xf32, #tpu.memory_space<vmem>>
      %dma_start3A_149 = arith.constant 0 : i32
      %dma_start3A_150 = tpu.memref_slice %arg8[%dma_start3A_143, %dma_start3A_144, %dma_start3A_149] : memref<2x8x128xi32, #tpu.memory_space<vmem>> -> memref<1x1x128xi32, #tpu.memory_space<vmem>>
      %dma_start3A_151 = tpu.memref_squeeze %dma_start3A_150 : memref<1x1x128xi32, #tpu.memory_space<vmem>> -> memref<128xi32, #tpu.memory_space<vmem>>
      %dma_start3A_152 = arith.constant 0 : i32
      %dma_start3A_153 = arith.constant 0 : i32
      %dma_start3A_154 = tpu.memref_slice %arg10[%dma_start3A_152, %dma_start3A_153] : memref<10240x128xf32, #tpu.memory_space<vmem_shared>> -> memref<10240x128xf32, #tpu.memory_space<vmem_shared>>
      tpu.enqueue_indirect_dma source(%dma_start3A_148 : memref<128x128xf32, #tpu.memory_space<vmem>>) target(%dma_start3A_154 : memref<10240x128xf32, #tpu.memory_space<vmem_shared>>) offsets(%dma_start3A_151 : memref<128xi32, #tpu.memory_space<vmem>>) semaphore(%arg11 : memref<!tpu.dma_semaphore, #tpu.memory_space<semaphore_mem>>) {add = true}
      %dma_wait3A_155 = arith.constant 0 : i32
      %dma_wait3A_156 = arith.constant 1 : i32
      %dma_wait3A_157 = arith.constant 1 : i32
      %dma_wait3A_158 = arith.constant 0 : i32
      %dma_wait3A_159 = arith.constant 0 : i32
      %dma_wait3A_160 = tpu.memref_slice %arg9[%dma_wait3A_157, %dma_wait3A_158, %dma_wait3A_159] : memref<2x128x128xf32, #tpu.memory_space<vmem>> -> memref<1x128x128xf32, #tpu.memory_space<vmem>>
      %dma_wait3A_161 = tpu.memref_squeeze %dma_wait3A_160 : memref<1x128x128xf32, #tpu.memory_space<vmem>> -> memref<128x128xf32, #tpu.memory_space<vmem>>
      %dma_wait3A_162 = arith.constant 0 : i32
      %dma_wait3A_163 = tpu.memref_slice %arg7[%dma_wait3A_155, %dma_wait3A_156, %dma_wait3A_162] : memref<2x8x128xi32, #tpu.memory_space<vmem>> -> memref<1x1x128xi32, #tpu.memory_space<vmem>>
      %dma_wait3A_164 = tpu.memref_squeeze %dma_wait3A_163 : memref<1x1x128xi32, #tpu.memory_space<vmem>> -> memref<128xi32, #tpu.memory_space<vmem>>
      %dma_wait3A_165 = arith.constant 0 : i32
      %dma_wait3A_166 = arith.constant 0 : i32
      %dma_wait3A_167 = tpu.memref_slice %arg2[%dma_wait3A_165, %dma_wait3A_166] : memref<10000x128xf32, #tpu.memory_space<hbm>> -> memref<10000x128xf32, #tpu.memory_space<hbm>>
      tpu.wait_indirect_dma semaphore(%arg14 : memref<!tpu.dma_semaphore, #tpu.memory_space<semaphore_mem>>) src(%dma_wait3A_167 : memref<10000x128xf32, #tpu.memory_space<hbm>>) dst(%dma_wait3A_161 : memref<128x128xf32, #tpu.memory_space<vmem>>)
      %dma_start3A_168 = arith.constant 1 : i32
      %dma_start3A_169 = arith.constant 0 : i32
      %dma_start3A_170 = arith.constant 1 : i32
      %dma_start3A_171 = arith.constant 0 : i32
      %dma_start3A_172 = arith.constant 0 : i32
      %dma_start3A_173 = tpu.memref_slice %arg9[%dma_start3A_168, %dma_start3A_171, %dma_start3A_172] : memref<2x128x128xf32, #tpu.memory_space<vmem>> -> memref<1x128x128xf32, #tpu.memory_space<vmem>>
      %dma_start3A_174 = tpu.memref_squeeze %dma_start3A_173 : memref<1x128x128xf32, #tpu.memory_space<vmem>> -> memref<128x128xf32, #tpu.memory_space<vmem>>
      %dma_start3A_175 = arith.constant 0 : i32
      %dma_start3A_176 = tpu.memref_slice %arg8[%dma_start3A_169, %dma_start3A_170, %dma_start3A_175] : memref<2x8x128xi32, #tpu.memory_space<vmem>> -> memref<1x1x128xi32, #tpu.memory_space<vmem>>
      %dma_start3A_177 = tpu.memref_squeeze %dma_start3A_176 : memref<1x1x128xi32, #tpu.memory_space<vmem>> -> memref<128xi32, #tpu.memory_space<vmem>>
      %dma_start3A_178 = arith.constant 0 : i32
      %dma_start3A_179 = arith.constant 0 : i32
      %dma_start3A_180 = tpu.memref_slice %arg10[%dma_start3A_178, %dma_start3A_179] : memref<10240x128xf32, #tpu.memory_space<vmem_shared>> -> memref<10240x128xf32, #tpu.memory_space<vmem_shared>>
      tpu.enqueue_indirect_dma source(%dma_start3A_174 : memref<128x128xf32, #tpu.memory_space<vmem>>) target(%dma_start3A_180 : memref<10240x128xf32, #tpu.memory_space<vmem_shared>>) offsets(%dma_start3A_177 : memref<128xi32, #tpu.memory_space<vmem>>) semaphore(%arg11 : memref<!tpu.dma_semaphore, #tpu.memory_space<semaphore_mem>>) {add = true}
      %dma_wait3A_181 = arith.constant 0 : i32
      %dma_wait3A_182 = arith.constant 0 : i32
      %dma_wait3A_183 = arith.constant 0 : i32
      %dma_wait3A_184 = arith.constant 0 : i32
      %dma_wait3A_185 = arith.constant 0 : i32
      %dma_wait3A_186 = tpu.memref_slice %arg9[%dma_wait3A_181, %dma_wait3A_184, %dma_wait3A_185] : memref<2x128x128xf32, #tpu.memory_space<vmem>> -> memref<1x128x128xf32, #tpu.memory_space<vmem>>
      %dma_wait3A_187 = tpu.memref_squeeze %dma_wait3A_186 : memref<1x128x128xf32, #tpu.memory_space<vmem>> -> memref<128x128xf32, #tpu.memory_space<vmem>>
      %dma_wait3A_188 = arith.constant 0 : i32
      %dma_wait3A_189 = tpu.memref_slice %arg8[%dma_wait3A_182, %dma_wait3A_183, %dma_wait3A_188] : memref<2x8x128xi32, #tpu.memory_space<vmem>> -> memref<1x1x128xi32, #tpu.memory_space<vmem>>
      %dma_wait3A_190 = tpu.memref_squeeze %dma_wait3A_189 : memref<1x1x128xi32, #tpu.memory_space<vmem>> -> memref<128xi32, #tpu.memory_space<vmem>>
      %dma_wait3A_191 = arith.constant 0 : i32
      %dma_wait3A_192 = arith.constant 0 : i32
      %dma_wait3A_193 = tpu.memref_slice %arg10[%dma_wait3A_191, %dma_wait3A_192] : memref<10240x128xf32, #tpu.memory_space<vmem_shared>> -> memref<10240x128xf32, #tpu.memory_space<vmem_shared>>
      tpu.wait_indirect_dma semaphore(%arg11 : memref<!tpu.dma_semaphore, #tpu.memory_space<semaphore_mem>>) src(%dma_wait3A_187 : memref<128x128xf32, #tpu.memory_space<vmem>>) dst(%dma_wait3A_193 : memref<10240x128xf32, #tpu.memory_space<vmem_shared>>)
      %dma_start3A_194 = arith.constant 0 : i32
      %dma_start3A_195 = arith.constant 2 : i32
      %dma_start3A_196 = arith.constant 0 : i32
      %dma_start3A_197 = arith.constant 0 : i32
      %dma_start3A_198 = arith.constant 0 : i32
      %dma_start3A_199 = tpu.memref_slice %arg9[%dma_start3A_196, %dma_start3A_197, %dma_start3A_198] : memref<2x128x128xf32, #tpu.memory_space<vmem>> -> memref<1x128x128xf32, #tpu.memory_space<vmem>>
      %dma_start3A_200 = tpu.memref_squeeze %dma_start3A_199 : memref<1x128x128xf32, #tpu.memory_space<vmem>> -> memref<128x128xf32, #tpu.memory_space<vmem>>
      %dma_start3A_201 = arith.constant 0 : i32
      %dma_start3A_202 = tpu.memref_slice %arg7[%dma_start3A_194, %dma_start3A_195, %dma_start3A_201] : memref<2x8x128xi32, #tpu.memory_space<vmem>> -> memref<1x1x128xi32, #tpu.memory_space<vmem>>
      %dma_start3A_203 = tpu.memref_squeeze %dma_start3A_202 : memref<1x1x128xi32, #tpu.memory_space<vmem>> -> memref<128xi32, #tpu.memory_space<vmem>>
      %dma_start3A_204 = arith.constant 0 : i32
      %dma_start3A_205 = arith.constant 0 : i32
      %dma_start3A_206 = tpu.memref_slice %arg2[%dma_start3A_204, %dma_start3A_205] : memref<10000x128xf32, #tpu.memory_space<hbm>> -> memref<10000x128xf32, #tpu.memory_space<hbm>>
      tpu.enqueue_indirect_dma source(%dma_start3A_206 : memref<10000x128xf32, #tpu.memory_space<hbm>>) target(%dma_start3A_200 : memref<128x128xf32, #tpu.memory_space<vmem>>) offsets(%dma_start3A_203 : memref<128xi32, #tpu.memory_space<vmem>>) semaphore(%arg13 : memref<!tpu.dma_semaphore, #tpu.memory_space<semaphore_mem>>)
      %dma_wait3A_207 = arith.constant 1 : i32
      %dma_wait3A_208 = arith.constant 0 : i32
      %dma_wait3A_209 = arith.constant 0 : i32
      %dma_wait3A_210 = arith.constant 0 : i32
      %dma_wait3A_211 = arith.constant 0 : i32
      %dma_wait3A_212 = tpu.memref_slice %arg9[%dma_wait3A_207, %dma_wait3A_210, %dma_wait3A_211] : memref<2x128x128xf32, #tpu.memory_space<vmem>> -> memref<1x128x128xf32, #tpu.memory_space<vmem>>
      %dma_wait3A_213 = tpu.memref_squeeze %dma_wait3A_212 : memref<1x128x128xf32, #tpu.memory_space<vmem>> -> memref<128x128xf32, #tpu.memory_space<vmem>>
      %dma_wait3A_214 = arith.constant 0 : i32
      %dma_wait3A_215 = tpu.memref_slice %arg8[%dma_wait3A_208, %dma_wait3A_209, %dma_wait3A_214] : memref<2x8x128xi32, #tpu.memory_space<vmem>> -> memref<1x1x128xi32, #tpu.memory_space<vmem>>
      %dma_wait3A_216 = tpu.memref_squeeze %dma_wait3A_215 : memref<1x1x128xi32, #tpu.memory_space<vmem>> -> memref<128xi32, #tpu.memory_space<vmem>>
      %dma_wait3A_217 = arith.constant 0 : i32
      %dma_wait3A_218 = arith.constant 0 : i32
      %dma_wait3A_219 = tpu.memref_slice %arg10[%dma_wait3A_217, %dma_wait3A_218] : memref<10240x128xf32, #tpu.memory_space<vmem_shared>> -> memref<10240x128xf32, #tpu.memory_space<vmem_shared>>
      tpu.wait_indirect_dma semaphore(%arg11 : memref<!tpu.dma_semaphore, #tpu.memory_space<semaphore_mem>>) src(%dma_wait3A_213 : memref<128x128xf32, #tpu.memory_space<vmem>>) dst(%dma_wait3A_219 : memref<10240x128xf32, #tpu.memory_space<vmem_shared>>)
      %dma_start3A_220 = arith.constant 0 : i32
      %dma_start3A_221 = arith.constant 3 : i32
      %dma_start3A_222 = arith.constant 1 : i32
      %dma_start3A_223 = arith.constant 0 : i32
      %dma_start3A_224 = arith.constant 0 : i32
      %dma_start3A_225 = tpu.memref_slice %arg9[%dma_start3A_222, %dma_start3A_223, %dma_start3A_224] : memref<2x128x128xf32, #tpu.memory_space<vmem>> -> memref<1x128x128xf32, #tpu.memory_space<vmem>>
      %dma_start3A_226 = tpu.memref_squeeze %dma_start3A_225 : memref<1x128x128xf32, #tpu.memory_space<vmem>> -> memref<128x128xf32, #tpu.memory_space<vmem>>
      %dma_start3A_227 = arith.constant 0 : i32
      %dma_start3A_228 = tpu.memref_slice %arg7[%dma_start3A_220, %dma_start3A_221, %dma_start3A_227] : memref<2x8x128xi32, #tpu.memory_space<vmem>> -> memref<1x1x128xi32, #tpu.memory_space<vmem>>
      %dma_start3A_229 = tpu.memref_squeeze %dma_start3A_228 : memref<1x1x128xi32, #tpu.memory_space<vmem>> -> memref<128xi32, #tpu.memory_space<vmem>>
      %dma_start3A_230 = arith.constant 0 : i32
      %dma_start3A_231 = arith.constant 0 : i32
      %dma_start3A_232 = tpu.memref_slice %arg2[%dma_start3A_230, %dma_start3A_231] : memref<10000x128xf32, #tpu.memory_space<hbm>> -> memref<10000x128xf32, #tpu.memory_space<hbm>>
      tpu.enqueue_indirect_dma source(%dma_start3A_232 : memref<10000x128xf32, #tpu.memory_space<hbm>>) target(%dma_start3A_226 : memref<128x128xf32, #tpu.memory_space<vmem>>) offsets(%dma_start3A_229 : memref<128xi32, #tpu.memory_space<vmem>>) semaphore(%arg14 : memref<!tpu.dma_semaphore, #tpu.memory_space<semaphore_mem>>)
      %dma_wait3A_233 = arith.constant 0 : i32
      %dma_wait3A_234 = arith.constant 2 : i32
      %dma_wait3A_235 = arith.constant 0 : i32
      %dma_wait3A_236 = arith.constant 0 : i32
      %dma_wait3A_237 = arith.constant 0 : i32
      %dma_wait3A_238 = tpu.memref_slice %arg9[%dma_wait3A_235, %dma_wait3A_236, %dma_wait3A_237] : memref<2x128x128xf32, #tpu.memory_space<vmem>> -> memref<1x128x128xf32, #tpu.memory_space<vmem>>
      %dma_wait3A_239 = tpu.memref_squeeze %dma_wait3A_238 : memref<1x128x128xf32, #tpu.memory_space<vmem>> -> memref<128x128xf32, #tpu.memory_space<vmem>>
      %dma_wait3A_240 = arith.constant 0 : i32
      %dma_wait3A_241 = tpu.memref_slice %arg7[%dma_wait3A_233, %dma_wait3A_234, %dma_wait3A_240] : memref<2x8x128xi32, #tpu.memory_space<vmem>> -> memref<1x1x128xi32, #tpu.memory_space<vmem>>
      %dma_wait3A_242 = tpu.memref_squeeze %dma_wait3A_241 : memref<1x1x128xi32, #tpu.memory_space<vmem>> -> memref<128xi32, #tpu.memory_space<vmem>>
      %dma_wait3A_243 = arith.constant 0 : i32
      %dma_wait3A_244 = arith.constant 0 : i32
      %dma_wait3A_245 = tpu.memref_slice %arg2[%dma_wait3A_243, %dma_wait3A_244] : memref<10000x128xf32, #tpu.memory_space<hbm>> -> memref<10000x128xf32, #tpu.memory_space<hbm>>
      tpu.wait_indirect_dma semaphore(%arg13 : memref<!tpu.dma_semaphore, #tpu.memory_space<semaphore_mem>>) src(%dma_wait3A_245 : memref<10000x128xf32, #tpu.memory_space<hbm>>) dst(%dma_wait3A_239 : memref<128x128xf32, #tpu.memory_space<vmem>>)
      %dma_start3A_246 = arith.constant 0 : i32
      %dma_start3A_247 = arith.constant 0 : i32
      %dma_start3A_248 = arith.constant 2 : i32
      %dma_start3A_249 = arith.constant 0 : i32
      %dma_start3A_250 = arith.constant 0 : i32
      %dma_start3A_251 = tpu.memref_slice %arg9[%dma_start3A_246, %dma_start3A_249, %dma_start3A_250] : memref<2x128x128xf32, #tpu.memory_space<vmem>> -> memref<1x128x128xf32, #tpu.memory_space<vmem>>
      %dma_start3A_252 = tpu.memref_squeeze %dma_start3A_251 : memref<1x128x128xf32, #tpu.memory_space<vmem>> -> memref<128x128xf32, #tpu.memory_space<vmem>>
      %dma_start3A_253 = arith.constant 0 : i32
      %dma_start3A_254 = tpu.memref_slice %arg8[%dma_start3A_247, %dma_start3A_248, %dma_start3A_253] : memref<2x8x128xi32, #tpu.memory_space<vmem>> -> memref<1x1x128xi32, #tpu.memory_space<vmem>>
      %dma_start3A_255 = tpu.memref_squeeze %dma_start3A_254 : memref<1x1x128xi32, #tpu.memory_space<vmem>> -> memref<128xi32, #tpu.memory_space<vmem>>
      %dma_start3A_256 = arith.constant 0 : i32
      %dma_start3A_257 = arith.constant 0 : i32
      %dma_start3A_258 = tpu.memref_slice %arg10[%dma_start3A_256, %dma_start3A_257] : memref<10240x128xf32, #tpu.memory_space<vmem_shared>> -> memref<10240x128xf32, #tpu.memory_space<vmem_shared>>
      tpu.enqueue_indirect_dma source(%dma_start3A_252 : memref<128x128xf32, #tpu.memory_space<vmem>>) target(%dma_start3A_258 : memref<10240x128xf32, #tpu.memory_space<vmem_shared>>) offsets(%dma_start3A_255 : memref<128xi32, #tpu.memory_space<vmem>>) semaphore(%arg11 : memref<!tpu.dma_semaphore, #tpu.memory_space<semaphore_mem>>) {add = true}
      %dma_wait3A_259 = arith.constant 0 : i32
      %dma_wait3A_260 = arith.constant 3 : i32
      %dma_wait3A_261 = arith.constant 1 : i32
      %dma_wait3A_262 = arith.constant 0 : i32
      %dma_wait3A_263 = arith.constant 0 : i32
      %dma_wait3A_264 = tpu.memref_slice %arg9[%dma_wait3A_261, %dma_wait3A_262, %dma_wait3A_263] : memref<2x128x128xf32, #tpu.memory_space<vmem>> -> memref<1x128x128xf32, #tpu.memory_space<vmem>>
      %dma_wait3A_265 = tpu.memref_squeeze %dma_wait3A_264 : memref<1x128x128xf32, #tpu.memory_space<vmem>> -> memref<128x128xf32, #tpu.memory_space<vmem>>
      %dma_wait3A_266 = arith.constant 0 : i32
      %dma_wait3A_267 = tpu.memref_slice %arg7[%dma_wait3A_259, %dma_wait3A_260, %dma_wait3A_266] : memref<2x8x128xi32, #tpu.memory_space<vmem>> -> memref<1x1x128xi32, #tpu.memory_space<vmem>>
      %dma_wait3A_268 = tpu.memref_squeeze %dma_wait3A_267 : memref<1x1x128xi32, #tpu.memory_space<vmem>> -> memref<128xi32, #tpu.memory_space<vmem>>
      %dma_wait3A_269 = arith.constant 0 : i32
      %dma_wait3A_270 = arith.constant 0 : i32
      %dma_wait3A_271 = tpu.memref_slice %arg2[%dma_wait3A_269, %dma_wait3A_270] : memref<10000x128xf32, #tpu.memory_space<hbm>> -> memref<10000x128xf32, #tpu.memory_space<hbm>>
      tpu.wait_indirect_dma semaphore(%arg14 : memref<!tpu.dma_semaphore, #tpu.memory_space<semaphore_mem>>) src(%dma_wait3A_271 : memref<10000x128xf32, #tpu.memory_space<hbm>>) dst(%dma_wait3A_265 : memref<128x128xf32, #tpu.memory_space<vmem>>)
      %dma_start3A_272 = arith.constant 1 : i32
      %dma_start3A_273 = arith.constant 0 : i32
      %dma_start3A_274 = arith.constant 3 : i32
      %dma_start3A_275 = arith.constant 0 : i32
      %dma_start3A_276 = arith.constant 0 : i32
      %dma_start3A_277 = tpu.memref_slice %arg9[%dma_start3A_272, %dma_start3A_275, %dma_start3A_276] : memref<2x128x128xf32, #tpu.memory_space<vmem>> -> memref<1x128x128xf32, #tpu.memory_space<vmem>>
      %dma_start3A_278 = tpu.memref_squeeze %dma_start3A_277 : memref<1x128x128xf32, #tpu.memory_space<vmem>> -> memref<128x128xf32, #tpu.memory_space<vmem>>
      %dma_start3A_279 = arith.constant 0 : i32
      %dma_start3A_280 = tpu.memref_slice %arg8[%dma_start3A_273, %dma_start3A_274, %dma_start3A_279] : memref<2x8x128xi32, #tpu.memory_space<vmem>> -> memref<1x1x128xi32, #tpu.memory_space<vmem>>
      %dma_start3A_281 = tpu.memref_squeeze %dma_start3A_280 : memref<1x1x128xi32, #tpu.memory_space<vmem>> -> memref<128xi32, #tpu.memory_space<vmem>>
      %dma_start3A_282 = arith.constant 0 : i32
      %dma_start3A_283 = arith.constant 0 : i32
      %dma_start3A_284 = tpu.memref_slice %arg10[%dma_start3A_282, %dma_start3A_283] : memref<10240x128xf32, #tpu.memory_space<vmem_shared>> -> memref<10240x128xf32, #tpu.memory_space<vmem_shared>>
      tpu.enqueue_indirect_dma source(%dma_start3A_278 : memref<128x128xf32, #tpu.memory_space<vmem>>) target(%dma_start3A_284 : memref<10240x128xf32, #tpu.memory_space<vmem_shared>>) offsets(%dma_start3A_281 : memref<128xi32, #tpu.memory_space<vmem>>) semaphore(%arg11 : memref<!tpu.dma_semaphore, #tpu.memory_space<semaphore_mem>>) {add = true}
      %dma_wait3A_285 = arith.constant 0 : i32
      %dma_wait3A_286 = arith.constant 0 : i32
      %dma_wait3A_287 = arith.constant 0 : i32
      %dma_wait3A_288 = arith.constant 0 : i32
      %dma_wait3A_289 = arith.constant 0 : i32
      %dma_wait3A_290 = tpu.memref_slice %arg9[%dma_wait3A_285, %dma_wait3A_288, %dma_wait3A_289] : memref<2x128x128xf32, #tpu.memory_space<vmem>> -> memref<1x128x128xf32, #tpu.memory_space<vmem>>
      %dma_wait3A_291 = tpu.memref_squeeze %dma_wait3A_290 : memref<1x128x128xf32, #tpu.memory_space<vmem>> -> memref<128x128xf32, #tpu.memory_space<vmem>>
      %dma_wait3A_292 = arith.constant 0 : i32
      %dma_wait3A_293 = tpu.memref_slice %arg8[%dma_wait3A_286, %dma_wait3A_287, %dma_wait3A_292] : memref<2x8x128xi32, #tpu.memory_space<vmem>> -> memref<1x1x128xi32, #tpu.memory_space<vmem>>
      %dma_wait3A_294 = tpu.memref_squeeze %dma_wait3A_293 : memref<1x1x128xi32, #tpu.memory_space<vmem>> -> memref<128xi32, #tpu.memory_space<vmem>>
      %dma_wait3A_295 = arith.constant 0 : i32
      %dma_wait3A_296 = arith.constant 0 : i32
      %dma_wait3A_297 = tpu.memref_slice %arg10[%dma_wait3A_295, %dma_wait3A_296] : memref<10240x128xf32, #tpu.memory_space<vmem_shared>> -> memref<10240x128xf32, #tpu.memory_space<vmem_shared>>
      tpu.wait_indirect_dma semaphore(%arg11 : memref<!tpu.dma_semaphore, #tpu.memory_space<semaphore_mem>>) src(%dma_wait3A_291 : memref<128x128xf32, #tpu.memory_space<vmem>>) dst(%dma_wait3A_297 : memref<10240x128xf32, #tpu.memory_space<vmem_shared>>)
      %dma_start3A_298 = arith.constant 0 : i32
      %dma_start3A_299 = arith.constant 4 : i32
      %dma_start3A_300 = arith.constant 0 : i32
      %dma_start3A_301 = arith.constant 0 : i32
      %dma_start3A_302 = arith.constant 0 : i32
      %dma_start3A_303 = tpu.memref_slice %arg9[%dma_start3A_300, %dma_start3A_301, %dma_start3A_302] : memref<2x128x128xf32, #tpu.memory_space<vmem>> -> memref<1x128x128xf32, #tpu.memory_space<vmem>>
      %dma_start3A_304 = tpu.memref_squeeze %dma_start3A_303 : memref<1x128x128xf32, #tpu.memory_space<vmem>> -> memref<128x128xf32, #tpu.memory_space<vmem>>
      %dma_start3A_305 = arith.constant 0 : i32
      %dma_start3A_306 = tpu.memref_slice %arg7[%dma_start3A_298, %dma_start3A_299, %dma_start3A_305] : memref<2x8x128xi32, #tpu.memory_space<vmem>> -> memref<1x1x128xi32, #tpu.memory_space<vmem>>
      %dma_start3A_307 = tpu.memref_squeeze %dma_start3A_306 : memref<1x1x128xi32, #tpu.memory_space<vmem>> -> memref<128xi32, #tpu.memory_space<vmem>>
      %dma_start3A_308 = arith.constant 0 : i32
      %dma_start3A_309 = arith.constant 0 : i32
      %dma_start3A_310 = tpu.memref_slice %arg2[%dma_start3A_308, %dma_start3A_309] : memref<10000x128xf32, #tpu.memory_space<hbm>> -> memref<10000x128xf32, #tpu.memory_space<hbm>>
      tpu.enqueue_indirect_dma source(%dma_start3A_310 : memref<10000x128xf32, #tpu.memory_space<hbm>>) target(%dma_start3A_304 : memref<128x128xf32, #tpu.memory_space<vmem>>) offsets(%dma_start3A_307 : memref<128xi32, #tpu.memory_space<vmem>>) semaphore(%arg13 : memref<!tpu.dma_semaphore, #tpu.memory_space<semaphore_mem>>)
      %dma_wait3A_311 = arith.constant 1 : i32
      %dma_wait3A_312 = arith.constant 0 : i32
      %dma_wait3A_313 = arith.constant 0 : i32
      %dma_wait3A_314 = arith.constant 0 : i32
      %dma_wait3A_315 = arith.constant 0 : i32
      %dma_wait3A_316 = tpu.memref_slice %arg9[%dma_wait3A_311, %dma_wait3A_314, %dma_wait3A_315] : memref<2x128x128xf32, #tpu.memory_space<vmem>> -> memref<1x128x128xf32, #tpu.memory_space<vmem>>
      %dma_wait3A_317 = tpu.memref_squeeze %dma_wait3A_316 : memref<1x128x128xf32, #tpu.memory_space<vmem>> -> memref<128x128xf32, #tpu.memory_space<vmem>>
      %dma_wait3A_318 = arith.constant 0 : i32
      %dma_wait3A_319 = tpu.memref_slice %arg8[%dma_wait3A_312, %dma_wait3A_313, %dma_wait3A_318] : memref<2x8x128xi32, #tpu.memory_space<vmem>> -> memref<1x1x128xi32, #tpu.memory_space<vmem>>
      %dma_wait3A_320 = tpu.memref_squeeze %dma_wait3A_319 : memref<1x1x128xi32, #tpu.memory_space<vmem>> -> memref<128xi32, #tpu.memory_space<vmem>>
      %dma_wait3A_321 = arith.constant 0 : i32
      %dma_wait3A_322 = arith.constant 0 : i32
      %dma_wait3A_323 = tpu.memref_slice %arg10[%dma_wait3A_321, %dma_wait3A_322] : memref<10240x128xf32, #tpu.memory_space<vmem_shared>> -> memref<10240x128xf32, #tpu.memory_space<vmem_shared>>
      tpu.wait_indirect_dma semaphore(%arg11 : memref<!tpu.dma_semaphore, #tpu.memory_space<semaphore_mem>>) src(%dma_wait3A_317 : memref<128x128xf32, #tpu.memory_space<vmem>>) dst(%dma_wait3A_323 : memref<10240x128xf32, #tpu.memory_space<vmem_shared>>)
      %dma_start3A_324 = arith.constant 0 : i32
      %dma_start3A_325 = arith.constant 5 : i32
      %dma_start3A_326 = arith.constant 1 : i32
      %dma_start3A_327 = arith.constant 0 : i32
      %dma_start3A_328 = arith.constant 0 : i32
      %dma_start3A_329 = tpu.memref_slice %arg9[%dma_start3A_326, %dma_start3A_327, %dma_start3A_328] : memref<2x128x128xf32, #tpu.memory_space<vmem>> -> memref<1x128x128xf32, #tpu.memory_space<vmem>>
      %dma_start3A_330 = tpu.memref_squeeze %dma_start3A_329 : memref<1x128x128xf32, #tpu.memory_space<vmem>> -> memref<128x128xf32, #tpu.memory_space<vmem>>
      %dma_start3A_331 = arith.constant 0 : i32
      %dma_start3A_332 = tpu.memref_slice %arg7[%dma_start3A_324, %dma_start3A_325, %dma_start3A_331] : memref<2x8x128xi32, #tpu.memory_space<vmem>> -> memref<1x1x128xi32, #tpu.memory_space<vmem>>
      %dma_start3A_333 = tpu.memref_squeeze %dma_start3A_332 : memref<1x1x128xi32, #tpu.memory_space<vmem>> -> memref<128xi32, #tpu.memory_space<vmem>>
      %dma_start3A_334 = arith.constant 0 : i32
      %dma_start3A_335 = arith.constant 0 : i32
      %dma_start3A_336 = tpu.memref_slice %arg2[%dma_start3A_334, %dma_start3A_335] : memref<10000x128xf32, #tpu.memory_space<hbm>> -> memref<10000x128xf32, #tpu.memory_space<hbm>>
      tpu.enqueue_indirect_dma source(%dma_start3A_336 : memref<10000x128xf32, #tpu.memory_space<hbm>>) target(%dma_start3A_330 : memref<128x128xf32, #tpu.memory_space<vmem>>) offsets(%dma_start3A_333 : memref<128xi32, #tpu.memory_space<vmem>>) semaphore(%arg14 : memref<!tpu.dma_semaphore, #tpu.memory_space<semaphore_mem>>)
      %dma_wait3A_337 = arith.constant 0 : i32
      %dma_wait3A_338 = arith.constant 4 : i32
      %dma_wait3A_339 = arith.constant 0 : i32
      %dma_wait3A_340 = arith.constant 0 : i32
      %dma_wait3A_341 = arith.constant 0 : i32
      %dma_wait3A_342 = tpu.memref_slice %arg9[%dma_wait3A_339, %dma_wait3A_340, %dma_wait3A_341] : memref<2x128x128xf32, #tpu.memory_space<vmem>> -> memref<1x128x128xf32, #tpu.memory_space<vmem>>
      %dma_wait3A_343 = tpu.memref_squeeze %dma_wait3A_342 : memref<1x128x128xf32, #tpu.memory_space<vmem>> -> memref<128x128xf32, #tpu.memory_space<vmem>>
      %dma_wait3A_344 = arith.constant 0 : i32
      %dma_wait3A_345 = tpu.memref_slice %arg7[%dma_wait3A_337, %dma_wait3A_338, %dma_wait3A_344] : memref<2x8x128xi32, #tpu.memory_space<vmem>> -> memref<1x1x128xi32, #tpu.memory_space<vmem>>
      %dma_wait3A_346 = tpu.memref_squeeze %dma_wait3A_345 : memref<1x1x128xi32, #tpu.memory_space<vmem>> -> memref<128xi32, #tpu.memory_space<vmem>>
      %dma_wait3A_347 = arith.constant 0 : i32
      %dma_wait3A_348 = arith.constant 0 : i32
      %dma_wait3A_349 = tpu.memref_slice %arg2[%dma_wait3A_347, %dma_wait3A_348] : memref<10000x128xf32, #tpu.memory_space<hbm>> -> memref<10000x128xf32, #tpu.memory_space<hbm>>
      tpu.wait_indirect_dma semaphore(%arg13 : memref<!tpu.dma_semaphore, #tpu.memory_space<semaphore_mem>>) src(%dma_wait3A_349 : memref<10000x128xf32, #tpu.memory_space<hbm>>) dst(%dma_wait3A_343 : memref<128x128xf32, #tpu.memory_space<vmem>>)
      %dma_start3A_350 = arith.constant 0 : i32
      %dma_start3A_351 = arith.constant 0 : i32
      %dma_start3A_352 = arith.constant 4 : i32
      %dma_start3A_353 = arith.constant 0 : i32
      %dma_start3A_354 = arith.constant 0 : i32
      %dma_start3A_355 = tpu.memref_slice %arg9[%dma_start3A_350, %dma_start3A_353, %dma_start3A_354] : memref<2x128x128xf32, #tpu.memory_space<vmem>> -> memref<1x128x128xf32, #tpu.memory_space<vmem>>
      %dma_start3A_356 = tpu.memref_squeeze %dma_start3A_355 : memref<1x128x128xf32, #tpu.memory_space<vmem>> -> memref<128x128xf32, #tpu.memory_space<vmem>>
      %dma_start3A_357 = arith.constant 0 : i32
      %dma_start3A_358 = tpu.memref_slice %arg8[%dma_start3A_351, %dma_start3A_352, %dma_start3A_357] : memref<2x8x128xi32, #tpu.memory_space<vmem>> -> memref<1x1x128xi32, #tpu.memory_space<vmem>>
      %dma_start3A_359 = tpu.memref_squeeze %dma_start3A_358 : memref<1x1x128xi32, #tpu.memory_space<vmem>> -> memref<128xi32, #tpu.memory_space<vmem>>
      %dma_start3A_360 = arith.constant 0 : i32
      %dma_start3A_361 = arith.constant 0 : i32
      %dma_start3A_362 = tpu.memref_slice %arg10[%dma_start3A_360, %dma_start3A_361] : memref<10240x128xf32, #tpu.memory_space<vmem_shared>> -> memref<10240x128xf32, #tpu.memory_space<vmem_shared>>
      tpu.enqueue_indirect_dma source(%dma_start3A_356 : memref<128x128xf32, #tpu.memory_space<vmem>>) target(%dma_start3A_362 : memref<10240x128xf32, #tpu.memory_space<vmem_shared>>) offsets(%dma_start3A_359 : memref<128xi32, #tpu.memory_space<vmem>>) semaphore(%arg11 : memref<!tpu.dma_semaphore, #tpu.memory_space<semaphore_mem>>) {add = true}
      %dma_wait3A_363 = arith.constant 0 : i32
      %dma_wait3A_364 = arith.constant 5 : i32
      %dma_wait3A_365 = arith.constant 1 : i32
      %dma_wait3A_366 = arith.constant 0 : i32
      %dma_wait3A_367 = arith.constant 0 : i32
      %dma_wait3A_368 = tpu.memref_slice %arg9[%dma_wait3A_365, %dma_wait3A_366, %dma_wait3A_367] : memref<2x128x128xf32, #tpu.memory_space<vmem>> -> memref<1x128x128xf32, #tpu.memory_space<vmem>>
      %dma_wait3A_369 = tpu.memref_squeeze %dma_wait3A_368 : memref<1x128x128xf32, #tpu.memory_space<vmem>> -> memref<128x128xf32, #tpu.memory_space<vmem>>
      %dma_wait3A_370 = arith.constant 0 : i32
      %dma_wait3A_371 = tpu.memref_slice %arg7[%dma_wait3A_363, %dma_wait3A_364, %dma_wait3A_370] : memref<2x8x128xi32, #tpu.memory_space<vmem>> -> memref<1x1x128xi32, #tpu.memory_space<vmem>>
      %dma_wait3A_372 = tpu.memref_squeeze %dma_wait3A_371 : memref<1x1x128xi32, #tpu.memory_space<vmem>> -> memref<128xi32, #tpu.memory_space<vmem>>
      %dma_wait3A_373 = arith.constant 0 : i32
      %dma_wait3A_374 = arith.constant 0 : i32
      %dma_wait3A_375 = tpu.memref_slice %arg2[%dma_wait3A_373, %dma_wait3A_374] : memref<10000x128xf32, #tpu.memory_space<hbm>> -> memref<10000x128xf32, #tpu.memory_space<hbm>>
      tpu.wait_indirect_dma semaphore(%arg14 : memref<!tpu.dma_semaphore, #tpu.memory_space<semaphore_mem>>) src(%dma_wait3A_375 : memref<10000x128xf32, #tpu.memory_space<hbm>>) dst(%dma_wait3A_369 : memref<128x128xf32, #tpu.memory_space<vmem>>)
      %dma_start3A_376 = arith.constant 1 : i32
      %dma_start3A_377 = arith.constant 0 : i32
      %dma_start3A_378 = arith.constant 5 : i32
      %dma_start3A_379 = arith.constant 0 : i32
      %dma_start3A_380 = arith.constant 0 : i32
      %dma_start3A_381 = tpu.memref_slice %arg9[%dma_start3A_376, %dma_start3A_379, %dma_start3A_380] : memref<2x128x128xf32, #tpu.memory_space<vmem>> -> memref<1x128x128xf32, #tpu.memory_space<vmem>>
      %dma_start3A_382 = tpu.memref_squeeze %dma_start3A_381 : memref<1x128x128xf32, #tpu.memory_space<vmem>> -> memref<128x128xf32, #tpu.memory_space<vmem>>
      %dma_start3A_383 = arith.constant 0 : i32
      %dma_start3A_384 = tpu.memref_slice %arg8[%dma_start3A_377, %dma_start3A_378, %dma_start3A_383] : memref<2x8x128xi32, #tpu.memory_space<vmem>> -> memref<1x1x128xi32, #tpu.memory_space<vmem>>
      %dma_start3A_385 = tpu.memref_squeeze %dma_start3A_384 : memref<1x1x128xi32, #tpu.memory_space<vmem>> -> memref<128xi32, #tpu.memory_space<vmem>>
      %dma_start3A_386 = arith.constant 0 : i32
      %dma_start3A_387 = arith.constant 0 : i32
      %dma_start3A_388 = tpu.memref_slice %arg10[%dma_start3A_386, %dma_start3A_387] : memref<10240x128xf32, #tpu.memory_space<vmem_shared>> -> memref<10240x128xf32, #tpu.memory_space<vmem_shared>>
      tpu.enqueue_indirect_dma source(%dma_start3A_382 : memref<128x128xf32, #tpu.memory_space<vmem>>) target(%dma_start3A_388 : memref<10240x128xf32, #tpu.memory_space<vmem_shared>>) offsets(%dma_start3A_385 : memref<128xi32, #tpu.memory_space<vmem>>) semaphore(%arg11 : memref<!tpu.dma_semaphore, #tpu.memory_space<semaphore_mem>>) {add = true}
      %dma_wait3A_389 = arith.constant 0 : i32
      %dma_wait3A_390 = arith.constant 0 : i32
      %dma_wait3A_391 = arith.constant 0 : i32
      %dma_wait3A_392 = arith.constant 0 : i32
      %dma_wait3A_393 = arith.constant 0 : i32
      %dma_wait3A_394 = tpu.memref_slice %arg9[%dma_wait3A_389, %dma_wait3A_392, %dma_wait3A_393] : memref<2x128x128xf32, #tpu.memory_space<vmem>> -> memref<1x128x128xf32, #tpu.memory_space<vmem>>
      %dma_wait3A_395 = tpu.memref_squeeze %dma_wait3A_394 : memref<1x128x128xf32, #tpu.memory_space<vmem>> -> memref<128x128xf32, #tpu.memory_space<vmem>>
      %dma_wait3A_396 = arith.constant 0 : i32
      %dma_wait3A_397 = tpu.memref_slice %arg8[%dma_wait3A_390, %dma_wait3A_391, %dma_wait3A_396] : memref<2x8x128xi32, #tpu.memory_space<vmem>> -> memref<1x1x128xi32, #tpu.memory_space<vmem>>
      %dma_wait3A_398 = tpu.memref_squeeze %dma_wait3A_397 : memref<1x1x128xi32, #tpu.memory_space<vmem>> -> memref<128xi32, #tpu.memory_space<vmem>>
      %dma_wait3A_399 = arith.constant 0 : i32
      %dma_wait3A_400 = arith.constant 0 : i32
      %dma_wait3A_401 = tpu.memref_slice %arg10[%dma_wait3A_399, %dma_wait3A_400] : memref<10240x128xf32, #tpu.memory_space<vmem_shared>> -> memref<10240x128xf32, #tpu.memory_space<vmem_shared>>
      tpu.wait_indirect_dma semaphore(%arg11 : memref<!tpu.dma_semaphore, #tpu.memory_space<semaphore_mem>>) src(%dma_wait3A_395 : memref<128x128xf32, #tpu.memory_space<vmem>>) dst(%dma_wait3A_401 : memref<10240x128xf32, #tpu.memory_space<vmem_shared>>)
      %dma_start3A_402 = arith.constant 0 : i32
      %dma_start3A_403 = arith.constant 6 : i32
      %dma_start3A_404 = arith.constant 0 : i32
      %dma_start3A_405 = arith.constant 0 : i32
      %dma_start3A_406 = arith.constant 0 : i32
      %dma_start3A_407 = tpu.memref_slice %arg9[%dma_start3A_404, %dma_start3A_405, %dma_start3A_406] : memref<2x128x128xf32, #tpu.memory_space<vmem>> -> memref<1x128x128xf32, #tpu.memory_space<vmem>>
      %dma_start3A_408 = tpu.memref_squeeze %dma_start3A_407 : memref<1x128x128xf32, #tpu.memory_space<vmem>> -> memref<128x128xf32, #tpu.memory_space<vmem>>
      %dma_start3A_409 = arith.constant 0 : i32
      %dma_start3A_410 = tpu.memref_slice %arg7[%dma_start3A_402, %dma_start3A_403, %dma_start3A_409] : memref<2x8x128xi32, #tpu.memory_space<vmem>> -> memref<1x1x128xi32, #tpu.memory_space<vmem>>
      %dma_start3A_411 = tpu.memref_squeeze %dma_start3A_410 : memref<1x1x128xi32, #tpu.memory_space<vmem>> -> memref<128xi32, #tpu.memory_space<vmem>>
      %dma_start3A_412 = arith.constant 0 : i32
      %dma_start3A_413 = arith.constant 0 : i32
      %dma_start3A_414 = tpu.memref_slice %arg2[%dma_start3A_412, %dma_start3A_413] : memref<10000x128xf32, #tpu.memory_space<hbm>> -> memref<10000x128xf32, #tpu.memory_space<hbm>>
      tpu.enqueue_indirect_dma source(%dma_start3A_414 : memref<10000x128xf32, #tpu.memory_space<hbm>>) target(%dma_start3A_408 : memref<128x128xf32, #tpu.memory_space<vmem>>) offsets(%dma_start3A_411 : memref<128xi32, #tpu.memory_space<vmem>>) semaphore(%arg13 : memref<!tpu.dma_semaphore, #tpu.memory_space<semaphore_mem>>)
      %dma_wait3A_415 = arith.constant 1 : i32
      %dma_wait3A_416 = arith.constant 0 : i32
      %dma_wait3A_417 = arith.constant 0 : i32
      %dma_wait3A_418 = arith.constant 0 : i32
      %dma_wait3A_419 = arith.constant 0 : i32
      %dma_wait3A_420 = tpu.memref_slice %arg9[%dma_wait3A_415, %dma_wait3A_418, %dma_wait3A_419] : memref<2x128x128xf32, #tpu.memory_space<vmem>> -> memref<1x128x128xf32, #tpu.memory_space<vmem>>
      %dma_wait3A_421 = tpu.memref_squeeze %dma_wait3A_420 : memref<1x128x128xf32, #tpu.memory_space<vmem>> -> memref<128x128xf32, #tpu.memory_space<vmem>>
      %dma_wait3A_422 = arith.constant 0 : i32
      %dma_wait3A_423 = tpu.memref_slice %arg8[%dma_wait3A_416, %dma_wait3A_417, %dma_wait3A_422] : memref<2x8x128xi32, #tpu.memory_space<vmem>> -> memref<1x1x128xi32, #tpu.memory_space<vmem>>
      %dma_wait3A_424 = tpu.memref_squeeze %dma_wait3A_423 : memref<1x1x128xi32, #tpu.memory_space<vmem>> -> memref<128xi32, #tpu.memory_space<vmem>>
      %dma_wait3A_425 = arith.constant 0 : i32
      %dma_wait3A_426 = arith.constant 0 : i32
      %dma_wait3A_427 = tpu.memref_slice %arg10[%dma_wait3A_425, %dma_wait3A_426] : memref<10240x128xf32, #tpu.memory_space<vmem_shared>> -> memref<10240x128xf32, #tpu.memory_space<vmem_shared>>
      tpu.wait_indirect_dma semaphore(%arg11 : memref<!tpu.dma_semaphore, #tpu.memory_space<semaphore_mem>>) src(%dma_wait3A_421 : memref<128x128xf32, #tpu.memory_space<vmem>>) dst(%dma_wait3A_427 : memref<10240x128xf32, #tpu.memory_space<vmem_shared>>)
      %dma_start3A_428 = arith.constant 0 : i32
      %dma_start3A_429 = arith.constant 7 : i32
      %dma_start3A_430 = arith.constant 1 : i32
      %dma_start3A_431 = arith.constant 0 : i32
      %dma_start3A_432 = arith.constant 0 : i32
      %dma_start3A_433 = tpu.memref_slice %arg9[%dma_start3A_430, %dma_start3A_431, %dma_start3A_432] : memref<2x128x128xf32, #tpu.memory_space<vmem>> -> memref<1x128x128xf32, #tpu.memory_space<vmem>>
      %dma_start3A_434 = tpu.memref_squeeze %dma_start3A_433 : memref<1x128x128xf32, #tpu.memory_space<vmem>> -> memref<128x128xf32, #tpu.memory_space<vmem>>
      %dma_start3A_435 = arith.constant 0 : i32
      %dma_start3A_436 = tpu.memref_slice %arg7[%dma_start3A_428, %dma_start3A_429, %dma_start3A_435] : memref<2x8x128xi32, #tpu.memory_space<vmem>> -> memref<1x1x128xi32, #tpu.memory_space<vmem>>
      %dma_start3A_437 = tpu.memref_squeeze %dma_start3A_436 : memref<1x1x128xi32, #tpu.memory_space<vmem>> -> memref<128xi32, #tpu.memory_space<vmem>>
      %dma_start3A_438 = arith.constant 0 : i32
      %dma_start3A_439 = arith.constant 0 : i32
      %dma_start3A_440 = tpu.memref_slice %arg2[%dma_start3A_438, %dma_start3A_439] : memref<10000x128xf32, #tpu.memory_space<hbm>> -> memref<10000x128xf32, #tpu.memory_space<hbm>>
      tpu.enqueue_indirect_dma source(%dma_start3A_440 : memref<10000x128xf32, #tpu.memory_space<hbm>>) target(%dma_start3A_434 : memref<128x128xf32, #tpu.memory_space<vmem>>) offsets(%dma_start3A_437 : memref<128xi32, #tpu.memory_space<vmem>>) semaphore(%arg14 : memref<!tpu.dma_semaphore, #tpu.memory_space<semaphore_mem>>)
      %dma_wait3A_441 = arith.constant 0 : i32
      %dma_wait3A_442 = arith.constant 6 : i32
      %dma_wait3A_443 = arith.constant 0 : i32
      %dma_wait3A_444 = arith.constant 0 : i32
      %dma_wait3A_445 = arith.constant 0 : i32
      %dma_wait3A_446 = tpu.memref_slice %arg9[%dma_wait3A_443, %dma_wait3A_444, %dma_wait3A_445] : memref<2x128x128xf32, #tpu.memory_space<vmem>> -> memref<1x128x128xf32, #tpu.memory_space<vmem>>
      %dma_wait3A_447 = tpu.memref_squeeze %dma_wait3A_446 : memref<1x128x128xf32, #tpu.memory_space<vmem>> -> memref<128x128xf32, #tpu.memory_space<vmem>>
      %dma_wait3A_448 = arith.constant 0 : i32
      %dma_wait3A_449 = tpu.memref_slice %arg7[%dma_wait3A_441, %dma_wait3A_442, %dma_wait3A_448] : memref<2x8x128xi32, #tpu.memory_space<vmem>> -> memref<1x1x128xi32, #tpu.memory_space<vmem>>
      %dma_wait3A_450 = tpu.memref_squeeze %dma_wait3A_449 : memref<1x1x128xi32, #tpu.memory_space<vmem>> -> memref<128xi32, #tpu.memory_space<vmem>>
      %dma_wait3A_451 = arith.constant 0 : i32
      %dma_wait3A_452 = arith.constant 0 : i32
      %dma_wait3A_453 = tpu.memref_slice %arg2[%dma_wait3A_451, %dma_wait3A_452] : memref<10000x128xf32, #tpu.memory_space<hbm>> -> memref<10000x128xf32, #tpu.memory_space<hbm>>
      tpu.wait_indirect_dma semaphore(%arg13 : memref<!tpu.dma_semaphore, #tpu.memory_space<semaphore_mem>>) src(%dma_wait3A_453 : memref<10000x128xf32, #tpu.memory_space<hbm>>) dst(%dma_wait3A_447 : memref<128x128xf32, #tpu.memory_space<vmem>>)
      %dma_start3A_454 = arith.constant 0 : i32
      %dma_start3A_455 = arith.constant 0 : i32
      %dma_start3A_456 = arith.constant 6 : i32
      %dma_start3A_457 = arith.constant 0 : i32
      %dma_start3A_458 = arith.constant 0 : i32
      %dma_start3A_459 = tpu.memref_slice %arg9[%dma_start3A_454, %dma_start3A_457, %dma_start3A_458] : memref<2x128x128xf32, #tpu.memory_space<vmem>> -> memref<1x128x128xf32, #tpu.memory_space<vmem>>
      %dma_start3A_460 = tpu.memref_squeeze %dma_start3A_459 : memref<1x128x128xf32, #tpu.memory_space<vmem>> -> memref<128x128xf32, #tpu.memory_space<vmem>>
      %dma_start3A_461 = arith.constant 0 : i32
      %dma_start3A_462 = tpu.memref_slice %arg8[%dma_start3A_455, %dma_start3A_456, %dma_start3A_461] : memref<2x8x128xi32, #tpu.memory_space<vmem>> -> memref<1x1x128xi32, #tpu.memory_space<vmem>>
      %dma_start3A_463 = tpu.memref_squeeze %dma_start3A_462 : memref<1x1x128xi32, #tpu.memory_space<vmem>> -> memref<128xi32, #tpu.memory_space<vmem>>
      %dma_start3A_464 = arith.constant 0 : i32
      %dma_start3A_465 = arith.constant 0 : i32
      %dma_start3A_466 = tpu.memref_slice %arg10[%dma_start3A_464, %dma_start3A_465] : memref<10240x128xf32, #tpu.memory_space<vmem_shared>> -> memref<10240x128xf32, #tpu.memory_space<vmem_shared>>
      tpu.enqueue_indirect_dma source(%dma_start3A_460 : memref<128x128xf32, #tpu.memory_space<vmem>>) target(%dma_start3A_466 : memref<10240x128xf32, #tpu.memory_space<vmem_shared>>) offsets(%dma_start3A_463 : memref<128xi32, #tpu.memory_space<vmem>>) semaphore(%arg11 : memref<!tpu.dma_semaphore, #tpu.memory_space<semaphore_mem>>) {add = true}
      %dma_wait3A_467 = arith.constant 0 : i32
      %dma_wait3A_468 = arith.constant 7 : i32
      %dma_wait3A_469 = arith.constant 1 : i32
      %dma_wait3A_470 = arith.constant 0 : i32
      %dma_wait3A_471 = arith.constant 0 : i32
      %dma_wait3A_472 = tpu.memref_slice %arg9[%dma_wait3A_469, %dma_wait3A_470, %dma_wait3A_471] : memref<2x128x128xf32, #tpu.memory_space<vmem>> -> memref<1x128x128xf32, #tpu.memory_space<vmem>>
      %dma_wait3A_473 = tpu.memref_squeeze %dma_wait3A_472 : memref<1x128x128xf32, #tpu.memory_space<vmem>> -> memref<128x128xf32, #tpu.memory_space<vmem>>
      %dma_wait3A_474 = arith.constant 0 : i32
      %dma_wait3A_475 = tpu.memref_slice %arg7[%dma_wait3A_467, %dma_wait3A_468, %dma_wait3A_474] : memref<2x8x128xi32, #tpu.memory_space<vmem>> -> memref<1x1x128xi32, #tpu.memory_space<vmem>>
      %dma_wait3A_476 = tpu.memref_squeeze %dma_wait3A_475 : memref<1x1x128xi32, #tpu.memory_space<vmem>> -> memref<128xi32, #tpu.memory_space<vmem>>
      %dma_wait3A_477 = arith.constant 0 : i32
      %dma_wait3A_478 = arith.constant 0 : i32
      %dma_wait3A_479 = tpu.memref_slice %arg2[%dma_wait3A_477, %dma_wait3A_478] : memref<10000x128xf32, #tpu.memory_space<hbm>> -> memref<10000x128xf32, #tpu.memory_space<hbm>>
      tpu.wait_indirect_dma semaphore(%arg14 : memref<!tpu.dma_semaphore, #tpu.memory_space<semaphore_mem>>) src(%dma_wait3A_479 : memref<10000x128xf32, #tpu.memory_space<hbm>>) dst(%dma_wait3A_473 : memref<128x128xf32, #tpu.memory_space<vmem>>)
      %dma_start3A_480 = arith.constant 1 : i32
      %dma_start3A_481 = arith.constant 0 : i32
      %dma_start3A_482 = arith.constant 7 : i32
      %dma_start3A_483 = arith.constant 0 : i32
      %dma_start3A_484 = arith.constant 0 : i32
      %dma_start3A_485 = tpu.memref_slice %arg9[%dma_start3A_480, %dma_start3A_483, %dma_start3A_484] : memref<2x128x128xf32, #tpu.memory_space<vmem>> -> memref<1x128x128xf32, #tpu.memory_space<vmem>>
      %dma_start3A_486 = tpu.memref_squeeze %dma_start3A_485 : memref<1x128x128xf32, #tpu.memory_space<vmem>> -> memref<128x128xf32, #tpu.memory_space<vmem>>
      %dma_start3A_487 = arith.constant 0 : i32
      %dma_start3A_488 = tpu.memref_slice %arg8[%dma_start3A_481, %dma_start3A_482, %dma_start3A_487] : memref<2x8x128xi32, #tpu.memory_space<vmem>> -> memref<1x1x128xi32, #tpu.memory_space<vmem>>
      %dma_start3A_489 = tpu.memref_squeeze %dma_start3A_488 : memref<1x1x128xi32, #tpu.memory_space<vmem>> -> memref<128xi32, #tpu.memory_space<vmem>>
      %dma_start3A_490 = arith.constant 0 : i32
      %dma_start3A_491 = arith.constant 0 : i32
      %dma_start3A_492 = tpu.memref_slice %arg10[%dma_start3A_490, %dma_start3A_491] : memref<10240x128xf32, #tpu.memory_space<vmem_shared>> -> memref<10240x128xf32, #tpu.memory_space<vmem_shared>>
      tpu.enqueue_indirect_dma source(%dma_start3A_486 : memref<128x128xf32, #tpu.memory_space<vmem>>) target(%dma_start3A_492 : memref<10240x128xf32, #tpu.memory_space<vmem_shared>>) offsets(%dma_start3A_489 : memref<128xi32, #tpu.memory_space<vmem>>) semaphore(%arg11 : memref<!tpu.dma_semaphore, #tpu.memory_space<semaphore_mem>>) {add = true}
      %mul3A_493 = arith.constant 2 : i32
      %mul3A_494 = arith.muli %mul3A_493, %scan3A_63 : i32
      %add3A_495 = arith.constant 1 : i32
      %add3A_496 = arith.addi %mul3A_494, %add3A_495 : i32
      %gt3A_497 = arith.constant 0 : i32
      %gt3A_498 = arith.cmpi sgt, %add3A_496, %gt3A_497 : i32
      %convert_element_type3A_499 = arith.extui %gt3A_498 : i1 to i32
      %cond3A_500 = arith.constant 0 : i32
      %cond3A_501 = arith.cmpi ne, %convert_element_type3A_499, %cond3A_500 : i32
      scf.if %cond3A_501 {
        %dma_wait3A_928 = arith.constant 0 : i32
        %dma_wait3A_929 = arith.constant 0 : i32
        %dma_wait3A_930 = arith.constant 0 : i32
        %dma_wait3A_931 = arith.constant 0 : i32
        %dma_wait3A_932 = arith.constant 0 : i32
        %dma_wait3A_933 = tpu.memref_slice %arg9[%dma_wait3A_928, %dma_wait3A_931, %dma_wait3A_932] : memref<2x128x128xf32, #tpu.memory_space<vmem>> -> memref<1x128x128xf32, #tpu.memory_space<vmem>>
        %dma_wait3A_934 = tpu.memref_squeeze %dma_wait3A_933 : memref<1x128x128xf32, #tpu.memory_space<vmem>> -> memref<128x128xf32, #tpu.memory_space<vmem>>
        %dma_wait3A_935 = arith.constant 0 : i32
        %dma_wait3A_936 = tpu.memref_slice %arg8[%dma_wait3A_929, %dma_wait3A_930, %dma_wait3A_935] : memref<2x8x128xi32, #tpu.memory_space<vmem>> -> memref<1x1x128xi32, #tpu.memory_space<vmem>>
        %dma_wait3A_937 = tpu.memref_squeeze %dma_wait3A_936 : memref<1x1x128xi32, #tpu.memory_space<vmem>> -> memref<128xi32, #tpu.memory_space<vmem>>
        %dma_wait3A_938 = arith.constant 0 : i32
        %dma_wait3A_939 = arith.constant 0 : i32
        %dma_wait3A_940 = tpu.memref_slice %arg10[%dma_wait3A_938, %dma_wait3A_939] : memref<10240x128xf32, #tpu.memory_space<vmem_shared>> -> memref<10240x128xf32, #tpu.memory_space<vmem_shared>>
        tpu.wait_indirect_dma semaphore(%arg11 : memref<!tpu.dma_semaphore, #tpu.memory_space<semaphore_mem>>) src(%dma_wait3A_934 : memref<128x128xf32, #tpu.memory_space<vmem>>) dst(%dma_wait3A_940 : memref<10240x128xf32, #tpu.memory_space<vmem_shared>>)
        %dma_wait3A_941 = arith.constant 1 : i32
        %dma_wait3A_942 = arith.constant 0 : i32
        %dma_wait3A_943 = arith.constant 0 : i32
        %dma_wait3A_944 = arith.constant 0 : i32
        %dma_wait3A_945 = arith.constant 0 : i32
        %dma_wait3A_946 = tpu.memref_slice %arg9[%dma_wait3A_941, %dma_wait3A_944, %dma_wait3A_945] : memref<2x128x128xf32, #tpu.memory_space<vmem>> -> memref<1x128x128xf32, #tpu.memory_space<vmem>>
        %dma_wait3A_947 = tpu.memref_squeeze %dma_wait3A_946 : memref<1x128x128xf32, #tpu.memory_space<vmem>> -> memref<128x128xf32, #tpu.memory_space<vmem>>
        %dma_wait3A_948 = arith.constant 0 : i32
        %dma_wait3A_949 = tpu.memref_slice %arg8[%dma_wait3A_942, %dma_wait3A_943, %dma_wait3A_948] : memref<2x8x128xi32, #tpu.memory_space<vmem>> -> memref<1x1x128xi32, #tpu.memory_space<vmem>>
        %dma_wait3A_950 = tpu.memref_squeeze %dma_wait3A_949 : memref<1x1x128xi32, #tpu.memory_space<vmem>> -> memref<128xi32, #tpu.memory_space<vmem>>
        %dma_wait3A_951 = arith.constant 0 : i32
        %dma_wait3A_952 = arith.constant 0 : i32
        %dma_wait3A_953 = tpu.memref_slice %arg10[%dma_wait3A_951, %dma_wait3A_952] : memref<10240x128xf32, #tpu.memory_space<vmem_shared>> -> memref<10240x128xf32, #tpu.memory_space<vmem_shared>>
        tpu.wait_indirect_dma semaphore(%arg11 : memref<!tpu.dma_semaphore, #tpu.memory_space<semaphore_mem>>) src(%dma_wait3A_947 : memref<128x128xf32, #tpu.memory_space<vmem>>) dst(%dma_wait3A_953 : memref<10240x128xf32, #tpu.memory_space<vmem_shared>>)
      } else {
      }
      %lt3A_502 = arith.constant 9 : i32
      %lt3A_503 = arith.cmpi slt, %add3A_496, %lt3A_502 : i32
      %convert_element_type3A_504 = arith.extui %lt3A_503 : i1 to i32
      %cond3A_505 = arith.constant 0 : i32
      %cond3A_506 = arith.cmpi ne, %convert_element_type3A_504, %cond3A_505 : i32
      scf.if %cond3A_506 {
        %add3A_928 = arith.constant 1 : i32
        %add3A_929 = arith.addi %add3A_496, %add3A_928 : i32
        %mul3A_930 = arith.constant 80 : i32
        %mul3A_931 = arith.muli %add3A, %mul3A_930 : i32
        %mul3A_932 = arith.constant 8 : i32
        %mul3A_933 = arith.muli %add3A_929, %mul3A_932 : i32
        %add3A_934 = arith.addi %mul3A_931, %mul3A_933 : i32
        %dma_start3A_935 = arith.constant 0 : i32
        %dma_start3A_936 = arith.constant 0 : i32
        %dma_start3A_937 = arith.constant 0 : i32
        %dma_start3A_938 = tpu.memref_slice %arg7[%dma_start3A_935, %dma_start3A_936, %dma_start3A_937] : memref<2x8x128xi32, #tpu.memory_space<vmem>> -> memref<1x8x128xi32, #tpu.memory_space<vmem>>
        %dma_start3A_939 = tpu.memref_squeeze %dma_start3A_938 : memref<1x8x128xi32, #tpu.memory_space<vmem>> -> memref<8x128xi32, #tpu.memory_space<vmem>>
        %dma_start3A_940 = arith.constant 0 : i32
        %dma_start3A_941 = tpu.memref_slice %arg3[%add3A_934, %dma_start3A_940] : memref<2560x128xi32, #tpu.memory_space<hbm>> -> memref<8x128xi32, #tpu.memory_space<hbm>>
        %dma_start3A_942 = arith.constant 0 : i32
        %dma_start3A_943 = arith.constant 0 : i32
        %dma_start3A_944 = tpu.memref_slice %arg7[%dma_start3A_935, %dma_start3A_942, %dma_start3A_943] : memref<2x8x128xi32, #tpu.memory_space<vmem>> -> memref<1x8x128xi32, #tpu.memory_space<vmem>>
        %dma_start3A_945 = tpu.memref_squeeze %dma_start3A_944 : memref<1x8x128xi32, #tpu.memory_space<vmem>> -> memref<8x128xi32, #tpu.memory_space<vmem>>
        %dma_start3A_946 = arith.constant 0 : i32
        %dma_start3A_947 = tpu.memref_slice %arg3[%add3A_934, %dma_start3A_946] : memref<2560x128xi32, #tpu.memory_space<hbm>> -> memref<8x128xi32, #tpu.memory_space<hbm>>
        tpu.enqueue_dma source(%dma_start3A_947 : memref<8x128xi32, #tpu.memory_space<hbm>>) target(%dma_start3A_945 : memref<8x128xi32, #tpu.memory_space<vmem>>) target_semaphore(%arg12 : memref<!tpu.dma_semaphore, #tpu.memory_space<semaphore_mem>>)
        %dma_start3A_948 = arith.constant 0 : i32
        %dma_start3A_949 = arith.constant 0 : i32
        %dma_start3A_950 = arith.constant 0 : i32
        %dma_start3A_951 = tpu.memref_slice %arg8[%dma_start3A_948, %dma_start3A_949, %dma_start3A_950] : memref<2x8x128xi32, #tpu.memory_space<vmem>> -> memref<1x8x128xi32, #tpu.memory_space<vmem>>
        %dma_start3A_952 = tpu.memref_squeeze %dma_start3A_951 : memref<1x8x128xi32, #tpu.memory_space<vmem>> -> memref<8x128xi32, #tpu.memory_space<vmem>>
        %dma_start3A_953 = arith.constant 0 : i32
        %dma_start3A_954 = tpu.memref_slice %arg4[%add3A_934, %dma_start3A_953] : memref<2560x128xi32, #tpu.memory_space<hbm>> -> memref<8x128xi32, #tpu.memory_space<hbm>>
        %dma_start3A_955 = arith.constant 0 : i32
        %dma_start3A_956 = arith.constant 0 : i32
        %dma_start3A_957 = tpu.memref_slice %arg8[%dma_start3A_948, %dma_start3A_955, %dma_start3A_956] : memref<2x8x128xi32, #tpu.memory_space<vmem>> -> memref<1x8x128xi32, #tpu.memory_space<vmem>>
        %dma_start3A_958 = tpu.memref_squeeze %dma_start3A_957 : memref<1x8x128xi32, #tpu.memory_space<vmem>> -> memref<8x128xi32, #tpu.memory_space<vmem>>
        %dma_start3A_959 = arith.constant 0 : i32
        %dma_start3A_960 = tpu.memref_slice %arg4[%add3A_934, %dma_start3A_959] : memref<2560x128xi32, #tpu.memory_space<hbm>> -> memref<8x128xi32, #tpu.memory_space<hbm>>
        tpu.enqueue_dma source(%dma_start3A_960 : memref<8x128xi32, #tpu.memory_space<hbm>>) target(%dma_start3A_958 : memref<8x128xi32, #tpu.memory_space<vmem>>) target_semaphore(%arg12 : memref<!tpu.dma_semaphore, #tpu.memory_space<semaphore_mem>>)
      } else {
      }
      %mul3A_507 = arith.constant 80 : i32
      %mul3A_508 = arith.muli %add3A, %mul3A_507 : i32
      %mul3A_509 = arith.constant 8 : i32
      %mul3A_510 = arith.muli %add3A_496, %mul3A_509 : i32
      %add3A_511 = arith.addi %mul3A_508, %mul3A_510 : i32
      %dma_wait3A_512 = arith.constant 1 : i32
      %dma_wait3A_513 = arith.constant 0 : i32
      %dma_wait3A_514 = arith.constant 0 : i32
      %dma_wait3A_515 = tpu.memref_slice %arg7[%dma_wait3A_512, %dma_wait3A_513, %dma_wait3A_514] : memref<2x8x128xi32, #tpu.memory_space<vmem>> -> memref<1x8x128xi32, #tpu.memory_space<vmem>>
      %dma_wait3A_516 = tpu.memref_squeeze %dma_wait3A_515 : memref<1x8x128xi32, #tpu.memory_space<vmem>> -> memref<8x128xi32, #tpu.memory_space<vmem>>
      %dma_wait3A_517 = arith.constant 0 : i32
      %dma_wait3A_518 = tpu.memref_slice %arg3[%add3A_511, %dma_wait3A_517] : memref<2560x128xi32, #tpu.memory_space<hbm>> -> memref<8x128xi32, #tpu.memory_space<hbm>>
      %dma_wait3A_519 = arith.constant 0 : i32
      %dma_wait3A_520 = arith.constant 0 : i32
      %dma_wait3A_521 = tpu.memref_slice %arg7[%dma_wait3A_512, %dma_wait3A_519, %dma_wait3A_520] : memref<2x8x128xi32, #tpu.memory_space<vmem>> -> memref<1x8x128xi32, #tpu.memory_space<vmem>>
      %dma_wait3A_522 = tpu.memref_squeeze %dma_wait3A_521 : memref<1x8x128xi32, #tpu.memory_space<vmem>> -> memref<8x128xi32, #tpu.memory_space<vmem>>
      %dma_wait3A_523 = arith.constant 0 : i32
      %dma_wait3A_524 = tpu.memref_slice %arg3[%add3A_511, %dma_wait3A_523] : memref<2560x128xi32, #tpu.memory_space<hbm>> -> memref<8x128xi32, #tpu.memory_space<hbm>>
      tpu.wait_dma2 semaphore(%arg12 : memref<!tpu.dma_semaphore, #tpu.memory_space<semaphore_mem>>) src(%dma_wait3A_524 : memref<8x128xi32, #tpu.memory_space<hbm>>) dst(%dma_wait3A_522 : memref<8x128xi32, #tpu.memory_space<vmem>>)
      %dma_wait3A_525 = arith.constant 1 : i32
      %dma_wait3A_526 = arith.constant 0 : i32
      %dma_wait3A_527 = arith.constant 0 : i32
      %dma_wait3A_528 = tpu.memref_slice %arg8[%dma_wait3A_525, %dma_wait3A_526, %dma_wait3A_527] : memref<2x8x128xi32, #tpu.memory_space<vmem>> -> memref<1x8x128xi32, #tpu.memory_space<vmem>>
      %dma_wait3A_529 = tpu.memref_squeeze %dma_wait3A_528 : memref<1x8x128xi32, #tpu.memory_space<vmem>> -> memref<8x128xi32, #tpu.memory_space<vmem>>
      %dma_wait3A_530 = arith.constant 0 : i32
      %dma_wait3A_531 = tpu.memref_slice %arg4[%add3A_511, %dma_wait3A_530] : memref<2560x128xi32, #tpu.memory_space<hbm>> -> memref<8x128xi32, #tpu.memory_space<hbm>>
      %dma_wait3A_532 = arith.constant 0 : i32
      %dma_wait3A_533 = arith.constant 0 : i32
      %dma_wait3A_534 = tpu.memref_slice %arg8[%dma_wait3A_525, %dma_wait3A_532, %dma_wait3A_533] : memref<2x8x128xi32, #tpu.memory_space<vmem>> -> memref<1x8x128xi32, #tpu.memory_space<vmem>>
      %dma_wait3A_535 = tpu.memref_squeeze %dma_wait3A_534 : memref<1x8x128xi32, #tpu.memory_space<vmem>> -> memref<8x128xi32, #tpu.memory_space<vmem>>
      %dma_wait3A_536 = arith.constant 0 : i32
      %dma_wait3A_537 = tpu.memref_slice %arg4[%add3A_511, %dma_wait3A_536] : memref<2560x128xi32, #tpu.memory_space<hbm>> -> memref<8x128xi32, #tpu.memory_space<hbm>>
      tpu.wait_dma2 semaphore(%arg12 : memref<!tpu.dma_semaphore, #tpu.memory_space<semaphore_mem>>) src(%dma_wait3A_537 : memref<8x128xi32, #tpu.memory_space<hbm>>) dst(%dma_wait3A_535 : memref<8x128xi32, #tpu.memory_space<vmem>>)
      %dma_start3A_538 = arith.constant 1 : i32
      %dma_start3A_539 = arith.constant 0 : i32
      %dma_start3A_540 = arith.constant 0 : i32
      %dma_start3A_541 = arith.constant 0 : i32
      %dma_start3A_542 = arith.constant 0 : i32
      %dma_start3A_543 = tpu.memref_slice %arg9[%dma_start3A_540, %dma_start3A_541, %dma_start3A_542] : memref<2x128x128xf32, #tpu.memory_space<vmem>> -> memref<1x128x128xf32, #tpu.memory_space<vmem>>
      %dma_start3A_544 = tpu.memref_squeeze %dma_start3A_543 : memref<1x128x128xf32, #tpu.memory_space<vmem>> -> memref<128x128xf32, #tpu.memory_space<vmem>>
      %dma_start3A_545 = arith.constant 0 : i32
      %dma_start3A_546 = tpu.memref_slice %arg7[%dma_start3A_538, %dma_start3A_539, %dma_start3A_545] : memref<2x8x128xi32, #tpu.memory_space<vmem>> -> memref<1x1x128xi32, #tpu.memory_space<vmem>>
      %dma_start3A_547 = tpu.memref_squeeze %dma_start3A_546 : memref<1x1x128xi32, #tpu.memory_space<vmem>> -> memref<128xi32, #tpu.memory_space<vmem>>
      %dma_start3A_548 = arith.constant 0 : i32
      %dma_start3A_549 = arith.constant 0 : i32
      %dma_start3A_550 = tpu.memref_slice %arg2[%dma_start3A_548, %dma_start3A_549] : memref<10000x128xf32, #tpu.memory_space<hbm>> -> memref<10000x128xf32, #tpu.memory_space<hbm>>
      tpu.enqueue_indirect_dma source(%dma_start3A_550 : memref<10000x128xf32, #tpu.memory_space<hbm>>) target(%dma_start3A_544 : memref<128x128xf32, #tpu.memory_space<vmem>>) offsets(%dma_start3A_547 : memref<128xi32, #tpu.memory_space<vmem>>) semaphore(%arg13 : memref<!tpu.dma_semaphore, #tpu.memory_space<semaphore_mem>>)
      %dma_start3A_551 = arith.constant 1 : i32
      %dma_start3A_552 = arith.constant 1 : i32
      %dma_start3A_553 = arith.constant 1 : i32
      %dma_start3A_554 = arith.constant 0 : i32
      %dma_start3A_555 = arith.constant 0 : i32
      %dma_start3A_556 = tpu.memref_slice %arg9[%dma_start3A_553, %dma_start3A_554, %dma_start3A_555] : memref<2x128x128xf32, #tpu.memory_space<vmem>> -> memref<1x128x128xf32, #tpu.memory_space<vmem>>
      %dma_start3A_557 = tpu.memref_squeeze %dma_start3A_556 : memref<1x128x128xf32, #tpu.memory_space<vmem>> -> memref<128x128xf32, #tpu.memory_space<vmem>>
      %dma_start3A_558 = arith.constant 0 : i32
      %dma_start3A_559 = tpu.memref_slice %arg7[%dma_start3A_551, %dma_start3A_552, %dma_start3A_558] : memref<2x8x128xi32, #tpu.memory_space<vmem>> -> memref<1x1x128xi32, #tpu.memory_space<vmem>>
      %dma_start3A_560 = tpu.memref_squeeze %dma_start3A_559 : memref<1x1x128xi32, #tpu.memory_space<vmem>> -> memref<128xi32, #tpu.memory_space<vmem>>
      %dma_start3A_561 = arith.constant 0 : i32
      %dma_start3A_562 = arith.constant 0 : i32
      %dma_start3A_563 = tpu.memref_slice %arg2[%dma_start3A_561, %dma_start3A_562] : memref<10000x128xf32, #tpu.memory_space<hbm>> -> memref<10000x128xf32, #tpu.memory_space<hbm>>
      tpu.enqueue_indirect_dma source(%dma_start3A_563 : memref<10000x128xf32, #tpu.memory_space<hbm>>) target(%dma_start3A_557 : memref<128x128xf32, #tpu.memory_space<vmem>>) offsets(%dma_start3A_560 : memref<128xi32, #tpu.memory_space<vmem>>) semaphore(%arg14 : memref<!tpu.dma_semaphore, #tpu.memory_space<semaphore_mem>>)
      %dma_wait3A_564 = arith.constant 1 : i32
      %dma_wait3A_565 = arith.constant 0 : i32
      %dma_wait3A_566 = arith.constant 0 : i32
      %dma_wait3A_567 = arith.constant 0 : i32
      %dma_wait3A_568 = arith.constant 0 : i32
      %dma_wait3A_569 = tpu.memref_slice %arg9[%dma_wait3A_566, %dma_wait3A_567, %dma_wait3A_568] : memref<2x128x128xf32, #tpu.memory_space<vmem>> -> memref<1x128x128xf32, #tpu.memory_space<vmem>>
      %dma_wait3A_570 = tpu.memref_squeeze %dma_wait3A_569 : memref<1x128x128xf32, #tpu.memory_space<vmem>> -> memref<128x128xf32, #tpu.memory_space<vmem>>
      %dma_wait3A_571 = arith.constant 0 : i32
      %dma_wait3A_572 = tpu.memref_slice %arg7[%dma_wait3A_564, %dma_wait3A_565, %dma_wait3A_571] : memref<2x8x128xi32, #tpu.memory_space<vmem>> -> memref<1x1x128xi32, #tpu.memory_space<vmem>>
      %dma_wait3A_573 = tpu.memref_squeeze %dma_wait3A_572 : memref<1x1x128xi32, #tpu.memory_space<vmem>> -> memref<128xi32, #tpu.memory_space<vmem>>
      %dma_wait3A_574 = arith.constant 0 : i32
      %dma_wait3A_575 = arith.constant 0 : i32
      %dma_wait3A_576 = tpu.memref_slice %arg2[%dma_wait3A_574, %dma_wait3A_575] : memref<10000x128xf32, #tpu.memory_space<hbm>> -> memref<10000x128xf32, #tpu.memory_space<hbm>>
      tpu.wait_indirect_dma semaphore(%arg13 : memref<!tpu.dma_semaphore, #tpu.memory_space<semaphore_mem>>) src(%dma_wait3A_576 : memref<10000x128xf32, #tpu.memory_space<hbm>>) dst(%dma_wait3A_570 : memref<128x128xf32, #tpu.memory_space<vmem>>)
      %dma_start3A_577 = arith.constant 0 : i32
      %dma_start3A_578 = arith.constant 1 : i32
      %dma_start3A_579 = arith.constant 0 : i32
      %dma_start3A_580 = arith.constant 0 : i32
      %dma_start3A_581 = arith.constant 0 : i32
      %dma_start3A_582 = tpu.memref_slice %arg9[%dma_start3A_577, %dma_start3A_580, %dma_start3A_581] : memref<2x128x128xf32, #tpu.memory_space<vmem>> -> memref<1x128x128xf32, #tpu.memory_space<vmem>>
      %dma_start3A_583 = tpu.memref_squeeze %dma_start3A_582 : memref<1x128x128xf32, #tpu.memory_space<vmem>> -> memref<128x128xf32, #tpu.memory_space<vmem>>
      %dma_start3A_584 = arith.constant 0 : i32
      %dma_start3A_585 = tpu.memref_slice %arg8[%dma_start3A_578, %dma_start3A_579, %dma_start3A_584] : memref<2x8x128xi32, #tpu.memory_space<vmem>> -> memref<1x1x128xi32, #tpu.memory_space<vmem>>
      %dma_start3A_586 = tpu.memref_squeeze %dma_start3A_585 : memref<1x1x128xi32, #tpu.memory_space<vmem>> -> memref<128xi32, #tpu.memory_space<vmem>>
      %dma_start3A_587 = arith.constant 0 : i32
      %dma_start3A_588 = arith.constant 0 : i32
      %dma_start3A_589 = tpu.memref_slice %arg10[%dma_start3A_587, %dma_start3A_588] : memref<10240x128xf32, #tpu.memory_space<vmem_shared>> -> memref<10240x128xf32, #tpu.memory_space<vmem_shared>>
      tpu.enqueue_indirect_dma source(%dma_start3A_583 : memref<128x128xf32, #tpu.memory_space<vmem>>) target(%dma_start3A_589 : memref<10240x128xf32, #tpu.memory_space<vmem_shared>>) offsets(%dma_start3A_586 : memref<128xi32, #tpu.memory_space<vmem>>) semaphore(%arg11 : memref<!tpu.dma_semaphore, #tpu.memory_space<semaphore_mem>>) {add = true}
      %dma_wait3A_590 = arith.constant 1 : i32
      %dma_wait3A_591 = arith.constant 1 : i32
      %dma_wait3A_592 = arith.constant 1 : i32
      %dma_wait3A_593 = arith.constant 0 : i32
      %dma_wait3A_594 = arith.constant 0 : i32
      %dma_wait3A_595 = tpu.memref_slice %arg9[%dma_wait3A_592, %dma_wait3A_593, %dma_wait3A_594] : memref<2x128x128xf32, #tpu.memory_space<vmem>> -> memref<1x128x128xf32, #tpu.memory_space<vmem>>
      %dma_wait3A_596 = tpu.memref_squeeze %dma_wait3A_595 : memref<1x128x128xf32, #tpu.memory_space<vmem>> -> memref<128x128xf32, #tpu.memory_space<vmem>>
      %dma_wait3A_597 = arith.constant 0 : i32
      %dma_wait3A_598 = tpu.memref_slice %arg7[%dma_wait3A_590, %dma_wait3A_591, %dma_wait3A_597] : memref<2x8x128xi32, #tpu.memory_space<vmem>> -> memref<1x1x128xi32, #tpu.memory_space<vmem>>
      %dma_wait3A_599 = tpu.memref_squeeze %dma_wait3A_598 : memref<1x1x128xi32, #tpu.memory_space<vmem>> -> memref<128xi32, #tpu.memory_space<vmem>>
      %dma_wait3A_600 = arith.constant 0 : i32
      %dma_wait3A_601 = arith.constant 0 : i32
      %dma_wait3A_602 = tpu.memref_slice %arg2[%dma_wait3A_600, %dma_wait3A_601] : memref<10000x128xf32, #tpu.memory_space<hbm>> -> memref<10000x128xf32, #tpu.memory_space<hbm>>
      tpu.wait_indirect_dma semaphore(%arg14 : memref<!tpu.dma_semaphore, #tpu.memory_space<semaphore_mem>>) src(%dma_wait3A_602 : memref<10000x128xf32, #tpu.memory_space<hbm>>) dst(%dma_wait3A_596 : memref<128x128xf32, #tpu.memory_space<vmem>>)
      %dma_start3A_603 = arith.constant 1 : i32
      %dma_start3A_604 = arith.constant 1 : i32
      %dma_start3A_605 = arith.constant 1 : i32
      %dma_start3A_606 = arith.constant 0 : i32
      %dma_start3A_607 = arith.constant 0 : i32
      %dma_start3A_608 = tpu.memref_slice %arg9[%dma_start3A_603, %dma_start3A_606, %dma_start3A_607] : memref<2x128x128xf32, #tpu.memory_space<vmem>> -> memref<1x128x128xf32, #tpu.memory_space<vmem>>
      %dma_start3A_609 = tpu.memref_squeeze %dma_start3A_608 : memref<1x128x128xf32, #tpu.memory_space<vmem>> -> memref<128x128xf32, #tpu.memory_space<vmem>>
      %dma_start3A_610 = arith.constant 0 : i32
      %dma_start3A_611 = tpu.memref_slice %arg8[%dma_start3A_604, %dma_start3A_605, %dma_start3A_610] : memref<2x8x128xi32, #tpu.memory_space<vmem>> -> memref<1x1x128xi32, #tpu.memory_space<vmem>>
      %dma_start3A_612 = tpu.memref_squeeze %dma_start3A_611 : memref<1x1x128xi32, #tpu.memory_space<vmem>> -> memref<128xi32, #tpu.memory_space<vmem>>
      %dma_start3A_613 = arith.constant 0 : i32
      %dma_start3A_614 = arith.constant 0 : i32
      %dma_start3A_615 = tpu.memref_slice %arg10[%dma_start3A_613, %dma_start3A_614] : memref<10240x128xf32, #tpu.memory_space<vmem_shared>> -> memref<10240x128xf32, #tpu.memory_space<vmem_shared>>
      tpu.enqueue_indirect_dma source(%dma_start3A_609 : memref<128x128xf32, #tpu.memory_space<vmem>>) target(%dma_start3A_615 : memref<10240x128xf32, #tpu.memory_space<vmem_shared>>) offsets(%dma_start3A_612 : memref<128xi32, #tpu.memory_space<vmem>>) semaphore(%arg11 : memref<!tpu.dma_semaphore, #tpu.memory_space<semaphore_mem>>) {add = true}
      %dma_wait3A_616 = arith.constant 0 : i32
      %dma_wait3A_617 = arith.constant 0 : i32
      %dma_wait3A_618 = arith.constant 0 : i32
      %dma_wait3A_619 = arith.constant 0 : i32
      %dma_wait3A_620 = arith.constant 0 : i32
      %dma_wait3A_621 = tpu.memref_slice %arg9[%dma_wait3A_616, %dma_wait3A_619, %dma_wait3A_620] : memref<2x128x128xf32, #tpu.memory_space<vmem>> -> memref<1x128x128xf32, #tpu.memory_space<vmem>>
      %dma_wait3A_622 = tpu.memref_squeeze %dma_wait3A_621 : memref<1x128x128xf32, #tpu.memory_space<vmem>> -> memref<128x128xf32, #tpu.memory_space<vmem>>
      %dma_wait3A_623 = arith.constant 0 : i32
      %dma_wait3A_624 = tpu.memref_slice %arg8[%dma_wait3A_617, %dma_wait3A_618, %dma_wait3A_623] : memref<2x8x128xi32, #tpu.memory_space<vmem>> -> memref<1x1x128xi32, #tpu.memory_space<vmem>>
      %dma_wait3A_625 = tpu.memref_squeeze %dma_wait3A_624 : memref<1x1x128xi32, #tpu.memory_space<vmem>> -> memref<128xi32, #tpu.memory_space<vmem>>
      %dma_wait3A_626 = arith.constant 0 : i32
      %dma_wait3A_627 = arith.constant 0 : i32
      %dma_wait3A_628 = tpu.memref_slice %arg10[%dma_wait3A_626, %dma_wait3A_627] : memref<10240x128xf32, #tpu.memory_space<vmem_shared>> -> memref<10240x128xf32, #tpu.memory_space<vmem_shared>>
      tpu.wait_indirect_dma semaphore(%arg11 : memref<!tpu.dma_semaphore, #tpu.memory_space<semaphore_mem>>) src(%dma_wait3A_622 : memref<128x128xf32, #tpu.memory_space<vmem>>) dst(%dma_wait3A_628 : memref<10240x128xf32, #tpu.memory_space<vmem_shared>>)
      %dma_start3A_629 = arith.constant 1 : i32
      %dma_start3A_630 = arith.constant 2 : i32
      %dma_start3A_631 = arith.constant 0 : i32
      %dma_start3A_632 = arith.constant 0 : i32
      %dma_start3A_633 = arith.constant 0 : i32
      %dma_start3A_634 = tpu.memref_slice %arg9[%dma_start3A_631, %dma_start3A_632, %dma_start3A_633] : memref<2x128x128xf32, #tpu.memory_space<vmem>> -> memref<1x128x128xf32, #tpu.memory_space<vmem>>
      %dma_start3A_635 = tpu.memref_squeeze %dma_start3A_634 : memref<1x128x128xf32, #tpu.memory_space<vmem>> -> memref<128x128xf32, #tpu.memory_space<vmem>>
      %dma_start3A_636 = arith.constant 0 : i32
      %dma_start3A_637 = tpu.memref_slice %arg7[%dma_start3A_629, %dma_start3A_630, %dma_start3A_636] : memref<2x8x128xi32, #tpu.memory_space<vmem>> -> memref<1x1x128xi32, #tpu.memory_space<vmem>>
      %dma_start3A_638 = tpu.memref_squeeze %dma_start3A_637 : memref<1x1x128xi32, #tpu.memory_space<vmem>> -> memref<128xi32, #tpu.memory_space<vmem>>
      %dma_start3A_639 = arith.constant 0 : i32
      %dma_start3A_640 = arith.constant 0 : i32
      %dma_start3A_641 = tpu.memref_slice %arg2[%dma_start3A_639, %dma_start3A_640] : memref<10000x128xf32, #tpu.memory_space<hbm>> -> memref<10000x128xf32, #tpu.memory_space<hbm>>
      tpu.enqueue_indirect_dma source(%dma_start3A_641 : memref<10000x128xf32, #tpu.memory_space<hbm>>) target(%dma_start3A_635 : memref<128x128xf32, #tpu.memory_space<vmem>>) offsets(%dma_start3A_638 : memref<128xi32, #tpu.memory_space<vmem>>) semaphore(%arg13 : memref<!tpu.dma_semaphore, #tpu.memory_space<semaphore_mem>>)
      %dma_wait3A_642 = arith.constant 1 : i32
      %dma_wait3A_643 = arith.constant 0 : i32
      %dma_wait3A_644 = arith.constant 0 : i32
      %dma_wait3A_645 = arith.constant 0 : i32
      %dma_wait3A_646 = arith.constant 0 : i32
      %dma_wait3A_647 = tpu.memref_slice %arg9[%dma_wait3A_642, %dma_wait3A_645, %dma_wait3A_646] : memref<2x128x128xf32, #tpu.memory_space<vmem>> -> memref<1x128x128xf32, #tpu.memory_space<vmem>>
      %dma_wait3A_648 = tpu.memref_squeeze %dma_wait3A_647 : memref<1x128x128xf32, #tpu.memory_space<vmem>> -> memref<128x128xf32, #tpu.memory_space<vmem>>
      %dma_wait3A_649 = arith.constant 0 : i32
      %dma_wait3A_650 = tpu.memref_slice %arg8[%dma_wait3A_643, %dma_wait3A_644, %dma_wait3A_649] : memref<2x8x128xi32, #tpu.memory_space<vmem>> -> memref<1x1x128xi32, #tpu.memory_space<vmem>>
      %dma_wait3A_651 = tpu.memref_squeeze %dma_wait3A_650 : memref<1x1x128xi32, #tpu.memory_space<vmem>> -> memref<128xi32, #tpu.memory_space<vmem>>
      %dma_wait3A_652 = arith.constant 0 : i32
      %dma_wait3A_653 = arith.constant 0 : i32
      %dma_wait3A_654 = tpu.memref_slice %arg10[%dma_wait3A_652, %dma_wait3A_653] : memref<10240x128xf32, #tpu.memory_space<vmem_shared>> -> memref<10240x128xf32, #tpu.memory_space<vmem_shared>>
      tpu.wait_indirect_dma semaphore(%arg11 : memref<!tpu.dma_semaphore, #tpu.memory_space<semaphore_mem>>) src(%dma_wait3A_648 : memref<128x128xf32, #tpu.memory_space<vmem>>) dst(%dma_wait3A_654 : memref<10240x128xf32, #tpu.memory_space<vmem_shared>>)
      %dma_start3A_655 = arith.constant 1 : i32
      %dma_start3A_656 = arith.constant 3 : i32
      %dma_start3A_657 = arith.constant 1 : i32
      %dma_start3A_658 = arith.constant 0 : i32
      %dma_start3A_659 = arith.constant 0 : i32
      %dma_start3A_660 = tpu.memref_slice %arg9[%dma_start3A_657, %dma_start3A_658, %dma_start3A_659] : memref<2x128x128xf32, #tpu.memory_space<vmem>> -> memref<1x128x128xf32, #tpu.memory_space<vmem>>
      %dma_start3A_661 = tpu.memref_squeeze %dma_start3A_660 : memref<1x128x128xf32, #tpu.memory_space<vmem>> -> memref<128x128xf32, #tpu.memory_space<vmem>>
      %dma_start3A_662 = arith.constant 0 : i32
      %dma_start3A_663 = tpu.memref_slice %arg7[%dma_start3A_655, %dma_start3A_656, %dma_start3A_662] : memref<2x8x128xi32, #tpu.memory_space<vmem>> -> memref<1x1x128xi32, #tpu.memory_space<vmem>>
      %dma_start3A_664 = tpu.memref_squeeze %dma_start3A_663 : memref<1x1x128xi32, #tpu.memory_space<vmem>> -> memref<128xi32, #tpu.memory_space<vmem>>
      %dma_start3A_665 = arith.constant 0 : i32
      %dma_start3A_666 = arith.constant 0 : i32
      %dma_start3A_667 = tpu.memref_slice %arg2[%dma_start3A_665, %dma_start3A_666] : memref<10000x128xf32, #tpu.memory_space<hbm>> -> memref<10000x128xf32, #tpu.memory_space<hbm>>
      tpu.enqueue_indirect_dma source(%dma_start3A_667 : memref<10000x128xf32, #tpu.memory_space<hbm>>) target(%dma_start3A_661 : memref<128x128xf32, #tpu.memory_space<vmem>>) offsets(%dma_start3A_664 : memref<128xi32, #tpu.memory_space<vmem>>) semaphore(%arg14 : memref<!tpu.dma_semaphore, #tpu.memory_space<semaphore_mem>>)
      %dma_wait3A_668 = arith.constant 1 : i32
      %dma_wait3A_669 = arith.constant 2 : i32
      %dma_wait3A_670 = arith.constant 0 : i32
      %dma_wait3A_671 = arith.constant 0 : i32
      %dma_wait3A_672 = arith.constant 0 : i32
      %dma_wait3A_673 = tpu.memref_slice %arg9[%dma_wait3A_670, %dma_wait3A_671, %dma_wait3A_672] : memref<2x128x128xf32, #tpu.memory_space<vmem>> -> memref<1x128x128xf32, #tpu.memory_space<vmem>>
      %dma_wait3A_674 = tpu.memref_squeeze %dma_wait3A_673 : memref<1x128x128xf32, #tpu.memory_space<vmem>> -> memref<128x128xf32, #tpu.memory_space<vmem>>
      %dma_wait3A_675 = arith.constant 0 : i32
      %dma_wait3A_676 = tpu.memref_slice %arg7[%dma_wait3A_668, %dma_wait3A_669, %dma_wait3A_675] : memref<2x8x128xi32, #tpu.memory_space<vmem>> -> memref<1x1x128xi32, #tpu.memory_space<vmem>>
      %dma_wait3A_677 = tpu.memref_squeeze %dma_wait3A_676 : memref<1x1x128xi32, #tpu.memory_space<vmem>> -> memref<128xi32, #tpu.memory_space<vmem>>
      %dma_wait3A_678 = arith.constant 0 : i32
      %dma_wait3A_679 = arith.constant 0 : i32
      %dma_wait3A_680 = tpu.memref_slice %arg2[%dma_wait3A_678, %dma_wait3A_679] : memref<10000x128xf32, #tpu.memory_space<hbm>> -> memref<10000x128xf32, #tpu.memory_space<hbm>>
      tpu.wait_indirect_dma semaphore(%arg13 : memref<!tpu.dma_semaphore, #tpu.memory_space<semaphore_mem>>) src(%dma_wait3A_680 : memref<10000x128xf32, #tpu.memory_space<hbm>>) dst(%dma_wait3A_674 : memref<128x128xf32, #tpu.memory_space<vmem>>)
      %dma_start3A_681 = arith.constant 0 : i32
      %dma_start3A_682 = arith.constant 1 : i32
      %dma_start3A_683 = arith.constant 2 : i32
      %dma_start3A_684 = arith.constant 0 : i32
      %dma_start3A_685 = arith.constant 0 : i32
      %dma_start3A_686 = tpu.memref_slice %arg9[%dma_start3A_681, %dma_start3A_684, %dma_start3A_685] : memref<2x128x128xf32, #tpu.memory_space<vmem>> -> memref<1x128x128xf32, #tpu.memory_space<vmem>>
      %dma_start3A_687 = tpu.memref_squeeze %dma_start3A_686 : memref<1x128x128xf32, #tpu.memory_space<vmem>> -> memref<128x128xf32, #tpu.memory_space<vmem>>
      %dma_start3A_688 = arith.constant 0 : i32
      %dma_start3A_689 = tpu.memref_slice %arg8[%dma_start3A_682, %dma_start3A_683, %dma_start3A_688] : memref<2x8x128xi32, #tpu.memory_space<vmem>> -> memref<1x1x128xi32, #tpu.memory_space<vmem>>
      %dma_start3A_690 = tpu.memref_squeeze %dma_start3A_689 : memref<1x1x128xi32, #tpu.memory_space<vmem>> -> memref<128xi32, #tpu.memory_space<vmem>>
      %dma_start3A_691 = arith.constant 0 : i32
      %dma_start3A_692 = arith.constant 0 : i32
      %dma_start3A_693 = tpu.memref_slice %arg10[%dma_start3A_691, %dma_start3A_692] : memref<10240x128xf32, #tpu.memory_space<vmem_shared>> -> memref<10240x128xf32, #tpu.memory_space<vmem_shared>>
      tpu.enqueue_indirect_dma source(%dma_start3A_687 : memref<128x128xf32, #tpu.memory_space<vmem>>) target(%dma_start3A_693 : memref<10240x128xf32, #tpu.memory_space<vmem_shared>>) offsets(%dma_start3A_690 : memref<128xi32, #tpu.memory_space<vmem>>) semaphore(%arg11 : memref<!tpu.dma_semaphore, #tpu.memory_space<semaphore_mem>>) {add = true}
      %dma_wait3A_694 = arith.constant 1 : i32
      %dma_wait3A_695 = arith.constant 3 : i32
      %dma_wait3A_696 = arith.constant 1 : i32
      %dma_wait3A_697 = arith.constant 0 : i32
      %dma_wait3A_698 = arith.constant 0 : i32
      %dma_wait3A_699 = tpu.memref_slice %arg9[%dma_wait3A_696, %dma_wait3A_697, %dma_wait3A_698] : memref<2x128x128xf32, #tpu.memory_space<vmem>> -> memref<1x128x128xf32, #tpu.memory_space<vmem>>
      %dma_wait3A_700 = tpu.memref_squeeze %dma_wait3A_699 : memref<1x128x128xf32, #tpu.memory_space<vmem>> -> memref<128x128xf32, #tpu.memory_space<vmem>>
      %dma_wait3A_701 = arith.constant 0 : i32
      %dma_wait3A_702 = tpu.memref_slice %arg7[%dma_wait3A_694, %dma_wait3A_695, %dma_wait3A_701] : memref<2x8x128xi32, #tpu.memory_space<vmem>> -> memref<1x1x128xi32, #tpu.memory_space<vmem>>
      %dma_wait3A_703 = tpu.memref_squeeze %dma_wait3A_702 : memref<1x1x128xi32, #tpu.memory_space<vmem>> -> memref<128xi32, #tpu.memory_space<vmem>>
      %dma_wait3A_704 = arith.constant 0 : i32
      %dma_wait3A_705 = arith.constant 0 : i32
      %dma_wait3A_706 = tpu.memref_slice %arg2[%dma_wait3A_704, %dma_wait3A_705] : memref<10000x128xf32, #tpu.memory_space<hbm>> -> memref<10000x128xf32, #tpu.memory_space<hbm>>
      tpu.wait_indirect_dma semaphore(%arg14 : memref<!tpu.dma_semaphore, #tpu.memory_space<semaphore_mem>>) src(%dma_wait3A_706 : memref<10000x128xf32, #tpu.memory_space<hbm>>) dst(%dma_wait3A_700 : memref<128x128xf32, #tpu.memory_space<vmem>>)
      %dma_start3A_707 = arith.constant 1 : i32
      %dma_start3A_708 = arith.constant 1 : i32
      %dma_start3A_709 = arith.constant 3 : i32
      %dma_start3A_710 = arith.constant 0 : i32
      %dma_start3A_711 = arith.constant 0 : i32
      %dma_start3A_712 = tpu.memref_slice %arg9[%dma_start3A_707, %dma_start3A_710, %dma_start3A_711] : memref<2x128x128xf32, #tpu.memory_space<vmem>> -> memref<1x128x128xf32, #tpu.memory_space<vmem>>
      %dma_start3A_713 = tpu.memref_squeeze %dma_start3A_712 : memref<1x128x128xf32, #tpu.memory_space<vmem>> -> memref<128x128xf32, #tpu.memory_space<vmem>>
      %dma_start3A_714 = arith.constant 0 : i32
      %dma_start3A_715 = tpu.memref_slice %arg8[%dma_start3A_708, %dma_start3A_709, %dma_start3A_714] : memref<2x8x128xi32, #tpu.memory_space<vmem>> -> memref<1x1x128xi32, #tpu.memory_space<vmem>>
      %dma_start3A_716 = tpu.memref_squeeze %dma_start3A_715 : memref<1x1x128xi32, #tpu.memory_space<vmem>> -> memref<128xi32, #tpu.memory_space<vmem>>
      %dma_start3A_717 = arith.constant 0 : i32
      %dma_start3A_718 = arith.constant 0 : i32
      %dma_start3A_719 = tpu.memref_slice %arg10[%dma_start3A_717, %dma_start3A_718] : memref<10240x128xf32, #tpu.memory_space<vmem_shared>> -> memref<10240x128xf32, #tpu.memory_space<vmem_shared>>
      tpu.enqueue_indirect_dma source(%dma_start3A_713 : memref<128x128xf32, #tpu.memory_space<vmem>>) target(%dma_start3A_719 : memref<10240x128xf32, #tpu.memory_space<vmem_shared>>) offsets(%dma_start3A_716 : memref<128xi32, #tpu.memory_space<vmem>>) semaphore(%arg11 : memref<!tpu.dma_semaphore, #tpu.memory_space<semaphore_mem>>) {add = true}
      %dma_wait3A_720 = arith.constant 0 : i32
      %dma_wait3A_721 = arith.constant 0 : i32
      %dma_wait3A_722 = arith.constant 0 : i32
      %dma_wait3A_723 = arith.constant 0 : i32
      %dma_wait3A_724 = arith.constant 0 : i32
      %dma_wait3A_725 = tpu.memref_slice %arg9[%dma_wait3A_720, %dma_wait3A_723, %dma_wait3A_724] : memref<2x128x128xf32, #tpu.memory_space<vmem>> -> memref<1x128x128xf32, #tpu.memory_space<vmem>>
      %dma_wait3A_726 = tpu.memref_squeeze %dma_wait3A_725 : memref<1x128x128xf32, #tpu.memory_space<vmem>> -> memref<128x128xf32, #tpu.memory_space<vmem>>
      %dma_wait3A_727 = arith.constant 0 : i32
      %dma_wait3A_728 = tpu.memref_slice %arg8[%dma_wait3A_721, %dma_wait3A_722, %dma_wait3A_727] : memref<2x8x128xi32, #tpu.memory_space<vmem>> -> memref<1x1x128xi32, #tpu.memory_space<vmem>>
      %dma_wait3A_729 = tpu.memref_squeeze %dma_wait3A_728 : memref<1x1x128xi32, #tpu.memory_space<vmem>> -> memref<128xi32, #tpu.memory_space<vmem>>
      %dma_wait3A_730 = arith.constant 0 : i32
      %dma_wait3A_731 = arith.constant 0 : i32
      %dma_wait3A_732 = tpu.memref_slice %arg10[%dma_wait3A_730, %dma_wait3A_731] : memref<10240x128xf32, #tpu.memory_space<vmem_shared>> -> memref<10240x128xf32, #tpu.memory_space<vmem_shared>>
      tpu.wait_indirect_dma semaphore(%arg11 : memref<!tpu.dma_semaphore, #tpu.memory_space<semaphore_mem>>) src(%dma_wait3A_726 : memref<128x128xf32, #tpu.memory_space<vmem>>) dst(%dma_wait3A_732 : memref<10240x128xf32, #tpu.memory_space<vmem_shared>>)
      %dma_start3A_733 = arith.constant 1 : i32
      %dma_start3A_734 = arith.constant 4 : i32
      %dma_start3A_735 = arith.constant 0 : i32
      %dma_start3A_736 = arith.constant 0 : i32
      %dma_start3A_737 = arith.constant 0 : i32
      %dma_start3A_738 = tpu.memref_slice %arg9[%dma_start3A_735, %dma_start3A_736, %dma_start3A_737] : memref<2x128x128xf32, #tpu.memory_space<vmem>> -> memref<1x128x128xf32, #tpu.memory_space<vmem>>
      %dma_start3A_739 = tpu.memref_squeeze %dma_start3A_738 : memref<1x128x128xf32, #tpu.memory_space<vmem>> -> memref<128x128xf32, #tpu.memory_space<vmem>>
      %dma_start3A_740 = arith.constant 0 : i32
      %dma_start3A_741 = tpu.memref_slice %arg7[%dma_start3A_733, %dma_start3A_734, %dma_start3A_740] : memref<2x8x128xi32, #tpu.memory_space<vmem>> -> memref<1x1x128xi32, #tpu.memory_space<vmem>>
      %dma_start3A_742 = tpu.memref_squeeze %dma_start3A_741 : memref<1x1x128xi32, #tpu.memory_space<vmem>> -> memref<128xi32, #tpu.memory_space<vmem>>
      %dma_start3A_743 = arith.constant 0 : i32
      %dma_start3A_744 = arith.constant 0 : i32
      %dma_start3A_745 = tpu.memref_slice %arg2[%dma_start3A_743, %dma_start3A_744] : memref<10000x128xf32, #tpu.memory_space<hbm>> -> memref<10000x128xf32, #tpu.memory_space<hbm>>
      tpu.enqueue_indirect_dma source(%dma_start3A_745 : memref<10000x128xf32, #tpu.memory_space<hbm>>) target(%dma_start3A_739 : memref<128x128xf32, #tpu.memory_space<vmem>>) offsets(%dma_start3A_742 : memref<128xi32, #tpu.memory_space<vmem>>) semaphore(%arg13 : memref<!tpu.dma_semaphore, #tpu.memory_space<semaphore_mem>>)
      %dma_wait3A_746 = arith.constant 1 : i32
      %dma_wait3A_747 = arith.constant 0 : i32
      %dma_wait3A_748 = arith.constant 0 : i32
      %dma_wait3A_749 = arith.constant 0 : i32
      %dma_wait3A_750 = arith.constant 0 : i32
      %dma_wait3A_751 = tpu.memref_slice %arg9[%dma_wait3A_746, %dma_wait3A_749, %dma_wait3A_750] : memref<2x128x128xf32, #tpu.memory_space<vmem>> -> memref<1x128x128xf32, #tpu.memory_space<vmem>>
      %dma_wait3A_752 = tpu.memref_squeeze %dma_wait3A_751 : memref<1x128x128xf32, #tpu.memory_space<vmem>> -> memref<128x128xf32, #tpu.memory_space<vmem>>
      %dma_wait3A_753 = arith.constant 0 : i32
      %dma_wait3A_754 = tpu.memref_slice %arg8[%dma_wait3A_747, %dma_wait3A_748, %dma_wait3A_753] : memref<2x8x128xi32, #tpu.memory_space<vmem>> -> memref<1x1x128xi32, #tpu.memory_space<vmem>>
      %dma_wait3A_755 = tpu.memref_squeeze %dma_wait3A_754 : memref<1x1x128xi32, #tpu.memory_space<vmem>> -> memref<128xi32, #tpu.memory_space<vmem>>
      %dma_wait3A_756 = arith.constant 0 : i32
      %dma_wait3A_757 = arith.constant 0 : i32
      %dma_wait3A_758 = tpu.memref_slice %arg10[%dma_wait3A_756, %dma_wait3A_757] : memref<10240x128xf32, #tpu.memory_space<vmem_shared>> -> memref<10240x128xf32, #tpu.memory_space<vmem_shared>>
      tpu.wait_indirect_dma semaphore(%arg11 : memref<!tpu.dma_semaphore, #tpu.memory_space<semaphore_mem>>) src(%dma_wait3A_752 : memref<128x128xf32, #tpu.memory_space<vmem>>) dst(%dma_wait3A_758 : memref<10240x128xf32, #tpu.memory_space<vmem_shared>>)
      %dma_start3A_759 = arith.constant 1 : i32
      %dma_start3A_760 = arith.constant 5 : i32
      %dma_start3A_761 = arith.constant 1 : i32
      %dma_start3A_762 = arith.constant 0 : i32
      %dma_start3A_763 = arith.constant 0 : i32
      %dma_start3A_764 = tpu.memref_slice %arg9[%dma_start3A_761, %dma_start3A_762, %dma_start3A_763] : memref<2x128x128xf32, #tpu.memory_space<vmem>> -> memref<1x128x128xf32, #tpu.memory_space<vmem>>
      %dma_start3A_765 = tpu.memref_squeeze %dma_start3A_764 : memref<1x128x128xf32, #tpu.memory_space<vmem>> -> memref<128x128xf32, #tpu.memory_space<vmem>>
      %dma_start3A_766 = arith.constant 0 : i32
      %dma_start3A_767 = tpu.memref_slice %arg7[%dma_start3A_759, %dma_start3A_760, %dma_start3A_766] : memref<2x8x128xi32, #tpu.memory_space<vmem>> -> memref<1x1x128xi32, #tpu.memory_space<vmem>>
      %dma_start3A_768 = tpu.memref_squeeze %dma_start3A_767 : memref<1x1x128xi32, #tpu.memory_space<vmem>> -> memref<128xi32, #tpu.memory_space<vmem>>
      %dma_start3A_769 = arith.constant 0 : i32
      %dma_start3A_770 = arith.constant 0 : i32
      %dma_start3A_771 = tpu.memref_slice %arg2[%dma_start3A_769, %dma_start3A_770] : memref<10000x128xf32, #tpu.memory_space<hbm>> -> memref<10000x128xf32, #tpu.memory_space<hbm>>
      tpu.enqueue_indirect_dma source(%dma_start3A_771 : memref<10000x128xf32, #tpu.memory_space<hbm>>) target(%dma_start3A_765 : memref<128x128xf32, #tpu.memory_space<vmem>>) offsets(%dma_start3A_768 : memref<128xi32, #tpu.memory_space<vmem>>) semaphore(%arg14 : memref<!tpu.dma_semaphore, #tpu.memory_space<semaphore_mem>>)
      %dma_wait3A_772 = arith.constant 1 : i32
      %dma_wait3A_773 = arith.constant 4 : i32
      %dma_wait3A_774 = arith.constant 0 : i32
      %dma_wait3A_775 = arith.constant 0 : i32
      %dma_wait3A_776 = arith.constant 0 : i32
      %dma_wait3A_777 = tpu.memref_slice %arg9[%dma_wait3A_774, %dma_wait3A_775, %dma_wait3A_776] : memref<2x128x128xf32, #tpu.memory_space<vmem>> -> memref<1x128x128xf32, #tpu.memory_space<vmem>>
      %dma_wait3A_778 = tpu.memref_squeeze %dma_wait3A_777 : memref<1x128x128xf32, #tpu.memory_space<vmem>> -> memref<128x128xf32, #tpu.memory_space<vmem>>
      %dma_wait3A_779 = arith.constant 0 : i32
      %dma_wait3A_780 = tpu.memref_slice %arg7[%dma_wait3A_772, %dma_wait3A_773, %dma_wait3A_779] : memref<2x8x128xi32, #tpu.memory_space<vmem>> -> memref<1x1x128xi32, #tpu.memory_space<vmem>>
      %dma_wait3A_781 = tpu.memref_squeeze %dma_wait3A_780 : memref<1x1x128xi32, #tpu.memory_space<vmem>> -> memref<128xi32, #tpu.memory_space<vmem>>
      %dma_wait3A_782 = arith.constant 0 : i32
      %dma_wait3A_783 = arith.constant 0 : i32
      %dma_wait3A_784 = tpu.memref_slice %arg2[%dma_wait3A_782, %dma_wait3A_783] : memref<10000x128xf32, #tpu.memory_space<hbm>> -> memref<10000x128xf32, #tpu.memory_space<hbm>>
      tpu.wait_indirect_dma semaphore(%arg13 : memref<!tpu.dma_semaphore, #tpu.memory_space<semaphore_mem>>) src(%dma_wait3A_784 : memref<10000x128xf32, #tpu.memory_space<hbm>>) dst(%dma_wait3A_778 : memref<128x128xf32, #tpu.memory_space<vmem>>)
      %dma_start3A_785 = arith.constant 0 : i32
      %dma_start3A_786 = arith.constant 1 : i32
      %dma_start3A_787 = arith.constant 4 : i32
      %dma_start3A_788 = arith.constant 0 : i32
      %dma_start3A_789 = arith.constant 0 : i32
      %dma_start3A_790 = tpu.memref_slice %arg9[%dma_start3A_785, %dma_start3A_788, %dma_start3A_789] : memref<2x128x128xf32, #tpu.memory_space<vmem>> -> memref<1x128x128xf32, #tpu.memory_space<vmem>>
      %dma_start3A_791 = tpu.memref_squeeze %dma_start3A_790 : memref<1x128x128xf32, #tpu.memory_space<vmem>> -> memref<128x128xf32, #tpu.memory_space<vmem>>
      %dma_start3A_792 = arith.constant 0 : i32
      %dma_start3A_793 = tpu.memref_slice %arg8[%dma_start3A_786, %dma_start3A_787, %dma_start3A_792] : memref<2x8x128xi32, #tpu.memory_space<vmem>> -> memref<1x1x128xi32, #tpu.memory_space<vmem>>
      %dma_start3A_794 = tpu.memref_squeeze %dma_start3A_793 : memref<1x1x128xi32, #tpu.memory_space<vmem>> -> memref<128xi32, #tpu.memory_space<vmem>>
      %dma_start3A_795 = arith.constant 0 : i32
      %dma_start3A_796 = arith.constant 0 : i32
      %dma_start3A_797 = tpu.memref_slice %arg10[%dma_start3A_795, %dma_start3A_796] : memref<10240x128xf32, #tpu.memory_space<vmem_shared>> -> memref<10240x128xf32, #tpu.memory_space<vmem_shared>>
      tpu.enqueue_indirect_dma source(%dma_start3A_791 : memref<128x128xf32, #tpu.memory_space<vmem>>) target(%dma_start3A_797 : memref<10240x128xf32, #tpu.memory_space<vmem_shared>>) offsets(%dma_start3A_794 : memref<128xi32, #tpu.memory_space<vmem>>) semaphore(%arg11 : memref<!tpu.dma_semaphore, #tpu.memory_space<semaphore_mem>>) {add = true}
      %dma_wait3A_798 = arith.constant 1 : i32
      %dma_wait3A_799 = arith.constant 5 : i32
      %dma_wait3A_800 = arith.constant 1 : i32
      %dma_wait3A_801 = arith.constant 0 : i32
      %dma_wait3A_802 = arith.constant 0 : i32
      %dma_wait3A_803 = tpu.memref_slice %arg9[%dma_wait3A_800, %dma_wait3A_801, %dma_wait3A_802] : memref<2x128x128xf32, #tpu.memory_space<vmem>> -> memref<1x128x128xf32, #tpu.memory_space<vmem>>
      %dma_wait3A_804 = tpu.memref_squeeze %dma_wait3A_803 : memref<1x128x128xf32, #tpu.memory_space<vmem>> -> memref<128x128xf32, #tpu.memory_space<vmem>>
      %dma_wait3A_805 = arith.constant 0 : i32
      %dma_wait3A_806 = tpu.memref_slice %arg7[%dma_wait3A_798, %dma_wait3A_799, %dma_wait3A_805] : memref<2x8x128xi32, #tpu.memory_space<vmem>> -> memref<1x1x128xi32, #tpu.memory_space<vmem>>
      %dma_wait3A_807 = tpu.memref_squeeze %dma_wait3A_806 : memref<1x1x128xi32, #tpu.memory_space<vmem>> -> memref<128xi32, #tpu.memory_space<vmem>>
      %dma_wait3A_808 = arith.constant 0 : i32
      %dma_wait3A_809 = arith.constant 0 : i32
      %dma_wait3A_810 = tpu.memref_slice %arg2[%dma_wait3A_808, %dma_wait3A_809] : memref<10000x128xf32, #tpu.memory_space<hbm>> -> memref<10000x128xf32, #tpu.memory_space<hbm>>
      tpu.wait_indirect_dma semaphore(%arg14 : memref<!tpu.dma_semaphore, #tpu.memory_space<semaphore_mem>>) src(%dma_wait3A_810 : memref<10000x128xf32, #tpu.memory_space<hbm>>) dst(%dma_wait3A_804 : memref<128x128xf32, #tpu.memory_space<vmem>>)
      %dma_start3A_811 = arith.constant 1 : i32
      %dma_start3A_812 = arith.constant 1 : i32
      %dma_start3A_813 = arith.constant 5 : i32
      %dma_start3A_814 = arith.constant 0 : i32
      %dma_start3A_815 = arith.constant 0 : i32
      %dma_start3A_816 = tpu.memref_slice %arg9[%dma_start3A_811, %dma_start3A_814, %dma_start3A_815] : memref<2x128x128xf32, #tpu.memory_space<vmem>> -> memref<1x128x128xf32, #tpu.memory_space<vmem>>
      %dma_start3A_817 = tpu.memref_squeeze %dma_start3A_816 : memref<1x128x128xf32, #tpu.memory_space<vmem>> -> memref<128x128xf32, #tpu.memory_space<vmem>>
      %dma_start3A_818 = arith.constant 0 : i32
      %dma_start3A_819 = tpu.memref_slice %arg8[%dma_start3A_812, %dma_start3A_813, %dma_start3A_818] : memref<2x8x128xi32, #tpu.memory_space<vmem>> -> memref<1x1x128xi32, #tpu.memory_space<vmem>>
      %dma_start3A_820 = tpu.memref_squeeze %dma_start3A_819 : memref<1x1x128xi32, #tpu.memory_space<vmem>> -> memref<128xi32, #tpu.memory_space<vmem>>
      %dma_start3A_821 = arith.constant 0 : i32
      %dma_start3A_822 = arith.constant 0 : i32
      %dma_start3A_823 = tpu.memref_slice %arg10[%dma_start3A_821, %dma_start3A_822] : memref<10240x128xf32, #tpu.memory_space<vmem_shared>> -> memref<10240x128xf32, #tpu.memory_space<vmem_shared>>
      tpu.enqueue_indirect_dma source(%dma_start3A_817 : memref<128x128xf32, #tpu.memory_space<vmem>>) target(%dma_start3A_823 : memref<10240x128xf32, #tpu.memory_space<vmem_shared>>) offsets(%dma_start3A_820 : memref<128xi32, #tpu.memory_space<vmem>>) semaphore(%arg11 : memref<!tpu.dma_semaphore, #tpu.memory_space<semaphore_mem>>) {add = true}
      %dma_wait3A_824 = arith.constant 0 : i32
      %dma_wait3A_825 = arith.constant 0 : i32
      %dma_wait3A_826 = arith.constant 0 : i32
      %dma_wait3A_827 = arith.constant 0 : i32
      %dma_wait3A_828 = arith.constant 0 : i32
      %dma_wait3A_829 = tpu.memref_slice %arg9[%dma_wait3A_824, %dma_wait3A_827, %dma_wait3A_828] : memref<2x128x128xf32, #tpu.memory_space<vmem>> -> memref<1x128x128xf32, #tpu.memory_space<vmem>>
      %dma_wait3A_830 = tpu.memref_squeeze %dma_wait3A_829 : memref<1x128x128xf32, #tpu.memory_space<vmem>> -> memref<128x128xf32, #tpu.memory_space<vmem>>
      %dma_wait3A_831 = arith.constant 0 : i32
      %dma_wait3A_832 = tpu.memref_slice %arg8[%dma_wait3A_825, %dma_wait3A_826, %dma_wait3A_831] : memref<2x8x128xi32, #tpu.memory_space<vmem>> -> memref<1x1x128xi32, #tpu.memory_space<vmem>>
      %dma_wait3A_833 = tpu.memref_squeeze %dma_wait3A_832 : memref<1x1x128xi32, #tpu.memory_space<vmem>> -> memref<128xi32, #tpu.memory_space<vmem>>
      %dma_wait3A_834 = arith.constant 0 : i32
      %dma_wait3A_835 = arith.constant 0 : i32
      %dma_wait3A_836 = tpu.memref_slice %arg10[%dma_wait3A_834, %dma_wait3A_835] : memref<10240x128xf32, #tpu.memory_space<vmem_shared>> -> memref<10240x128xf32, #tpu.memory_space<vmem_shared>>
      tpu.wait_indirect_dma semaphore(%arg11 : memref<!tpu.dma_semaphore, #tpu.memory_space<semaphore_mem>>) src(%dma_wait3A_830 : memref<128x128xf32, #tpu.memory_space<vmem>>) dst(%dma_wait3A_836 : memref<10240x128xf32, #tpu.memory_space<vmem_shared>>)
      %dma_start3A_837 = arith.constant 1 : i32
      %dma_start3A_838 = arith.constant 6 : i32
      %dma_start3A_839 = arith.constant 0 : i32
      %dma_start3A_840 = arith.constant 0 : i32
      %dma_start3A_841 = arith.constant 0 : i32
      %dma_start3A_842 = tpu.memref_slice %arg9[%dma_start3A_839, %dma_start3A_840, %dma_start3A_841] : memref<2x128x128xf32, #tpu.memory_space<vmem>> -> memref<1x128x128xf32, #tpu.memory_space<vmem>>
      %dma_start3A_843 = tpu.memref_squeeze %dma_start3A_842 : memref<1x128x128xf32, #tpu.memory_space<vmem>> -> memref<128x128xf32, #tpu.memory_space<vmem>>
      %dma_start3A_844 = arith.constant 0 : i32
      %dma_start3A_845 = tpu.memref_slice %arg7[%dma_start3A_837, %dma_start3A_838, %dma_start3A_844] : memref<2x8x128xi32, #tpu.memory_space<vmem>> -> memref<1x1x128xi32, #tpu.memory_space<vmem>>
      %dma_start3A_846 = tpu.memref_squeeze %dma_start3A_845 : memref<1x1x128xi32, #tpu.memory_space<vmem>> -> memref<128xi32, #tpu.memory_space<vmem>>
      %dma_start3A_847 = arith.constant 0 : i32
      %dma_start3A_848 = arith.constant 0 : i32
      %dma_start3A_849 = tpu.memref_slice %arg2[%dma_start3A_847, %dma_start3A_848] : memref<10000x128xf32, #tpu.memory_space<hbm>> -> memref<10000x128xf32, #tpu.memory_space<hbm>>
      tpu.enqueue_indirect_dma source(%dma_start3A_849 : memref<10000x128xf32, #tpu.memory_space<hbm>>) target(%dma_start3A_843 : memref<128x128xf32, #tpu.memory_space<vmem>>) offsets(%dma_start3A_846 : memref<128xi32, #tpu.memory_space<vmem>>) semaphore(%arg13 : memref<!tpu.dma_semaphore, #tpu.memory_space<semaphore_mem>>)
      %dma_wait3A_850 = arith.constant 1 : i32
      %dma_wait3A_851 = arith.constant 0 : i32
      %dma_wait3A_852 = arith.constant 0 : i32
      %dma_wait3A_853 = arith.constant 0 : i32
      %dma_wait3A_854 = arith.constant 0 : i32
      %dma_wait3A_855 = tpu.memref_slice %arg9[%dma_wait3A_850, %dma_wait3A_853, %dma_wait3A_854] : memref<2x128x128xf32, #tpu.memory_space<vmem>> -> memref<1x128x128xf32, #tpu.memory_space<vmem>>
      %dma_wait3A_856 = tpu.memref_squeeze %dma_wait3A_855 : memref<1x128x128xf32, #tpu.memory_space<vmem>> -> memref<128x128xf32, #tpu.memory_space<vmem>>
      %dma_wait3A_857 = arith.constant 0 : i32
      %dma_wait3A_858 = tpu.memref_slice %arg8[%dma_wait3A_851, %dma_wait3A_852, %dma_wait3A_857] : memref<2x8x128xi32, #tpu.memory_space<vmem>> -> memref<1x1x128xi32, #tpu.memory_space<vmem>>
      %dma_wait3A_859 = tpu.memref_squeeze %dma_wait3A_858 : memref<1x1x128xi32, #tpu.memory_space<vmem>> -> memref<128xi32, #tpu.memory_space<vmem>>
      %dma_wait3A_860 = arith.constant 0 : i32
      %dma_wait3A_861 = arith.constant 0 : i32
      %dma_wait3A_862 = tpu.memref_slice %arg10[%dma_wait3A_860, %dma_wait3A_861] : memref<10240x128xf32, #tpu.memory_space<vmem_shared>> -> memref<10240x128xf32, #tpu.memory_space<vmem_shared>>
      tpu.wait_indirect_dma semaphore(%arg11 : memref<!tpu.dma_semaphore, #tpu.memory_space<semaphore_mem>>) src(%dma_wait3A_856 : memref<128x128xf32, #tpu.memory_space<vmem>>) dst(%dma_wait3A_862 : memref<10240x128xf32, #tpu.memory_space<vmem_shared>>)
      %dma_start3A_863 = arith.constant 1 : i32
      %dma_start3A_864 = arith.constant 7 : i32
      %dma_start3A_865 = arith.constant 1 : i32
      %dma_start3A_866 = arith.constant 0 : i32
      %dma_start3A_867 = arith.constant 0 : i32
      %dma_start3A_868 = tpu.memref_slice %arg9[%dma_start3A_865, %dma_start3A_866, %dma_start3A_867] : memref<2x128x128xf32, #tpu.memory_space<vmem>> -> memref<1x128x128xf32, #tpu.memory_space<vmem>>
      %dma_start3A_869 = tpu.memref_squeeze %dma_start3A_868 : memref<1x128x128xf32, #tpu.memory_space<vmem>> -> memref<128x128xf32, #tpu.memory_space<vmem>>
      %dma_start3A_870 = arith.constant 0 : i32
      %dma_start3A_871 = tpu.memref_slice %arg7[%dma_start3A_863, %dma_start3A_864, %dma_start3A_870] : memref<2x8x128xi32, #tpu.memory_space<vmem>> -> memref<1x1x128xi32, #tpu.memory_space<vmem>>
      %dma_start3A_872 = tpu.memref_squeeze %dma_start3A_871 : memref<1x1x128xi32, #tpu.memory_space<vmem>> -> memref<128xi32, #tpu.memory_space<vmem>>
      %dma_start3A_873 = arith.constant 0 : i32
      %dma_start3A_874 = arith.constant 0 : i32
      %dma_start3A_875 = tpu.memref_slice %arg2[%dma_start3A_873, %dma_start3A_874] : memref<10000x128xf32, #tpu.memory_space<hbm>> -> memref<10000x128xf32, #tpu.memory_space<hbm>>
      tpu.enqueue_indirect_dma source(%dma_start3A_875 : memref<10000x128xf32, #tpu.memory_space<hbm>>) target(%dma_start3A_869 : memref<128x128xf32, #tpu.memory_space<vmem>>) offsets(%dma_start3A_872 : memref<128xi32, #tpu.memory_space<vmem>>) semaphore(%arg14 : memref<!tpu.dma_semaphore, #tpu.memory_space<semaphore_mem>>)
      %dma_wait3A_876 = arith.constant 1 : i32
      %dma_wait3A_877 = arith.constant 6 : i32
      %dma_wait3A_878 = arith.constant 0 : i32
      %dma_wait3A_879 = arith.constant 0 : i32
      %dma_wait3A_880 = arith.constant 0 : i32
      %dma_wait3A_881 = tpu.memref_slice %arg9[%dma_wait3A_878, %dma_wait3A_879, %dma_wait3A_880] : memref<2x128x128xf32, #tpu.memory_space<vmem>> -> memref<1x128x128xf32, #tpu.memory_space<vmem>>
      %dma_wait3A_882 = tpu.memref_squeeze %dma_wait3A_881 : memref<1x128x128xf32, #tpu.memory_space<vmem>> -> memref<128x128xf32, #tpu.memory_space<vmem>>
      %dma_wait3A_883 = arith.constant 0 : i32
      %dma_wait3A_884 = tpu.memref_slice %arg7[%dma_wait3A_876, %dma_wait3A_877, %dma_wait3A_883] : memref<2x8x128xi32, #tpu.memory_space<vmem>> -> memref<1x1x128xi32, #tpu.memory_space<vmem>>
      %dma_wait3A_885 = tpu.memref_squeeze %dma_wait3A_884 : memref<1x1x128xi32, #tpu.memory_space<vmem>> -> memref<128xi32, #tpu.memory_space<vmem>>
      %dma_wait3A_886 = arith.constant 0 : i32
      %dma_wait3A_887 = arith.constant 0 : i32
      %dma_wait3A_888 = tpu.memref_slice %arg2[%dma_wait3A_886, %dma_wait3A_887] : memref<10000x128xf32, #tpu.memory_space<hbm>> -> memref<10000x128xf32, #tpu.memory_space<hbm>>
      tpu.wait_indirect_dma semaphore(%arg13 : memref<!tpu.dma_semaphore, #tpu.memory_space<semaphore_mem>>) src(%dma_wait3A_888 : memref<10000x128xf32, #tpu.memory_space<hbm>>) dst(%dma_wait3A_882 : memref<128x128xf32, #tpu.memory_space<vmem>>)
      %dma_start3A_889 = arith.constant 0 : i32
      %dma_start3A_890 = arith.constant 1 : i32
      %dma_start3A_891 = arith.constant 6 : i32
      %dma_start3A_892 = arith.constant 0 : i32
      %dma_start3A_893 = arith.constant 0 : i32
      %dma_start3A_894 = tpu.memref_slice %arg9[%dma_start3A_889, %dma_start3A_892, %dma_start3A_893] : memref<2x128x128xf32, #tpu.memory_space<vmem>> -> memref<1x128x128xf32, #tpu.memory_space<vmem>>
      %dma_start3A_895 = tpu.memref_squeeze %dma_start3A_894 : memref<1x128x128xf32, #tpu.memory_space<vmem>> -> memref<128x128xf32, #tpu.memory_space<vmem>>
      %dma_start3A_896 = arith.constant 0 : i32
      %dma_start3A_897 = tpu.memref_slice %arg8[%dma_start3A_890, %dma_start3A_891, %dma_start3A_896] : memref<2x8x128xi32, #tpu.memory_space<vmem>> -> memref<1x1x128xi32, #tpu.memory_space<vmem>>
      %dma_start3A_898 = tpu.memref_squeeze %dma_start3A_897 : memref<1x1x128xi32, #tpu.memory_space<vmem>> -> memref<128xi32, #tpu.memory_space<vmem>>
      %dma_start3A_899 = arith.constant 0 : i32
      %dma_start3A_900 = arith.constant 0 : i32
      %dma_start3A_901 = tpu.memref_slice %arg10[%dma_start3A_899, %dma_start3A_900] : memref<10240x128xf32, #tpu.memory_space<vmem_shared>> -> memref<10240x128xf32, #tpu.memory_space<vmem_shared>>
      tpu.enqueue_indirect_dma source(%dma_start3A_895 : memref<128x128xf32, #tpu.memory_space<vmem>>) target(%dma_start3A_901 : memref<10240x128xf32, #tpu.memory_space<vmem_shared>>) offsets(%dma_start3A_898 : memref<128xi32, #tpu.memory_space<vmem>>) semaphore(%arg11 : memref<!tpu.dma_semaphore, #tpu.memory_space<semaphore_mem>>) {add = true}
      %dma_wait3A_902 = arith.constant 1 : i32
      %dma_wait3A_903 = arith.constant 7 : i32
      %dma_wait3A_904 = arith.constant 1 : i32
      %dma_wait3A_905 = arith.constant 0 : i32
      %dma_wait3A_906 = arith.constant 0 : i32
      %dma_wait3A_907 = tpu.memref_slice %arg9[%dma_wait3A_904, %dma_wait3A_905, %dma_wait3A_906] : memref<2x128x128xf32, #tpu.memory_space<vmem>> -> memref<1x128x128xf32, #tpu.memory_space<vmem>>
      %dma_wait3A_908 = tpu.memref_squeeze %dma_wait3A_907 : memref<1x128x128xf32, #tpu.memory_space<vmem>> -> memref<128x128xf32, #tpu.memory_space<vmem>>
      %dma_wait3A_909 = arith.constant 0 : i32
      %dma_wait3A_910 = tpu.memref_slice %arg7[%dma_wait3A_902, %dma_wait3A_903, %dma_wait3A_909] : memref<2x8x128xi32, #tpu.memory_space<vmem>> -> memref<1x1x128xi32, #tpu.memory_space<vmem>>
      %dma_wait3A_911 = tpu.memref_squeeze %dma_wait3A_910 : memref<1x1x128xi32, #tpu.memory_space<vmem>> -> memref<128xi32, #tpu.memory_space<vmem>>
      %dma_wait3A_912 = arith.constant 0 : i32
      %dma_wait3A_913 = arith.constant 0 : i32
      %dma_wait3A_914 = tpu.memref_slice %arg2[%dma_wait3A_912, %dma_wait3A_913] : memref<10000x128xf32, #tpu.memory_space<hbm>> -> memref<10000x128xf32, #tpu.memory_space<hbm>>
      tpu.wait_indirect_dma semaphore(%arg14 : memref<!tpu.dma_semaphore, #tpu.memory_space<semaphore_mem>>) src(%dma_wait3A_914 : memref<10000x128xf32, #tpu.memory_space<hbm>>) dst(%dma_wait3A_908 : memref<128x128xf32, #tpu.memory_space<vmem>>)
      %dma_start3A_915 = arith.constant 1 : i32
      %dma_start3A_916 = arith.constant 1 : i32
      %dma_start3A_917 = arith.constant 7 : i32
      %dma_start3A_918 = arith.constant 0 : i32
      %dma_start3A_919 = arith.constant 0 : i32
      %dma_start3A_920 = tpu.memref_slice %arg9[%dma_start3A_915, %dma_start3A_918, %dma_start3A_919] : memref<2x128x128xf32, #tpu.memory_space<vmem>> -> memref<1x128x128xf32, #tpu.memory_space<vmem>>
      %dma_start3A_921 = tpu.memref_squeeze %dma_start3A_920 : memref<1x128x128xf32, #tpu.memory_space<vmem>> -> memref<128x128xf32, #tpu.memory_space<vmem>>
      %dma_start3A_922 = arith.constant 0 : i32
      %dma_start3A_923 = tpu.memref_slice %arg8[%dma_start3A_916, %dma_start3A_917, %dma_start3A_922] : memref<2x8x128xi32, #tpu.memory_space<vmem>> -> memref<1x1x128xi32, #tpu.memory_space<vmem>>
      %dma_start3A_924 = tpu.memref_squeeze %dma_start3A_923 : memref<1x1x128xi32, #tpu.memory_space<vmem>> -> memref<128xi32, #tpu.memory_space<vmem>>
      %dma_start3A_925 = arith.constant 0 : i32
      %dma_start3A_926 = arith.constant 0 : i32
      %dma_start3A_927 = tpu.memref_slice %arg10[%dma_start3A_925, %dma_start3A_926] : memref<10240x128xf32, #tpu.memory_space<vmem_shared>> -> memref<10240x128xf32, #tpu.memory_space<vmem_shared>>
      tpu.enqueue_indirect_dma source(%dma_start3A_921 : memref<128x128xf32, #tpu.memory_space<vmem>>) target(%dma_start3A_927 : memref<10240x128xf32, #tpu.memory_space<vmem_shared>>) offsets(%dma_start3A_924 : memref<128xi32, #tpu.memory_space<vmem>>) semaphore(%arg11 : memref<!tpu.dma_semaphore, #tpu.memory_space<semaphore_mem>>) {add = true}
    }
    %scan3A_36 = arith.constant 5 : i32
    %dma_wait3A = arith.constant 0 : i32
    %dma_wait3A_37 = arith.constant 0 : i32
    %dma_wait3A_38 = arith.constant 0 : i32
    %dma_wait3A_39 = arith.constant 0 : i32
    %dma_wait3A_40 = arith.constant 0 : i32
    %dma_wait3A_41 = tpu.memref_slice %arg9[%dma_wait3A, %dma_wait3A_39, %dma_wait3A_40] : memref<2x128x128xf32, #tpu.memory_space<vmem>> -> memref<1x128x128xf32, #tpu.memory_space<vmem>>
    %dma_wait3A_42 = tpu.memref_squeeze %dma_wait3A_41 : memref<1x128x128xf32, #tpu.memory_space<vmem>> -> memref<128x128xf32, #tpu.memory_space<vmem>>
    %dma_wait3A_43 = arith.constant 0 : i32
    %dma_wait3A_44 = tpu.memref_slice %arg8[%dma_wait3A_37, %dma_wait3A_38, %dma_wait3A_43] : memref<2x8x128xi32, #tpu.memory_space<vmem>> -> memref<1x1x128xi32, #tpu.memory_space<vmem>>
    %dma_wait3A_45 = tpu.memref_squeeze %dma_wait3A_44 : memref<1x1x128xi32, #tpu.memory_space<vmem>> -> memref<128xi32, #tpu.memory_space<vmem>>
    %dma_wait3A_46 = arith.constant 0 : i32
    %dma_wait3A_47 = arith.constant 0 : i32
    %dma_wait3A_48 = tpu.memref_slice %arg10[%dma_wait3A_46, %dma_wait3A_47] : memref<10240x128xf32, #tpu.memory_space<vmem_shared>> -> memref<10240x128xf32, #tpu.memory_space<vmem_shared>>
    tpu.wait_indirect_dma semaphore(%arg11 : memref<!tpu.dma_semaphore, #tpu.memory_space<semaphore_mem>>) src(%dma_wait3A_42 : memref<128x128xf32, #tpu.memory_space<vmem>>) dst(%dma_wait3A_48 : memref<10240x128xf32, #tpu.memory_space<vmem_shared>>)
    %dma_wait3A_49 = arith.constant 1 : i32
    %dma_wait3A_50 = arith.constant 0 : i32
    %dma_wait3A_51 = arith.constant 0 : i32
    %dma_wait3A_52 = arith.constant 0 : i32
    %dma_wait3A_53 = arith.constant 0 : i32
    %dma_wait3A_54 = tpu.memref_slice %arg9[%dma_wait3A_49, %dma_wait3A_52, %dma_wait3A_53] : memref<2x128x128xf32, #tpu.memory_space<vmem>> -> memref<1x128x128xf32, #tpu.memory_space<vmem>>
    %dma_wait3A_55 = tpu.memref_squeeze %dma_wait3A_54 : memref<1x128x128xf32, #tpu.memory_space<vmem>> -> memref<128x128xf32, #tpu.memory_space<vmem>>
    %dma_wait3A_56 = arith.constant 0 : i32
    %dma_wait3A_57 = tpu.memref_slice %arg8[%dma_wait3A_50, %dma_wait3A_51, %dma_wait3A_56] : memref<2x8x128xi32, #tpu.memory_space<vmem>> -> memref<1x1x128xi32, #tpu.memory_space<vmem>>
    %dma_wait3A_58 = tpu.memref_squeeze %dma_wait3A_57 : memref<1x1x128xi32, #tpu.memory_space<vmem>> -> memref<128xi32, #tpu.memory_space<vmem>>
    %dma_wait3A_59 = arith.constant 0 : i32
    %dma_wait3A_60 = arith.constant 0 : i32
    %dma_wait3A_61 = tpu.memref_slice %arg10[%dma_wait3A_59, %dma_wait3A_60] : memref<10240x128xf32, #tpu.memory_space<vmem_shared>> -> memref<10240x128xf32, #tpu.memory_space<vmem_shared>>
    tpu.wait_indirect_dma semaphore(%arg11 : memref<!tpu.dma_semaphore, #tpu.memory_space<semaphore_mem>>) src(%dma_wait3A_55 : memref<128x128xf32, #tpu.memory_space<vmem>>) dst(%dma_wait3A_61 : memref<10240x128xf32, #tpu.memory_space<vmem_shared>>)
    %barrier3A_62 = arith.constant 0 : index
    tpu.barrier barrier_id(%barrier3A_62)
    "tpu.region"() ({
      %run_scoped3A = tpu.sem_alloc : memref<!tpu.dma_semaphore, #tpu.memory_space<semaphore_mem>>
      %dma_start3A_63 = arith.constant 0 : i32
      %dma_start3A_64 = tpu.memref_slice %arg6[%arg0, %mul3A_2, %dma_start3A_63] : memref<2x10240x128xf32, #tpu.memory_space<hbm>> -> memref<1x640x128xf32, #tpu.memory_space<hbm>>
      %dma_start3A_65 = tpu.memref_squeeze %dma_start3A_64 : memref<1x640x128xf32, #tpu.memory_space<hbm>> -> memref<640x128xf32, #tpu.memory_space<hbm>>
      %dma_start3A_66 = arith.constant 0 : i32
      %dma_start3A_67 = tpu.memref_slice %arg10[%mul3A_2, %dma_start3A_66] : memref<10240x128xf32, #tpu.memory_space<vmem_shared>> -> memref<640x128xf32, #tpu.memory_space<vmem_shared>>
      tpu.enqueue_dma source(%dma_start3A_67 : memref<640x128xf32, #tpu.memory_space<vmem_shared>>) target(%dma_start3A_65 : memref<640x128xf32, #tpu.memory_space<hbm>>) target_semaphore(%run_scoped3A : memref<!tpu.dma_semaphore, #tpu.memory_space<semaphore_mem>>)
      %dma_wait3A_68 = arith.constant 0 : i32
      %dma_wait3A_69 = tpu.memref_slice %arg6[%arg0, %mul3A_2, %dma_wait3A_68] : memref<2x10240x128xf32, #tpu.memory_space<hbm>> -> memref<1x640x128xf32, #tpu.memory_space<hbm>>
      %dma_wait3A_70 = tpu.memref_squeeze %dma_wait3A_69 : memref<1x640x128xf32, #tpu.memory_space<hbm>> -> memref<640x128xf32, #tpu.memory_space<hbm>>
      %dma_wait3A_71 = arith.constant 0 : i32
      %dma_wait3A_72 = tpu.memref_slice %arg10[%mul3A_2, %dma_wait3A_71] : memref<10240x128xf32, #tpu.memory_space<vmem_shared>> -> memref<640x128xf32, #tpu.memory_space<vmem_shared>>
      tpu.wait_dma2 semaphore(%run_scoped3A : memref<!tpu.dma_semaphore, #tpu.memory_space<semaphore_mem>>) src(%dma_wait3A_72 : memref<640x128xf32, #tpu.memory_space<vmem_shared>>) dst(%dma_wait3A_70 : memref<640x128xf32, #tpu.memory_space<hbm>>)
      tpu.yield
    }) : () -> ()
    return
  }
}

#map = affine_map<(d0, d1) -> (0, 0)>
#map1 = affine_map<(d0, d1) -> (0)>
#map2 = affine_map<(d0, d1) -> (0, 0, 0)>
module attributes {stable_mosaic.version = 14 : i64} {
  func.func @agg(%arg0: i32, %arg1: i32, %arg2: memref<10000x128xf32, #tpu.memory_space<hbm>>, %arg3: memref<2560x128xi32, #tpu.memory_space<hbm>>, %arg4: memref<2560x128xi32, #tpu.memory_space<hbm>>, %arg5: memref<640x128xf32, #tpu.memory_space<hbm>>, %arg6: memref<10240xf32, #tpu.memory_space<hbm>>, %arg7: memref<2x10240x128xf32, #tpu.memory_space<hbm>>, %arg8: memref<327680xf32, #tpu.memory_space<hbm>>, %arg9: memref<2x8x128xi32, #tpu.memory_space<vmem>>, %arg10: memref<2x8x128xi32, #tpu.memory_space<vmem>>, %arg11: memref<2x128x128xf32, #tpu.memory_space<vmem>>, %arg12: memref<10240x128xf32, #tpu.memory_space<vmem_shared>>, %arg13: memref<!tpu.dma_semaphore, #tpu.memory_space<semaphore_mem>>, %arg14: memref<!tpu.dma_semaphore, #tpu.memory_space<semaphore_mem>>, %arg15: memref<!tpu.dma_semaphore, #tpu.memory_space<semaphore_mem>>, %arg16: memref<!tpu.dma_semaphore, #tpu.memory_space<semaphore_mem>>, %arg17: memref<10240xf32, #tpu.memory_space<vmem>>) attributes {dimension_semantics = [#tpu.dimension_semantics<core_parallel>, #tpu.dimension_semantics<subcore_parallel>], iteration_bounds = array<i64: 2, 16>, scalar_prefetch = 0 : i64, scratch_operands = 9 : i64, tpu.core_type = #tpu.core_type<sc_vector_subcore>, window_params = [{transform_indices = #map}, {transform_indices = #map}, {transform_indices = #map}, {transform_indices = #map}, {transform_indices = #map1}, {transform_indices = #map2}, {transform_indices = #map1}]} {
    %mul3A = arith.constant 16 : i32
    %mul3A_0 = arith.muli %arg0, %mul3A : i32
    %add3A = arith.addi %mul3A_0, %arg1 : i32
    %mul3A_1 = arith.constant 640 : i32
    %mul3A_2 = arith.muli %arg1, %mul3A_1 : i32
    %mul3A_3 = arith.constant 80 : i32
    %mul3A_4 = arith.muli %add3A, %mul3A_3 : i32
    %add3A_5 = arith.constant 0 : i32
    %add3A_6 = arith.addi %mul3A_4, %add3A_5 : i32
    %dma_start3A = arith.constant 0 : i32
    %dma_start3A_7 = arith.constant 0 : i32
    %dma_start3A_8 = arith.constant 0 : i32
    %dma_start3A_9 = tpu.memref_slice %arg9[%dma_start3A, %dma_start3A_7, %dma_start3A_8] : memref<2x8x128xi32, #tpu.memory_space<vmem>> -> memref<1x8x128xi32, #tpu.memory_space<vmem>>
    %dma_start3A_10 = tpu.memref_squeeze %dma_start3A_9 : memref<1x8x128xi32, #tpu.memory_space<vmem>> -> memref<8x128xi32, #tpu.memory_space<vmem>>
    %dma_start3A_11 = arith.constant 0 : i32
    %dma_start3A_12 = tpu.memref_slice %arg3[%add3A_6, %dma_start3A_11] : memref<2560x128xi32, #tpu.memory_space<hbm>> -> memref<8x128xi32, #tpu.memory_space<hbm>>
    %dma_start3A_13 = arith.constant 0 : i32
    %dma_start3A_14 = arith.constant 0 : i32
    %dma_start3A_15 = tpu.memref_slice %arg9[%dma_start3A, %dma_start3A_13, %dma_start3A_14] : memref<2x8x128xi32, #tpu.memory_space<vmem>> -> memref<1x8x128xi32, #tpu.memory_space<vmem>>
    %dma_start3A_16 = tpu.memref_squeeze %dma_start3A_15 : memref<1x8x128xi32, #tpu.memory_space<vmem>> -> memref<8x128xi32, #tpu.memory_space<vmem>>
    %dma_start3A_17 = arith.constant 0 : i32
    %dma_start3A_18 = tpu.memref_slice %arg3[%add3A_6, %dma_start3A_17] : memref<2560x128xi32, #tpu.memory_space<hbm>> -> memref<8x128xi32, #tpu.memory_space<hbm>>
    tpu.enqueue_dma source(%dma_start3A_18 : memref<8x128xi32, #tpu.memory_space<hbm>>) target(%dma_start3A_16 : memref<8x128xi32, #tpu.memory_space<vmem>>) target_semaphore(%arg14 : memref<!tpu.dma_semaphore, #tpu.memory_space<semaphore_mem>>)
    %dma_start3A_19 = arith.constant 0 : i32
    %dma_start3A_20 = arith.constant 0 : i32
    %dma_start3A_21 = arith.constant 0 : i32
    %dma_start3A_22 = tpu.memref_slice %arg10[%dma_start3A_19, %dma_start3A_20, %dma_start3A_21] : memref<2x8x128xi32, #tpu.memory_space<vmem>> -> memref<1x8x128xi32, #tpu.memory_space<vmem>>
    %dma_start3A_23 = tpu.memref_squeeze %dma_start3A_22 : memref<1x8x128xi32, #tpu.memory_space<vmem>> -> memref<8x128xi32, #tpu.memory_space<vmem>>
    %dma_start3A_24 = arith.constant 0 : i32
    %dma_start3A_25 = tpu.memref_slice %arg4[%add3A_6, %dma_start3A_24] : memref<2560x128xi32, #tpu.memory_space<hbm>> -> memref<8x128xi32, #tpu.memory_space<hbm>>
    %dma_start3A_26 = arith.constant 0 : i32
    %dma_start3A_27 = arith.constant 0 : i32
    %dma_start3A_28 = tpu.memref_slice %arg10[%dma_start3A_19, %dma_start3A_26, %dma_start3A_27] : memref<2x8x128xi32, #tpu.memory_space<vmem>> -> memref<1x8x128xi32, #tpu.memory_space<vmem>>
    %dma_start3A_29 = tpu.memref_squeeze %dma_start3A_28 : memref<1x8x128xi32, #tpu.memory_space<vmem>> -> memref<8x128xi32, #tpu.memory_space<vmem>>
    %dma_start3A_30 = arith.constant 0 : i32
    %dma_start3A_31 = tpu.memref_slice %arg4[%add3A_6, %dma_start3A_30] : memref<2560x128xi32, #tpu.memory_space<hbm>> -> memref<8x128xi32, #tpu.memory_space<hbm>>
    tpu.enqueue_dma source(%dma_start3A_31 : memref<8x128xi32, #tpu.memory_space<hbm>>) target(%dma_start3A_29 : memref<8x128xi32, #tpu.memory_space<vmem>>) target_semaphore(%arg14 : memref<!tpu.dma_semaphore, #tpu.memory_space<semaphore_mem>>)
    "tpu.region"() ({
      %run_scoped3A = tpu.sem_alloc : memref<!tpu.dma_semaphore, #tpu.memory_space<semaphore_mem>>
      %dma_start3A_65 = arith.constant 0 : i32
      %dma_start3A_66 = tpu.memref_slice %arg12[%mul3A_2, %dma_start3A_65] : memref<10240x128xf32, #tpu.memory_space<vmem_shared>> -> memref<640x128xf32, #tpu.memory_space<vmem_shared>>
      tpu.enqueue_dma source(%arg5 : memref<640x128xf32, #tpu.memory_space<hbm>>) target(%dma_start3A_66 : memref<640x128xf32, #tpu.memory_space<vmem_shared>>) target_semaphore(%run_scoped3A : memref<!tpu.dma_semaphore, #tpu.memory_space<semaphore_mem>>)
      %dma_wait3A_67 = arith.constant 0 : i32
      %dma_wait3A_68 = tpu.memref_slice %arg12[%mul3A_2, %dma_wait3A_67] : memref<10240x128xf32, #tpu.memory_space<vmem_shared>> -> memref<640x128xf32, #tpu.memory_space<vmem_shared>>
      tpu.wait_dma2 semaphore(%run_scoped3A : memref<!tpu.dma_semaphore, #tpu.memory_space<semaphore_mem>>) src(%arg5 : memref<640x128xf32, #tpu.memory_space<hbm>>) dst(%dma_wait3A_68 : memref<640x128xf32, #tpu.memory_space<vmem_shared>>)
      tpu.yield
    }) : () -> ()
    "tpu.region"() ({
      %run_scoped3A = tpu.sem_alloc : memref<!tpu.dma_semaphore, #tpu.memory_space<semaphore_mem>>
      tpu.enqueue_dma source(%arg6 : memref<10240xf32, #tpu.memory_space<hbm>>) target(%arg17 : memref<10240xf32, #tpu.memory_space<vmem>>) target_semaphore(%run_scoped3A : memref<!tpu.dma_semaphore, #tpu.memory_space<semaphore_mem>>)
      tpu.wait_dma2 semaphore(%run_scoped3A : memref<!tpu.dma_semaphore, #tpu.memory_space<semaphore_mem>>) src(%arg6 : memref<10240xf32, #tpu.memory_space<hbm>>) dst(%arg17 : memref<10240xf32, #tpu.memory_space<vmem>>)
      tpu.yield
    }) : () -> ()
    %barrier3A = arith.constant 0 : index
    tpu.barrier barrier_id(%barrier3A)
    %scan3A = arith.constant 0 : i32
    %scan3A_32 = arith.constant 0 : i32
    %scan3A_33 = arith.constant 5 : i32
    %scan3A_34 = arith.addi %scan3A_32, %scan3A_33 : i32
    %scan3A_35 = arith.constant 1 : i32
    scf.for %scan3A_65 = %scan3A_32 to %scan3A_34 step %scan3A_35  : i32 {
      %mul3A_66 = arith.constant 2 : i32
      %mul3A_67 = arith.muli %mul3A_66, %scan3A_65 : i32
      %gt3A = arith.constant 0 : i32
      %gt3A_68 = arith.cmpi sgt, %mul3A_67, %gt3A : i32
      %convert_element_type3A = arith.extui %gt3A_68 : i1 to i32
      %cond3A = arith.constant 0 : i32
      %cond3A_69 = arith.cmpi ne, %convert_element_type3A, %cond3A : i32
      scf.if %cond3A_69 {
        %dma_wait3A_2335 = arith.constant 0 : i32
        %dma_wait3A_2336 = arith.constant 0 : i32
        %dma_wait3A_2337 = arith.constant 0 : i32
        %dma_wait3A_2338 = arith.constant 0 : i32
        %dma_wait3A_2339 = arith.constant 0 : i32
        %dma_wait3A_2340 = tpu.memref_slice %arg11[%dma_wait3A_2335, %dma_wait3A_2338, %dma_wait3A_2339] : memref<2x128x128xf32, #tpu.memory_space<vmem>> -> memref<1x128x128xf32, #tpu.memory_space<vmem>>
        %dma_wait3A_2341 = tpu.memref_squeeze %dma_wait3A_2340 : memref<1x128x128xf32, #tpu.memory_space<vmem>> -> memref<128x128xf32, #tpu.memory_space<vmem>>
        %dma_wait3A_2342 = arith.constant 0 : i32
        %dma_wait3A_2343 = tpu.memref_slice %arg10[%dma_wait3A_2336, %dma_wait3A_2337, %dma_wait3A_2342] : memref<2x8x128xi32, #tpu.memory_space<vmem>> -> memref<1x1x128xi32, #tpu.memory_space<vmem>>
        %dma_wait3A_2344 = tpu.memref_squeeze %dma_wait3A_2343 : memref<1x1x128xi32, #tpu.memory_space<vmem>> -> memref<128xi32, #tpu.memory_space<vmem>>
        %dma_wait3A_2345 = arith.constant 0 : i32
        %dma_wait3A_2346 = arith.constant 0 : i32
        %dma_wait3A_2347 = tpu.memref_slice %arg12[%dma_wait3A_2345, %dma_wait3A_2346] : memref<10240x128xf32, #tpu.memory_space<vmem_shared>> -> memref<10240x128xf32, #tpu.memory_space<vmem_shared>>
        tpu.wait_indirect_dma semaphore(%arg13 : memref<!tpu.dma_semaphore, #tpu.memory_space<semaphore_mem>>) src(%dma_wait3A_2341 : memref<128x128xf32, #tpu.memory_space<vmem>>) dst(%dma_wait3A_2347 : memref<10240x128xf32, #tpu.memory_space<vmem_shared>>)
        %dma_wait3A_2348 = arith.constant 1 : i32
        %dma_wait3A_2349 = arith.constant 0 : i32
        %dma_wait3A_2350 = arith.constant 0 : i32
        %dma_wait3A_2351 = arith.constant 0 : i32
        %dma_wait3A_2352 = arith.constant 0 : i32
        %dma_wait3A_2353 = tpu.memref_slice %arg11[%dma_wait3A_2348, %dma_wait3A_2351, %dma_wait3A_2352] : memref<2x128x128xf32, #tpu.memory_space<vmem>> -> memref<1x128x128xf32, #tpu.memory_space<vmem>>
        %dma_wait3A_2354 = tpu.memref_squeeze %dma_wait3A_2353 : memref<1x128x128xf32, #tpu.memory_space<vmem>> -> memref<128x128xf32, #tpu.memory_space<vmem>>
        %dma_wait3A_2355 = arith.constant 0 : i32
        %dma_wait3A_2356 = tpu.memref_slice %arg10[%dma_wait3A_2349, %dma_wait3A_2350, %dma_wait3A_2355] : memref<2x8x128xi32, #tpu.memory_space<vmem>> -> memref<1x1x128xi32, #tpu.memory_space<vmem>>
        %dma_wait3A_2357 = tpu.memref_squeeze %dma_wait3A_2356 : memref<1x1x128xi32, #tpu.memory_space<vmem>> -> memref<128xi32, #tpu.memory_space<vmem>>
        %dma_wait3A_2358 = arith.constant 0 : i32
        %dma_wait3A_2359 = arith.constant 0 : i32
        %dma_wait3A_2360 = tpu.memref_slice %arg12[%dma_wait3A_2358, %dma_wait3A_2359] : memref<10240x128xf32, #tpu.memory_space<vmem_shared>> -> memref<10240x128xf32, #tpu.memory_space<vmem_shared>>
        tpu.wait_indirect_dma semaphore(%arg13 : memref<!tpu.dma_semaphore, #tpu.memory_space<semaphore_mem>>) src(%dma_wait3A_2354 : memref<128x128xf32, #tpu.memory_space<vmem>>) dst(%dma_wait3A_2360 : memref<10240x128xf32, #tpu.memory_space<vmem_shared>>)
      } else {
      }
      %lt3A = arith.constant 9 : i32
      %lt3A_70 = arith.cmpi slt, %mul3A_67, %lt3A : i32
      %convert_element_type3A_71 = arith.extui %lt3A_70 : i1 to i32
      %cond3A_72 = arith.constant 0 : i32
      %cond3A_73 = arith.cmpi ne, %convert_element_type3A_71, %cond3A_72 : i32
      scf.if %cond3A_73 {
        %add3A_2335 = arith.constant 1 : i32
        %add3A_2336 = arith.addi %mul3A_67, %add3A_2335 : i32
        %mul3A_2337 = arith.constant 80 : i32
        %mul3A_2338 = arith.muli %add3A, %mul3A_2337 : i32
        %mul3A_2339 = arith.constant 8 : i32
        %mul3A_2340 = arith.muli %add3A_2336, %mul3A_2339 : i32
        %add3A_2341 = arith.addi %mul3A_2338, %mul3A_2340 : i32
        %dma_start3A_2342 = arith.constant 1 : i32
        %dma_start3A_2343 = arith.constant 0 : i32
        %dma_start3A_2344 = arith.constant 0 : i32
        %dma_start3A_2345 = tpu.memref_slice %arg9[%dma_start3A_2342, %dma_start3A_2343, %dma_start3A_2344] : memref<2x8x128xi32, #tpu.memory_space<vmem>> -> memref<1x8x128xi32, #tpu.memory_space<vmem>>
        %dma_start3A_2346 = tpu.memref_squeeze %dma_start3A_2345 : memref<1x8x128xi32, #tpu.memory_space<vmem>> -> memref<8x128xi32, #tpu.memory_space<vmem>>
        %dma_start3A_2347 = arith.constant 0 : i32
        %dma_start3A_2348 = tpu.memref_slice %arg3[%add3A_2341, %dma_start3A_2347] : memref<2560x128xi32, #tpu.memory_space<hbm>> -> memref<8x128xi32, #tpu.memory_space<hbm>>
        %dma_start3A_2349 = arith.constant 0 : i32
        %dma_start3A_2350 = arith.constant 0 : i32
        %dma_start3A_2351 = tpu.memref_slice %arg9[%dma_start3A_2342, %dma_start3A_2349, %dma_start3A_2350] : memref<2x8x128xi32, #tpu.memory_space<vmem>> -> memref<1x8x128xi32, #tpu.memory_space<vmem>>
        %dma_start3A_2352 = tpu.memref_squeeze %dma_start3A_2351 : memref<1x8x128xi32, #tpu.memory_space<vmem>> -> memref<8x128xi32, #tpu.memory_space<vmem>>
        %dma_start3A_2353 = arith.constant 0 : i32
        %dma_start3A_2354 = tpu.memref_slice %arg3[%add3A_2341, %dma_start3A_2353] : memref<2560x128xi32, #tpu.memory_space<hbm>> -> memref<8x128xi32, #tpu.memory_space<hbm>>
        tpu.enqueue_dma source(%dma_start3A_2354 : memref<8x128xi32, #tpu.memory_space<hbm>>) target(%dma_start3A_2352 : memref<8x128xi32, #tpu.memory_space<vmem>>) target_semaphore(%arg14 : memref<!tpu.dma_semaphore, #tpu.memory_space<semaphore_mem>>)
        %dma_start3A_2355 = arith.constant 1 : i32
        %dma_start3A_2356 = arith.constant 0 : i32
        %dma_start3A_2357 = arith.constant 0 : i32
        %dma_start3A_2358 = tpu.memref_slice %arg10[%dma_start3A_2355, %dma_start3A_2356, %dma_start3A_2357] : memref<2x8x128xi32, #tpu.memory_space<vmem>> -> memref<1x8x128xi32, #tpu.memory_space<vmem>>
        %dma_start3A_2359 = tpu.memref_squeeze %dma_start3A_2358 : memref<1x8x128xi32, #tpu.memory_space<vmem>> -> memref<8x128xi32, #tpu.memory_space<vmem>>
        %dma_start3A_2360 = arith.constant 0 : i32
        %dma_start3A_2361 = tpu.memref_slice %arg4[%add3A_2341, %dma_start3A_2360] : memref<2560x128xi32, #tpu.memory_space<hbm>> -> memref<8x128xi32, #tpu.memory_space<hbm>>
        %dma_start3A_2362 = arith.constant 0 : i32
        %dma_start3A_2363 = arith.constant 0 : i32
        %dma_start3A_2364 = tpu.memref_slice %arg10[%dma_start3A_2355, %dma_start3A_2362, %dma_start3A_2363] : memref<2x8x128xi32, #tpu.memory_space<vmem>> -> memref<1x8x128xi32, #tpu.memory_space<vmem>>
        %dma_start3A_2365 = tpu.memref_squeeze %dma_start3A_2364 : memref<1x8x128xi32, #tpu.memory_space<vmem>> -> memref<8x128xi32, #tpu.memory_space<vmem>>
        %dma_start3A_2366 = arith.constant 0 : i32
        %dma_start3A_2367 = tpu.memref_slice %arg4[%add3A_2341, %dma_start3A_2366] : memref<2560x128xi32, #tpu.memory_space<hbm>> -> memref<8x128xi32, #tpu.memory_space<hbm>>
        tpu.enqueue_dma source(%dma_start3A_2367 : memref<8x128xi32, #tpu.memory_space<hbm>>) target(%dma_start3A_2365 : memref<8x128xi32, #tpu.memory_space<vmem>>) target_semaphore(%arg14 : memref<!tpu.dma_semaphore, #tpu.memory_space<semaphore_mem>>)
      } else {
      }
      %mul3A_74 = arith.constant 80 : i32
      %mul3A_75 = arith.muli %add3A, %mul3A_74 : i32
      %mul3A_76 = arith.constant 8 : i32
      %mul3A_77 = arith.muli %mul3A_67, %mul3A_76 : i32
      %add3A_78 = arith.addi %mul3A_75, %mul3A_77 : i32
      %dma_wait3A_79 = arith.constant 0 : i32
      %dma_wait3A_80 = arith.constant 0 : i32
      %dma_wait3A_81 = arith.constant 0 : i32
      %dma_wait3A_82 = tpu.memref_slice %arg9[%dma_wait3A_79, %dma_wait3A_80, %dma_wait3A_81] : memref<2x8x128xi32, #tpu.memory_space<vmem>> -> memref<1x8x128xi32, #tpu.memory_space<vmem>>
      %dma_wait3A_83 = tpu.memref_squeeze %dma_wait3A_82 : memref<1x8x128xi32, #tpu.memory_space<vmem>> -> memref<8x128xi32, #tpu.memory_space<vmem>>
      %dma_wait3A_84 = arith.constant 0 : i32
      %dma_wait3A_85 = tpu.memref_slice %arg3[%add3A_78, %dma_wait3A_84] : memref<2560x128xi32, #tpu.memory_space<hbm>> -> memref<8x128xi32, #tpu.memory_space<hbm>>
      %dma_wait3A_86 = arith.constant 0 : i32
      %dma_wait3A_87 = arith.constant 0 : i32
      %dma_wait3A_88 = tpu.memref_slice %arg9[%dma_wait3A_79, %dma_wait3A_86, %dma_wait3A_87] : memref<2x8x128xi32, #tpu.memory_space<vmem>> -> memref<1x8x128xi32, #tpu.memory_space<vmem>>
      %dma_wait3A_89 = tpu.memref_squeeze %dma_wait3A_88 : memref<1x8x128xi32, #tpu.memory_space<vmem>> -> memref<8x128xi32, #tpu.memory_space<vmem>>
      %dma_wait3A_90 = arith.constant 0 : i32
      %dma_wait3A_91 = tpu.memref_slice %arg3[%add3A_78, %dma_wait3A_90] : memref<2560x128xi32, #tpu.memory_space<hbm>> -> memref<8x128xi32, #tpu.memory_space<hbm>>
      tpu.wait_dma2 semaphore(%arg14 : memref<!tpu.dma_semaphore, #tpu.memory_space<semaphore_mem>>) src(%dma_wait3A_91 : memref<8x128xi32, #tpu.memory_space<hbm>>) dst(%dma_wait3A_89 : memref<8x128xi32, #tpu.memory_space<vmem>>)
      %dma_wait3A_92 = arith.constant 0 : i32
      %dma_wait3A_93 = arith.constant 0 : i32
      %dma_wait3A_94 = arith.constant 0 : i32
      %dma_wait3A_95 = tpu.memref_slice %arg10[%dma_wait3A_92, %dma_wait3A_93, %dma_wait3A_94] : memref<2x8x128xi32, #tpu.memory_space<vmem>> -> memref<1x8x128xi32, #tpu.memory_space<vmem>>
      %dma_wait3A_96 = tpu.memref_squeeze %dma_wait3A_95 : memref<1x8x128xi32, #tpu.memory_space<vmem>> -> memref<8x128xi32, #tpu.memory_space<vmem>>
      %dma_wait3A_97 = arith.constant 0 : i32
      %dma_wait3A_98 = tpu.memref_slice %arg4[%add3A_78, %dma_wait3A_97] : memref<2560x128xi32, #tpu.memory_space<hbm>> -> memref<8x128xi32, #tpu.memory_space<hbm>>
      %dma_wait3A_99 = arith.constant 0 : i32
      %dma_wait3A_100 = arith.constant 0 : i32
      %dma_wait3A_101 = tpu.memref_slice %arg10[%dma_wait3A_92, %dma_wait3A_99, %dma_wait3A_100] : memref<2x8x128xi32, #tpu.memory_space<vmem>> -> memref<1x8x128xi32, #tpu.memory_space<vmem>>
      %dma_wait3A_102 = tpu.memref_squeeze %dma_wait3A_101 : memref<1x8x128xi32, #tpu.memory_space<vmem>> -> memref<8x128xi32, #tpu.memory_space<vmem>>
      %dma_wait3A_103 = arith.constant 0 : i32
      %dma_wait3A_104 = tpu.memref_slice %arg4[%add3A_78, %dma_wait3A_103] : memref<2560x128xi32, #tpu.memory_space<hbm>> -> memref<8x128xi32, #tpu.memory_space<hbm>>
      tpu.wait_dma2 semaphore(%arg14 : memref<!tpu.dma_semaphore, #tpu.memory_space<semaphore_mem>>) src(%dma_wait3A_104 : memref<8x128xi32, #tpu.memory_space<hbm>>) dst(%dma_wait3A_102 : memref<8x128xi32, #tpu.memory_space<vmem>>)
      %get3A = arith.constant 0 : i32
      %get3A_105 = arith.constant 0 : i32
      %get3A_106 = arith.index_cast %get3A : i32 to index
      %get3A_107 = arith.index_cast %get3A_105 : i32 to index
      %get3A_108 = arith.constant 0 : index
      %get3A_109 = tpu.vector_load %arg10[%get3A_106, %get3A_107, %get3A_108] {strides = array<i32>} : memref<2x8x128xi32, #tpu.memory_space<vmem>>, vector<16xi32>,
      %broadcast_in_dim3A = arith.constant true
      %broadcast_in_dim3A_110 = vector.broadcast %broadcast_in_dim3A : i1 to vector<16xi1>
      %unique3A, %unique3A_111 = tpu.scan_count mask(%broadcast_in_dim3A_110 : vector<16xi1>) value(%get3A_109 : vector<16xi32>) : vector<16xi1>, vector<16xi32>
      %convert_element_type3A_112 = arith.sitofp %unique3A_111 : vector<16xi32> to vector<16xf32>
      tpu.vector_store_idx %arg17[%get3A_109], %convert_element_type3A_112 masked %unique3A {add = true} : memref<10240xf32, #tpu.memory_space<vmem>>[vector<16xi32>], vector<16xf32>, vector<16xi1>
      %get3A_113 = arith.constant 0 : i32
      %get3A_114 = arith.constant 0 : i32
      %get3A_115 = arith.index_cast %get3A_113 : i32 to index
      %get3A_116 = arith.index_cast %get3A_114 : i32 to index
      %get3A_117 = arith.constant 16 : index
      %get3A_118 = tpu.vector_load %arg10[%get3A_115, %get3A_116, %get3A_117] {strides = array<i32>} : memref<2x8x128xi32, #tpu.memory_space<vmem>>, vector<16xi32>,
      %broadcast_in_dim3A_119 = arith.constant true
      %broadcast_in_dim3A_120 = vector.broadcast %broadcast_in_dim3A_119 : i1 to vector<16xi1>
      %unique3A_121, %unique3A_122 = tpu.scan_count mask(%broadcast_in_dim3A_120 : vector<16xi1>) value(%get3A_118 : vector<16xi32>) : vector<16xi1>, vector<16xi32>
      %convert_element_type3A_123 = arith.sitofp %unique3A_122 : vector<16xi32> to vector<16xf32>
      tpu.vector_store_idx %arg17[%get3A_118], %convert_element_type3A_123 masked %unique3A_121 {add = true} : memref<10240xf32, #tpu.memory_space<vmem>>[vector<16xi32>], vector<16xf32>, vector<16xi1>
      %get3A_124 = arith.constant 0 : i32
      %get3A_125 = arith.constant 0 : i32
      %get3A_126 = arith.index_cast %get3A_124 : i32 to index
      %get3A_127 = arith.index_cast %get3A_125 : i32 to index
      %get3A_128 = arith.constant 32 : index
      %get3A_129 = tpu.vector_load %arg10[%get3A_126, %get3A_127, %get3A_128] {strides = array<i32>} : memref<2x8x128xi32, #tpu.memory_space<vmem>>, vector<16xi32>,
      %broadcast_in_dim3A_130 = arith.constant true
      %broadcast_in_dim3A_131 = vector.broadcast %broadcast_in_dim3A_130 : i1 to vector<16xi1>
      %unique3A_132, %unique3A_133 = tpu.scan_count mask(%broadcast_in_dim3A_131 : vector<16xi1>) value(%get3A_129 : vector<16xi32>) : vector<16xi1>, vector<16xi32>
      %convert_element_type3A_134 = arith.sitofp %unique3A_133 : vector<16xi32> to vector<16xf32>
      tpu.vector_store_idx %arg17[%get3A_129], %convert_element_type3A_134 masked %unique3A_132 {add = true} : memref<10240xf32, #tpu.memory_space<vmem>>[vector<16xi32>], vector<16xf32>, vector<16xi1>
      %get3A_135 = arith.constant 0 : i32
      %get3A_136 = arith.constant 0 : i32
      %get3A_137 = arith.index_cast %get3A_135 : i32 to index
      %get3A_138 = arith.index_cast %get3A_136 : i32 to index
      %get3A_139 = arith.constant 48 : index
      %get3A_140 = tpu.vector_load %arg10[%get3A_137, %get3A_138, %get3A_139] {strides = array<i32>} : memref<2x8x128xi32, #tpu.memory_space<vmem>>, vector<16xi32>,
      %broadcast_in_dim3A_141 = arith.constant true
      %broadcast_in_dim3A_142 = vector.broadcast %broadcast_in_dim3A_141 : i1 to vector<16xi1>
      %unique3A_143, %unique3A_144 = tpu.scan_count mask(%broadcast_in_dim3A_142 : vector<16xi1>) value(%get3A_140 : vector<16xi32>) : vector<16xi1>, vector<16xi32>
      %convert_element_type3A_145 = arith.sitofp %unique3A_144 : vector<16xi32> to vector<16xf32>
      tpu.vector_store_idx %arg17[%get3A_140], %convert_element_type3A_145 masked %unique3A_143 {add = true} : memref<10240xf32, #tpu.memory_space<vmem>>[vector<16xi32>], vector<16xf32>, vector<16xi1>
      %get3A_146 = arith.constant 0 : i32
      %get3A_147 = arith.constant 0 : i32
      %get3A_148 = arith.index_cast %get3A_146 : i32 to index
      %get3A_149 = arith.index_cast %get3A_147 : i32 to index
      %get3A_150 = arith.constant 64 : index
      %get3A_151 = tpu.vector_load %arg10[%get3A_148, %get3A_149, %get3A_150] {strides = array<i32>} : memref<2x8x128xi32, #tpu.memory_space<vmem>>, vector<16xi32>,
      %broadcast_in_dim3A_152 = arith.constant true
      %broadcast_in_dim3A_153 = vector.broadcast %broadcast_in_dim3A_152 : i1 to vector<16xi1>
      %unique3A_154, %unique3A_155 = tpu.scan_count mask(%broadcast_in_dim3A_153 : vector<16xi1>) value(%get3A_151 : vector<16xi32>) : vector<16xi1>, vector<16xi32>
      %convert_element_type3A_156 = arith.sitofp %unique3A_155 : vector<16xi32> to vector<16xf32>
      tpu.vector_store_idx %arg17[%get3A_151], %convert_element_type3A_156 masked %unique3A_154 {add = true} : memref<10240xf32, #tpu.memory_space<vmem>>[vector<16xi32>], vector<16xf32>, vector<16xi1>
      %get3A_157 = arith.constant 0 : i32
      %get3A_158 = arith.constant 0 : i32
      %get3A_159 = arith.index_cast %get3A_157 : i32 to index
      %get3A_160 = arith.index_cast %get3A_158 : i32 to index
      %get3A_161 = arith.constant 80 : index
      %get3A_162 = tpu.vector_load %arg10[%get3A_159, %get3A_160, %get3A_161] {strides = array<i32>} : memref<2x8x128xi32, #tpu.memory_space<vmem>>, vector<16xi32>,
      %broadcast_in_dim3A_163 = arith.constant true
      %broadcast_in_dim3A_164 = vector.broadcast %broadcast_in_dim3A_163 : i1 to vector<16xi1>
      %unique3A_165, %unique3A_166 = tpu.scan_count mask(%broadcast_in_dim3A_164 : vector<16xi1>) value(%get3A_162 : vector<16xi32>) : vector<16xi1>, vector<16xi32>
      %convert_element_type3A_167 = arith.sitofp %unique3A_166 : vector<16xi32> to vector<16xf32>
      tpu.vector_store_idx %arg17[%get3A_162], %convert_element_type3A_167 masked %unique3A_165 {add = true} : memref<10240xf32, #tpu.memory_space<vmem>>[vector<16xi32>], vector<16xf32>, vector<16xi1>
      %get3A_168 = arith.constant 0 : i32
      %get3A_169 = arith.constant 0 : i32
      %get3A_170 = arith.index_cast %get3A_168 : i32 to index
      %get3A_171 = arith.index_cast %get3A_169 : i32 to index
      %get3A_172 = arith.constant 96 : index
      %get3A_173 = tpu.vector_load %arg10[%get3A_170, %get3A_171, %get3A_172] {strides = array<i32>} : memref<2x8x128xi32, #tpu.memory_space<vmem>>, vector<16xi32>,
      %broadcast_in_dim3A_174 = arith.constant true
      %broadcast_in_dim3A_175 = vector.broadcast %broadcast_in_dim3A_174 : i1 to vector<16xi1>
      %unique3A_176, %unique3A_177 = tpu.scan_count mask(%broadcast_in_dim3A_175 : vector<16xi1>) value(%get3A_173 : vector<16xi32>) : vector<16xi1>, vector<16xi32>
      %convert_element_type3A_178 = arith.sitofp %unique3A_177 : vector<16xi32> to vector<16xf32>
      tpu.vector_store_idx %arg17[%get3A_173], %convert_element_type3A_178 masked %unique3A_176 {add = true} : memref<10240xf32, #tpu.memory_space<vmem>>[vector<16xi32>], vector<16xf32>, vector<16xi1>
      %get3A_179 = arith.constant 0 : i32
      %get3A_180 = arith.constant 0 : i32
      %get3A_181 = arith.index_cast %get3A_179 : i32 to index
      %get3A_182 = arith.index_cast %get3A_180 : i32 to index
      %get3A_183 = arith.constant 112 : index
      %get3A_184 = tpu.vector_load %arg10[%get3A_181, %get3A_182, %get3A_183] {strides = array<i32>} : memref<2x8x128xi32, #tpu.memory_space<vmem>>, vector<16xi32>,
      %broadcast_in_dim3A_185 = arith.constant true
      %broadcast_in_dim3A_186 = vector.broadcast %broadcast_in_dim3A_185 : i1 to vector<16xi1>
      %unique3A_187, %unique3A_188 = tpu.scan_count mask(%broadcast_in_dim3A_186 : vector<16xi1>) value(%get3A_184 : vector<16xi32>) : vector<16xi1>, vector<16xi32>
      %convert_element_type3A_189 = arith.sitofp %unique3A_188 : vector<16xi32> to vector<16xf32>
      tpu.vector_store_idx %arg17[%get3A_184], %convert_element_type3A_189 masked %unique3A_187 {add = true} : memref<10240xf32, #tpu.memory_space<vmem>>[vector<16xi32>], vector<16xf32>, vector<16xi1>
      %get3A_190 = arith.constant 0 : i32
      %get3A_191 = arith.constant 1 : i32
      %get3A_192 = arith.index_cast %get3A_190 : i32 to index
      %get3A_193 = arith.index_cast %get3A_191 : i32 to index
      %get3A_194 = arith.constant 0 : index
      %get3A_195 = tpu.vector_load %arg10[%get3A_192, %get3A_193, %get3A_194] {strides = array<i32>} : memref<2x8x128xi32, #tpu.memory_space<vmem>>, vector<16xi32>,
      %broadcast_in_dim3A_196 = arith.constant true
      %broadcast_in_dim3A_197 = vector.broadcast %broadcast_in_dim3A_196 : i1 to vector<16xi1>
      %unique3A_198, %unique3A_199 = tpu.scan_count mask(%broadcast_in_dim3A_197 : vector<16xi1>) value(%get3A_195 : vector<16xi32>) : vector<16xi1>, vector<16xi32>
      %convert_element_type3A_200 = arith.sitofp %unique3A_199 : vector<16xi32> to vector<16xf32>
      tpu.vector_store_idx %arg17[%get3A_195], %convert_element_type3A_200 masked %unique3A_198 {add = true} : memref<10240xf32, #tpu.memory_space<vmem>>[vector<16xi32>], vector<16xf32>, vector<16xi1>
      %get3A_201 = arith.constant 0 : i32
      %get3A_202 = arith.constant 1 : i32
      %get3A_203 = arith.index_cast %get3A_201 : i32 to index
      %get3A_204 = arith.index_cast %get3A_202 : i32 to index
      %get3A_205 = arith.constant 16 : index
      %get3A_206 = tpu.vector_load %arg10[%get3A_203, %get3A_204, %get3A_205] {strides = array<i32>} : memref<2x8x128xi32, #tpu.memory_space<vmem>>, vector<16xi32>,
      %broadcast_in_dim3A_207 = arith.constant true
      %broadcast_in_dim3A_208 = vector.broadcast %broadcast_in_dim3A_207 : i1 to vector<16xi1>
      %unique3A_209, %unique3A_210 = tpu.scan_count mask(%broadcast_in_dim3A_208 : vector<16xi1>) value(%get3A_206 : vector<16xi32>) : vector<16xi1>, vector<16xi32>
      %convert_element_type3A_211 = arith.sitofp %unique3A_210 : vector<16xi32> to vector<16xf32>
      tpu.vector_store_idx %arg17[%get3A_206], %convert_element_type3A_211 masked %unique3A_209 {add = true} : memref<10240xf32, #tpu.memory_space<vmem>>[vector<16xi32>], vector<16xf32>, vector<16xi1>
      %get3A_212 = arith.constant 0 : i32
      %get3A_213 = arith.constant 1 : i32
      %get3A_214 = arith.index_cast %get3A_212 : i32 to index
      %get3A_215 = arith.index_cast %get3A_213 : i32 to index
      %get3A_216 = arith.constant 32 : index
      %get3A_217 = tpu.vector_load %arg10[%get3A_214, %get3A_215, %get3A_216] {strides = array<i32>} : memref<2x8x128xi32, #tpu.memory_space<vmem>>, vector<16xi32>,
      %broadcast_in_dim3A_218 = arith.constant true
      %broadcast_in_dim3A_219 = vector.broadcast %broadcast_in_dim3A_218 : i1 to vector<16xi1>
      %unique3A_220, %unique3A_221 = tpu.scan_count mask(%broadcast_in_dim3A_219 : vector<16xi1>) value(%get3A_217 : vector<16xi32>) : vector<16xi1>, vector<16xi32>
      %convert_element_type3A_222 = arith.sitofp %unique3A_221 : vector<16xi32> to vector<16xf32>
      tpu.vector_store_idx %arg17[%get3A_217], %convert_element_type3A_222 masked %unique3A_220 {add = true} : memref<10240xf32, #tpu.memory_space<vmem>>[vector<16xi32>], vector<16xf32>, vector<16xi1>
      %get3A_223 = arith.constant 0 : i32
      %get3A_224 = arith.constant 1 : i32
      %get3A_225 = arith.index_cast %get3A_223 : i32 to index
      %get3A_226 = arith.index_cast %get3A_224 : i32 to index
      %get3A_227 = arith.constant 48 : index
      %get3A_228 = tpu.vector_load %arg10[%get3A_225, %get3A_226, %get3A_227] {strides = array<i32>} : memref<2x8x128xi32, #tpu.memory_space<vmem>>, vector<16xi32>,
      %broadcast_in_dim3A_229 = arith.constant true
      %broadcast_in_dim3A_230 = vector.broadcast %broadcast_in_dim3A_229 : i1 to vector<16xi1>
      %unique3A_231, %unique3A_232 = tpu.scan_count mask(%broadcast_in_dim3A_230 : vector<16xi1>) value(%get3A_228 : vector<16xi32>) : vector<16xi1>, vector<16xi32>
      %convert_element_type3A_233 = arith.sitofp %unique3A_232 : vector<16xi32> to vector<16xf32>
      tpu.vector_store_idx %arg17[%get3A_228], %convert_element_type3A_233 masked %unique3A_231 {add = true} : memref<10240xf32, #tpu.memory_space<vmem>>[vector<16xi32>], vector<16xf32>, vector<16xi1>
      %get3A_234 = arith.constant 0 : i32
      %get3A_235 = arith.constant 1 : i32
      %get3A_236 = arith.index_cast %get3A_234 : i32 to index
      %get3A_237 = arith.index_cast %get3A_235 : i32 to index
      %get3A_238 = arith.constant 64 : index
      %get3A_239 = tpu.vector_load %arg10[%get3A_236, %get3A_237, %get3A_238] {strides = array<i32>} : memref<2x8x128xi32, #tpu.memory_space<vmem>>, vector<16xi32>,
      %broadcast_in_dim3A_240 = arith.constant true
      %broadcast_in_dim3A_241 = vector.broadcast %broadcast_in_dim3A_240 : i1 to vector<16xi1>
      %unique3A_242, %unique3A_243 = tpu.scan_count mask(%broadcast_in_dim3A_241 : vector<16xi1>) value(%get3A_239 : vector<16xi32>) : vector<16xi1>, vector<16xi32>
      %convert_element_type3A_244 = arith.sitofp %unique3A_243 : vector<16xi32> to vector<16xf32>
      tpu.vector_store_idx %arg17[%get3A_239], %convert_element_type3A_244 masked %unique3A_242 {add = true} : memref<10240xf32, #tpu.memory_space<vmem>>[vector<16xi32>], vector<16xf32>, vector<16xi1>
      %get3A_245 = arith.constant 0 : i32
      %get3A_246 = arith.constant 1 : i32
      %get3A_247 = arith.index_cast %get3A_245 : i32 to index
      %get3A_248 = arith.index_cast %get3A_246 : i32 to index
      %get3A_249 = arith.constant 80 : index
      %get3A_250 = tpu.vector_load %arg10[%get3A_247, %get3A_248, %get3A_249] {strides = array<i32>} : memref<2x8x128xi32, #tpu.memory_space<vmem>>, vector<16xi32>,
      %broadcast_in_dim3A_251 = arith.constant true
      %broadcast_in_dim3A_252 = vector.broadcast %broadcast_in_dim3A_251 : i1 to vector<16xi1>
      %unique3A_253, %unique3A_254 = tpu.scan_count mask(%broadcast_in_dim3A_252 : vector<16xi1>) value(%get3A_250 : vector<16xi32>) : vector<16xi1>, vector<16xi32>
      %convert_element_type3A_255 = arith.sitofp %unique3A_254 : vector<16xi32> to vector<16xf32>
      tpu.vector_store_idx %arg17[%get3A_250], %convert_element_type3A_255 masked %unique3A_253 {add = true} : memref<10240xf32, #tpu.memory_space<vmem>>[vector<16xi32>], vector<16xf32>, vector<16xi1>
      %get3A_256 = arith.constant 0 : i32
      %get3A_257 = arith.constant 1 : i32
      %get3A_258 = arith.index_cast %get3A_256 : i32 to index
      %get3A_259 = arith.index_cast %get3A_257 : i32 to index
      %get3A_260 = arith.constant 96 : index
      %get3A_261 = tpu.vector_load %arg10[%get3A_258, %get3A_259, %get3A_260] {strides = array<i32>} : memref<2x8x128xi32, #tpu.memory_space<vmem>>, vector<16xi32>,
      %broadcast_in_dim3A_262 = arith.constant true
      %broadcast_in_dim3A_263 = vector.broadcast %broadcast_in_dim3A_262 : i1 to vector<16xi1>
      %unique3A_264, %unique3A_265 = tpu.scan_count mask(%broadcast_in_dim3A_263 : vector<16xi1>) value(%get3A_261 : vector<16xi32>) : vector<16xi1>, vector<16xi32>
      %convert_element_type3A_266 = arith.sitofp %unique3A_265 : vector<16xi32> to vector<16xf32>
      tpu.vector_store_idx %arg17[%get3A_261], %convert_element_type3A_266 masked %unique3A_264 {add = true} : memref<10240xf32, #tpu.memory_space<vmem>>[vector<16xi32>], vector<16xf32>, vector<16xi1>
      %get3A_267 = arith.constant 0 : i32
      %get3A_268 = arith.constant 1 : i32
      %get3A_269 = arith.index_cast %get3A_267 : i32 to index
      %get3A_270 = arith.index_cast %get3A_268 : i32 to index
      %get3A_271 = arith.constant 112 : index
      %get3A_272 = tpu.vector_load %arg10[%get3A_269, %get3A_270, %get3A_271] {strides = array<i32>} : memref<2x8x128xi32, #tpu.memory_space<vmem>>, vector<16xi32>,
      %broadcast_in_dim3A_273 = arith.constant true
      %broadcast_in_dim3A_274 = vector.broadcast %broadcast_in_dim3A_273 : i1 to vector<16xi1>
      %unique3A_275, %unique3A_276 = tpu.scan_count mask(%broadcast_in_dim3A_274 : vector<16xi1>) value(%get3A_272 : vector<16xi32>) : vector<16xi1>, vector<16xi32>
      %convert_element_type3A_277 = arith.sitofp %unique3A_276 : vector<16xi32> to vector<16xf32>
      tpu.vector_store_idx %arg17[%get3A_272], %convert_element_type3A_277 masked %unique3A_275 {add = true} : memref<10240xf32, #tpu.memory_space<vmem>>[vector<16xi32>], vector<16xf32>, vector<16xi1>
      %get3A_278 = arith.constant 0 : i32
      %get3A_279 = arith.constant 2 : i32
      %get3A_280 = arith.index_cast %get3A_278 : i32 to index
      %get3A_281 = arith.index_cast %get3A_279 : i32 to index
      %get3A_282 = arith.constant 0 : index
      %get3A_283 = tpu.vector_load %arg10[%get3A_280, %get3A_281, %get3A_282] {strides = array<i32>} : memref<2x8x128xi32, #tpu.memory_space<vmem>>, vector<16xi32>,
      %broadcast_in_dim3A_284 = arith.constant true
      %broadcast_in_dim3A_285 = vector.broadcast %broadcast_in_dim3A_284 : i1 to vector<16xi1>
      %unique3A_286, %unique3A_287 = tpu.scan_count mask(%broadcast_in_dim3A_285 : vector<16xi1>) value(%get3A_283 : vector<16xi32>) : vector<16xi1>, vector<16xi32>
      %convert_element_type3A_288 = arith.sitofp %unique3A_287 : vector<16xi32> to vector<16xf32>
      tpu.vector_store_idx %arg17[%get3A_283], %convert_element_type3A_288 masked %unique3A_286 {add = true} : memref<10240xf32, #tpu.memory_space<vmem>>[vector<16xi32>], vector<16xf32>, vector<16xi1>
      %get3A_289 = arith.constant 0 : i32
      %get3A_290 = arith.constant 2 : i32
      %get3A_291 = arith.index_cast %get3A_289 : i32 to index
      %get3A_292 = arith.index_cast %get3A_290 : i32 to index
      %get3A_293 = arith.constant 16 : index
      %get3A_294 = tpu.vector_load %arg10[%get3A_291, %get3A_292, %get3A_293] {strides = array<i32>} : memref<2x8x128xi32, #tpu.memory_space<vmem>>, vector<16xi32>,
      %broadcast_in_dim3A_295 = arith.constant true
      %broadcast_in_dim3A_296 = vector.broadcast %broadcast_in_dim3A_295 : i1 to vector<16xi1>
      %unique3A_297, %unique3A_298 = tpu.scan_count mask(%broadcast_in_dim3A_296 : vector<16xi1>) value(%get3A_294 : vector<16xi32>) : vector<16xi1>, vector<16xi32>
      %convert_element_type3A_299 = arith.sitofp %unique3A_298 : vector<16xi32> to vector<16xf32>
      tpu.vector_store_idx %arg17[%get3A_294], %convert_element_type3A_299 masked %unique3A_297 {add = true} : memref<10240xf32, #tpu.memory_space<vmem>>[vector<16xi32>], vector<16xf32>, vector<16xi1>
      %get3A_300 = arith.constant 0 : i32
      %get3A_301 = arith.constant 2 : i32
      %get3A_302 = arith.index_cast %get3A_300 : i32 to index
      %get3A_303 = arith.index_cast %get3A_301 : i32 to index
      %get3A_304 = arith.constant 32 : index
      %get3A_305 = tpu.vector_load %arg10[%get3A_302, %get3A_303, %get3A_304] {strides = array<i32>} : memref<2x8x128xi32, #tpu.memory_space<vmem>>, vector<16xi32>,
      %broadcast_in_dim3A_306 = arith.constant true
      %broadcast_in_dim3A_307 = vector.broadcast %broadcast_in_dim3A_306 : i1 to vector<16xi1>
      %unique3A_308, %unique3A_309 = tpu.scan_count mask(%broadcast_in_dim3A_307 : vector<16xi1>) value(%get3A_305 : vector<16xi32>) : vector<16xi1>, vector<16xi32>
      %convert_element_type3A_310 = arith.sitofp %unique3A_309 : vector<16xi32> to vector<16xf32>
      tpu.vector_store_idx %arg17[%get3A_305], %convert_element_type3A_310 masked %unique3A_308 {add = true} : memref<10240xf32, #tpu.memory_space<vmem>>[vector<16xi32>], vector<16xf32>, vector<16xi1>
      %get3A_311 = arith.constant 0 : i32
      %get3A_312 = arith.constant 2 : i32
      %get3A_313 = arith.index_cast %get3A_311 : i32 to index
      %get3A_314 = arith.index_cast %get3A_312 : i32 to index
      %get3A_315 = arith.constant 48 : index
      %get3A_316 = tpu.vector_load %arg10[%get3A_313, %get3A_314, %get3A_315] {strides = array<i32>} : memref<2x8x128xi32, #tpu.memory_space<vmem>>, vector<16xi32>,
      %broadcast_in_dim3A_317 = arith.constant true
      %broadcast_in_dim3A_318 = vector.broadcast %broadcast_in_dim3A_317 : i1 to vector<16xi1>
      %unique3A_319, %unique3A_320 = tpu.scan_count mask(%broadcast_in_dim3A_318 : vector<16xi1>) value(%get3A_316 : vector<16xi32>) : vector<16xi1>, vector<16xi32>
      %convert_element_type3A_321 = arith.sitofp %unique3A_320 : vector<16xi32> to vector<16xf32>
      tpu.vector_store_idx %arg17[%get3A_316], %convert_element_type3A_321 masked %unique3A_319 {add = true} : memref<10240xf32, #tpu.memory_space<vmem>>[vector<16xi32>], vector<16xf32>, vector<16xi1>
      %get3A_322 = arith.constant 0 : i32
      %get3A_323 = arith.constant 2 : i32
      %get3A_324 = arith.index_cast %get3A_322 : i32 to index
      %get3A_325 = arith.index_cast %get3A_323 : i32 to index
      %get3A_326 = arith.constant 64 : index
      %get3A_327 = tpu.vector_load %arg10[%get3A_324, %get3A_325, %get3A_326] {strides = array<i32>} : memref<2x8x128xi32, #tpu.memory_space<vmem>>, vector<16xi32>,
      %broadcast_in_dim3A_328 = arith.constant true
      %broadcast_in_dim3A_329 = vector.broadcast %broadcast_in_dim3A_328 : i1 to vector<16xi1>
      %unique3A_330, %unique3A_331 = tpu.scan_count mask(%broadcast_in_dim3A_329 : vector<16xi1>) value(%get3A_327 : vector<16xi32>) : vector<16xi1>, vector<16xi32>
      %convert_element_type3A_332 = arith.sitofp %unique3A_331 : vector<16xi32> to vector<16xf32>
      tpu.vector_store_idx %arg17[%get3A_327], %convert_element_type3A_332 masked %unique3A_330 {add = true} : memref<10240xf32, #tpu.memory_space<vmem>>[vector<16xi32>], vector<16xf32>, vector<16xi1>
      %get3A_333 = arith.constant 0 : i32
      %get3A_334 = arith.constant 2 : i32
      %get3A_335 = arith.index_cast %get3A_333 : i32 to index
      %get3A_336 = arith.index_cast %get3A_334 : i32 to index
      %get3A_337 = arith.constant 80 : index
      %get3A_338 = tpu.vector_load %arg10[%get3A_335, %get3A_336, %get3A_337] {strides = array<i32>} : memref<2x8x128xi32, #tpu.memory_space<vmem>>, vector<16xi32>,
      %broadcast_in_dim3A_339 = arith.constant true
      %broadcast_in_dim3A_340 = vector.broadcast %broadcast_in_dim3A_339 : i1 to vector<16xi1>
      %unique3A_341, %unique3A_342 = tpu.scan_count mask(%broadcast_in_dim3A_340 : vector<16xi1>) value(%get3A_338 : vector<16xi32>) : vector<16xi1>, vector<16xi32>
      %convert_element_type3A_343 = arith.sitofp %unique3A_342 : vector<16xi32> to vector<16xf32>
      tpu.vector_store_idx %arg17[%get3A_338], %convert_element_type3A_343 masked %unique3A_341 {add = true} : memref<10240xf32, #tpu.memory_space<vmem>>[vector<16xi32>], vector<16xf32>, vector<16xi1>
      %get3A_344 = arith.constant 0 : i32
      %get3A_345 = arith.constant 2 : i32
      %get3A_346 = arith.index_cast %get3A_344 : i32 to index
      %get3A_347 = arith.index_cast %get3A_345 : i32 to index
      %get3A_348 = arith.constant 96 : index
      %get3A_349 = tpu.vector_load %arg10[%get3A_346, %get3A_347, %get3A_348] {strides = array<i32>} : memref<2x8x128xi32, #tpu.memory_space<vmem>>, vector<16xi32>,
      %broadcast_in_dim3A_350 = arith.constant true
      %broadcast_in_dim3A_351 = vector.broadcast %broadcast_in_dim3A_350 : i1 to vector<16xi1>
      %unique3A_352, %unique3A_353 = tpu.scan_count mask(%broadcast_in_dim3A_351 : vector<16xi1>) value(%get3A_349 : vector<16xi32>) : vector<16xi1>, vector<16xi32>
      %convert_element_type3A_354 = arith.sitofp %unique3A_353 : vector<16xi32> to vector<16xf32>
      tpu.vector_store_idx %arg17[%get3A_349], %convert_element_type3A_354 masked %unique3A_352 {add = true} : memref<10240xf32, #tpu.memory_space<vmem>>[vector<16xi32>], vector<16xf32>, vector<16xi1>
      %get3A_355 = arith.constant 0 : i32
      %get3A_356 = arith.constant 2 : i32
      %get3A_357 = arith.index_cast %get3A_355 : i32 to index
      %get3A_358 = arith.index_cast %get3A_356 : i32 to index
      %get3A_359 = arith.constant 112 : index
      %get3A_360 = tpu.vector_load %arg10[%get3A_357, %get3A_358, %get3A_359] {strides = array<i32>} : memref<2x8x128xi32, #tpu.memory_space<vmem>>, vector<16xi32>,
      %broadcast_in_dim3A_361 = arith.constant true
      %broadcast_in_dim3A_362 = vector.broadcast %broadcast_in_dim3A_361 : i1 to vector<16xi1>
      %unique3A_363, %unique3A_364 = tpu.scan_count mask(%broadcast_in_dim3A_362 : vector<16xi1>) value(%get3A_360 : vector<16xi32>) : vector<16xi1>, vector<16xi32>
      %convert_element_type3A_365 = arith.sitofp %unique3A_364 : vector<16xi32> to vector<16xf32>
      tpu.vector_store_idx %arg17[%get3A_360], %convert_element_type3A_365 masked %unique3A_363 {add = true} : memref<10240xf32, #tpu.memory_space<vmem>>[vector<16xi32>], vector<16xf32>, vector<16xi1>
      %get3A_366 = arith.constant 0 : i32
      %get3A_367 = arith.constant 3 : i32
      %get3A_368 = arith.index_cast %get3A_366 : i32 to index
      %get3A_369 = arith.index_cast %get3A_367 : i32 to index
      %get3A_370 = arith.constant 0 : index
      %get3A_371 = tpu.vector_load %arg10[%get3A_368, %get3A_369, %get3A_370] {strides = array<i32>} : memref<2x8x128xi32, #tpu.memory_space<vmem>>, vector<16xi32>,
      %broadcast_in_dim3A_372 = arith.constant true
      %broadcast_in_dim3A_373 = vector.broadcast %broadcast_in_dim3A_372 : i1 to vector<16xi1>
      %unique3A_374, %unique3A_375 = tpu.scan_count mask(%broadcast_in_dim3A_373 : vector<16xi1>) value(%get3A_371 : vector<16xi32>) : vector<16xi1>, vector<16xi32>
      %convert_element_type3A_376 = arith.sitofp %unique3A_375 : vector<16xi32> to vector<16xf32>
      tpu.vector_store_idx %arg17[%get3A_371], %convert_element_type3A_376 masked %unique3A_374 {add = true} : memref<10240xf32, #tpu.memory_space<vmem>>[vector<16xi32>], vector<16xf32>, vector<16xi1>
      %get3A_377 = arith.constant 0 : i32
      %get3A_378 = arith.constant 3 : i32
      %get3A_379 = arith.index_cast %get3A_377 : i32 to index
      %get3A_380 = arith.index_cast %get3A_378 : i32 to index
      %get3A_381 = arith.constant 16 : index
      %get3A_382 = tpu.vector_load %arg10[%get3A_379, %get3A_380, %get3A_381] {strides = array<i32>} : memref<2x8x128xi32, #tpu.memory_space<vmem>>, vector<16xi32>,
      %broadcast_in_dim3A_383 = arith.constant true
      %broadcast_in_dim3A_384 = vector.broadcast %broadcast_in_dim3A_383 : i1 to vector<16xi1>
      %unique3A_385, %unique3A_386 = tpu.scan_count mask(%broadcast_in_dim3A_384 : vector<16xi1>) value(%get3A_382 : vector<16xi32>) : vector<16xi1>, vector<16xi32>
      %convert_element_type3A_387 = arith.sitofp %unique3A_386 : vector<16xi32> to vector<16xf32>
      tpu.vector_store_idx %arg17[%get3A_382], %convert_element_type3A_387 masked %unique3A_385 {add = true} : memref<10240xf32, #tpu.memory_space<vmem>>[vector<16xi32>], vector<16xf32>, vector<16xi1>
      %get3A_388 = arith.constant 0 : i32
      %get3A_389 = arith.constant 3 : i32
      %get3A_390 = arith.index_cast %get3A_388 : i32 to index
      %get3A_391 = arith.index_cast %get3A_389 : i32 to index
      %get3A_392 = arith.constant 32 : index
      %get3A_393 = tpu.vector_load %arg10[%get3A_390, %get3A_391, %get3A_392] {strides = array<i32>} : memref<2x8x128xi32, #tpu.memory_space<vmem>>, vector<16xi32>,
      %broadcast_in_dim3A_394 = arith.constant true
      %broadcast_in_dim3A_395 = vector.broadcast %broadcast_in_dim3A_394 : i1 to vector<16xi1>
      %unique3A_396, %unique3A_397 = tpu.scan_count mask(%broadcast_in_dim3A_395 : vector<16xi1>) value(%get3A_393 : vector<16xi32>) : vector<16xi1>, vector<16xi32>
      %convert_element_type3A_398 = arith.sitofp %unique3A_397 : vector<16xi32> to vector<16xf32>
      tpu.vector_store_idx %arg17[%get3A_393], %convert_element_type3A_398 masked %unique3A_396 {add = true} : memref<10240xf32, #tpu.memory_space<vmem>>[vector<16xi32>], vector<16xf32>, vector<16xi1>
      %get3A_399 = arith.constant 0 : i32
      %get3A_400 = arith.constant 3 : i32
      %get3A_401 = arith.index_cast %get3A_399 : i32 to index
      %get3A_402 = arith.index_cast %get3A_400 : i32 to index
      %get3A_403 = arith.constant 48 : index
      %get3A_404 = tpu.vector_load %arg10[%get3A_401, %get3A_402, %get3A_403] {strides = array<i32>} : memref<2x8x128xi32, #tpu.memory_space<vmem>>, vector<16xi32>,
      %broadcast_in_dim3A_405 = arith.constant true
      %broadcast_in_dim3A_406 = vector.broadcast %broadcast_in_dim3A_405 : i1 to vector<16xi1>
      %unique3A_407, %unique3A_408 = tpu.scan_count mask(%broadcast_in_dim3A_406 : vector<16xi1>) value(%get3A_404 : vector<16xi32>) : vector<16xi1>, vector<16xi32>
      %convert_element_type3A_409 = arith.sitofp %unique3A_408 : vector<16xi32> to vector<16xf32>
      tpu.vector_store_idx %arg17[%get3A_404], %convert_element_type3A_409 masked %unique3A_407 {add = true} : memref<10240xf32, #tpu.memory_space<vmem>>[vector<16xi32>], vector<16xf32>, vector<16xi1>
      %get3A_410 = arith.constant 0 : i32
      %get3A_411 = arith.constant 3 : i32
      %get3A_412 = arith.index_cast %get3A_410 : i32 to index
      %get3A_413 = arith.index_cast %get3A_411 : i32 to index
      %get3A_414 = arith.constant 64 : index
      %get3A_415 = tpu.vector_load %arg10[%get3A_412, %get3A_413, %get3A_414] {strides = array<i32>} : memref<2x8x128xi32, #tpu.memory_space<vmem>>, vector<16xi32>,
      %broadcast_in_dim3A_416 = arith.constant true
      %broadcast_in_dim3A_417 = vector.broadcast %broadcast_in_dim3A_416 : i1 to vector<16xi1>
      %unique3A_418, %unique3A_419 = tpu.scan_count mask(%broadcast_in_dim3A_417 : vector<16xi1>) value(%get3A_415 : vector<16xi32>) : vector<16xi1>, vector<16xi32>
      %convert_element_type3A_420 = arith.sitofp %unique3A_419 : vector<16xi32> to vector<16xf32>
      tpu.vector_store_idx %arg17[%get3A_415], %convert_element_type3A_420 masked %unique3A_418 {add = true} : memref<10240xf32, #tpu.memory_space<vmem>>[vector<16xi32>], vector<16xf32>, vector<16xi1>
      %get3A_421 = arith.constant 0 : i32
      %get3A_422 = arith.constant 3 : i32
      %get3A_423 = arith.index_cast %get3A_421 : i32 to index
      %get3A_424 = arith.index_cast %get3A_422 : i32 to index
      %get3A_425 = arith.constant 80 : index
      %get3A_426 = tpu.vector_load %arg10[%get3A_423, %get3A_424, %get3A_425] {strides = array<i32>} : memref<2x8x128xi32, #tpu.memory_space<vmem>>, vector<16xi32>,
      %broadcast_in_dim3A_427 = arith.constant true
      %broadcast_in_dim3A_428 = vector.broadcast %broadcast_in_dim3A_427 : i1 to vector<16xi1>
      %unique3A_429, %unique3A_430 = tpu.scan_count mask(%broadcast_in_dim3A_428 : vector<16xi1>) value(%get3A_426 : vector<16xi32>) : vector<16xi1>, vector<16xi32>
      %convert_element_type3A_431 = arith.sitofp %unique3A_430 : vector<16xi32> to vector<16xf32>
      tpu.vector_store_idx %arg17[%get3A_426], %convert_element_type3A_431 masked %unique3A_429 {add = true} : memref<10240xf32, #tpu.memory_space<vmem>>[vector<16xi32>], vector<16xf32>, vector<16xi1>
      %get3A_432 = arith.constant 0 : i32
      %get3A_433 = arith.constant 3 : i32
      %get3A_434 = arith.index_cast %get3A_432 : i32 to index
      %get3A_435 = arith.index_cast %get3A_433 : i32 to index
      %get3A_436 = arith.constant 96 : index
      %get3A_437 = tpu.vector_load %arg10[%get3A_434, %get3A_435, %get3A_436] {strides = array<i32>} : memref<2x8x128xi32, #tpu.memory_space<vmem>>, vector<16xi32>,
      %broadcast_in_dim3A_438 = arith.constant true
      %broadcast_in_dim3A_439 = vector.broadcast %broadcast_in_dim3A_438 : i1 to vector<16xi1>
      %unique3A_440, %unique3A_441 = tpu.scan_count mask(%broadcast_in_dim3A_439 : vector<16xi1>) value(%get3A_437 : vector<16xi32>) : vector<16xi1>, vector<16xi32>
      %convert_element_type3A_442 = arith.sitofp %unique3A_441 : vector<16xi32> to vector<16xf32>
      tpu.vector_store_idx %arg17[%get3A_437], %convert_element_type3A_442 masked %unique3A_440 {add = true} : memref<10240xf32, #tpu.memory_space<vmem>>[vector<16xi32>], vector<16xf32>, vector<16xi1>
      %get3A_443 = arith.constant 0 : i32
      %get3A_444 = arith.constant 3 : i32
      %get3A_445 = arith.index_cast %get3A_443 : i32 to index
      %get3A_446 = arith.index_cast %get3A_444 : i32 to index
      %get3A_447 = arith.constant 112 : index
      %get3A_448 = tpu.vector_load %arg10[%get3A_445, %get3A_446, %get3A_447] {strides = array<i32>} : memref<2x8x128xi32, #tpu.memory_space<vmem>>, vector<16xi32>,
      %broadcast_in_dim3A_449 = arith.constant true
      %broadcast_in_dim3A_450 = vector.broadcast %broadcast_in_dim3A_449 : i1 to vector<16xi1>
      %unique3A_451, %unique3A_452 = tpu.scan_count mask(%broadcast_in_dim3A_450 : vector<16xi1>) value(%get3A_448 : vector<16xi32>) : vector<16xi1>, vector<16xi32>
      %convert_element_type3A_453 = arith.sitofp %unique3A_452 : vector<16xi32> to vector<16xf32>
      tpu.vector_store_idx %arg17[%get3A_448], %convert_element_type3A_453 masked %unique3A_451 {add = true} : memref<10240xf32, #tpu.memory_space<vmem>>[vector<16xi32>], vector<16xf32>, vector<16xi1>
      %get3A_454 = arith.constant 0 : i32
      %get3A_455 = arith.constant 4 : i32
      %get3A_456 = arith.index_cast %get3A_454 : i32 to index
      %get3A_457 = arith.index_cast %get3A_455 : i32 to index
      %get3A_458 = arith.constant 0 : index
      %get3A_459 = tpu.vector_load %arg10[%get3A_456, %get3A_457, %get3A_458] {strides = array<i32>} : memref<2x8x128xi32, #tpu.memory_space<vmem>>, vector<16xi32>,
      %broadcast_in_dim3A_460 = arith.constant true
      %broadcast_in_dim3A_461 = vector.broadcast %broadcast_in_dim3A_460 : i1 to vector<16xi1>
      %unique3A_462, %unique3A_463 = tpu.scan_count mask(%broadcast_in_dim3A_461 : vector<16xi1>) value(%get3A_459 : vector<16xi32>) : vector<16xi1>, vector<16xi32>
      %convert_element_type3A_464 = arith.sitofp %unique3A_463 : vector<16xi32> to vector<16xf32>
      tpu.vector_store_idx %arg17[%get3A_459], %convert_element_type3A_464 masked %unique3A_462 {add = true} : memref<10240xf32, #tpu.memory_space<vmem>>[vector<16xi32>], vector<16xf32>, vector<16xi1>
      %get3A_465 = arith.constant 0 : i32
      %get3A_466 = arith.constant 4 : i32
      %get3A_467 = arith.index_cast %get3A_465 : i32 to index
      %get3A_468 = arith.index_cast %get3A_466 : i32 to index
      %get3A_469 = arith.constant 16 : index
      %get3A_470 = tpu.vector_load %arg10[%get3A_467, %get3A_468, %get3A_469] {strides = array<i32>} : memref<2x8x128xi32, #tpu.memory_space<vmem>>, vector<16xi32>,
      %broadcast_in_dim3A_471 = arith.constant true
      %broadcast_in_dim3A_472 = vector.broadcast %broadcast_in_dim3A_471 : i1 to vector<16xi1>
      %unique3A_473, %unique3A_474 = tpu.scan_count mask(%broadcast_in_dim3A_472 : vector<16xi1>) value(%get3A_470 : vector<16xi32>) : vector<16xi1>, vector<16xi32>
      %convert_element_type3A_475 = arith.sitofp %unique3A_474 : vector<16xi32> to vector<16xf32>
      tpu.vector_store_idx %arg17[%get3A_470], %convert_element_type3A_475 masked %unique3A_473 {add = true} : memref<10240xf32, #tpu.memory_space<vmem>>[vector<16xi32>], vector<16xf32>, vector<16xi1>
      %get3A_476 = arith.constant 0 : i32
      %get3A_477 = arith.constant 4 : i32
      %get3A_478 = arith.index_cast %get3A_476 : i32 to index
      %get3A_479 = arith.index_cast %get3A_477 : i32 to index
      %get3A_480 = arith.constant 32 : index
      %get3A_481 = tpu.vector_load %arg10[%get3A_478, %get3A_479, %get3A_480] {strides = array<i32>} : memref<2x8x128xi32, #tpu.memory_space<vmem>>, vector<16xi32>,
      %broadcast_in_dim3A_482 = arith.constant true
      %broadcast_in_dim3A_483 = vector.broadcast %broadcast_in_dim3A_482 : i1 to vector<16xi1>
      %unique3A_484, %unique3A_485 = tpu.scan_count mask(%broadcast_in_dim3A_483 : vector<16xi1>) value(%get3A_481 : vector<16xi32>) : vector<16xi1>, vector<16xi32>
      %convert_element_type3A_486 = arith.sitofp %unique3A_485 : vector<16xi32> to vector<16xf32>
      tpu.vector_store_idx %arg17[%get3A_481], %convert_element_type3A_486 masked %unique3A_484 {add = true} : memref<10240xf32, #tpu.memory_space<vmem>>[vector<16xi32>], vector<16xf32>, vector<16xi1>
      %get3A_487 = arith.constant 0 : i32
      %get3A_488 = arith.constant 4 : i32
      %get3A_489 = arith.index_cast %get3A_487 : i32 to index
      %get3A_490 = arith.index_cast %get3A_488 : i32 to index
      %get3A_491 = arith.constant 48 : index
      %get3A_492 = tpu.vector_load %arg10[%get3A_489, %get3A_490, %get3A_491] {strides = array<i32>} : memref<2x8x128xi32, #tpu.memory_space<vmem>>, vector<16xi32>,
      %broadcast_in_dim3A_493 = arith.constant true
      %broadcast_in_dim3A_494 = vector.broadcast %broadcast_in_dim3A_493 : i1 to vector<16xi1>
      %unique3A_495, %unique3A_496 = tpu.scan_count mask(%broadcast_in_dim3A_494 : vector<16xi1>) value(%get3A_492 : vector<16xi32>) : vector<16xi1>, vector<16xi32>
      %convert_element_type3A_497 = arith.sitofp %unique3A_496 : vector<16xi32> to vector<16xf32>
      tpu.vector_store_idx %arg17[%get3A_492], %convert_element_type3A_497 masked %unique3A_495 {add = true} : memref<10240xf32, #tpu.memory_space<vmem>>[vector<16xi32>], vector<16xf32>, vector<16xi1>
      %get3A_498 = arith.constant 0 : i32
      %get3A_499 = arith.constant 4 : i32
      %get3A_500 = arith.index_cast %get3A_498 : i32 to index
      %get3A_501 = arith.index_cast %get3A_499 : i32 to index
      %get3A_502 = arith.constant 64 : index
      %get3A_503 = tpu.vector_load %arg10[%get3A_500, %get3A_501, %get3A_502] {strides = array<i32>} : memref<2x8x128xi32, #tpu.memory_space<vmem>>, vector<16xi32>,
      %broadcast_in_dim3A_504 = arith.constant true
      %broadcast_in_dim3A_505 = vector.broadcast %broadcast_in_dim3A_504 : i1 to vector<16xi1>
      %unique3A_506, %unique3A_507 = tpu.scan_count mask(%broadcast_in_dim3A_505 : vector<16xi1>) value(%get3A_503 : vector<16xi32>) : vector<16xi1>, vector<16xi32>
      %convert_element_type3A_508 = arith.sitofp %unique3A_507 : vector<16xi32> to vector<16xf32>
      tpu.vector_store_idx %arg17[%get3A_503], %convert_element_type3A_508 masked %unique3A_506 {add = true} : memref<10240xf32, #tpu.memory_space<vmem>>[vector<16xi32>], vector<16xf32>, vector<16xi1>
      %get3A_509 = arith.constant 0 : i32
      %get3A_510 = arith.constant 4 : i32
      %get3A_511 = arith.index_cast %get3A_509 : i32 to index
      %get3A_512 = arith.index_cast %get3A_510 : i32 to index
      %get3A_513 = arith.constant 80 : index
      %get3A_514 = tpu.vector_load %arg10[%get3A_511, %get3A_512, %get3A_513] {strides = array<i32>} : memref<2x8x128xi32, #tpu.memory_space<vmem>>, vector<16xi32>,
      %broadcast_in_dim3A_515 = arith.constant true
      %broadcast_in_dim3A_516 = vector.broadcast %broadcast_in_dim3A_515 : i1 to vector<16xi1>
      %unique3A_517, %unique3A_518 = tpu.scan_count mask(%broadcast_in_dim3A_516 : vector<16xi1>) value(%get3A_514 : vector<16xi32>) : vector<16xi1>, vector<16xi32>
      %convert_element_type3A_519 = arith.sitofp %unique3A_518 : vector<16xi32> to vector<16xf32>
      tpu.vector_store_idx %arg17[%get3A_514], %convert_element_type3A_519 masked %unique3A_517 {add = true} : memref<10240xf32, #tpu.memory_space<vmem>>[vector<16xi32>], vector<16xf32>, vector<16xi1>
      %get3A_520 = arith.constant 0 : i32
      %get3A_521 = arith.constant 4 : i32
      %get3A_522 = arith.index_cast %get3A_520 : i32 to index
      %get3A_523 = arith.index_cast %get3A_521 : i32 to index
      %get3A_524 = arith.constant 96 : index
      %get3A_525 = tpu.vector_load %arg10[%get3A_522, %get3A_523, %get3A_524] {strides = array<i32>} : memref<2x8x128xi32, #tpu.memory_space<vmem>>, vector<16xi32>,
      %broadcast_in_dim3A_526 = arith.constant true
      %broadcast_in_dim3A_527 = vector.broadcast %broadcast_in_dim3A_526 : i1 to vector<16xi1>
      %unique3A_528, %unique3A_529 = tpu.scan_count mask(%broadcast_in_dim3A_527 : vector<16xi1>) value(%get3A_525 : vector<16xi32>) : vector<16xi1>, vector<16xi32>
      %convert_element_type3A_530 = arith.sitofp %unique3A_529 : vector<16xi32> to vector<16xf32>
      tpu.vector_store_idx %arg17[%get3A_525], %convert_element_type3A_530 masked %unique3A_528 {add = true} : memref<10240xf32, #tpu.memory_space<vmem>>[vector<16xi32>], vector<16xf32>, vector<16xi1>
      %get3A_531 = arith.constant 0 : i32
      %get3A_532 = arith.constant 4 : i32
      %get3A_533 = arith.index_cast %get3A_531 : i32 to index
      %get3A_534 = arith.index_cast %get3A_532 : i32 to index
      %get3A_535 = arith.constant 112 : index
      %get3A_536 = tpu.vector_load %arg10[%get3A_533, %get3A_534, %get3A_535] {strides = array<i32>} : memref<2x8x128xi32, #tpu.memory_space<vmem>>, vector<16xi32>,
      %broadcast_in_dim3A_537 = arith.constant true
      %broadcast_in_dim3A_538 = vector.broadcast %broadcast_in_dim3A_537 : i1 to vector<16xi1>
      %unique3A_539, %unique3A_540 = tpu.scan_count mask(%broadcast_in_dim3A_538 : vector<16xi1>) value(%get3A_536 : vector<16xi32>) : vector<16xi1>, vector<16xi32>
      %convert_element_type3A_541 = arith.sitofp %unique3A_540 : vector<16xi32> to vector<16xf32>
      tpu.vector_store_idx %arg17[%get3A_536], %convert_element_type3A_541 masked %unique3A_539 {add = true} : memref<10240xf32, #tpu.memory_space<vmem>>[vector<16xi32>], vector<16xf32>, vector<16xi1>
      %get3A_542 = arith.constant 0 : i32
      %get3A_543 = arith.constant 5 : i32
      %get3A_544 = arith.index_cast %get3A_542 : i32 to index
      %get3A_545 = arith.index_cast %get3A_543 : i32 to index
      %get3A_546 = arith.constant 0 : index
      %get3A_547 = tpu.vector_load %arg10[%get3A_544, %get3A_545, %get3A_546] {strides = array<i32>} : memref<2x8x128xi32, #tpu.memory_space<vmem>>, vector<16xi32>,
      %broadcast_in_dim3A_548 = arith.constant true
      %broadcast_in_dim3A_549 = vector.broadcast %broadcast_in_dim3A_548 : i1 to vector<16xi1>
      %unique3A_550, %unique3A_551 = tpu.scan_count mask(%broadcast_in_dim3A_549 : vector<16xi1>) value(%get3A_547 : vector<16xi32>) : vector<16xi1>, vector<16xi32>
      %convert_element_type3A_552 = arith.sitofp %unique3A_551 : vector<16xi32> to vector<16xf32>
      tpu.vector_store_idx %arg17[%get3A_547], %convert_element_type3A_552 masked %unique3A_550 {add = true} : memref<10240xf32, #tpu.memory_space<vmem>>[vector<16xi32>], vector<16xf32>, vector<16xi1>
      %get3A_553 = arith.constant 0 : i32
      %get3A_554 = arith.constant 5 : i32
      %get3A_555 = arith.index_cast %get3A_553 : i32 to index
      %get3A_556 = arith.index_cast %get3A_554 : i32 to index
      %get3A_557 = arith.constant 16 : index
      %get3A_558 = tpu.vector_load %arg10[%get3A_555, %get3A_556, %get3A_557] {strides = array<i32>} : memref<2x8x128xi32, #tpu.memory_space<vmem>>, vector<16xi32>,
      %broadcast_in_dim3A_559 = arith.constant true
      %broadcast_in_dim3A_560 = vector.broadcast %broadcast_in_dim3A_559 : i1 to vector<16xi1>
      %unique3A_561, %unique3A_562 = tpu.scan_count mask(%broadcast_in_dim3A_560 : vector<16xi1>) value(%get3A_558 : vector<16xi32>) : vector<16xi1>, vector<16xi32>
      %convert_element_type3A_563 = arith.sitofp %unique3A_562 : vector<16xi32> to vector<16xf32>
      tpu.vector_store_idx %arg17[%get3A_558], %convert_element_type3A_563 masked %unique3A_561 {add = true} : memref<10240xf32, #tpu.memory_space<vmem>>[vector<16xi32>], vector<16xf32>, vector<16xi1>
      %get3A_564 = arith.constant 0 : i32
      %get3A_565 = arith.constant 5 : i32
      %get3A_566 = arith.index_cast %get3A_564 : i32 to index
      %get3A_567 = arith.index_cast %get3A_565 : i32 to index
      %get3A_568 = arith.constant 32 : index
      %get3A_569 = tpu.vector_load %arg10[%get3A_566, %get3A_567, %get3A_568] {strides = array<i32>} : memref<2x8x128xi32, #tpu.memory_space<vmem>>, vector<16xi32>,
      %broadcast_in_dim3A_570 = arith.constant true
      %broadcast_in_dim3A_571 = vector.broadcast %broadcast_in_dim3A_570 : i1 to vector<16xi1>
      %unique3A_572, %unique3A_573 = tpu.scan_count mask(%broadcast_in_dim3A_571 : vector<16xi1>) value(%get3A_569 : vector<16xi32>) : vector<16xi1>, vector<16xi32>
      %convert_element_type3A_574 = arith.sitofp %unique3A_573 : vector<16xi32> to vector<16xf32>
      tpu.vector_store_idx %arg17[%get3A_569], %convert_element_type3A_574 masked %unique3A_572 {add = true} : memref<10240xf32, #tpu.memory_space<vmem>>[vector<16xi32>], vector<16xf32>, vector<16xi1>
      %get3A_575 = arith.constant 0 : i32
      %get3A_576 = arith.constant 5 : i32
      %get3A_577 = arith.index_cast %get3A_575 : i32 to index
      %get3A_578 = arith.index_cast %get3A_576 : i32 to index
      %get3A_579 = arith.constant 48 : index
      %get3A_580 = tpu.vector_load %arg10[%get3A_577, %get3A_578, %get3A_579] {strides = array<i32>} : memref<2x8x128xi32, #tpu.memory_space<vmem>>, vector<16xi32>,
      %broadcast_in_dim3A_581 = arith.constant true
      %broadcast_in_dim3A_582 = vector.broadcast %broadcast_in_dim3A_581 : i1 to vector<16xi1>
      %unique3A_583, %unique3A_584 = tpu.scan_count mask(%broadcast_in_dim3A_582 : vector<16xi1>) value(%get3A_580 : vector<16xi32>) : vector<16xi1>, vector<16xi32>
      %convert_element_type3A_585 = arith.sitofp %unique3A_584 : vector<16xi32> to vector<16xf32>
      tpu.vector_store_idx %arg17[%get3A_580], %convert_element_type3A_585 masked %unique3A_583 {add = true} : memref<10240xf32, #tpu.memory_space<vmem>>[vector<16xi32>], vector<16xf32>, vector<16xi1>
      %get3A_586 = arith.constant 0 : i32
      %get3A_587 = arith.constant 5 : i32
      %get3A_588 = arith.index_cast %get3A_586 : i32 to index
      %get3A_589 = arith.index_cast %get3A_587 : i32 to index
      %get3A_590 = arith.constant 64 : index
      %get3A_591 = tpu.vector_load %arg10[%get3A_588, %get3A_589, %get3A_590] {strides = array<i32>} : memref<2x8x128xi32, #tpu.memory_space<vmem>>, vector<16xi32>,
      %broadcast_in_dim3A_592 = arith.constant true
      %broadcast_in_dim3A_593 = vector.broadcast %broadcast_in_dim3A_592 : i1 to vector<16xi1>
      %unique3A_594, %unique3A_595 = tpu.scan_count mask(%broadcast_in_dim3A_593 : vector<16xi1>) value(%get3A_591 : vector<16xi32>) : vector<16xi1>, vector<16xi32>
      %convert_element_type3A_596 = arith.sitofp %unique3A_595 : vector<16xi32> to vector<16xf32>
      tpu.vector_store_idx %arg17[%get3A_591], %convert_element_type3A_596 masked %unique3A_594 {add = true} : memref<10240xf32, #tpu.memory_space<vmem>>[vector<16xi32>], vector<16xf32>, vector<16xi1>
      %get3A_597 = arith.constant 0 : i32
      %get3A_598 = arith.constant 5 : i32
      %get3A_599 = arith.index_cast %get3A_597 : i32 to index
      %get3A_600 = arith.index_cast %get3A_598 : i32 to index
      %get3A_601 = arith.constant 80 : index
      %get3A_602 = tpu.vector_load %arg10[%get3A_599, %get3A_600, %get3A_601] {strides = array<i32>} : memref<2x8x128xi32, #tpu.memory_space<vmem>>, vector<16xi32>,
      %broadcast_in_dim3A_603 = arith.constant true
      %broadcast_in_dim3A_604 = vector.broadcast %broadcast_in_dim3A_603 : i1 to vector<16xi1>
      %unique3A_605, %unique3A_606 = tpu.scan_count mask(%broadcast_in_dim3A_604 : vector<16xi1>) value(%get3A_602 : vector<16xi32>) : vector<16xi1>, vector<16xi32>
      %convert_element_type3A_607 = arith.sitofp %unique3A_606 : vector<16xi32> to vector<16xf32>
      tpu.vector_store_idx %arg17[%get3A_602], %convert_element_type3A_607 masked %unique3A_605 {add = true} : memref<10240xf32, #tpu.memory_space<vmem>>[vector<16xi32>], vector<16xf32>, vector<16xi1>
      %get3A_608 = arith.constant 0 : i32
      %get3A_609 = arith.constant 5 : i32
      %get3A_610 = arith.index_cast %get3A_608 : i32 to index
      %get3A_611 = arith.index_cast %get3A_609 : i32 to index
      %get3A_612 = arith.constant 96 : index
      %get3A_613 = tpu.vector_load %arg10[%get3A_610, %get3A_611, %get3A_612] {strides = array<i32>} : memref<2x8x128xi32, #tpu.memory_space<vmem>>, vector<16xi32>,
      %broadcast_in_dim3A_614 = arith.constant true
      %broadcast_in_dim3A_615 = vector.broadcast %broadcast_in_dim3A_614 : i1 to vector<16xi1>
      %unique3A_616, %unique3A_617 = tpu.scan_count mask(%broadcast_in_dim3A_615 : vector<16xi1>) value(%get3A_613 : vector<16xi32>) : vector<16xi1>, vector<16xi32>
      %convert_element_type3A_618 = arith.sitofp %unique3A_617 : vector<16xi32> to vector<16xf32>
      tpu.vector_store_idx %arg17[%get3A_613], %convert_element_type3A_618 masked %unique3A_616 {add = true} : memref<10240xf32, #tpu.memory_space<vmem>>[vector<16xi32>], vector<16xf32>, vector<16xi1>
      %get3A_619 = arith.constant 0 : i32
      %get3A_620 = arith.constant 5 : i32
      %get3A_621 = arith.index_cast %get3A_619 : i32 to index
      %get3A_622 = arith.index_cast %get3A_620 : i32 to index
      %get3A_623 = arith.constant 112 : index
      %get3A_624 = tpu.vector_load %arg10[%get3A_621, %get3A_622, %get3A_623] {strides = array<i32>} : memref<2x8x128xi32, #tpu.memory_space<vmem>>, vector<16xi32>,
      %broadcast_in_dim3A_625 = arith.constant true
      %broadcast_in_dim3A_626 = vector.broadcast %broadcast_in_dim3A_625 : i1 to vector<16xi1>
      %unique3A_627, %unique3A_628 = tpu.scan_count mask(%broadcast_in_dim3A_626 : vector<16xi1>) value(%get3A_624 : vector<16xi32>) : vector<16xi1>, vector<16xi32>
      %convert_element_type3A_629 = arith.sitofp %unique3A_628 : vector<16xi32> to vector<16xf32>
      tpu.vector_store_idx %arg17[%get3A_624], %convert_element_type3A_629 masked %unique3A_627 {add = true} : memref<10240xf32, #tpu.memory_space<vmem>>[vector<16xi32>], vector<16xf32>, vector<16xi1>
      %get3A_630 = arith.constant 0 : i32
      %get3A_631 = arith.constant 6 : i32
      %get3A_632 = arith.index_cast %get3A_630 : i32 to index
      %get3A_633 = arith.index_cast %get3A_631 : i32 to index
      %get3A_634 = arith.constant 0 : index
      %get3A_635 = tpu.vector_load %arg10[%get3A_632, %get3A_633, %get3A_634] {strides = array<i32>} : memref<2x8x128xi32, #tpu.memory_space<vmem>>, vector<16xi32>,
      %broadcast_in_dim3A_636 = arith.constant true
      %broadcast_in_dim3A_637 = vector.broadcast %broadcast_in_dim3A_636 : i1 to vector<16xi1>
      %unique3A_638, %unique3A_639 = tpu.scan_count mask(%broadcast_in_dim3A_637 : vector<16xi1>) value(%get3A_635 : vector<16xi32>) : vector<16xi1>, vector<16xi32>
      %convert_element_type3A_640 = arith.sitofp %unique3A_639 : vector<16xi32> to vector<16xf32>
      tpu.vector_store_idx %arg17[%get3A_635], %convert_element_type3A_640 masked %unique3A_638 {add = true} : memref<10240xf32, #tpu.memory_space<vmem>>[vector<16xi32>], vector<16xf32>, vector<16xi1>
      %get3A_641 = arith.constant 0 : i32
      %get3A_642 = arith.constant 6 : i32
      %get3A_643 = arith.index_cast %get3A_641 : i32 to index
      %get3A_644 = arith.index_cast %get3A_642 : i32 to index
      %get3A_645 = arith.constant 16 : index
      %get3A_646 = tpu.vector_load %arg10[%get3A_643, %get3A_644, %get3A_645] {strides = array<i32>} : memref<2x8x128xi32, #tpu.memory_space<vmem>>, vector<16xi32>,
      %broadcast_in_dim3A_647 = arith.constant true
      %broadcast_in_dim3A_648 = vector.broadcast %broadcast_in_dim3A_647 : i1 to vector<16xi1>
      %unique3A_649, %unique3A_650 = tpu.scan_count mask(%broadcast_in_dim3A_648 : vector<16xi1>) value(%get3A_646 : vector<16xi32>) : vector<16xi1>, vector<16xi32>
      %convert_element_type3A_651 = arith.sitofp %unique3A_650 : vector<16xi32> to vector<16xf32>
      tpu.vector_store_idx %arg17[%get3A_646], %convert_element_type3A_651 masked %unique3A_649 {add = true} : memref<10240xf32, #tpu.memory_space<vmem>>[vector<16xi32>], vector<16xf32>, vector<16xi1>
      %get3A_652 = arith.constant 0 : i32
      %get3A_653 = arith.constant 6 : i32
      %get3A_654 = arith.index_cast %get3A_652 : i32 to index
      %get3A_655 = arith.index_cast %get3A_653 : i32 to index
      %get3A_656 = arith.constant 32 : index
      %get3A_657 = tpu.vector_load %arg10[%get3A_654, %get3A_655, %get3A_656] {strides = array<i32>} : memref<2x8x128xi32, #tpu.memory_space<vmem>>, vector<16xi32>,
      %broadcast_in_dim3A_658 = arith.constant true
      %broadcast_in_dim3A_659 = vector.broadcast %broadcast_in_dim3A_658 : i1 to vector<16xi1>
      %unique3A_660, %unique3A_661 = tpu.scan_count mask(%broadcast_in_dim3A_659 : vector<16xi1>) value(%get3A_657 : vector<16xi32>) : vector<16xi1>, vector<16xi32>
      %convert_element_type3A_662 = arith.sitofp %unique3A_661 : vector<16xi32> to vector<16xf32>
      tpu.vector_store_idx %arg17[%get3A_657], %convert_element_type3A_662 masked %unique3A_660 {add = true} : memref<10240xf32, #tpu.memory_space<vmem>>[vector<16xi32>], vector<16xf32>, vector<16xi1>
      %get3A_663 = arith.constant 0 : i32
      %get3A_664 = arith.constant 6 : i32
      %get3A_665 = arith.index_cast %get3A_663 : i32 to index
      %get3A_666 = arith.index_cast %get3A_664 : i32 to index
      %get3A_667 = arith.constant 48 : index
      %get3A_668 = tpu.vector_load %arg10[%get3A_665, %get3A_666, %get3A_667] {strides = array<i32>} : memref<2x8x128xi32, #tpu.memory_space<vmem>>, vector<16xi32>,
      %broadcast_in_dim3A_669 = arith.constant true
      %broadcast_in_dim3A_670 = vector.broadcast %broadcast_in_dim3A_669 : i1 to vector<16xi1>
      %unique3A_671, %unique3A_672 = tpu.scan_count mask(%broadcast_in_dim3A_670 : vector<16xi1>) value(%get3A_668 : vector<16xi32>) : vector<16xi1>, vector<16xi32>
      %convert_element_type3A_673 = arith.sitofp %unique3A_672 : vector<16xi32> to vector<16xf32>
      tpu.vector_store_idx %arg17[%get3A_668], %convert_element_type3A_673 masked %unique3A_671 {add = true} : memref<10240xf32, #tpu.memory_space<vmem>>[vector<16xi32>], vector<16xf32>, vector<16xi1>
      %get3A_674 = arith.constant 0 : i32
      %get3A_675 = arith.constant 6 : i32
      %get3A_676 = arith.index_cast %get3A_674 : i32 to index
      %get3A_677 = arith.index_cast %get3A_675 : i32 to index
      %get3A_678 = arith.constant 64 : index
      %get3A_679 = tpu.vector_load %arg10[%get3A_676, %get3A_677, %get3A_678] {strides = array<i32>} : memref<2x8x128xi32, #tpu.memory_space<vmem>>, vector<16xi32>,
      %broadcast_in_dim3A_680 = arith.constant true
      %broadcast_in_dim3A_681 = vector.broadcast %broadcast_in_dim3A_680 : i1 to vector<16xi1>
      %unique3A_682, %unique3A_683 = tpu.scan_count mask(%broadcast_in_dim3A_681 : vector<16xi1>) value(%get3A_679 : vector<16xi32>) : vector<16xi1>, vector<16xi32>
      %convert_element_type3A_684 = arith.sitofp %unique3A_683 : vector<16xi32> to vector<16xf32>
      tpu.vector_store_idx %arg17[%get3A_679], %convert_element_type3A_684 masked %unique3A_682 {add = true} : memref<10240xf32, #tpu.memory_space<vmem>>[vector<16xi32>], vector<16xf32>, vector<16xi1>
      %get3A_685 = arith.constant 0 : i32
      %get3A_686 = arith.constant 6 : i32
      %get3A_687 = arith.index_cast %get3A_685 : i32 to index
      %get3A_688 = arith.index_cast %get3A_686 : i32 to index
      %get3A_689 = arith.constant 80 : index
      %get3A_690 = tpu.vector_load %arg10[%get3A_687, %get3A_688, %get3A_689] {strides = array<i32>} : memref<2x8x128xi32, #tpu.memory_space<vmem>>, vector<16xi32>,
      %broadcast_in_dim3A_691 = arith.constant true
      %broadcast_in_dim3A_692 = vector.broadcast %broadcast_in_dim3A_691 : i1 to vector<16xi1>
      %unique3A_693, %unique3A_694 = tpu.scan_count mask(%broadcast_in_dim3A_692 : vector<16xi1>) value(%get3A_690 : vector<16xi32>) : vector<16xi1>, vector<16xi32>
      %convert_element_type3A_695 = arith.sitofp %unique3A_694 : vector<16xi32> to vector<16xf32>
      tpu.vector_store_idx %arg17[%get3A_690], %convert_element_type3A_695 masked %unique3A_693 {add = true} : memref<10240xf32, #tpu.memory_space<vmem>>[vector<16xi32>], vector<16xf32>, vector<16xi1>
      %get3A_696 = arith.constant 0 : i32
      %get3A_697 = arith.constant 6 : i32
      %get3A_698 = arith.index_cast %get3A_696 : i32 to index
      %get3A_699 = arith.index_cast %get3A_697 : i32 to index
      %get3A_700 = arith.constant 96 : index
      %get3A_701 = tpu.vector_load %arg10[%get3A_698, %get3A_699, %get3A_700] {strides = array<i32>} : memref<2x8x128xi32, #tpu.memory_space<vmem>>, vector<16xi32>,
      %broadcast_in_dim3A_702 = arith.constant true
      %broadcast_in_dim3A_703 = vector.broadcast %broadcast_in_dim3A_702 : i1 to vector<16xi1>
      %unique3A_704, %unique3A_705 = tpu.scan_count mask(%broadcast_in_dim3A_703 : vector<16xi1>) value(%get3A_701 : vector<16xi32>) : vector<16xi1>, vector<16xi32>
      %convert_element_type3A_706 = arith.sitofp %unique3A_705 : vector<16xi32> to vector<16xf32>
      tpu.vector_store_idx %arg17[%get3A_701], %convert_element_type3A_706 masked %unique3A_704 {add = true} : memref<10240xf32, #tpu.memory_space<vmem>>[vector<16xi32>], vector<16xf32>, vector<16xi1>
      %get3A_707 = arith.constant 0 : i32
      %get3A_708 = arith.constant 6 : i32
      %get3A_709 = arith.index_cast %get3A_707 : i32 to index
      %get3A_710 = arith.index_cast %get3A_708 : i32 to index
      %get3A_711 = arith.constant 112 : index
      %get3A_712 = tpu.vector_load %arg10[%get3A_709, %get3A_710, %get3A_711] {strides = array<i32>} : memref<2x8x128xi32, #tpu.memory_space<vmem>>, vector<16xi32>,
      %broadcast_in_dim3A_713 = arith.constant true
      %broadcast_in_dim3A_714 = vector.broadcast %broadcast_in_dim3A_713 : i1 to vector<16xi1>
      %unique3A_715, %unique3A_716 = tpu.scan_count mask(%broadcast_in_dim3A_714 : vector<16xi1>) value(%get3A_712 : vector<16xi32>) : vector<16xi1>, vector<16xi32>
      %convert_element_type3A_717 = arith.sitofp %unique3A_716 : vector<16xi32> to vector<16xf32>
      tpu.vector_store_idx %arg17[%get3A_712], %convert_element_type3A_717 masked %unique3A_715 {add = true} : memref<10240xf32, #tpu.memory_space<vmem>>[vector<16xi32>], vector<16xf32>, vector<16xi1>
      %get3A_718 = arith.constant 0 : i32
      %get3A_719 = arith.constant 7 : i32
      %get3A_720 = arith.index_cast %get3A_718 : i32 to index
      %get3A_721 = arith.index_cast %get3A_719 : i32 to index
      %get3A_722 = arith.constant 0 : index
      %get3A_723 = tpu.vector_load %arg10[%get3A_720, %get3A_721, %get3A_722] {strides = array<i32>} : memref<2x8x128xi32, #tpu.memory_space<vmem>>, vector<16xi32>,
      %broadcast_in_dim3A_724 = arith.constant true
      %broadcast_in_dim3A_725 = vector.broadcast %broadcast_in_dim3A_724 : i1 to vector<16xi1>
      %unique3A_726, %unique3A_727 = tpu.scan_count mask(%broadcast_in_dim3A_725 : vector<16xi1>) value(%get3A_723 : vector<16xi32>) : vector<16xi1>, vector<16xi32>
      %convert_element_type3A_728 = arith.sitofp %unique3A_727 : vector<16xi32> to vector<16xf32>
      tpu.vector_store_idx %arg17[%get3A_723], %convert_element_type3A_728 masked %unique3A_726 {add = true} : memref<10240xf32, #tpu.memory_space<vmem>>[vector<16xi32>], vector<16xf32>, vector<16xi1>
      %get3A_729 = arith.constant 0 : i32
      %get3A_730 = arith.constant 7 : i32
      %get3A_731 = arith.index_cast %get3A_729 : i32 to index
      %get3A_732 = arith.index_cast %get3A_730 : i32 to index
      %get3A_733 = arith.constant 16 : index
      %get3A_734 = tpu.vector_load %arg10[%get3A_731, %get3A_732, %get3A_733] {strides = array<i32>} : memref<2x8x128xi32, #tpu.memory_space<vmem>>, vector<16xi32>,
      %broadcast_in_dim3A_735 = arith.constant true
      %broadcast_in_dim3A_736 = vector.broadcast %broadcast_in_dim3A_735 : i1 to vector<16xi1>
      %unique3A_737, %unique3A_738 = tpu.scan_count mask(%broadcast_in_dim3A_736 : vector<16xi1>) value(%get3A_734 : vector<16xi32>) : vector<16xi1>, vector<16xi32>
      %convert_element_type3A_739 = arith.sitofp %unique3A_738 : vector<16xi32> to vector<16xf32>
      tpu.vector_store_idx %arg17[%get3A_734], %convert_element_type3A_739 masked %unique3A_737 {add = true} : memref<10240xf32, #tpu.memory_space<vmem>>[vector<16xi32>], vector<16xf32>, vector<16xi1>
      %get3A_740 = arith.constant 0 : i32
      %get3A_741 = arith.constant 7 : i32
      %get3A_742 = arith.index_cast %get3A_740 : i32 to index
      %get3A_743 = arith.index_cast %get3A_741 : i32 to index
      %get3A_744 = arith.constant 32 : index
      %get3A_745 = tpu.vector_load %arg10[%get3A_742, %get3A_743, %get3A_744] {strides = array<i32>} : memref<2x8x128xi32, #tpu.memory_space<vmem>>, vector<16xi32>,
      %broadcast_in_dim3A_746 = arith.constant true
      %broadcast_in_dim3A_747 = vector.broadcast %broadcast_in_dim3A_746 : i1 to vector<16xi1>
      %unique3A_748, %unique3A_749 = tpu.scan_count mask(%broadcast_in_dim3A_747 : vector<16xi1>) value(%get3A_745 : vector<16xi32>) : vector<16xi1>, vector<16xi32>
      %convert_element_type3A_750 = arith.sitofp %unique3A_749 : vector<16xi32> to vector<16xf32>
      tpu.vector_store_idx %arg17[%get3A_745], %convert_element_type3A_750 masked %unique3A_748 {add = true} : memref<10240xf32, #tpu.memory_space<vmem>>[vector<16xi32>], vector<16xf32>, vector<16xi1>
      %get3A_751 = arith.constant 0 : i32
      %get3A_752 = arith.constant 7 : i32
      %get3A_753 = arith.index_cast %get3A_751 : i32 to index
      %get3A_754 = arith.index_cast %get3A_752 : i32 to index
      %get3A_755 = arith.constant 48 : index
      %get3A_756 = tpu.vector_load %arg10[%get3A_753, %get3A_754, %get3A_755] {strides = array<i32>} : memref<2x8x128xi32, #tpu.memory_space<vmem>>, vector<16xi32>,
      %broadcast_in_dim3A_757 = arith.constant true
      %broadcast_in_dim3A_758 = vector.broadcast %broadcast_in_dim3A_757 : i1 to vector<16xi1>
      %unique3A_759, %unique3A_760 = tpu.scan_count mask(%broadcast_in_dim3A_758 : vector<16xi1>) value(%get3A_756 : vector<16xi32>) : vector<16xi1>, vector<16xi32>
      %convert_element_type3A_761 = arith.sitofp %unique3A_760 : vector<16xi32> to vector<16xf32>
      tpu.vector_store_idx %arg17[%get3A_756], %convert_element_type3A_761 masked %unique3A_759 {add = true} : memref<10240xf32, #tpu.memory_space<vmem>>[vector<16xi32>], vector<16xf32>, vector<16xi1>
      %get3A_762 = arith.constant 0 : i32
      %get3A_763 = arith.constant 7 : i32
      %get3A_764 = arith.index_cast %get3A_762 : i32 to index
      %get3A_765 = arith.index_cast %get3A_763 : i32 to index
      %get3A_766 = arith.constant 64 : index
      %get3A_767 = tpu.vector_load %arg10[%get3A_764, %get3A_765, %get3A_766] {strides = array<i32>} : memref<2x8x128xi32, #tpu.memory_space<vmem>>, vector<16xi32>,
      %broadcast_in_dim3A_768 = arith.constant true
      %broadcast_in_dim3A_769 = vector.broadcast %broadcast_in_dim3A_768 : i1 to vector<16xi1>
      %unique3A_770, %unique3A_771 = tpu.scan_count mask(%broadcast_in_dim3A_769 : vector<16xi1>) value(%get3A_767 : vector<16xi32>) : vector<16xi1>, vector<16xi32>
      %convert_element_type3A_772 = arith.sitofp %unique3A_771 : vector<16xi32> to vector<16xf32>
      tpu.vector_store_idx %arg17[%get3A_767], %convert_element_type3A_772 masked %unique3A_770 {add = true} : memref<10240xf32, #tpu.memory_space<vmem>>[vector<16xi32>], vector<16xf32>, vector<16xi1>
      %get3A_773 = arith.constant 0 : i32
      %get3A_774 = arith.constant 7 : i32
      %get3A_775 = arith.index_cast %get3A_773 : i32 to index
      %get3A_776 = arith.index_cast %get3A_774 : i32 to index
      %get3A_777 = arith.constant 80 : index
      %get3A_778 = tpu.vector_load %arg10[%get3A_775, %get3A_776, %get3A_777] {strides = array<i32>} : memref<2x8x128xi32, #tpu.memory_space<vmem>>, vector<16xi32>,
      %broadcast_in_dim3A_779 = arith.constant true
      %broadcast_in_dim3A_780 = vector.broadcast %broadcast_in_dim3A_779 : i1 to vector<16xi1>
      %unique3A_781, %unique3A_782 = tpu.scan_count mask(%broadcast_in_dim3A_780 : vector<16xi1>) value(%get3A_778 : vector<16xi32>) : vector<16xi1>, vector<16xi32>
      %convert_element_type3A_783 = arith.sitofp %unique3A_782 : vector<16xi32> to vector<16xf32>
      tpu.vector_store_idx %arg17[%get3A_778], %convert_element_type3A_783 masked %unique3A_781 {add = true} : memref<10240xf32, #tpu.memory_space<vmem>>[vector<16xi32>], vector<16xf32>, vector<16xi1>
      %get3A_784 = arith.constant 0 : i32
      %get3A_785 = arith.constant 7 : i32
      %get3A_786 = arith.index_cast %get3A_784 : i32 to index
      %get3A_787 = arith.index_cast %get3A_785 : i32 to index
      %get3A_788 = arith.constant 96 : index
      %get3A_789 = tpu.vector_load %arg10[%get3A_786, %get3A_787, %get3A_788] {strides = array<i32>} : memref<2x8x128xi32, #tpu.memory_space<vmem>>, vector<16xi32>,
      %broadcast_in_dim3A_790 = arith.constant true
      %broadcast_in_dim3A_791 = vector.broadcast %broadcast_in_dim3A_790 : i1 to vector<16xi1>
      %unique3A_792, %unique3A_793 = tpu.scan_count mask(%broadcast_in_dim3A_791 : vector<16xi1>) value(%get3A_789 : vector<16xi32>) : vector<16xi1>, vector<16xi32>
      %convert_element_type3A_794 = arith.sitofp %unique3A_793 : vector<16xi32> to vector<16xf32>
      tpu.vector_store_idx %arg17[%get3A_789], %convert_element_type3A_794 masked %unique3A_792 {add = true} : memref<10240xf32, #tpu.memory_space<vmem>>[vector<16xi32>], vector<16xf32>, vector<16xi1>
      %get3A_795 = arith.constant 0 : i32
      %get3A_796 = arith.constant 7 : i32
      %get3A_797 = arith.index_cast %get3A_795 : i32 to index
      %get3A_798 = arith.index_cast %get3A_796 : i32 to index
      %get3A_799 = arith.constant 112 : index
      %get3A_800 = tpu.vector_load %arg10[%get3A_797, %get3A_798, %get3A_799] {strides = array<i32>} : memref<2x8x128xi32, #tpu.memory_space<vmem>>, vector<16xi32>,
      %broadcast_in_dim3A_801 = arith.constant true
      %broadcast_in_dim3A_802 = vector.broadcast %broadcast_in_dim3A_801 : i1 to vector<16xi1>
      %unique3A_803, %unique3A_804 = tpu.scan_count mask(%broadcast_in_dim3A_802 : vector<16xi1>) value(%get3A_800 : vector<16xi32>) : vector<16xi1>, vector<16xi32>
      %convert_element_type3A_805 = arith.sitofp %unique3A_804 : vector<16xi32> to vector<16xf32>
      tpu.vector_store_idx %arg17[%get3A_800], %convert_element_type3A_805 masked %unique3A_803 {add = true} : memref<10240xf32, #tpu.memory_space<vmem>>[vector<16xi32>], vector<16xf32>, vector<16xi1>
      %dma_start3A_806 = arith.constant 0 : i32
      %dma_start3A_807 = arith.constant 0 : i32
      %dma_start3A_808 = arith.constant 0 : i32
      %dma_start3A_809 = arith.constant 0 : i32
      %dma_start3A_810 = arith.constant 0 : i32
      %dma_start3A_811 = tpu.memref_slice %arg11[%dma_start3A_808, %dma_start3A_809, %dma_start3A_810] : memref<2x128x128xf32, #tpu.memory_space<vmem>> -> memref<1x128x128xf32, #tpu.memory_space<vmem>>
      %dma_start3A_812 = tpu.memref_squeeze %dma_start3A_811 : memref<1x128x128xf32, #tpu.memory_space<vmem>> -> memref<128x128xf32, #tpu.memory_space<vmem>>
      %dma_start3A_813 = arith.constant 0 : i32
      %dma_start3A_814 = tpu.memref_slice %arg9[%dma_start3A_806, %dma_start3A_807, %dma_start3A_813] : memref<2x8x128xi32, #tpu.memory_space<vmem>> -> memref<1x1x128xi32, #tpu.memory_space<vmem>>
      %dma_start3A_815 = tpu.memref_squeeze %dma_start3A_814 : memref<1x1x128xi32, #tpu.memory_space<vmem>> -> memref<128xi32, #tpu.memory_space<vmem>>
      %dma_start3A_816 = arith.constant 0 : i32
      %dma_start3A_817 = arith.constant 0 : i32
      %dma_start3A_818 = tpu.memref_slice %arg2[%dma_start3A_816, %dma_start3A_817] : memref<10000x128xf32, #tpu.memory_space<hbm>> -> memref<10000x128xf32, #tpu.memory_space<hbm>>
      tpu.enqueue_indirect_dma source(%dma_start3A_818 : memref<10000x128xf32, #tpu.memory_space<hbm>>) target(%dma_start3A_812 : memref<128x128xf32, #tpu.memory_space<vmem>>) offsets(%dma_start3A_815 : memref<128xi32, #tpu.memory_space<vmem>>) semaphore(%arg15 : memref<!tpu.dma_semaphore, #tpu.memory_space<semaphore_mem>>)
      %dma_start3A_819 = arith.constant 0 : i32
      %dma_start3A_820 = arith.constant 1 : i32
      %dma_start3A_821 = arith.constant 1 : i32
      %dma_start3A_822 = arith.constant 0 : i32
      %dma_start3A_823 = arith.constant 0 : i32
      %dma_start3A_824 = tpu.memref_slice %arg11[%dma_start3A_821, %dma_start3A_822, %dma_start3A_823] : memref<2x128x128xf32, #tpu.memory_space<vmem>> -> memref<1x128x128xf32, #tpu.memory_space<vmem>>
      %dma_start3A_825 = tpu.memref_squeeze %dma_start3A_824 : memref<1x128x128xf32, #tpu.memory_space<vmem>> -> memref<128x128xf32, #tpu.memory_space<vmem>>
      %dma_start3A_826 = arith.constant 0 : i32
      %dma_start3A_827 = tpu.memref_slice %arg9[%dma_start3A_819, %dma_start3A_820, %dma_start3A_826] : memref<2x8x128xi32, #tpu.memory_space<vmem>> -> memref<1x1x128xi32, #tpu.memory_space<vmem>>
      %dma_start3A_828 = tpu.memref_squeeze %dma_start3A_827 : memref<1x1x128xi32, #tpu.memory_space<vmem>> -> memref<128xi32, #tpu.memory_space<vmem>>
      %dma_start3A_829 = arith.constant 0 : i32
      %dma_start3A_830 = arith.constant 0 : i32
      %dma_start3A_831 = tpu.memref_slice %arg2[%dma_start3A_829, %dma_start3A_830] : memref<10000x128xf32, #tpu.memory_space<hbm>> -> memref<10000x128xf32, #tpu.memory_space<hbm>>
      tpu.enqueue_indirect_dma source(%dma_start3A_831 : memref<10000x128xf32, #tpu.memory_space<hbm>>) target(%dma_start3A_825 : memref<128x128xf32, #tpu.memory_space<vmem>>) offsets(%dma_start3A_828 : memref<128xi32, #tpu.memory_space<vmem>>) semaphore(%arg16 : memref<!tpu.dma_semaphore, #tpu.memory_space<semaphore_mem>>)
      %dma_wait3A_832 = arith.constant 0 : i32
      %dma_wait3A_833 = arith.constant 0 : i32
      %dma_wait3A_834 = arith.constant 0 : i32
      %dma_wait3A_835 = arith.constant 0 : i32
      %dma_wait3A_836 = arith.constant 0 : i32
      %dma_wait3A_837 = tpu.memref_slice %arg11[%dma_wait3A_834, %dma_wait3A_835, %dma_wait3A_836] : memref<2x128x128xf32, #tpu.memory_space<vmem>> -> memref<1x128x128xf32, #tpu.memory_space<vmem>>
      %dma_wait3A_838 = tpu.memref_squeeze %dma_wait3A_837 : memref<1x128x128xf32, #tpu.memory_space<vmem>> -> memref<128x128xf32, #tpu.memory_space<vmem>>
      %dma_wait3A_839 = arith.constant 0 : i32
      %dma_wait3A_840 = tpu.memref_slice %arg9[%dma_wait3A_832, %dma_wait3A_833, %dma_wait3A_839] : memref<2x8x128xi32, #tpu.memory_space<vmem>> -> memref<1x1x128xi32, #tpu.memory_space<vmem>>
      %dma_wait3A_841 = tpu.memref_squeeze %dma_wait3A_840 : memref<1x1x128xi32, #tpu.memory_space<vmem>> -> memref<128xi32, #tpu.memory_space<vmem>>
      %dma_wait3A_842 = arith.constant 0 : i32
      %dma_wait3A_843 = arith.constant 0 : i32
      %dma_wait3A_844 = tpu.memref_slice %arg2[%dma_wait3A_842, %dma_wait3A_843] : memref<10000x128xf32, #tpu.memory_space<hbm>> -> memref<10000x128xf32, #tpu.memory_space<hbm>>
      tpu.wait_indirect_dma semaphore(%arg15 : memref<!tpu.dma_semaphore, #tpu.memory_space<semaphore_mem>>) src(%dma_wait3A_844 : memref<10000x128xf32, #tpu.memory_space<hbm>>) dst(%dma_wait3A_838 : memref<128x128xf32, #tpu.memory_space<vmem>>)
      %dma_start3A_845 = arith.constant 0 : i32
      %dma_start3A_846 = arith.constant 0 : i32
      %dma_start3A_847 = arith.constant 0 : i32
      %dma_start3A_848 = arith.constant 0 : i32
      %dma_start3A_849 = arith.constant 0 : i32
      %dma_start3A_850 = tpu.memref_slice %arg11[%dma_start3A_845, %dma_start3A_848, %dma_start3A_849] : memref<2x128x128xf32, #tpu.memory_space<vmem>> -> memref<1x128x128xf32, #tpu.memory_space<vmem>>
      %dma_start3A_851 = tpu.memref_squeeze %dma_start3A_850 : memref<1x128x128xf32, #tpu.memory_space<vmem>> -> memref<128x128xf32, #tpu.memory_space<vmem>>
      %dma_start3A_852 = arith.constant 0 : i32
      %dma_start3A_853 = tpu.memref_slice %arg10[%dma_start3A_846, %dma_start3A_847, %dma_start3A_852] : memref<2x8x128xi32, #tpu.memory_space<vmem>> -> memref<1x1x128xi32, #tpu.memory_space<vmem>>
      %dma_start3A_854 = tpu.memref_squeeze %dma_start3A_853 : memref<1x1x128xi32, #tpu.memory_space<vmem>> -> memref<128xi32, #tpu.memory_space<vmem>>
      %dma_start3A_855 = arith.constant 0 : i32
      %dma_start3A_856 = arith.constant 0 : i32
      %dma_start3A_857 = tpu.memref_slice %arg12[%dma_start3A_855, %dma_start3A_856] : memref<10240x128xf32, #tpu.memory_space<vmem_shared>> -> memref<10240x128xf32, #tpu.memory_space<vmem_shared>>
      tpu.enqueue_indirect_dma source(%dma_start3A_851 : memref<128x128xf32, #tpu.memory_space<vmem>>) target(%dma_start3A_857 : memref<10240x128xf32, #tpu.memory_space<vmem_shared>>) offsets(%dma_start3A_854 : memref<128xi32, #tpu.memory_space<vmem>>) semaphore(%arg13 : memref<!tpu.dma_semaphore, #tpu.memory_space<semaphore_mem>>) {add = true}
      %dma_wait3A_858 = arith.constant 0 : i32
      %dma_wait3A_859 = arith.constant 1 : i32
      %dma_wait3A_860 = arith.constant 1 : i32
      %dma_wait3A_861 = arith.constant 0 : i32
      %dma_wait3A_862 = arith.constant 0 : i32
      %dma_wait3A_863 = tpu.memref_slice %arg11[%dma_wait3A_860, %dma_wait3A_861, %dma_wait3A_862] : memref<2x128x128xf32, #tpu.memory_space<vmem>> -> memref<1x128x128xf32, #tpu.memory_space<vmem>>
      %dma_wait3A_864 = tpu.memref_squeeze %dma_wait3A_863 : memref<1x128x128xf32, #tpu.memory_space<vmem>> -> memref<128x128xf32, #tpu.memory_space<vmem>>
      %dma_wait3A_865 = arith.constant 0 : i32
      %dma_wait3A_866 = tpu.memref_slice %arg9[%dma_wait3A_858, %dma_wait3A_859, %dma_wait3A_865] : memref<2x8x128xi32, #tpu.memory_space<vmem>> -> memref<1x1x128xi32, #tpu.memory_space<vmem>>
      %dma_wait3A_867 = tpu.memref_squeeze %dma_wait3A_866 : memref<1x1x128xi32, #tpu.memory_space<vmem>> -> memref<128xi32, #tpu.memory_space<vmem>>
      %dma_wait3A_868 = arith.constant 0 : i32
      %dma_wait3A_869 = arith.constant 0 : i32
      %dma_wait3A_870 = tpu.memref_slice %arg2[%dma_wait3A_868, %dma_wait3A_869] : memref<10000x128xf32, #tpu.memory_space<hbm>> -> memref<10000x128xf32, #tpu.memory_space<hbm>>
      tpu.wait_indirect_dma semaphore(%arg16 : memref<!tpu.dma_semaphore, #tpu.memory_space<semaphore_mem>>) src(%dma_wait3A_870 : memref<10000x128xf32, #tpu.memory_space<hbm>>) dst(%dma_wait3A_864 : memref<128x128xf32, #tpu.memory_space<vmem>>)
      %dma_start3A_871 = arith.constant 1 : i32
      %dma_start3A_872 = arith.constant 0 : i32
      %dma_start3A_873 = arith.constant 1 : i32
      %dma_start3A_874 = arith.constant 0 : i32
      %dma_start3A_875 = arith.constant 0 : i32
      %dma_start3A_876 = tpu.memref_slice %arg11[%dma_start3A_871, %dma_start3A_874, %dma_start3A_875] : memref<2x128x128xf32, #tpu.memory_space<vmem>> -> memref<1x128x128xf32, #tpu.memory_space<vmem>>
      %dma_start3A_877 = tpu.memref_squeeze %dma_start3A_876 : memref<1x128x128xf32, #tpu.memory_space<vmem>> -> memref<128x128xf32, #tpu.memory_space<vmem>>
      %dma_start3A_878 = arith.constant 0 : i32
      %dma_start3A_879 = tpu.memref_slice %arg10[%dma_start3A_872, %dma_start3A_873, %dma_start3A_878] : memref<2x8x128xi32, #tpu.memory_space<vmem>> -> memref<1x1x128xi32, #tpu.memory_space<vmem>>
      %dma_start3A_880 = tpu.memref_squeeze %dma_start3A_879 : memref<1x1x128xi32, #tpu.memory_space<vmem>> -> memref<128xi32, #tpu.memory_space<vmem>>
      %dma_start3A_881 = arith.constant 0 : i32
      %dma_start3A_882 = arith.constant 0 : i32
      %dma_start3A_883 = tpu.memref_slice %arg12[%dma_start3A_881, %dma_start3A_882] : memref<10240x128xf32, #tpu.memory_space<vmem_shared>> -> memref<10240x128xf32, #tpu.memory_space<vmem_shared>>
      tpu.enqueue_indirect_dma source(%dma_start3A_877 : memref<128x128xf32, #tpu.memory_space<vmem>>) target(%dma_start3A_883 : memref<10240x128xf32, #tpu.memory_space<vmem_shared>>) offsets(%dma_start3A_880 : memref<128xi32, #tpu.memory_space<vmem>>) semaphore(%arg13 : memref<!tpu.dma_semaphore, #tpu.memory_space<semaphore_mem>>) {add = true}
      %dma_wait3A_884 = arith.constant 0 : i32
      %dma_wait3A_885 = arith.constant 0 : i32
      %dma_wait3A_886 = arith.constant 0 : i32
      %dma_wait3A_887 = arith.constant 0 : i32
      %dma_wait3A_888 = arith.constant 0 : i32
      %dma_wait3A_889 = tpu.memref_slice %arg11[%dma_wait3A_884, %dma_wait3A_887, %dma_wait3A_888] : memref<2x128x128xf32, #tpu.memory_space<vmem>> -> memref<1x128x128xf32, #tpu.memory_space<vmem>>
      %dma_wait3A_890 = tpu.memref_squeeze %dma_wait3A_889 : memref<1x128x128xf32, #tpu.memory_space<vmem>> -> memref<128x128xf32, #tpu.memory_space<vmem>>
      %dma_wait3A_891 = arith.constant 0 : i32
      %dma_wait3A_892 = tpu.memref_slice %arg10[%dma_wait3A_885, %dma_wait3A_886, %dma_wait3A_891] : memref<2x8x128xi32, #tpu.memory_space<vmem>> -> memref<1x1x128xi32, #tpu.memory_space<vmem>>
      %dma_wait3A_893 = tpu.memref_squeeze %dma_wait3A_892 : memref<1x1x128xi32, #tpu.memory_space<vmem>> -> memref<128xi32, #tpu.memory_space<vmem>>
      %dma_wait3A_894 = arith.constant 0 : i32
      %dma_wait3A_895 = arith.constant 0 : i32
      %dma_wait3A_896 = tpu.memref_slice %arg12[%dma_wait3A_894, %dma_wait3A_895] : memref<10240x128xf32, #tpu.memory_space<vmem_shared>> -> memref<10240x128xf32, #tpu.memory_space<vmem_shared>>
      tpu.wait_indirect_dma semaphore(%arg13 : memref<!tpu.dma_semaphore, #tpu.memory_space<semaphore_mem>>) src(%dma_wait3A_890 : memref<128x128xf32, #tpu.memory_space<vmem>>) dst(%dma_wait3A_896 : memref<10240x128xf32, #tpu.memory_space<vmem_shared>>)
      %dma_start3A_897 = arith.constant 0 : i32
      %dma_start3A_898 = arith.constant 2 : i32
      %dma_start3A_899 = arith.constant 0 : i32
      %dma_start3A_900 = arith.constant 0 : i32
      %dma_start3A_901 = arith.constant 0 : i32
      %dma_start3A_902 = tpu.memref_slice %arg11[%dma_start3A_899, %dma_start3A_900, %dma_start3A_901] : memref<2x128x128xf32, #tpu.memory_space<vmem>> -> memref<1x128x128xf32, #tpu.memory_space<vmem>>
      %dma_start3A_903 = tpu.memref_squeeze %dma_start3A_902 : memref<1x128x128xf32, #tpu.memory_space<vmem>> -> memref<128x128xf32, #tpu.memory_space<vmem>>
      %dma_start3A_904 = arith.constant 0 : i32
      %dma_start3A_905 = tpu.memref_slice %arg9[%dma_start3A_897, %dma_start3A_898, %dma_start3A_904] : memref<2x8x128xi32, #tpu.memory_space<vmem>> -> memref<1x1x128xi32, #tpu.memory_space<vmem>>
      %dma_start3A_906 = tpu.memref_squeeze %dma_start3A_905 : memref<1x1x128xi32, #tpu.memory_space<vmem>> -> memref<128xi32, #tpu.memory_space<vmem>>
      %dma_start3A_907 = arith.constant 0 : i32
      %dma_start3A_908 = arith.constant 0 : i32
      %dma_start3A_909 = tpu.memref_slice %arg2[%dma_start3A_907, %dma_start3A_908] : memref<10000x128xf32, #tpu.memory_space<hbm>> -> memref<10000x128xf32, #tpu.memory_space<hbm>>
      tpu.enqueue_indirect_dma source(%dma_start3A_909 : memref<10000x128xf32, #tpu.memory_space<hbm>>) target(%dma_start3A_903 : memref<128x128xf32, #tpu.memory_space<vmem>>) offsets(%dma_start3A_906 : memref<128xi32, #tpu.memory_space<vmem>>) semaphore(%arg15 : memref<!tpu.dma_semaphore, #tpu.memory_space<semaphore_mem>>)
      %dma_wait3A_910 = arith.constant 1 : i32
      %dma_wait3A_911 = arith.constant 0 : i32
      %dma_wait3A_912 = arith.constant 0 : i32
      %dma_wait3A_913 = arith.constant 0 : i32
      %dma_wait3A_914 = arith.constant 0 : i32
      %dma_wait3A_915 = tpu.memref_slice %arg11[%dma_wait3A_910, %dma_wait3A_913, %dma_wait3A_914] : memref<2x128x128xf32, #tpu.memory_space<vmem>> -> memref<1x128x128xf32, #tpu.memory_space<vmem>>
      %dma_wait3A_916 = tpu.memref_squeeze %dma_wait3A_915 : memref<1x128x128xf32, #tpu.memory_space<vmem>> -> memref<128x128xf32, #tpu.memory_space<vmem>>
      %dma_wait3A_917 = arith.constant 0 : i32
      %dma_wait3A_918 = tpu.memref_slice %arg10[%dma_wait3A_911, %dma_wait3A_912, %dma_wait3A_917] : memref<2x8x128xi32, #tpu.memory_space<vmem>> -> memref<1x1x128xi32, #tpu.memory_space<vmem>>
      %dma_wait3A_919 = tpu.memref_squeeze %dma_wait3A_918 : memref<1x1x128xi32, #tpu.memory_space<vmem>> -> memref<128xi32, #tpu.memory_space<vmem>>
      %dma_wait3A_920 = arith.constant 0 : i32
      %dma_wait3A_921 = arith.constant 0 : i32
      %dma_wait3A_922 = tpu.memref_slice %arg12[%dma_wait3A_920, %dma_wait3A_921] : memref<10240x128xf32, #tpu.memory_space<vmem_shared>> -> memref<10240x128xf32, #tpu.memory_space<vmem_shared>>
      tpu.wait_indirect_dma semaphore(%arg13 : memref<!tpu.dma_semaphore, #tpu.memory_space<semaphore_mem>>) src(%dma_wait3A_916 : memref<128x128xf32, #tpu.memory_space<vmem>>) dst(%dma_wait3A_922 : memref<10240x128xf32, #tpu.memory_space<vmem_shared>>)
      %dma_start3A_923 = arith.constant 0 : i32
      %dma_start3A_924 = arith.constant 3 : i32
      %dma_start3A_925 = arith.constant 1 : i32
      %dma_start3A_926 = arith.constant 0 : i32
      %dma_start3A_927 = arith.constant 0 : i32
      %dma_start3A_928 = tpu.memref_slice %arg11[%dma_start3A_925, %dma_start3A_926, %dma_start3A_927] : memref<2x128x128xf32, #tpu.memory_space<vmem>> -> memref<1x128x128xf32, #tpu.memory_space<vmem>>
      %dma_start3A_929 = tpu.memref_squeeze %dma_start3A_928 : memref<1x128x128xf32, #tpu.memory_space<vmem>> -> memref<128x128xf32, #tpu.memory_space<vmem>>
      %dma_start3A_930 = arith.constant 0 : i32
      %dma_start3A_931 = tpu.memref_slice %arg9[%dma_start3A_923, %dma_start3A_924, %dma_start3A_930] : memref<2x8x128xi32, #tpu.memory_space<vmem>> -> memref<1x1x128xi32, #tpu.memory_space<vmem>>
      %dma_start3A_932 = tpu.memref_squeeze %dma_start3A_931 : memref<1x1x128xi32, #tpu.memory_space<vmem>> -> memref<128xi32, #tpu.memory_space<vmem>>
      %dma_start3A_933 = arith.constant 0 : i32
      %dma_start3A_934 = arith.constant 0 : i32
      %dma_start3A_935 = tpu.memref_slice %arg2[%dma_start3A_933, %dma_start3A_934] : memref<10000x128xf32, #tpu.memory_space<hbm>> -> memref<10000x128xf32, #tpu.memory_space<hbm>>
      tpu.enqueue_indirect_dma source(%dma_start3A_935 : memref<10000x128xf32, #tpu.memory_space<hbm>>) target(%dma_start3A_929 : memref<128x128xf32, #tpu.memory_space<vmem>>) offsets(%dma_start3A_932 : memref<128xi32, #tpu.memory_space<vmem>>) semaphore(%arg16 : memref<!tpu.dma_semaphore, #tpu.memory_space<semaphore_mem>>)
      %dma_wait3A_936 = arith.constant 0 : i32
      %dma_wait3A_937 = arith.constant 2 : i32
      %dma_wait3A_938 = arith.constant 0 : i32
      %dma_wait3A_939 = arith.constant 0 : i32
      %dma_wait3A_940 = arith.constant 0 : i32
      %dma_wait3A_941 = tpu.memref_slice %arg11[%dma_wait3A_938, %dma_wait3A_939, %dma_wait3A_940] : memref<2x128x128xf32, #tpu.memory_space<vmem>> -> memref<1x128x128xf32, #tpu.memory_space<vmem>>
      %dma_wait3A_942 = tpu.memref_squeeze %dma_wait3A_941 : memref<1x128x128xf32, #tpu.memory_space<vmem>> -> memref<128x128xf32, #tpu.memory_space<vmem>>
      %dma_wait3A_943 = arith.constant 0 : i32
      %dma_wait3A_944 = tpu.memref_slice %arg9[%dma_wait3A_936, %dma_wait3A_937, %dma_wait3A_943] : memref<2x8x128xi32, #tpu.memory_space<vmem>> -> memref<1x1x128xi32, #tpu.memory_space<vmem>>
      %dma_wait3A_945 = tpu.memref_squeeze %dma_wait3A_944 : memref<1x1x128xi32, #tpu.memory_space<vmem>> -> memref<128xi32, #tpu.memory_space<vmem>>
      %dma_wait3A_946 = arith.constant 0 : i32
      %dma_wait3A_947 = arith.constant 0 : i32
      %dma_wait3A_948 = tpu.memref_slice %arg2[%dma_wait3A_946, %dma_wait3A_947] : memref<10000x128xf32, #tpu.memory_space<hbm>> -> memref<10000x128xf32, #tpu.memory_space<hbm>>
      tpu.wait_indirect_dma semaphore(%arg15 : memref<!tpu.dma_semaphore, #tpu.memory_space<semaphore_mem>>) src(%dma_wait3A_948 : memref<10000x128xf32, #tpu.memory_space<hbm>>) dst(%dma_wait3A_942 : memref<128x128xf32, #tpu.memory_space<vmem>>)
      %dma_start3A_949 = arith.constant 0 : i32
      %dma_start3A_950 = arith.constant 0 : i32
      %dma_start3A_951 = arith.constant 2 : i32
      %dma_start3A_952 = arith.constant 0 : i32
      %dma_start3A_953 = arith.constant 0 : i32
      %dma_start3A_954 = tpu.memref_slice %arg11[%dma_start3A_949, %dma_start3A_952, %dma_start3A_953] : memref<2x128x128xf32, #tpu.memory_space<vmem>> -> memref<1x128x128xf32, #tpu.memory_space<vmem>>
      %dma_start3A_955 = tpu.memref_squeeze %dma_start3A_954 : memref<1x128x128xf32, #tpu.memory_space<vmem>> -> memref<128x128xf32, #tpu.memory_space<vmem>>
      %dma_start3A_956 = arith.constant 0 : i32
      %dma_start3A_957 = tpu.memref_slice %arg10[%dma_start3A_950, %dma_start3A_951, %dma_start3A_956] : memref<2x8x128xi32, #tpu.memory_space<vmem>> -> memref<1x1x128xi32, #tpu.memory_space<vmem>>
      %dma_start3A_958 = tpu.memref_squeeze %dma_start3A_957 : memref<1x1x128xi32, #tpu.memory_space<vmem>> -> memref<128xi32, #tpu.memory_space<vmem>>
      %dma_start3A_959 = arith.constant 0 : i32
      %dma_start3A_960 = arith.constant 0 : i32
      %dma_start3A_961 = tpu.memref_slice %arg12[%dma_start3A_959, %dma_start3A_960] : memref<10240x128xf32, #tpu.memory_space<vmem_shared>> -> memref<10240x128xf32, #tpu.memory_space<vmem_shared>>
      tpu.enqueue_indirect_dma source(%dma_start3A_955 : memref<128x128xf32, #tpu.memory_space<vmem>>) target(%dma_start3A_961 : memref<10240x128xf32, #tpu.memory_space<vmem_shared>>) offsets(%dma_start3A_958 : memref<128xi32, #tpu.memory_space<vmem>>) semaphore(%arg13 : memref<!tpu.dma_semaphore, #tpu.memory_space<semaphore_mem>>) {add = true}
      %dma_wait3A_962 = arith.constant 0 : i32
      %dma_wait3A_963 = arith.constant 3 : i32
      %dma_wait3A_964 = arith.constant 1 : i32
      %dma_wait3A_965 = arith.constant 0 : i32
      %dma_wait3A_966 = arith.constant 0 : i32
      %dma_wait3A_967 = tpu.memref_slice %arg11[%dma_wait3A_964, %dma_wait3A_965, %dma_wait3A_966] : memref<2x128x128xf32, #tpu.memory_space<vmem>> -> memref<1x128x128xf32, #tpu.memory_space<vmem>>
      %dma_wait3A_968 = tpu.memref_squeeze %dma_wait3A_967 : memref<1x128x128xf32, #tpu.memory_space<vmem>> -> memref<128x128xf32, #tpu.memory_space<vmem>>
      %dma_wait3A_969 = arith.constant 0 : i32
      %dma_wait3A_970 = tpu.memref_slice %arg9[%dma_wait3A_962, %dma_wait3A_963, %dma_wait3A_969] : memref<2x8x128xi32, #tpu.memory_space<vmem>> -> memref<1x1x128xi32, #tpu.memory_space<vmem>>
      %dma_wait3A_971 = tpu.memref_squeeze %dma_wait3A_970 : memref<1x1x128xi32, #tpu.memory_space<vmem>> -> memref<128xi32, #tpu.memory_space<vmem>>
      %dma_wait3A_972 = arith.constant 0 : i32
      %dma_wait3A_973 = arith.constant 0 : i32
      %dma_wait3A_974 = tpu.memref_slice %arg2[%dma_wait3A_972, %dma_wait3A_973] : memref<10000x128xf32, #tpu.memory_space<hbm>> -> memref<10000x128xf32, #tpu.memory_space<hbm>>
      tpu.wait_indirect_dma semaphore(%arg16 : memref<!tpu.dma_semaphore, #tpu.memory_space<semaphore_mem>>) src(%dma_wait3A_974 : memref<10000x128xf32, #tpu.memory_space<hbm>>) dst(%dma_wait3A_968 : memref<128x128xf32, #tpu.memory_space<vmem>>)
      %dma_start3A_975 = arith.constant 1 : i32
      %dma_start3A_976 = arith.constant 0 : i32
      %dma_start3A_977 = arith.constant 3 : i32
      %dma_start3A_978 = arith.constant 0 : i32
      %dma_start3A_979 = arith.constant 0 : i32
      %dma_start3A_980 = tpu.memref_slice %arg11[%dma_start3A_975, %dma_start3A_978, %dma_start3A_979] : memref<2x128x128xf32, #tpu.memory_space<vmem>> -> memref<1x128x128xf32, #tpu.memory_space<vmem>>
      %dma_start3A_981 = tpu.memref_squeeze %dma_start3A_980 : memref<1x128x128xf32, #tpu.memory_space<vmem>> -> memref<128x128xf32, #tpu.memory_space<vmem>>
      %dma_start3A_982 = arith.constant 0 : i32
      %dma_start3A_983 = tpu.memref_slice %arg10[%dma_start3A_976, %dma_start3A_977, %dma_start3A_982] : memref<2x8x128xi32, #tpu.memory_space<vmem>> -> memref<1x1x128xi32, #tpu.memory_space<vmem>>
      %dma_start3A_984 = tpu.memref_squeeze %dma_start3A_983 : memref<1x1x128xi32, #tpu.memory_space<vmem>> -> memref<128xi32, #tpu.memory_space<vmem>>
      %dma_start3A_985 = arith.constant 0 : i32
      %dma_start3A_986 = arith.constant 0 : i32
      %dma_start3A_987 = tpu.memref_slice %arg12[%dma_start3A_985, %dma_start3A_986] : memref<10240x128xf32, #tpu.memory_space<vmem_shared>> -> memref<10240x128xf32, #tpu.memory_space<vmem_shared>>
      tpu.enqueue_indirect_dma source(%dma_start3A_981 : memref<128x128xf32, #tpu.memory_space<vmem>>) target(%dma_start3A_987 : memref<10240x128xf32, #tpu.memory_space<vmem_shared>>) offsets(%dma_start3A_984 : memref<128xi32, #tpu.memory_space<vmem>>) semaphore(%arg13 : memref<!tpu.dma_semaphore, #tpu.memory_space<semaphore_mem>>) {add = true}
      %dma_wait3A_988 = arith.constant 0 : i32
      %dma_wait3A_989 = arith.constant 0 : i32
      %dma_wait3A_990 = arith.constant 0 : i32
      %dma_wait3A_991 = arith.constant 0 : i32
      %dma_wait3A_992 = arith.constant 0 : i32
      %dma_wait3A_993 = tpu.memref_slice %arg11[%dma_wait3A_988, %dma_wait3A_991, %dma_wait3A_992] : memref<2x128x128xf32, #tpu.memory_space<vmem>> -> memref<1x128x128xf32, #tpu.memory_space<vmem>>
      %dma_wait3A_994 = tpu.memref_squeeze %dma_wait3A_993 : memref<1x128x128xf32, #tpu.memory_space<vmem>> -> memref<128x128xf32, #tpu.memory_space<vmem>>
      %dma_wait3A_995 = arith.constant 0 : i32
      %dma_wait3A_996 = tpu.memref_slice %arg10[%dma_wait3A_989, %dma_wait3A_990, %dma_wait3A_995] : memref<2x8x128xi32, #tpu.memory_space<vmem>> -> memref<1x1x128xi32, #tpu.memory_space<vmem>>
      %dma_wait3A_997 = tpu.memref_squeeze %dma_wait3A_996 : memref<1x1x128xi32, #tpu.memory_space<vmem>> -> memref<128xi32, #tpu.memory_space<vmem>>
      %dma_wait3A_998 = arith.constant 0 : i32
      %dma_wait3A_999 = arith.constant 0 : i32
      %dma_wait3A_1000 = tpu.memref_slice %arg12[%dma_wait3A_998, %dma_wait3A_999] : memref<10240x128xf32, #tpu.memory_space<vmem_shared>> -> memref<10240x128xf32, #tpu.memory_space<vmem_shared>>
      tpu.wait_indirect_dma semaphore(%arg13 : memref<!tpu.dma_semaphore, #tpu.memory_space<semaphore_mem>>) src(%dma_wait3A_994 : memref<128x128xf32, #tpu.memory_space<vmem>>) dst(%dma_wait3A_1000 : memref<10240x128xf32, #tpu.memory_space<vmem_shared>>)
      %dma_start3A_1001 = arith.constant 0 : i32
      %dma_start3A_1002 = arith.constant 4 : i32
      %dma_start3A_1003 = arith.constant 0 : i32
      %dma_start3A_1004 = arith.constant 0 : i32
      %dma_start3A_1005 = arith.constant 0 : i32
      %dma_start3A_1006 = tpu.memref_slice %arg11[%dma_start3A_1003, %dma_start3A_1004, %dma_start3A_1005] : memref<2x128x128xf32, #tpu.memory_space<vmem>> -> memref<1x128x128xf32, #tpu.memory_space<vmem>>
      %dma_start3A_1007 = tpu.memref_squeeze %dma_start3A_1006 : memref<1x128x128xf32, #tpu.memory_space<vmem>> -> memref<128x128xf32, #tpu.memory_space<vmem>>
      %dma_start3A_1008 = arith.constant 0 : i32
      %dma_start3A_1009 = tpu.memref_slice %arg9[%dma_start3A_1001, %dma_start3A_1002, %dma_start3A_1008] : memref<2x8x128xi32, #tpu.memory_space<vmem>> -> memref<1x1x128xi32, #tpu.memory_space<vmem>>
      %dma_start3A_1010 = tpu.memref_squeeze %dma_start3A_1009 : memref<1x1x128xi32, #tpu.memory_space<vmem>> -> memref<128xi32, #tpu.memory_space<vmem>>
      %dma_start3A_1011 = arith.constant 0 : i32
      %dma_start3A_1012 = arith.constant 0 : i32
      %dma_start3A_1013 = tpu.memref_slice %arg2[%dma_start3A_1011, %dma_start3A_1012] : memref<10000x128xf32, #tpu.memory_space<hbm>> -> memref<10000x128xf32, #tpu.memory_space<hbm>>
      tpu.enqueue_indirect_dma source(%dma_start3A_1013 : memref<10000x128xf32, #tpu.memory_space<hbm>>) target(%dma_start3A_1007 : memref<128x128xf32, #tpu.memory_space<vmem>>) offsets(%dma_start3A_1010 : memref<128xi32, #tpu.memory_space<vmem>>) semaphore(%arg15 : memref<!tpu.dma_semaphore, #tpu.memory_space<semaphore_mem>>)
      %dma_wait3A_1014 = arith.constant 1 : i32
      %dma_wait3A_1015 = arith.constant 0 : i32
      %dma_wait3A_1016 = arith.constant 0 : i32
      %dma_wait3A_1017 = arith.constant 0 : i32
      %dma_wait3A_1018 = arith.constant 0 : i32
      %dma_wait3A_1019 = tpu.memref_slice %arg11[%dma_wait3A_1014, %dma_wait3A_1017, %dma_wait3A_1018] : memref<2x128x128xf32, #tpu.memory_space<vmem>> -> memref<1x128x128xf32, #tpu.memory_space<vmem>>
      %dma_wait3A_1020 = tpu.memref_squeeze %dma_wait3A_1019 : memref<1x128x128xf32, #tpu.memory_space<vmem>> -> memref<128x128xf32, #tpu.memory_space<vmem>>
      %dma_wait3A_1021 = arith.constant 0 : i32
      %dma_wait3A_1022 = tpu.memref_slice %arg10[%dma_wait3A_1015, %dma_wait3A_1016, %dma_wait3A_1021] : memref<2x8x128xi32, #tpu.memory_space<vmem>> -> memref<1x1x128xi32, #tpu.memory_space<vmem>>
      %dma_wait3A_1023 = tpu.memref_squeeze %dma_wait3A_1022 : memref<1x1x128xi32, #tpu.memory_space<vmem>> -> memref<128xi32, #tpu.memory_space<vmem>>
      %dma_wait3A_1024 = arith.constant 0 : i32
      %dma_wait3A_1025 = arith.constant 0 : i32
      %dma_wait3A_1026 = tpu.memref_slice %arg12[%dma_wait3A_1024, %dma_wait3A_1025] : memref<10240x128xf32, #tpu.memory_space<vmem_shared>> -> memref<10240x128xf32, #tpu.memory_space<vmem_shared>>
      tpu.wait_indirect_dma semaphore(%arg13 : memref<!tpu.dma_semaphore, #tpu.memory_space<semaphore_mem>>) src(%dma_wait3A_1020 : memref<128x128xf32, #tpu.memory_space<vmem>>) dst(%dma_wait3A_1026 : memref<10240x128xf32, #tpu.memory_space<vmem_shared>>)
      %dma_start3A_1027 = arith.constant 0 : i32
      %dma_start3A_1028 = arith.constant 5 : i32
      %dma_start3A_1029 = arith.constant 1 : i32
      %dma_start3A_1030 = arith.constant 0 : i32
      %dma_start3A_1031 = arith.constant 0 : i32
      %dma_start3A_1032 = tpu.memref_slice %arg11[%dma_start3A_1029, %dma_start3A_1030, %dma_start3A_1031] : memref<2x128x128xf32, #tpu.memory_space<vmem>> -> memref<1x128x128xf32, #tpu.memory_space<vmem>>
      %dma_start3A_1033 = tpu.memref_squeeze %dma_start3A_1032 : memref<1x128x128xf32, #tpu.memory_space<vmem>> -> memref<128x128xf32, #tpu.memory_space<vmem>>
      %dma_start3A_1034 = arith.constant 0 : i32
      %dma_start3A_1035 = tpu.memref_slice %arg9[%dma_start3A_1027, %dma_start3A_1028, %dma_start3A_1034] : memref<2x8x128xi32, #tpu.memory_space<vmem>> -> memref<1x1x128xi32, #tpu.memory_space<vmem>>
      %dma_start3A_1036 = tpu.memref_squeeze %dma_start3A_1035 : memref<1x1x128xi32, #tpu.memory_space<vmem>> -> memref<128xi32, #tpu.memory_space<vmem>>
      %dma_start3A_1037 = arith.constant 0 : i32
      %dma_start3A_1038 = arith.constant 0 : i32
      %dma_start3A_1039 = tpu.memref_slice %arg2[%dma_start3A_1037, %dma_start3A_1038] : memref<10000x128xf32, #tpu.memory_space<hbm>> -> memref<10000x128xf32, #tpu.memory_space<hbm>>
      tpu.enqueue_indirect_dma source(%dma_start3A_1039 : memref<10000x128xf32, #tpu.memory_space<hbm>>) target(%dma_start3A_1033 : memref<128x128xf32, #tpu.memory_space<vmem>>) offsets(%dma_start3A_1036 : memref<128xi32, #tpu.memory_space<vmem>>) semaphore(%arg16 : memref<!tpu.dma_semaphore, #tpu.memory_space<semaphore_mem>>)
      %dma_wait3A_1040 = arith.constant 0 : i32
      %dma_wait3A_1041 = arith.constant 4 : i32
      %dma_wait3A_1042 = arith.constant 0 : i32
      %dma_wait3A_1043 = arith.constant 0 : i32
      %dma_wait3A_1044 = arith.constant 0 : i32
      %dma_wait3A_1045 = tpu.memref_slice %arg11[%dma_wait3A_1042, %dma_wait3A_1043, %dma_wait3A_1044] : memref<2x128x128xf32, #tpu.memory_space<vmem>> -> memref<1x128x128xf32, #tpu.memory_space<vmem>>
      %dma_wait3A_1046 = tpu.memref_squeeze %dma_wait3A_1045 : memref<1x128x128xf32, #tpu.memory_space<vmem>> -> memref<128x128xf32, #tpu.memory_space<vmem>>
      %dma_wait3A_1047 = arith.constant 0 : i32
      %dma_wait3A_1048 = tpu.memref_slice %arg9[%dma_wait3A_1040, %dma_wait3A_1041, %dma_wait3A_1047] : memref<2x8x128xi32, #tpu.memory_space<vmem>> -> memref<1x1x128xi32, #tpu.memory_space<vmem>>
      %dma_wait3A_1049 = tpu.memref_squeeze %dma_wait3A_1048 : memref<1x1x128xi32, #tpu.memory_space<vmem>> -> memref<128xi32, #tpu.memory_space<vmem>>
      %dma_wait3A_1050 = arith.constant 0 : i32
      %dma_wait3A_1051 = arith.constant 0 : i32
      %dma_wait3A_1052 = tpu.memref_slice %arg2[%dma_wait3A_1050, %dma_wait3A_1051] : memref<10000x128xf32, #tpu.memory_space<hbm>> -> memref<10000x128xf32, #tpu.memory_space<hbm>>
      tpu.wait_indirect_dma semaphore(%arg15 : memref<!tpu.dma_semaphore, #tpu.memory_space<semaphore_mem>>) src(%dma_wait3A_1052 : memref<10000x128xf32, #tpu.memory_space<hbm>>) dst(%dma_wait3A_1046 : memref<128x128xf32, #tpu.memory_space<vmem>>)
      %dma_start3A_1053 = arith.constant 0 : i32
      %dma_start3A_1054 = arith.constant 0 : i32
      %dma_start3A_1055 = arith.constant 4 : i32
      %dma_start3A_1056 = arith.constant 0 : i32
      %dma_start3A_1057 = arith.constant 0 : i32
      %dma_start3A_1058 = tpu.memref_slice %arg11[%dma_start3A_1053, %dma_start3A_1056, %dma_start3A_1057] : memref<2x128x128xf32, #tpu.memory_space<vmem>> -> memref<1x128x128xf32, #tpu.memory_space<vmem>>
      %dma_start3A_1059 = tpu.memref_squeeze %dma_start3A_1058 : memref<1x128x128xf32, #tpu.memory_space<vmem>> -> memref<128x128xf32, #tpu.memory_space<vmem>>
      %dma_start3A_1060 = arith.constant 0 : i32
      %dma_start3A_1061 = tpu.memref_slice %arg10[%dma_start3A_1054, %dma_start3A_1055, %dma_start3A_1060] : memref<2x8x128xi32, #tpu.memory_space<vmem>> -> memref<1x1x128xi32, #tpu.memory_space<vmem>>
      %dma_start3A_1062 = tpu.memref_squeeze %dma_start3A_1061 : memref<1x1x128xi32, #tpu.memory_space<vmem>> -> memref<128xi32, #tpu.memory_space<vmem>>
      %dma_start3A_1063 = arith.constant 0 : i32
      %dma_start3A_1064 = arith.constant 0 : i32
      %dma_start3A_1065 = tpu.memref_slice %arg12[%dma_start3A_1063, %dma_start3A_1064] : memref<10240x128xf32, #tpu.memory_space<vmem_shared>> -> memref<10240x128xf32, #tpu.memory_space<vmem_shared>>
      tpu.enqueue_indirect_dma source(%dma_start3A_1059 : memref<128x128xf32, #tpu.memory_space<vmem>>) target(%dma_start3A_1065 : memref<10240x128xf32, #tpu.memory_space<vmem_shared>>) offsets(%dma_start3A_1062 : memref<128xi32, #tpu.memory_space<vmem>>) semaphore(%arg13 : memref<!tpu.dma_semaphore, #tpu.memory_space<semaphore_mem>>) {add = true}
      %dma_wait3A_1066 = arith.constant 0 : i32
      %dma_wait3A_1067 = arith.constant 5 : i32
      %dma_wait3A_1068 = arith.constant 1 : i32
      %dma_wait3A_1069 = arith.constant 0 : i32
      %dma_wait3A_1070 = arith.constant 0 : i32
      %dma_wait3A_1071 = tpu.memref_slice %arg11[%dma_wait3A_1068, %dma_wait3A_1069, %dma_wait3A_1070] : memref<2x128x128xf32, #tpu.memory_space<vmem>> -> memref<1x128x128xf32, #tpu.memory_space<vmem>>
      %dma_wait3A_1072 = tpu.memref_squeeze %dma_wait3A_1071 : memref<1x128x128xf32, #tpu.memory_space<vmem>> -> memref<128x128xf32, #tpu.memory_space<vmem>>
      %dma_wait3A_1073 = arith.constant 0 : i32
      %dma_wait3A_1074 = tpu.memref_slice %arg9[%dma_wait3A_1066, %dma_wait3A_1067, %dma_wait3A_1073] : memref<2x8x128xi32, #tpu.memory_space<vmem>> -> memref<1x1x128xi32, #tpu.memory_space<vmem>>
      %dma_wait3A_1075 = tpu.memref_squeeze %dma_wait3A_1074 : memref<1x1x128xi32, #tpu.memory_space<vmem>> -> memref<128xi32, #tpu.memory_space<vmem>>
      %dma_wait3A_1076 = arith.constant 0 : i32
      %dma_wait3A_1077 = arith.constant 0 : i32
      %dma_wait3A_1078 = tpu.memref_slice %arg2[%dma_wait3A_1076, %dma_wait3A_1077] : memref<10000x128xf32, #tpu.memory_space<hbm>> -> memref<10000x128xf32, #tpu.memory_space<hbm>>
      tpu.wait_indirect_dma semaphore(%arg16 : memref<!tpu.dma_semaphore, #tpu.memory_space<semaphore_mem>>) src(%dma_wait3A_1078 : memref<10000x128xf32, #tpu.memory_space<hbm>>) dst(%dma_wait3A_1072 : memref<128x128xf32, #tpu.memory_space<vmem>>)
      %dma_start3A_1079 = arith.constant 1 : i32
      %dma_start3A_1080 = arith.constant 0 : i32
      %dma_start3A_1081 = arith.constant 5 : i32
      %dma_start3A_1082 = arith.constant 0 : i32
      %dma_start3A_1083 = arith.constant 0 : i32
      %dma_start3A_1084 = tpu.memref_slice %arg11[%dma_start3A_1079, %dma_start3A_1082, %dma_start3A_1083] : memref<2x128x128xf32, #tpu.memory_space<vmem>> -> memref<1x128x128xf32, #tpu.memory_space<vmem>>
      %dma_start3A_1085 = tpu.memref_squeeze %dma_start3A_1084 : memref<1x128x128xf32, #tpu.memory_space<vmem>> -> memref<128x128xf32, #tpu.memory_space<vmem>>
      %dma_start3A_1086 = arith.constant 0 : i32
      %dma_start3A_1087 = tpu.memref_slice %arg10[%dma_start3A_1080, %dma_start3A_1081, %dma_start3A_1086] : memref<2x8x128xi32, #tpu.memory_space<vmem>> -> memref<1x1x128xi32, #tpu.memory_space<vmem>>
      %dma_start3A_1088 = tpu.memref_squeeze %dma_start3A_1087 : memref<1x1x128xi32, #tpu.memory_space<vmem>> -> memref<128xi32, #tpu.memory_space<vmem>>
      %dma_start3A_1089 = arith.constant 0 : i32
      %dma_start3A_1090 = arith.constant 0 : i32
      %dma_start3A_1091 = tpu.memref_slice %arg12[%dma_start3A_1089, %dma_start3A_1090] : memref<10240x128xf32, #tpu.memory_space<vmem_shared>> -> memref<10240x128xf32, #tpu.memory_space<vmem_shared>>
      tpu.enqueue_indirect_dma source(%dma_start3A_1085 : memref<128x128xf32, #tpu.memory_space<vmem>>) target(%dma_start3A_1091 : memref<10240x128xf32, #tpu.memory_space<vmem_shared>>) offsets(%dma_start3A_1088 : memref<128xi32, #tpu.memory_space<vmem>>) semaphore(%arg13 : memref<!tpu.dma_semaphore, #tpu.memory_space<semaphore_mem>>) {add = true}
      %dma_wait3A_1092 = arith.constant 0 : i32
      %dma_wait3A_1093 = arith.constant 0 : i32
      %dma_wait3A_1094 = arith.constant 0 : i32
      %dma_wait3A_1095 = arith.constant 0 : i32
      %dma_wait3A_1096 = arith.constant 0 : i32
      %dma_wait3A_1097 = tpu.memref_slice %arg11[%dma_wait3A_1092, %dma_wait3A_1095, %dma_wait3A_1096] : memref<2x128x128xf32, #tpu.memory_space<vmem>> -> memref<1x128x128xf32, #tpu.memory_space<vmem>>
      %dma_wait3A_1098 = tpu.memref_squeeze %dma_wait3A_1097 : memref<1x128x128xf32, #tpu.memory_space<vmem>> -> memref<128x128xf32, #tpu.memory_space<vmem>>
      %dma_wait3A_1099 = arith.constant 0 : i32
      %dma_wait3A_1100 = tpu.memref_slice %arg10[%dma_wait3A_1093, %dma_wait3A_1094, %dma_wait3A_1099] : memref<2x8x128xi32, #tpu.memory_space<vmem>> -> memref<1x1x128xi32, #tpu.memory_space<vmem>>
      %dma_wait3A_1101 = tpu.memref_squeeze %dma_wait3A_1100 : memref<1x1x128xi32, #tpu.memory_space<vmem>> -> memref<128xi32, #tpu.memory_space<vmem>>
      %dma_wait3A_1102 = arith.constant 0 : i32
      %dma_wait3A_1103 = arith.constant 0 : i32
      %dma_wait3A_1104 = tpu.memref_slice %arg12[%dma_wait3A_1102, %dma_wait3A_1103] : memref<10240x128xf32, #tpu.memory_space<vmem_shared>> -> memref<10240x128xf32, #tpu.memory_space<vmem_shared>>
      tpu.wait_indirect_dma semaphore(%arg13 : memref<!tpu.dma_semaphore, #tpu.memory_space<semaphore_mem>>) src(%dma_wait3A_1098 : memref<128x128xf32, #tpu.memory_space<vmem>>) dst(%dma_wait3A_1104 : memref<10240x128xf32, #tpu.memory_space<vmem_shared>>)
      %dma_start3A_1105 = arith.constant 0 : i32
      %dma_start3A_1106 = arith.constant 6 : i32
      %dma_start3A_1107 = arith.constant 0 : i32
      %dma_start3A_1108 = arith.constant 0 : i32
      %dma_start3A_1109 = arith.constant 0 : i32
      %dma_start3A_1110 = tpu.memref_slice %arg11[%dma_start3A_1107, %dma_start3A_1108, %dma_start3A_1109] : memref<2x128x128xf32, #tpu.memory_space<vmem>> -> memref<1x128x128xf32, #tpu.memory_space<vmem>>
      %dma_start3A_1111 = tpu.memref_squeeze %dma_start3A_1110 : memref<1x128x128xf32, #tpu.memory_space<vmem>> -> memref<128x128xf32, #tpu.memory_space<vmem>>
      %dma_start3A_1112 = arith.constant 0 : i32
      %dma_start3A_1113 = tpu.memref_slice %arg9[%dma_start3A_1105, %dma_start3A_1106, %dma_start3A_1112] : memref<2x8x128xi32, #tpu.memory_space<vmem>> -> memref<1x1x128xi32, #tpu.memory_space<vmem>>
      %dma_start3A_1114 = tpu.memref_squeeze %dma_start3A_1113 : memref<1x1x128xi32, #tpu.memory_space<vmem>> -> memref<128xi32, #tpu.memory_space<vmem>>
      %dma_start3A_1115 = arith.constant 0 : i32
      %dma_start3A_1116 = arith.constant 0 : i32
      %dma_start3A_1117 = tpu.memref_slice %arg2[%dma_start3A_1115, %dma_start3A_1116] : memref<10000x128xf32, #tpu.memory_space<hbm>> -> memref<10000x128xf32, #tpu.memory_space<hbm>>
      tpu.enqueue_indirect_dma source(%dma_start3A_1117 : memref<10000x128xf32, #tpu.memory_space<hbm>>) target(%dma_start3A_1111 : memref<128x128xf32, #tpu.memory_space<vmem>>) offsets(%dma_start3A_1114 : memref<128xi32, #tpu.memory_space<vmem>>) semaphore(%arg15 : memref<!tpu.dma_semaphore, #tpu.memory_space<semaphore_mem>>)
      %dma_wait3A_1118 = arith.constant 1 : i32
      %dma_wait3A_1119 = arith.constant 0 : i32
      %dma_wait3A_1120 = arith.constant 0 : i32
      %dma_wait3A_1121 = arith.constant 0 : i32
      %dma_wait3A_1122 = arith.constant 0 : i32
      %dma_wait3A_1123 = tpu.memref_slice %arg11[%dma_wait3A_1118, %dma_wait3A_1121, %dma_wait3A_1122] : memref<2x128x128xf32, #tpu.memory_space<vmem>> -> memref<1x128x128xf32, #tpu.memory_space<vmem>>
      %dma_wait3A_1124 = tpu.memref_squeeze %dma_wait3A_1123 : memref<1x128x128xf32, #tpu.memory_space<vmem>> -> memref<128x128xf32, #tpu.memory_space<vmem>>
      %dma_wait3A_1125 = arith.constant 0 : i32
      %dma_wait3A_1126 = tpu.memref_slice %arg10[%dma_wait3A_1119, %dma_wait3A_1120, %dma_wait3A_1125] : memref<2x8x128xi32, #tpu.memory_space<vmem>> -> memref<1x1x128xi32, #tpu.memory_space<vmem>>
      %dma_wait3A_1127 = tpu.memref_squeeze %dma_wait3A_1126 : memref<1x1x128xi32, #tpu.memory_space<vmem>> -> memref<128xi32, #tpu.memory_space<vmem>>
      %dma_wait3A_1128 = arith.constant 0 : i32
      %dma_wait3A_1129 = arith.constant 0 : i32
      %dma_wait3A_1130 = tpu.memref_slice %arg12[%dma_wait3A_1128, %dma_wait3A_1129] : memref<10240x128xf32, #tpu.memory_space<vmem_shared>> -> memref<10240x128xf32, #tpu.memory_space<vmem_shared>>
      tpu.wait_indirect_dma semaphore(%arg13 : memref<!tpu.dma_semaphore, #tpu.memory_space<semaphore_mem>>) src(%dma_wait3A_1124 : memref<128x128xf32, #tpu.memory_space<vmem>>) dst(%dma_wait3A_1130 : memref<10240x128xf32, #tpu.memory_space<vmem_shared>>)
      %dma_start3A_1131 = arith.constant 0 : i32
      %dma_start3A_1132 = arith.constant 7 : i32
      %dma_start3A_1133 = arith.constant 1 : i32
      %dma_start3A_1134 = arith.constant 0 : i32
      %dma_start3A_1135 = arith.constant 0 : i32
      %dma_start3A_1136 = tpu.memref_slice %arg11[%dma_start3A_1133, %dma_start3A_1134, %dma_start3A_1135] : memref<2x128x128xf32, #tpu.memory_space<vmem>> -> memref<1x128x128xf32, #tpu.memory_space<vmem>>
      %dma_start3A_1137 = tpu.memref_squeeze %dma_start3A_1136 : memref<1x128x128xf32, #tpu.memory_space<vmem>> -> memref<128x128xf32, #tpu.memory_space<vmem>>
      %dma_start3A_1138 = arith.constant 0 : i32
      %dma_start3A_1139 = tpu.memref_slice %arg9[%dma_start3A_1131, %dma_start3A_1132, %dma_start3A_1138] : memref<2x8x128xi32, #tpu.memory_space<vmem>> -> memref<1x1x128xi32, #tpu.memory_space<vmem>>
      %dma_start3A_1140 = tpu.memref_squeeze %dma_start3A_1139 : memref<1x1x128xi32, #tpu.memory_space<vmem>> -> memref<128xi32, #tpu.memory_space<vmem>>
      %dma_start3A_1141 = arith.constant 0 : i32
      %dma_start3A_1142 = arith.constant 0 : i32
      %dma_start3A_1143 = tpu.memref_slice %arg2[%dma_start3A_1141, %dma_start3A_1142] : memref<10000x128xf32, #tpu.memory_space<hbm>> -> memref<10000x128xf32, #tpu.memory_space<hbm>>
      tpu.enqueue_indirect_dma source(%dma_start3A_1143 : memref<10000x128xf32, #tpu.memory_space<hbm>>) target(%dma_start3A_1137 : memref<128x128xf32, #tpu.memory_space<vmem>>) offsets(%dma_start3A_1140 : memref<128xi32, #tpu.memory_space<vmem>>) semaphore(%arg16 : memref<!tpu.dma_semaphore, #tpu.memory_space<semaphore_mem>>)
      %dma_wait3A_1144 = arith.constant 0 : i32
      %dma_wait3A_1145 = arith.constant 6 : i32
      %dma_wait3A_1146 = arith.constant 0 : i32
      %dma_wait3A_1147 = arith.constant 0 : i32
      %dma_wait3A_1148 = arith.constant 0 : i32
      %dma_wait3A_1149 = tpu.memref_slice %arg11[%dma_wait3A_1146, %dma_wait3A_1147, %dma_wait3A_1148] : memref<2x128x128xf32, #tpu.memory_space<vmem>> -> memref<1x128x128xf32, #tpu.memory_space<vmem>>
      %dma_wait3A_1150 = tpu.memref_squeeze %dma_wait3A_1149 : memref<1x128x128xf32, #tpu.memory_space<vmem>> -> memref<128x128xf32, #tpu.memory_space<vmem>>
      %dma_wait3A_1151 = arith.constant 0 : i32
      %dma_wait3A_1152 = tpu.memref_slice %arg9[%dma_wait3A_1144, %dma_wait3A_1145, %dma_wait3A_1151] : memref<2x8x128xi32, #tpu.memory_space<vmem>> -> memref<1x1x128xi32, #tpu.memory_space<vmem>>
      %dma_wait3A_1153 = tpu.memref_squeeze %dma_wait3A_1152 : memref<1x1x128xi32, #tpu.memory_space<vmem>> -> memref<128xi32, #tpu.memory_space<vmem>>
      %dma_wait3A_1154 = arith.constant 0 : i32
      %dma_wait3A_1155 = arith.constant 0 : i32
      %dma_wait3A_1156 = tpu.memref_slice %arg2[%dma_wait3A_1154, %dma_wait3A_1155] : memref<10000x128xf32, #tpu.memory_space<hbm>> -> memref<10000x128xf32, #tpu.memory_space<hbm>>
      tpu.wait_indirect_dma semaphore(%arg15 : memref<!tpu.dma_semaphore, #tpu.memory_space<semaphore_mem>>) src(%dma_wait3A_1156 : memref<10000x128xf32, #tpu.memory_space<hbm>>) dst(%dma_wait3A_1150 : memref<128x128xf32, #tpu.memory_space<vmem>>)
      %dma_start3A_1157 = arith.constant 0 : i32
      %dma_start3A_1158 = arith.constant 0 : i32
      %dma_start3A_1159 = arith.constant 6 : i32
      %dma_start3A_1160 = arith.constant 0 : i32
      %dma_start3A_1161 = arith.constant 0 : i32
      %dma_start3A_1162 = tpu.memref_slice %arg11[%dma_start3A_1157, %dma_start3A_1160, %dma_start3A_1161] : memref<2x128x128xf32, #tpu.memory_space<vmem>> -> memref<1x128x128xf32, #tpu.memory_space<vmem>>
      %dma_start3A_1163 = tpu.memref_squeeze %dma_start3A_1162 : memref<1x128x128xf32, #tpu.memory_space<vmem>> -> memref<128x128xf32, #tpu.memory_space<vmem>>
      %dma_start3A_1164 = arith.constant 0 : i32
      %dma_start3A_1165 = tpu.memref_slice %arg10[%dma_start3A_1158, %dma_start3A_1159, %dma_start3A_1164] : memref<2x8x128xi32, #tpu.memory_space<vmem>> -> memref<1x1x128xi32, #tpu.memory_space<vmem>>
      %dma_start3A_1166 = tpu.memref_squeeze %dma_start3A_1165 : memref<1x1x128xi32, #tpu.memory_space<vmem>> -> memref<128xi32, #tpu.memory_space<vmem>>
      %dma_start3A_1167 = arith.constant 0 : i32
      %dma_start3A_1168 = arith.constant 0 : i32
      %dma_start3A_1169 = tpu.memref_slice %arg12[%dma_start3A_1167, %dma_start3A_1168] : memref<10240x128xf32, #tpu.memory_space<vmem_shared>> -> memref<10240x128xf32, #tpu.memory_space<vmem_shared>>
      tpu.enqueue_indirect_dma source(%dma_start3A_1163 : memref<128x128xf32, #tpu.memory_space<vmem>>) target(%dma_start3A_1169 : memref<10240x128xf32, #tpu.memory_space<vmem_shared>>) offsets(%dma_start3A_1166 : memref<128xi32, #tpu.memory_space<vmem>>) semaphore(%arg13 : memref<!tpu.dma_semaphore, #tpu.memory_space<semaphore_mem>>) {add = true}
      %dma_wait3A_1170 = arith.constant 0 : i32
      %dma_wait3A_1171 = arith.constant 7 : i32
      %dma_wait3A_1172 = arith.constant 1 : i32
      %dma_wait3A_1173 = arith.constant 0 : i32
      %dma_wait3A_1174 = arith.constant 0 : i32
      %dma_wait3A_1175 = tpu.memref_slice %arg11[%dma_wait3A_1172, %dma_wait3A_1173, %dma_wait3A_1174] : memref<2x128x128xf32, #tpu.memory_space<vmem>> -> memref<1x128x128xf32, #tpu.memory_space<vmem>>
      %dma_wait3A_1176 = tpu.memref_squeeze %dma_wait3A_1175 : memref<1x128x128xf32, #tpu.memory_space<vmem>> -> memref<128x128xf32, #tpu.memory_space<vmem>>
      %dma_wait3A_1177 = arith.constant 0 : i32
      %dma_wait3A_1178 = tpu.memref_slice %arg9[%dma_wait3A_1170, %dma_wait3A_1171, %dma_wait3A_1177] : memref<2x8x128xi32, #tpu.memory_space<vmem>> -> memref<1x1x128xi32, #tpu.memory_space<vmem>>
      %dma_wait3A_1179 = tpu.memref_squeeze %dma_wait3A_1178 : memref<1x1x128xi32, #tpu.memory_space<vmem>> -> memref<128xi32, #tpu.memory_space<vmem>>
      %dma_wait3A_1180 = arith.constant 0 : i32
      %dma_wait3A_1181 = arith.constant 0 : i32
      %dma_wait3A_1182 = tpu.memref_slice %arg2[%dma_wait3A_1180, %dma_wait3A_1181] : memref<10000x128xf32, #tpu.memory_space<hbm>> -> memref<10000x128xf32, #tpu.memory_space<hbm>>
      tpu.wait_indirect_dma semaphore(%arg16 : memref<!tpu.dma_semaphore, #tpu.memory_space<semaphore_mem>>) src(%dma_wait3A_1182 : memref<10000x128xf32, #tpu.memory_space<hbm>>) dst(%dma_wait3A_1176 : memref<128x128xf32, #tpu.memory_space<vmem>>)
      %dma_start3A_1183 = arith.constant 1 : i32
      %dma_start3A_1184 = arith.constant 0 : i32
      %dma_start3A_1185 = arith.constant 7 : i32
      %dma_start3A_1186 = arith.constant 0 : i32
      %dma_start3A_1187 = arith.constant 0 : i32
      %dma_start3A_1188 = tpu.memref_slice %arg11[%dma_start3A_1183, %dma_start3A_1186, %dma_start3A_1187] : memref<2x128x128xf32, #tpu.memory_space<vmem>> -> memref<1x128x128xf32, #tpu.memory_space<vmem>>
      %dma_start3A_1189 = tpu.memref_squeeze %dma_start3A_1188 : memref<1x128x128xf32, #tpu.memory_space<vmem>> -> memref<128x128xf32, #tpu.memory_space<vmem>>
      %dma_start3A_1190 = arith.constant 0 : i32
      %dma_start3A_1191 = tpu.memref_slice %arg10[%dma_start3A_1184, %dma_start3A_1185, %dma_start3A_1190] : memref<2x8x128xi32, #tpu.memory_space<vmem>> -> memref<1x1x128xi32, #tpu.memory_space<vmem>>
      %dma_start3A_1192 = tpu.memref_squeeze %dma_start3A_1191 : memref<1x1x128xi32, #tpu.memory_space<vmem>> -> memref<128xi32, #tpu.memory_space<vmem>>
      %dma_start3A_1193 = arith.constant 0 : i32
      %dma_start3A_1194 = arith.constant 0 : i32
      %dma_start3A_1195 = tpu.memref_slice %arg12[%dma_start3A_1193, %dma_start3A_1194] : memref<10240x128xf32, #tpu.memory_space<vmem_shared>> -> memref<10240x128xf32, #tpu.memory_space<vmem_shared>>
      tpu.enqueue_indirect_dma source(%dma_start3A_1189 : memref<128x128xf32, #tpu.memory_space<vmem>>) target(%dma_start3A_1195 : memref<10240x128xf32, #tpu.memory_space<vmem_shared>>) offsets(%dma_start3A_1192 : memref<128xi32, #tpu.memory_space<vmem>>) semaphore(%arg13 : memref<!tpu.dma_semaphore, #tpu.memory_space<semaphore_mem>>) {add = true}
      %mul3A_1196 = arith.constant 2 : i32
      %mul3A_1197 = arith.muli %mul3A_1196, %scan3A_65 : i32
      %add3A_1198 = arith.constant 1 : i32
      %add3A_1199 = arith.addi %mul3A_1197, %add3A_1198 : i32
      %gt3A_1200 = arith.constant 0 : i32
      %gt3A_1201 = arith.cmpi sgt, %add3A_1199, %gt3A_1200 : i32
      %convert_element_type3A_1202 = arith.extui %gt3A_1201 : i1 to i32
      %cond3A_1203 = arith.constant 0 : i32
      %cond3A_1204 = arith.cmpi ne, %convert_element_type3A_1202, %cond3A_1203 : i32
      scf.if %cond3A_1204 {
        %dma_wait3A_2335 = arith.constant 0 : i32
        %dma_wait3A_2336 = arith.constant 0 : i32
        %dma_wait3A_2337 = arith.constant 0 : i32
        %dma_wait3A_2338 = arith.constant 0 : i32
        %dma_wait3A_2339 = arith.constant 0 : i32
        %dma_wait3A_2340 = tpu.memref_slice %arg11[%dma_wait3A_2335, %dma_wait3A_2338, %dma_wait3A_2339] : memref<2x128x128xf32, #tpu.memory_space<vmem>> -> memref<1x128x128xf32, #tpu.memory_space<vmem>>
        %dma_wait3A_2341 = tpu.memref_squeeze %dma_wait3A_2340 : memref<1x128x128xf32, #tpu.memory_space<vmem>> -> memref<128x128xf32, #tpu.memory_space<vmem>>
        %dma_wait3A_2342 = arith.constant 0 : i32
        %dma_wait3A_2343 = tpu.memref_slice %arg10[%dma_wait3A_2336, %dma_wait3A_2337, %dma_wait3A_2342] : memref<2x8x128xi32, #tpu.memory_space<vmem>> -> memref<1x1x128xi32, #tpu.memory_space<vmem>>
        %dma_wait3A_2344 = tpu.memref_squeeze %dma_wait3A_2343 : memref<1x1x128xi32, #tpu.memory_space<vmem>> -> memref<128xi32, #tpu.memory_space<vmem>>
        %dma_wait3A_2345 = arith.constant 0 : i32
        %dma_wait3A_2346 = arith.constant 0 : i32
        %dma_wait3A_2347 = tpu.memref_slice %arg12[%dma_wait3A_2345, %dma_wait3A_2346] : memref<10240x128xf32, #tpu.memory_space<vmem_shared>> -> memref<10240x128xf32, #tpu.memory_space<vmem_shared>>
        tpu.wait_indirect_dma semaphore(%arg13 : memref<!tpu.dma_semaphore, #tpu.memory_space<semaphore_mem>>) src(%dma_wait3A_2341 : memref<128x128xf32, #tpu.memory_space<vmem>>) dst(%dma_wait3A_2347 : memref<10240x128xf32, #tpu.memory_space<vmem_shared>>)
        %dma_wait3A_2348 = arith.constant 1 : i32
        %dma_wait3A_2349 = arith.constant 0 : i32
        %dma_wait3A_2350 = arith.constant 0 : i32
        %dma_wait3A_2351 = arith.constant 0 : i32
        %dma_wait3A_2352 = arith.constant 0 : i32
        %dma_wait3A_2353 = tpu.memref_slice %arg11[%dma_wait3A_2348, %dma_wait3A_2351, %dma_wait3A_2352] : memref<2x128x128xf32, #tpu.memory_space<vmem>> -> memref<1x128x128xf32, #tpu.memory_space<vmem>>
        %dma_wait3A_2354 = tpu.memref_squeeze %dma_wait3A_2353 : memref<1x128x128xf32, #tpu.memory_space<vmem>> -> memref<128x128xf32, #tpu.memory_space<vmem>>
        %dma_wait3A_2355 = arith.constant 0 : i32
        %dma_wait3A_2356 = tpu.memref_slice %arg10[%dma_wait3A_2349, %dma_wait3A_2350, %dma_wait3A_2355] : memref<2x8x128xi32, #tpu.memory_space<vmem>> -> memref<1x1x128xi32, #tpu.memory_space<vmem>>
        %dma_wait3A_2357 = tpu.memref_squeeze %dma_wait3A_2356 : memref<1x1x128xi32, #tpu.memory_space<vmem>> -> memref<128xi32, #tpu.memory_space<vmem>>
        %dma_wait3A_2358 = arith.constant 0 : i32
        %dma_wait3A_2359 = arith.constant 0 : i32
        %dma_wait3A_2360 = tpu.memref_slice %arg12[%dma_wait3A_2358, %dma_wait3A_2359] : memref<10240x128xf32, #tpu.memory_space<vmem_shared>> -> memref<10240x128xf32, #tpu.memory_space<vmem_shared>>
        tpu.wait_indirect_dma semaphore(%arg13 : memref<!tpu.dma_semaphore, #tpu.memory_space<semaphore_mem>>) src(%dma_wait3A_2354 : memref<128x128xf32, #tpu.memory_space<vmem>>) dst(%dma_wait3A_2360 : memref<10240x128xf32, #tpu.memory_space<vmem_shared>>)
      } else {
      }
      %lt3A_1205 = arith.constant 9 : i32
      %lt3A_1206 = arith.cmpi slt, %add3A_1199, %lt3A_1205 : i32
      %convert_element_type3A_1207 = arith.extui %lt3A_1206 : i1 to i32
      %cond3A_1208 = arith.constant 0 : i32
      %cond3A_1209 = arith.cmpi ne, %convert_element_type3A_1207, %cond3A_1208 : i32
      scf.if %cond3A_1209 {
        %add3A_2335 = arith.constant 1 : i32
        %add3A_2336 = arith.addi %add3A_1199, %add3A_2335 : i32
        %mul3A_2337 = arith.constant 80 : i32
        %mul3A_2338 = arith.muli %add3A, %mul3A_2337 : i32
        %mul3A_2339 = arith.constant 8 : i32
        %mul3A_2340 = arith.muli %add3A_2336, %mul3A_2339 : i32
        %add3A_2341 = arith.addi %mul3A_2338, %mul3A_2340 : i32
        %dma_start3A_2342 = arith.constant 0 : i32
        %dma_start3A_2343 = arith.constant 0 : i32
        %dma_start3A_2344 = arith.constant 0 : i32
        %dma_start3A_2345 = tpu.memref_slice %arg9[%dma_start3A_2342, %dma_start3A_2343, %dma_start3A_2344] : memref<2x8x128xi32, #tpu.memory_space<vmem>> -> memref<1x8x128xi32, #tpu.memory_space<vmem>>
        %dma_start3A_2346 = tpu.memref_squeeze %dma_start3A_2345 : memref<1x8x128xi32, #tpu.memory_space<vmem>> -> memref<8x128xi32, #tpu.memory_space<vmem>>
        %dma_start3A_2347 = arith.constant 0 : i32
        %dma_start3A_2348 = tpu.memref_slice %arg3[%add3A_2341, %dma_start3A_2347] : memref<2560x128xi32, #tpu.memory_space<hbm>> -> memref<8x128xi32, #tpu.memory_space<hbm>>
        %dma_start3A_2349 = arith.constant 0 : i32
        %dma_start3A_2350 = arith.constant 0 : i32
        %dma_start3A_2351 = tpu.memref_slice %arg9[%dma_start3A_2342, %dma_start3A_2349, %dma_start3A_2350] : memref<2x8x128xi32, #tpu.memory_space<vmem>> -> memref<1x8x128xi32, #tpu.memory_space<vmem>>
        %dma_start3A_2352 = tpu.memref_squeeze %dma_start3A_2351 : memref<1x8x128xi32, #tpu.memory_space<vmem>> -> memref<8x128xi32, #tpu.memory_space<vmem>>
        %dma_start3A_2353 = arith.constant 0 : i32
        %dma_start3A_2354 = tpu.memref_slice %arg3[%add3A_2341, %dma_start3A_2353] : memref<2560x128xi32, #tpu.memory_space<hbm>> -> memref<8x128xi32, #tpu.memory_space<hbm>>
        tpu.enqueue_dma source(%dma_start3A_2354 : memref<8x128xi32, #tpu.memory_space<hbm>>) target(%dma_start3A_2352 : memref<8x128xi32, #tpu.memory_space<vmem>>) target_semaphore(%arg14 : memref<!tpu.dma_semaphore, #tpu.memory_space<semaphore_mem>>)
        %dma_start3A_2355 = arith.constant 0 : i32
        %dma_start3A_2356 = arith.constant 0 : i32
        %dma_start3A_2357 = arith.constant 0 : i32
        %dma_start3A_2358 = tpu.memref_slice %arg10[%dma_start3A_2355, %dma_start3A_2356, %dma_start3A_2357] : memref<2x8x128xi32, #tpu.memory_space<vmem>> -> memref<1x8x128xi32, #tpu.memory_space<vmem>>
        %dma_start3A_2359 = tpu.memref_squeeze %dma_start3A_2358 : memref<1x8x128xi32, #tpu.memory_space<vmem>> -> memref<8x128xi32, #tpu.memory_space<vmem>>
        %dma_start3A_2360 = arith.constant 0 : i32
        %dma_start3A_2361 = tpu.memref_slice %arg4[%add3A_2341, %dma_start3A_2360] : memref<2560x128xi32, #tpu.memory_space<hbm>> -> memref<8x128xi32, #tpu.memory_space<hbm>>
        %dma_start3A_2362 = arith.constant 0 : i32
        %dma_start3A_2363 = arith.constant 0 : i32
        %dma_start3A_2364 = tpu.memref_slice %arg10[%dma_start3A_2355, %dma_start3A_2362, %dma_start3A_2363] : memref<2x8x128xi32, #tpu.memory_space<vmem>> -> memref<1x8x128xi32, #tpu.memory_space<vmem>>
        %dma_start3A_2365 = tpu.memref_squeeze %dma_start3A_2364 : memref<1x8x128xi32, #tpu.memory_space<vmem>> -> memref<8x128xi32, #tpu.memory_space<vmem>>
        %dma_start3A_2366 = arith.constant 0 : i32
        %dma_start3A_2367 = tpu.memref_slice %arg4[%add3A_2341, %dma_start3A_2366] : memref<2560x128xi32, #tpu.memory_space<hbm>> -> memref<8x128xi32, #tpu.memory_space<hbm>>
        tpu.enqueue_dma source(%dma_start3A_2367 : memref<8x128xi32, #tpu.memory_space<hbm>>) target(%dma_start3A_2365 : memref<8x128xi32, #tpu.memory_space<vmem>>) target_semaphore(%arg14 : memref<!tpu.dma_semaphore, #tpu.memory_space<semaphore_mem>>)
      } else {
      }
      %mul3A_1210 = arith.constant 80 : i32
      %mul3A_1211 = arith.muli %add3A, %mul3A_1210 : i32
      %mul3A_1212 = arith.constant 8 : i32
      %mul3A_1213 = arith.muli %add3A_1199, %mul3A_1212 : i32
      %add3A_1214 = arith.addi %mul3A_1211, %mul3A_1213 : i32
      %dma_wait3A_1215 = arith.constant 1 : i32
      %dma_wait3A_1216 = arith.constant 0 : i32
      %dma_wait3A_1217 = arith.constant 0 : i32
      %dma_wait3A_1218 = tpu.memref_slice %arg9[%dma_wait3A_1215, %dma_wait3A_1216, %dma_wait3A_1217] : memref<2x8x128xi32, #tpu.memory_space<vmem>> -> memref<1x8x128xi32, #tpu.memory_space<vmem>>
      %dma_wait3A_1219 = tpu.memref_squeeze %dma_wait3A_1218 : memref<1x8x128xi32, #tpu.memory_space<vmem>> -> memref<8x128xi32, #tpu.memory_space<vmem>>
      %dma_wait3A_1220 = arith.constant 0 : i32
      %dma_wait3A_1221 = tpu.memref_slice %arg3[%add3A_1214, %dma_wait3A_1220] : memref<2560x128xi32, #tpu.memory_space<hbm>> -> memref<8x128xi32, #tpu.memory_space<hbm>>
      %dma_wait3A_1222 = arith.constant 0 : i32
      %dma_wait3A_1223 = arith.constant 0 : i32
      %dma_wait3A_1224 = tpu.memref_slice %arg9[%dma_wait3A_1215, %dma_wait3A_1222, %dma_wait3A_1223] : memref<2x8x128xi32, #tpu.memory_space<vmem>> -> memref<1x8x128xi32, #tpu.memory_space<vmem>>
      %dma_wait3A_1225 = tpu.memref_squeeze %dma_wait3A_1224 : memref<1x8x128xi32, #tpu.memory_space<vmem>> -> memref<8x128xi32, #tpu.memory_space<vmem>>
      %dma_wait3A_1226 = arith.constant 0 : i32
      %dma_wait3A_1227 = tpu.memref_slice %arg3[%add3A_1214, %dma_wait3A_1226] : memref<2560x128xi32, #tpu.memory_space<hbm>> -> memref<8x128xi32, #tpu.memory_space<hbm>>
      tpu.wait_dma2 semaphore(%arg14 : memref<!tpu.dma_semaphore, #tpu.memory_space<semaphore_mem>>) src(%dma_wait3A_1227 : memref<8x128xi32, #tpu.memory_space<hbm>>) dst(%dma_wait3A_1225 : memref<8x128xi32, #tpu.memory_space<vmem>>)
      %dma_wait3A_1228 = arith.constant 1 : i32
      %dma_wait3A_1229 = arith.constant 0 : i32
      %dma_wait3A_1230 = arith.constant 0 : i32
      %dma_wait3A_1231 = tpu.memref_slice %arg10[%dma_wait3A_1228, %dma_wait3A_1229, %dma_wait3A_1230] : memref<2x8x128xi32, #tpu.memory_space<vmem>> -> memref<1x8x128xi32, #tpu.memory_space<vmem>>
      %dma_wait3A_1232 = tpu.memref_squeeze %dma_wait3A_1231 : memref<1x8x128xi32, #tpu.memory_space<vmem>> -> memref<8x128xi32, #tpu.memory_space<vmem>>
      %dma_wait3A_1233 = arith.constant 0 : i32
      %dma_wait3A_1234 = tpu.memref_slice %arg4[%add3A_1214, %dma_wait3A_1233] : memref<2560x128xi32, #tpu.memory_space<hbm>> -> memref<8x128xi32, #tpu.memory_space<hbm>>
      %dma_wait3A_1235 = arith.constant 0 : i32
      %dma_wait3A_1236 = arith.constant 0 : i32
      %dma_wait3A_1237 = tpu.memref_slice %arg10[%dma_wait3A_1228, %dma_wait3A_1235, %dma_wait3A_1236] : memref<2x8x128xi32, #tpu.memory_space<vmem>> -> memref<1x8x128xi32, #tpu.memory_space<vmem>>
      %dma_wait3A_1238 = tpu.memref_squeeze %dma_wait3A_1237 : memref<1x8x128xi32, #tpu.memory_space<vmem>> -> memref<8x128xi32, #tpu.memory_space<vmem>>
      %dma_wait3A_1239 = arith.constant 0 : i32
      %dma_wait3A_1240 = tpu.memref_slice %arg4[%add3A_1214, %dma_wait3A_1239] : memref<2560x128xi32, #tpu.memory_space<hbm>> -> memref<8x128xi32, #tpu.memory_space<hbm>>
      tpu.wait_dma2 semaphore(%arg14 : memref<!tpu.dma_semaphore, #tpu.memory_space<semaphore_mem>>) src(%dma_wait3A_1240 : memref<8x128xi32, #tpu.memory_space<hbm>>) dst(%dma_wait3A_1238 : memref<8x128xi32, #tpu.memory_space<vmem>>)
      %get3A_1241 = arith.constant 1 : i32
      %get3A_1242 = arith.constant 0 : i32
      %get3A_1243 = arith.index_cast %get3A_1241 : i32 to index
      %get3A_1244 = arith.index_cast %get3A_1242 : i32 to index
      %get3A_1245 = arith.constant 0 : index
      %get3A_1246 = tpu.vector_load %arg10[%get3A_1243, %get3A_1244, %get3A_1245] {strides = array<i32>} : memref<2x8x128xi32, #tpu.memory_space<vmem>>, vector<16xi32>,
      %broadcast_in_dim3A_1247 = arith.constant true
      %broadcast_in_dim3A_1248 = vector.broadcast %broadcast_in_dim3A_1247 : i1 to vector<16xi1>
      %unique3A_1249, %unique3A_1250 = tpu.scan_count mask(%broadcast_in_dim3A_1248 : vector<16xi1>) value(%get3A_1246 : vector<16xi32>) : vector<16xi1>, vector<16xi32>
      %convert_element_type3A_1251 = arith.sitofp %unique3A_1250 : vector<16xi32> to vector<16xf32>
      tpu.vector_store_idx %arg17[%get3A_1246], %convert_element_type3A_1251 masked %unique3A_1249 {add = true} : memref<10240xf32, #tpu.memory_space<vmem>>[vector<16xi32>], vector<16xf32>, vector<16xi1>
      %get3A_1252 = arith.constant 1 : i32
      %get3A_1253 = arith.constant 0 : i32
      %get3A_1254 = arith.index_cast %get3A_1252 : i32 to index
      %get3A_1255 = arith.index_cast %get3A_1253 : i32 to index
      %get3A_1256 = arith.constant 16 : index
      %get3A_1257 = tpu.vector_load %arg10[%get3A_1254, %get3A_1255, %get3A_1256] {strides = array<i32>} : memref<2x8x128xi32, #tpu.memory_space<vmem>>, vector<16xi32>,
      %broadcast_in_dim3A_1258 = arith.constant true
      %broadcast_in_dim3A_1259 = vector.broadcast %broadcast_in_dim3A_1258 : i1 to vector<16xi1>
      %unique3A_1260, %unique3A_1261 = tpu.scan_count mask(%broadcast_in_dim3A_1259 : vector<16xi1>) value(%get3A_1257 : vector<16xi32>) : vector<16xi1>, vector<16xi32>
      %convert_element_type3A_1262 = arith.sitofp %unique3A_1261 : vector<16xi32> to vector<16xf32>
      tpu.vector_store_idx %arg17[%get3A_1257], %convert_element_type3A_1262 masked %unique3A_1260 {add = true} : memref<10240xf32, #tpu.memory_space<vmem>>[vector<16xi32>], vector<16xf32>, vector<16xi1>
      %get3A_1263 = arith.constant 1 : i32
      %get3A_1264 = arith.constant 0 : i32
      %get3A_1265 = arith.index_cast %get3A_1263 : i32 to index
      %get3A_1266 = arith.index_cast %get3A_1264 : i32 to index
      %get3A_1267 = arith.constant 32 : index
      %get3A_1268 = tpu.vector_load %arg10[%get3A_1265, %get3A_1266, %get3A_1267] {strides = array<i32>} : memref<2x8x128xi32, #tpu.memory_space<vmem>>, vector<16xi32>,
      %broadcast_in_dim3A_1269 = arith.constant true
      %broadcast_in_dim3A_1270 = vector.broadcast %broadcast_in_dim3A_1269 : i1 to vector<16xi1>
      %unique3A_1271, %unique3A_1272 = tpu.scan_count mask(%broadcast_in_dim3A_1270 : vector<16xi1>) value(%get3A_1268 : vector<16xi32>) : vector<16xi1>, vector<16xi32>
      %convert_element_type3A_1273 = arith.sitofp %unique3A_1272 : vector<16xi32> to vector<16xf32>
      tpu.vector_store_idx %arg17[%get3A_1268], %convert_element_type3A_1273 masked %unique3A_1271 {add = true} : memref<10240xf32, #tpu.memory_space<vmem>>[vector<16xi32>], vector<16xf32>, vector<16xi1>
      %get3A_1274 = arith.constant 1 : i32
      %get3A_1275 = arith.constant 0 : i32
      %get3A_1276 = arith.index_cast %get3A_1274 : i32 to index
      %get3A_1277 = arith.index_cast %get3A_1275 : i32 to index
      %get3A_1278 = arith.constant 48 : index
      %get3A_1279 = tpu.vector_load %arg10[%get3A_1276, %get3A_1277, %get3A_1278] {strides = array<i32>} : memref<2x8x128xi32, #tpu.memory_space<vmem>>, vector<16xi32>,
      %broadcast_in_dim3A_1280 = arith.constant true
      %broadcast_in_dim3A_1281 = vector.broadcast %broadcast_in_dim3A_1280 : i1 to vector<16xi1>
      %unique3A_1282, %unique3A_1283 = tpu.scan_count mask(%broadcast_in_dim3A_1281 : vector<16xi1>) value(%get3A_1279 : vector<16xi32>) : vector<16xi1>, vector<16xi32>
      %convert_element_type3A_1284 = arith.sitofp %unique3A_1283 : vector<16xi32> to vector<16xf32>
      tpu.vector_store_idx %arg17[%get3A_1279], %convert_element_type3A_1284 masked %unique3A_1282 {add = true} : memref<10240xf32, #tpu.memory_space<vmem>>[vector<16xi32>], vector<16xf32>, vector<16xi1>
      %get3A_1285 = arith.constant 1 : i32
      %get3A_1286 = arith.constant 0 : i32
      %get3A_1287 = arith.index_cast %get3A_1285 : i32 to index
      %get3A_1288 = arith.index_cast %get3A_1286 : i32 to index
      %get3A_1289 = arith.constant 64 : index
      %get3A_1290 = tpu.vector_load %arg10[%get3A_1287, %get3A_1288, %get3A_1289] {strides = array<i32>} : memref<2x8x128xi32, #tpu.memory_space<vmem>>, vector<16xi32>,
      %broadcast_in_dim3A_1291 = arith.constant true
      %broadcast_in_dim3A_1292 = vector.broadcast %broadcast_in_dim3A_1291 : i1 to vector<16xi1>
      %unique3A_1293, %unique3A_1294 = tpu.scan_count mask(%broadcast_in_dim3A_1292 : vector<16xi1>) value(%get3A_1290 : vector<16xi32>) : vector<16xi1>, vector<16xi32>
      %convert_element_type3A_1295 = arith.sitofp %unique3A_1294 : vector<16xi32> to vector<16xf32>
      tpu.vector_store_idx %arg17[%get3A_1290], %convert_element_type3A_1295 masked %unique3A_1293 {add = true} : memref<10240xf32, #tpu.memory_space<vmem>>[vector<16xi32>], vector<16xf32>, vector<16xi1>
      %get3A_1296 = arith.constant 1 : i32
      %get3A_1297 = arith.constant 0 : i32
      %get3A_1298 = arith.index_cast %get3A_1296 : i32 to index
      %get3A_1299 = arith.index_cast %get3A_1297 : i32 to index
      %get3A_1300 = arith.constant 80 : index
      %get3A_1301 = tpu.vector_load %arg10[%get3A_1298, %get3A_1299, %get3A_1300] {strides = array<i32>} : memref<2x8x128xi32, #tpu.memory_space<vmem>>, vector<16xi32>,
      %broadcast_in_dim3A_1302 = arith.constant true
      %broadcast_in_dim3A_1303 = vector.broadcast %broadcast_in_dim3A_1302 : i1 to vector<16xi1>
      %unique3A_1304, %unique3A_1305 = tpu.scan_count mask(%broadcast_in_dim3A_1303 : vector<16xi1>) value(%get3A_1301 : vector<16xi32>) : vector<16xi1>, vector<16xi32>
      %convert_element_type3A_1306 = arith.sitofp %unique3A_1305 : vector<16xi32> to vector<16xf32>
      tpu.vector_store_idx %arg17[%get3A_1301], %convert_element_type3A_1306 masked %unique3A_1304 {add = true} : memref<10240xf32, #tpu.memory_space<vmem>>[vector<16xi32>], vector<16xf32>, vector<16xi1>
      %get3A_1307 = arith.constant 1 : i32
      %get3A_1308 = arith.constant 0 : i32
      %get3A_1309 = arith.index_cast %get3A_1307 : i32 to index
      %get3A_1310 = arith.index_cast %get3A_1308 : i32 to index
      %get3A_1311 = arith.constant 96 : index
      %get3A_1312 = tpu.vector_load %arg10[%get3A_1309, %get3A_1310, %get3A_1311] {strides = array<i32>} : memref<2x8x128xi32, #tpu.memory_space<vmem>>, vector<16xi32>,
      %broadcast_in_dim3A_1313 = arith.constant true
      %broadcast_in_dim3A_1314 = vector.broadcast %broadcast_in_dim3A_1313 : i1 to vector<16xi1>
      %unique3A_1315, %unique3A_1316 = tpu.scan_count mask(%broadcast_in_dim3A_1314 : vector<16xi1>) value(%get3A_1312 : vector<16xi32>) : vector<16xi1>, vector<16xi32>
      %convert_element_type3A_1317 = arith.sitofp %unique3A_1316 : vector<16xi32> to vector<16xf32>
      tpu.vector_store_idx %arg17[%get3A_1312], %convert_element_type3A_1317 masked %unique3A_1315 {add = true} : memref<10240xf32, #tpu.memory_space<vmem>>[vector<16xi32>], vector<16xf32>, vector<16xi1>
      %get3A_1318 = arith.constant 1 : i32
      %get3A_1319 = arith.constant 0 : i32
      %get3A_1320 = arith.index_cast %get3A_1318 : i32 to index
      %get3A_1321 = arith.index_cast %get3A_1319 : i32 to index
      %get3A_1322 = arith.constant 112 : index
      %get3A_1323 = tpu.vector_load %arg10[%get3A_1320, %get3A_1321, %get3A_1322] {strides = array<i32>} : memref<2x8x128xi32, #tpu.memory_space<vmem>>, vector<16xi32>,
      %broadcast_in_dim3A_1324 = arith.constant true
      %broadcast_in_dim3A_1325 = vector.broadcast %broadcast_in_dim3A_1324 : i1 to vector<16xi1>
      %unique3A_1326, %unique3A_1327 = tpu.scan_count mask(%broadcast_in_dim3A_1325 : vector<16xi1>) value(%get3A_1323 : vector<16xi32>) : vector<16xi1>, vector<16xi32>
      %convert_element_type3A_1328 = arith.sitofp %unique3A_1327 : vector<16xi32> to vector<16xf32>
      tpu.vector_store_idx %arg17[%get3A_1323], %convert_element_type3A_1328 masked %unique3A_1326 {add = true} : memref<10240xf32, #tpu.memory_space<vmem>>[vector<16xi32>], vector<16xf32>, vector<16xi1>
      %get3A_1329 = arith.constant 1 : i32
      %get3A_1330 = arith.constant 1 : i32
      %get3A_1331 = arith.index_cast %get3A_1329 : i32 to index
      %get3A_1332 = arith.index_cast %get3A_1330 : i32 to index
      %get3A_1333 = arith.constant 0 : index
      %get3A_1334 = tpu.vector_load %arg10[%get3A_1331, %get3A_1332, %get3A_1333] {strides = array<i32>} : memref<2x8x128xi32, #tpu.memory_space<vmem>>, vector<16xi32>,
      %broadcast_in_dim3A_1335 = arith.constant true
      %broadcast_in_dim3A_1336 = vector.broadcast %broadcast_in_dim3A_1335 : i1 to vector<16xi1>
      %unique3A_1337, %unique3A_1338 = tpu.scan_count mask(%broadcast_in_dim3A_1336 : vector<16xi1>) value(%get3A_1334 : vector<16xi32>) : vector<16xi1>, vector<16xi32>
      %convert_element_type3A_1339 = arith.sitofp %unique3A_1338 : vector<16xi32> to vector<16xf32>
      tpu.vector_store_idx %arg17[%get3A_1334], %convert_element_type3A_1339 masked %unique3A_1337 {add = true} : memref<10240xf32, #tpu.memory_space<vmem>>[vector<16xi32>], vector<16xf32>, vector<16xi1>
      %get3A_1340 = arith.constant 1 : i32
      %get3A_1341 = arith.constant 1 : i32
      %get3A_1342 = arith.index_cast %get3A_1340 : i32 to index
      %get3A_1343 = arith.index_cast %get3A_1341 : i32 to index
      %get3A_1344 = arith.constant 16 : index
      %get3A_1345 = tpu.vector_load %arg10[%get3A_1342, %get3A_1343, %get3A_1344] {strides = array<i32>} : memref<2x8x128xi32, #tpu.memory_space<vmem>>, vector<16xi32>,
      %broadcast_in_dim3A_1346 = arith.constant true
      %broadcast_in_dim3A_1347 = vector.broadcast %broadcast_in_dim3A_1346 : i1 to vector<16xi1>
      %unique3A_1348, %unique3A_1349 = tpu.scan_count mask(%broadcast_in_dim3A_1347 : vector<16xi1>) value(%get3A_1345 : vector<16xi32>) : vector<16xi1>, vector<16xi32>
      %convert_element_type3A_1350 = arith.sitofp %unique3A_1349 : vector<16xi32> to vector<16xf32>
      tpu.vector_store_idx %arg17[%get3A_1345], %convert_element_type3A_1350 masked %unique3A_1348 {add = true} : memref<10240xf32, #tpu.memory_space<vmem>>[vector<16xi32>], vector<16xf32>, vector<16xi1>
      %get3A_1351 = arith.constant 1 : i32
      %get3A_1352 = arith.constant 1 : i32
      %get3A_1353 = arith.index_cast %get3A_1351 : i32 to index
      %get3A_1354 = arith.index_cast %get3A_1352 : i32 to index
      %get3A_1355 = arith.constant 32 : index
      %get3A_1356 = tpu.vector_load %arg10[%get3A_1353, %get3A_1354, %get3A_1355] {strides = array<i32>} : memref<2x8x128xi32, #tpu.memory_space<vmem>>, vector<16xi32>,
      %broadcast_in_dim3A_1357 = arith.constant true
      %broadcast_in_dim3A_1358 = vector.broadcast %broadcast_in_dim3A_1357 : i1 to vector<16xi1>
      %unique3A_1359, %unique3A_1360 = tpu.scan_count mask(%broadcast_in_dim3A_1358 : vector<16xi1>) value(%get3A_1356 : vector<16xi32>) : vector<16xi1>, vector<16xi32>
      %convert_element_type3A_1361 = arith.sitofp %unique3A_1360 : vector<16xi32> to vector<16xf32>
      tpu.vector_store_idx %arg17[%get3A_1356], %convert_element_type3A_1361 masked %unique3A_1359 {add = true} : memref<10240xf32, #tpu.memory_space<vmem>>[vector<16xi32>], vector<16xf32>, vector<16xi1>
      %get3A_1362 = arith.constant 1 : i32
      %get3A_1363 = arith.constant 1 : i32
      %get3A_1364 = arith.index_cast %get3A_1362 : i32 to index
      %get3A_1365 = arith.index_cast %get3A_1363 : i32 to index
      %get3A_1366 = arith.constant 48 : index
      %get3A_1367 = tpu.vector_load %arg10[%get3A_1364, %get3A_1365, %get3A_1366] {strides = array<i32>} : memref<2x8x128xi32, #tpu.memory_space<vmem>>, vector<16xi32>,
      %broadcast_in_dim3A_1368 = arith.constant true
      %broadcast_in_dim3A_1369 = vector.broadcast %broadcast_in_dim3A_1368 : i1 to vector<16xi1>
      %unique3A_1370, %unique3A_1371 = tpu.scan_count mask(%broadcast_in_dim3A_1369 : vector<16xi1>) value(%get3A_1367 : vector<16xi32>) : vector<16xi1>, vector<16xi32>
      %convert_element_type3A_1372 = arith.sitofp %unique3A_1371 : vector<16xi32> to vector<16xf32>
      tpu.vector_store_idx %arg17[%get3A_1367], %convert_element_type3A_1372 masked %unique3A_1370 {add = true} : memref<10240xf32, #tpu.memory_space<vmem>>[vector<16xi32>], vector<16xf32>, vector<16xi1>
      %get3A_1373 = arith.constant 1 : i32
      %get3A_1374 = arith.constant 1 : i32
      %get3A_1375 = arith.index_cast %get3A_1373 : i32 to index
      %get3A_1376 = arith.index_cast %get3A_1374 : i32 to index
      %get3A_1377 = arith.constant 64 : index
      %get3A_1378 = tpu.vector_load %arg10[%get3A_1375, %get3A_1376, %get3A_1377] {strides = array<i32>} : memref<2x8x128xi32, #tpu.memory_space<vmem>>, vector<16xi32>,
      %broadcast_in_dim3A_1379 = arith.constant true
      %broadcast_in_dim3A_1380 = vector.broadcast %broadcast_in_dim3A_1379 : i1 to vector<16xi1>
      %unique3A_1381, %unique3A_1382 = tpu.scan_count mask(%broadcast_in_dim3A_1380 : vector<16xi1>) value(%get3A_1378 : vector<16xi32>) : vector<16xi1>, vector<16xi32>
      %convert_element_type3A_1383 = arith.sitofp %unique3A_1382 : vector<16xi32> to vector<16xf32>
      tpu.vector_store_idx %arg17[%get3A_1378], %convert_element_type3A_1383 masked %unique3A_1381 {add = true} : memref<10240xf32, #tpu.memory_space<vmem>>[vector<16xi32>], vector<16xf32>, vector<16xi1>
      %get3A_1384 = arith.constant 1 : i32
      %get3A_1385 = arith.constant 1 : i32
      %get3A_1386 = arith.index_cast %get3A_1384 : i32 to index
      %get3A_1387 = arith.index_cast %get3A_1385 : i32 to index
      %get3A_1388 = arith.constant 80 : index
      %get3A_1389 = tpu.vector_load %arg10[%get3A_1386, %get3A_1387, %get3A_1388] {strides = array<i32>} : memref<2x8x128xi32, #tpu.memory_space<vmem>>, vector<16xi32>,
      %broadcast_in_dim3A_1390 = arith.constant true
      %broadcast_in_dim3A_1391 = vector.broadcast %broadcast_in_dim3A_1390 : i1 to vector<16xi1>
      %unique3A_1392, %unique3A_1393 = tpu.scan_count mask(%broadcast_in_dim3A_1391 : vector<16xi1>) value(%get3A_1389 : vector<16xi32>) : vector<16xi1>, vector<16xi32>
      %convert_element_type3A_1394 = arith.sitofp %unique3A_1393 : vector<16xi32> to vector<16xf32>
      tpu.vector_store_idx %arg17[%get3A_1389], %convert_element_type3A_1394 masked %unique3A_1392 {add = true} : memref<10240xf32, #tpu.memory_space<vmem>>[vector<16xi32>], vector<16xf32>, vector<16xi1>
      %get3A_1395 = arith.constant 1 : i32
      %get3A_1396 = arith.constant 1 : i32
      %get3A_1397 = arith.index_cast %get3A_1395 : i32 to index
      %get3A_1398 = arith.index_cast %get3A_1396 : i32 to index
      %get3A_1399 = arith.constant 96 : index
      %get3A_1400 = tpu.vector_load %arg10[%get3A_1397, %get3A_1398, %get3A_1399] {strides = array<i32>} : memref<2x8x128xi32, #tpu.memory_space<vmem>>, vector<16xi32>,
      %broadcast_in_dim3A_1401 = arith.constant true
      %broadcast_in_dim3A_1402 = vector.broadcast %broadcast_in_dim3A_1401 : i1 to vector<16xi1>
      %unique3A_1403, %unique3A_1404 = tpu.scan_count mask(%broadcast_in_dim3A_1402 : vector<16xi1>) value(%get3A_1400 : vector<16xi32>) : vector<16xi1>, vector<16xi32>
      %convert_element_type3A_1405 = arith.sitofp %unique3A_1404 : vector<16xi32> to vector<16xf32>
      tpu.vector_store_idx %arg17[%get3A_1400], %convert_element_type3A_1405 masked %unique3A_1403 {add = true} : memref<10240xf32, #tpu.memory_space<vmem>>[vector<16xi32>], vector<16xf32>, vector<16xi1>
      %get3A_1406 = arith.constant 1 : i32
      %get3A_1407 = arith.constant 1 : i32
      %get3A_1408 = arith.index_cast %get3A_1406 : i32 to index
      %get3A_1409 = arith.index_cast %get3A_1407 : i32 to index
      %get3A_1410 = arith.constant 112 : index
      %get3A_1411 = tpu.vector_load %arg10[%get3A_1408, %get3A_1409, %get3A_1410] {strides = array<i32>} : memref<2x8x128xi32, #tpu.memory_space<vmem>>, vector<16xi32>,
      %broadcast_in_dim3A_1412 = arith.constant true
      %broadcast_in_dim3A_1413 = vector.broadcast %broadcast_in_dim3A_1412 : i1 to vector<16xi1>
      %unique3A_1414, %unique3A_1415 = tpu.scan_count mask(%broadcast_in_dim3A_1413 : vector<16xi1>) value(%get3A_1411 : vector<16xi32>) : vector<16xi1>, vector<16xi32>
      %convert_element_type3A_1416 = arith.sitofp %unique3A_1415 : vector<16xi32> to vector<16xf32>
      tpu.vector_store_idx %arg17[%get3A_1411], %convert_element_type3A_1416 masked %unique3A_1414 {add = true} : memref<10240xf32, #tpu.memory_space<vmem>>[vector<16xi32>], vector<16xf32>, vector<16xi1>
      %get3A_1417 = arith.constant 1 : i32
      %get3A_1418 = arith.constant 2 : i32
      %get3A_1419 = arith.index_cast %get3A_1417 : i32 to index
      %get3A_1420 = arith.index_cast %get3A_1418 : i32 to index
      %get3A_1421 = arith.constant 0 : index
      %get3A_1422 = tpu.vector_load %arg10[%get3A_1419, %get3A_1420, %get3A_1421] {strides = array<i32>} : memref<2x8x128xi32, #tpu.memory_space<vmem>>, vector<16xi32>,
      %broadcast_in_dim3A_1423 = arith.constant true
      %broadcast_in_dim3A_1424 = vector.broadcast %broadcast_in_dim3A_1423 : i1 to vector<16xi1>
      %unique3A_1425, %unique3A_1426 = tpu.scan_count mask(%broadcast_in_dim3A_1424 : vector<16xi1>) value(%get3A_1422 : vector<16xi32>) : vector<16xi1>, vector<16xi32>
      %convert_element_type3A_1427 = arith.sitofp %unique3A_1426 : vector<16xi32> to vector<16xf32>
      tpu.vector_store_idx %arg17[%get3A_1422], %convert_element_type3A_1427 masked %unique3A_1425 {add = true} : memref<10240xf32, #tpu.memory_space<vmem>>[vector<16xi32>], vector<16xf32>, vector<16xi1>
      %get3A_1428 = arith.constant 1 : i32
      %get3A_1429 = arith.constant 2 : i32
      %get3A_1430 = arith.index_cast %get3A_1428 : i32 to index
      %get3A_1431 = arith.index_cast %get3A_1429 : i32 to index
      %get3A_1432 = arith.constant 16 : index
      %get3A_1433 = tpu.vector_load %arg10[%get3A_1430, %get3A_1431, %get3A_1432] {strides = array<i32>} : memref<2x8x128xi32, #tpu.memory_space<vmem>>, vector<16xi32>,
      %broadcast_in_dim3A_1434 = arith.constant true
      %broadcast_in_dim3A_1435 = vector.broadcast %broadcast_in_dim3A_1434 : i1 to vector<16xi1>
      %unique3A_1436, %unique3A_1437 = tpu.scan_count mask(%broadcast_in_dim3A_1435 : vector<16xi1>) value(%get3A_1433 : vector<16xi32>) : vector<16xi1>, vector<16xi32>
      %convert_element_type3A_1438 = arith.sitofp %unique3A_1437 : vector<16xi32> to vector<16xf32>
      tpu.vector_store_idx %arg17[%get3A_1433], %convert_element_type3A_1438 masked %unique3A_1436 {add = true} : memref<10240xf32, #tpu.memory_space<vmem>>[vector<16xi32>], vector<16xf32>, vector<16xi1>
      %get3A_1439 = arith.constant 1 : i32
      %get3A_1440 = arith.constant 2 : i32
      %get3A_1441 = arith.index_cast %get3A_1439 : i32 to index
      %get3A_1442 = arith.index_cast %get3A_1440 : i32 to index
      %get3A_1443 = arith.constant 32 : index
      %get3A_1444 = tpu.vector_load %arg10[%get3A_1441, %get3A_1442, %get3A_1443] {strides = array<i32>} : memref<2x8x128xi32, #tpu.memory_space<vmem>>, vector<16xi32>,
      %broadcast_in_dim3A_1445 = arith.constant true
      %broadcast_in_dim3A_1446 = vector.broadcast %broadcast_in_dim3A_1445 : i1 to vector<16xi1>
      %unique3A_1447, %unique3A_1448 = tpu.scan_count mask(%broadcast_in_dim3A_1446 : vector<16xi1>) value(%get3A_1444 : vector<16xi32>) : vector<16xi1>, vector<16xi32>
      %convert_element_type3A_1449 = arith.sitofp %unique3A_1448 : vector<16xi32> to vector<16xf32>
      tpu.vector_store_idx %arg17[%get3A_1444], %convert_element_type3A_1449 masked %unique3A_1447 {add = true} : memref<10240xf32, #tpu.memory_space<vmem>>[vector<16xi32>], vector<16xf32>, vector<16xi1>
      %get3A_1450 = arith.constant 1 : i32
      %get3A_1451 = arith.constant 2 : i32
      %get3A_1452 = arith.index_cast %get3A_1450 : i32 to index
      %get3A_1453 = arith.index_cast %get3A_1451 : i32 to index
      %get3A_1454 = arith.constant 48 : index
      %get3A_1455 = tpu.vector_load %arg10[%get3A_1452, %get3A_1453, %get3A_1454] {strides = array<i32>} : memref<2x8x128xi32, #tpu.memory_space<vmem>>, vector<16xi32>,
      %broadcast_in_dim3A_1456 = arith.constant true
      %broadcast_in_dim3A_1457 = vector.broadcast %broadcast_in_dim3A_1456 : i1 to vector<16xi1>
      %unique3A_1458, %unique3A_1459 = tpu.scan_count mask(%broadcast_in_dim3A_1457 : vector<16xi1>) value(%get3A_1455 : vector<16xi32>) : vector<16xi1>, vector<16xi32>
      %convert_element_type3A_1460 = arith.sitofp %unique3A_1459 : vector<16xi32> to vector<16xf32>
      tpu.vector_store_idx %arg17[%get3A_1455], %convert_element_type3A_1460 masked %unique3A_1458 {add = true} : memref<10240xf32, #tpu.memory_space<vmem>>[vector<16xi32>], vector<16xf32>, vector<16xi1>
      %get3A_1461 = arith.constant 1 : i32
      %get3A_1462 = arith.constant 2 : i32
      %get3A_1463 = arith.index_cast %get3A_1461 : i32 to index
      %get3A_1464 = arith.index_cast %get3A_1462 : i32 to index
      %get3A_1465 = arith.constant 64 : index
      %get3A_1466 = tpu.vector_load %arg10[%get3A_1463, %get3A_1464, %get3A_1465] {strides = array<i32>} : memref<2x8x128xi32, #tpu.memory_space<vmem>>, vector<16xi32>,
      %broadcast_in_dim3A_1467 = arith.constant true
      %broadcast_in_dim3A_1468 = vector.broadcast %broadcast_in_dim3A_1467 : i1 to vector<16xi1>
      %unique3A_1469, %unique3A_1470 = tpu.scan_count mask(%broadcast_in_dim3A_1468 : vector<16xi1>) value(%get3A_1466 : vector<16xi32>) : vector<16xi1>, vector<16xi32>
      %convert_element_type3A_1471 = arith.sitofp %unique3A_1470 : vector<16xi32> to vector<16xf32>
      tpu.vector_store_idx %arg17[%get3A_1466], %convert_element_type3A_1471 masked %unique3A_1469 {add = true} : memref<10240xf32, #tpu.memory_space<vmem>>[vector<16xi32>], vector<16xf32>, vector<16xi1>
      %get3A_1472 = arith.constant 1 : i32
      %get3A_1473 = arith.constant 2 : i32
      %get3A_1474 = arith.index_cast %get3A_1472 : i32 to index
      %get3A_1475 = arith.index_cast %get3A_1473 : i32 to index
      %get3A_1476 = arith.constant 80 : index
      %get3A_1477 = tpu.vector_load %arg10[%get3A_1474, %get3A_1475, %get3A_1476] {strides = array<i32>} : memref<2x8x128xi32, #tpu.memory_space<vmem>>, vector<16xi32>,
      %broadcast_in_dim3A_1478 = arith.constant true
      %broadcast_in_dim3A_1479 = vector.broadcast %broadcast_in_dim3A_1478 : i1 to vector<16xi1>
      %unique3A_1480, %unique3A_1481 = tpu.scan_count mask(%broadcast_in_dim3A_1479 : vector<16xi1>) value(%get3A_1477 : vector<16xi32>) : vector<16xi1>, vector<16xi32>
      %convert_element_type3A_1482 = arith.sitofp %unique3A_1481 : vector<16xi32> to vector<16xf32>
      tpu.vector_store_idx %arg17[%get3A_1477], %convert_element_type3A_1482 masked %unique3A_1480 {add = true} : memref<10240xf32, #tpu.memory_space<vmem>>[vector<16xi32>], vector<16xf32>, vector<16xi1>
      %get3A_1483 = arith.constant 1 : i32
      %get3A_1484 = arith.constant 2 : i32
      %get3A_1485 = arith.index_cast %get3A_1483 : i32 to index
      %get3A_1486 = arith.index_cast %get3A_1484 : i32 to index
      %get3A_1487 = arith.constant 96 : index
      %get3A_1488 = tpu.vector_load %arg10[%get3A_1485, %get3A_1486, %get3A_1487] {strides = array<i32>} : memref<2x8x128xi32, #tpu.memory_space<vmem>>, vector<16xi32>,
      %broadcast_in_dim3A_1489 = arith.constant true
      %broadcast_in_dim3A_1490 = vector.broadcast %broadcast_in_dim3A_1489 : i1 to vector<16xi1>
      %unique3A_1491, %unique3A_1492 = tpu.scan_count mask(%broadcast_in_dim3A_1490 : vector<16xi1>) value(%get3A_1488 : vector<16xi32>) : vector<16xi1>, vector<16xi32>
      %convert_element_type3A_1493 = arith.sitofp %unique3A_1492 : vector<16xi32> to vector<16xf32>
      tpu.vector_store_idx %arg17[%get3A_1488], %convert_element_type3A_1493 masked %unique3A_1491 {add = true} : memref<10240xf32, #tpu.memory_space<vmem>>[vector<16xi32>], vector<16xf32>, vector<16xi1>
      %get3A_1494 = arith.constant 1 : i32
      %get3A_1495 = arith.constant 2 : i32
      %get3A_1496 = arith.index_cast %get3A_1494 : i32 to index
      %get3A_1497 = arith.index_cast %get3A_1495 : i32 to index
      %get3A_1498 = arith.constant 112 : index
      %get3A_1499 = tpu.vector_load %arg10[%get3A_1496, %get3A_1497, %get3A_1498] {strides = array<i32>} : memref<2x8x128xi32, #tpu.memory_space<vmem>>, vector<16xi32>,
      %broadcast_in_dim3A_1500 = arith.constant true
      %broadcast_in_dim3A_1501 = vector.broadcast %broadcast_in_dim3A_1500 : i1 to vector<16xi1>
      %unique3A_1502, %unique3A_1503 = tpu.scan_count mask(%broadcast_in_dim3A_1501 : vector<16xi1>) value(%get3A_1499 : vector<16xi32>) : vector<16xi1>, vector<16xi32>
      %convert_element_type3A_1504 = arith.sitofp %unique3A_1503 : vector<16xi32> to vector<16xf32>
      tpu.vector_store_idx %arg17[%get3A_1499], %convert_element_type3A_1504 masked %unique3A_1502 {add = true} : memref<10240xf32, #tpu.memory_space<vmem>>[vector<16xi32>], vector<16xf32>, vector<16xi1>
      %get3A_1505 = arith.constant 1 : i32
      %get3A_1506 = arith.constant 3 : i32
      %get3A_1507 = arith.index_cast %get3A_1505 : i32 to index
      %get3A_1508 = arith.index_cast %get3A_1506 : i32 to index
      %get3A_1509 = arith.constant 0 : index
      %get3A_1510 = tpu.vector_load %arg10[%get3A_1507, %get3A_1508, %get3A_1509] {strides = array<i32>} : memref<2x8x128xi32, #tpu.memory_space<vmem>>, vector<16xi32>,
      %broadcast_in_dim3A_1511 = arith.constant true
      %broadcast_in_dim3A_1512 = vector.broadcast %broadcast_in_dim3A_1511 : i1 to vector<16xi1>
      %unique3A_1513, %unique3A_1514 = tpu.scan_count mask(%broadcast_in_dim3A_1512 : vector<16xi1>) value(%get3A_1510 : vector<16xi32>) : vector<16xi1>, vector<16xi32>
      %convert_element_type3A_1515 = arith.sitofp %unique3A_1514 : vector<16xi32> to vector<16xf32>
      tpu.vector_store_idx %arg17[%get3A_1510], %convert_element_type3A_1515 masked %unique3A_1513 {add = true} : memref<10240xf32, #tpu.memory_space<vmem>>[vector<16xi32>], vector<16xf32>, vector<16xi1>
      %get3A_1516 = arith.constant 1 : i32
      %get3A_1517 = arith.constant 3 : i32
      %get3A_1518 = arith.index_cast %get3A_1516 : i32 to index
      %get3A_1519 = arith.index_cast %get3A_1517 : i32 to index
      %get3A_1520 = arith.constant 16 : index
      %get3A_1521 = tpu.vector_load %arg10[%get3A_1518, %get3A_1519, %get3A_1520] {strides = array<i32>} : memref<2x8x128xi32, #tpu.memory_space<vmem>>, vector<16xi32>,
      %broadcast_in_dim3A_1522 = arith.constant true
      %broadcast_in_dim3A_1523 = vector.broadcast %broadcast_in_dim3A_1522 : i1 to vector<16xi1>
      %unique3A_1524, %unique3A_1525 = tpu.scan_count mask(%broadcast_in_dim3A_1523 : vector<16xi1>) value(%get3A_1521 : vector<16xi32>) : vector<16xi1>, vector<16xi32>
      %convert_element_type3A_1526 = arith.sitofp %unique3A_1525 : vector<16xi32> to vector<16xf32>
      tpu.vector_store_idx %arg17[%get3A_1521], %convert_element_type3A_1526 masked %unique3A_1524 {add = true} : memref<10240xf32, #tpu.memory_space<vmem>>[vector<16xi32>], vector<16xf32>, vector<16xi1>
      %get3A_1527 = arith.constant 1 : i32
      %get3A_1528 = arith.constant 3 : i32
      %get3A_1529 = arith.index_cast %get3A_1527 : i32 to index
      %get3A_1530 = arith.index_cast %get3A_1528 : i32 to index
      %get3A_1531 = arith.constant 32 : index
      %get3A_1532 = tpu.vector_load %arg10[%get3A_1529, %get3A_1530, %get3A_1531] {strides = array<i32>} : memref<2x8x128xi32, #tpu.memory_space<vmem>>, vector<16xi32>,
      %broadcast_in_dim3A_1533 = arith.constant true
      %broadcast_in_dim3A_1534 = vector.broadcast %broadcast_in_dim3A_1533 : i1 to vector<16xi1>
      %unique3A_1535, %unique3A_1536 = tpu.scan_count mask(%broadcast_in_dim3A_1534 : vector<16xi1>) value(%get3A_1532 : vector<16xi32>) : vector<16xi1>, vector<16xi32>
      %convert_element_type3A_1537 = arith.sitofp %unique3A_1536 : vector<16xi32> to vector<16xf32>
      tpu.vector_store_idx %arg17[%get3A_1532], %convert_element_type3A_1537 masked %unique3A_1535 {add = true} : memref<10240xf32, #tpu.memory_space<vmem>>[vector<16xi32>], vector<16xf32>, vector<16xi1>
      %get3A_1538 = arith.constant 1 : i32
      %get3A_1539 = arith.constant 3 : i32
      %get3A_1540 = arith.index_cast %get3A_1538 : i32 to index
      %get3A_1541 = arith.index_cast %get3A_1539 : i32 to index
      %get3A_1542 = arith.constant 48 : index
      %get3A_1543 = tpu.vector_load %arg10[%get3A_1540, %get3A_1541, %get3A_1542] {strides = array<i32>} : memref<2x8x128xi32, #tpu.memory_space<vmem>>, vector<16xi32>,
      %broadcast_in_dim3A_1544 = arith.constant true
      %broadcast_in_dim3A_1545 = vector.broadcast %broadcast_in_dim3A_1544 : i1 to vector<16xi1>
      %unique3A_1546, %unique3A_1547 = tpu.scan_count mask(%broadcast_in_dim3A_1545 : vector<16xi1>) value(%get3A_1543 : vector<16xi32>) : vector<16xi1>, vector<16xi32>
      %convert_element_type3A_1548 = arith.sitofp %unique3A_1547 : vector<16xi32> to vector<16xf32>
      tpu.vector_store_idx %arg17[%get3A_1543], %convert_element_type3A_1548 masked %unique3A_1546 {add = true} : memref<10240xf32, #tpu.memory_space<vmem>>[vector<16xi32>], vector<16xf32>, vector<16xi1>
      %get3A_1549 = arith.constant 1 : i32
      %get3A_1550 = arith.constant 3 : i32
      %get3A_1551 = arith.index_cast %get3A_1549 : i32 to index
      %get3A_1552 = arith.index_cast %get3A_1550 : i32 to index
      %get3A_1553 = arith.constant 64 : index
      %get3A_1554 = tpu.vector_load %arg10[%get3A_1551, %get3A_1552, %get3A_1553] {strides = array<i32>} : memref<2x8x128xi32, #tpu.memory_space<vmem>>, vector<16xi32>,
      %broadcast_in_dim3A_1555 = arith.constant true
      %broadcast_in_dim3A_1556 = vector.broadcast %broadcast_in_dim3A_1555 : i1 to vector<16xi1>
      %unique3A_1557, %unique3A_1558 = tpu.scan_count mask(%broadcast_in_dim3A_1556 : vector<16xi1>) value(%get3A_1554 : vector<16xi32>) : vector<16xi1>, vector<16xi32>
      %convert_element_type3A_1559 = arith.sitofp %unique3A_1558 : vector<16xi32> to vector<16xf32>
      tpu.vector_store_idx %arg17[%get3A_1554], %convert_element_type3A_1559 masked %unique3A_1557 {add = true} : memref<10240xf32, #tpu.memory_space<vmem>>[vector<16xi32>], vector<16xf32>, vector<16xi1>
      %get3A_1560 = arith.constant 1 : i32
      %get3A_1561 = arith.constant 3 : i32
      %get3A_1562 = arith.index_cast %get3A_1560 : i32 to index
      %get3A_1563 = arith.index_cast %get3A_1561 : i32 to index
      %get3A_1564 = arith.constant 80 : index
      %get3A_1565 = tpu.vector_load %arg10[%get3A_1562, %get3A_1563, %get3A_1564] {strides = array<i32>} : memref<2x8x128xi32, #tpu.memory_space<vmem>>, vector<16xi32>,
      %broadcast_in_dim3A_1566 = arith.constant true
      %broadcast_in_dim3A_1567 = vector.broadcast %broadcast_in_dim3A_1566 : i1 to vector<16xi1>
      %unique3A_1568, %unique3A_1569 = tpu.scan_count mask(%broadcast_in_dim3A_1567 : vector<16xi1>) value(%get3A_1565 : vector<16xi32>) : vector<16xi1>, vector<16xi32>
      %convert_element_type3A_1570 = arith.sitofp %unique3A_1569 : vector<16xi32> to vector<16xf32>
      tpu.vector_store_idx %arg17[%get3A_1565], %convert_element_type3A_1570 masked %unique3A_1568 {add = true} : memref<10240xf32, #tpu.memory_space<vmem>>[vector<16xi32>], vector<16xf32>, vector<16xi1>
      %get3A_1571 = arith.constant 1 : i32
      %get3A_1572 = arith.constant 3 : i32
      %get3A_1573 = arith.index_cast %get3A_1571 : i32 to index
      %get3A_1574 = arith.index_cast %get3A_1572 : i32 to index
      %get3A_1575 = arith.constant 96 : index
      %get3A_1576 = tpu.vector_load %arg10[%get3A_1573, %get3A_1574, %get3A_1575] {strides = array<i32>} : memref<2x8x128xi32, #tpu.memory_space<vmem>>, vector<16xi32>,
      %broadcast_in_dim3A_1577 = arith.constant true
      %broadcast_in_dim3A_1578 = vector.broadcast %broadcast_in_dim3A_1577 : i1 to vector<16xi1>
      %unique3A_1579, %unique3A_1580 = tpu.scan_count mask(%broadcast_in_dim3A_1578 : vector<16xi1>) value(%get3A_1576 : vector<16xi32>) : vector<16xi1>, vector<16xi32>
      %convert_element_type3A_1581 = arith.sitofp %unique3A_1580 : vector<16xi32> to vector<16xf32>
      tpu.vector_store_idx %arg17[%get3A_1576], %convert_element_type3A_1581 masked %unique3A_1579 {add = true} : memref<10240xf32, #tpu.memory_space<vmem>>[vector<16xi32>], vector<16xf32>, vector<16xi1>
      %get3A_1582 = arith.constant 1 : i32
      %get3A_1583 = arith.constant 3 : i32
      %get3A_1584 = arith.index_cast %get3A_1582 : i32 to index
      %get3A_1585 = arith.index_cast %get3A_1583 : i32 to index
      %get3A_1586 = arith.constant 112 : index
      %get3A_1587 = tpu.vector_load %arg10[%get3A_1584, %get3A_1585, %get3A_1586] {strides = array<i32>} : memref<2x8x128xi32, #tpu.memory_space<vmem>>, vector<16xi32>,
      %broadcast_in_dim3A_1588 = arith.constant true
      %broadcast_in_dim3A_1589 = vector.broadcast %broadcast_in_dim3A_1588 : i1 to vector<16xi1>
      %unique3A_1590, %unique3A_1591 = tpu.scan_count mask(%broadcast_in_dim3A_1589 : vector<16xi1>) value(%get3A_1587 : vector<16xi32>) : vector<16xi1>, vector<16xi32>
      %convert_element_type3A_1592 = arith.sitofp %unique3A_1591 : vector<16xi32> to vector<16xf32>
      tpu.vector_store_idx %arg17[%get3A_1587], %convert_element_type3A_1592 masked %unique3A_1590 {add = true} : memref<10240xf32, #tpu.memory_space<vmem>>[vector<16xi32>], vector<16xf32>, vector<16xi1>
      %get3A_1593 = arith.constant 1 : i32
      %get3A_1594 = arith.constant 4 : i32
      %get3A_1595 = arith.index_cast %get3A_1593 : i32 to index
      %get3A_1596 = arith.index_cast %get3A_1594 : i32 to index
      %get3A_1597 = arith.constant 0 : index
      %get3A_1598 = tpu.vector_load %arg10[%get3A_1595, %get3A_1596, %get3A_1597] {strides = array<i32>} : memref<2x8x128xi32, #tpu.memory_space<vmem>>, vector<16xi32>,
      %broadcast_in_dim3A_1599 = arith.constant true
      %broadcast_in_dim3A_1600 = vector.broadcast %broadcast_in_dim3A_1599 : i1 to vector<16xi1>
      %unique3A_1601, %unique3A_1602 = tpu.scan_count mask(%broadcast_in_dim3A_1600 : vector<16xi1>) value(%get3A_1598 : vector<16xi32>) : vector<16xi1>, vector<16xi32>
      %convert_element_type3A_1603 = arith.sitofp %unique3A_1602 : vector<16xi32> to vector<16xf32>
      tpu.vector_store_idx %arg17[%get3A_1598], %convert_element_type3A_1603 masked %unique3A_1601 {add = true} : memref<10240xf32, #tpu.memory_space<vmem>>[vector<16xi32>], vector<16xf32>, vector<16xi1>
      %get3A_1604 = arith.constant 1 : i32
      %get3A_1605 = arith.constant 4 : i32
      %get3A_1606 = arith.index_cast %get3A_1604 : i32 to index
      %get3A_1607 = arith.index_cast %get3A_1605 : i32 to index
      %get3A_1608 = arith.constant 16 : index
      %get3A_1609 = tpu.vector_load %arg10[%get3A_1606, %get3A_1607, %get3A_1608] {strides = array<i32>} : memref<2x8x128xi32, #tpu.memory_space<vmem>>, vector<16xi32>,
      %broadcast_in_dim3A_1610 = arith.constant true
      %broadcast_in_dim3A_1611 = vector.broadcast %broadcast_in_dim3A_1610 : i1 to vector<16xi1>
      %unique3A_1612, %unique3A_1613 = tpu.scan_count mask(%broadcast_in_dim3A_1611 : vector<16xi1>) value(%get3A_1609 : vector<16xi32>) : vector<16xi1>, vector<16xi32>
      %convert_element_type3A_1614 = arith.sitofp %unique3A_1613 : vector<16xi32> to vector<16xf32>
      tpu.vector_store_idx %arg17[%get3A_1609], %convert_element_type3A_1614 masked %unique3A_1612 {add = true} : memref<10240xf32, #tpu.memory_space<vmem>>[vector<16xi32>], vector<16xf32>, vector<16xi1>
      %get3A_1615 = arith.constant 1 : i32
      %get3A_1616 = arith.constant 4 : i32
      %get3A_1617 = arith.index_cast %get3A_1615 : i32 to index
      %get3A_1618 = arith.index_cast %get3A_1616 : i32 to index
      %get3A_1619 = arith.constant 32 : index
      %get3A_1620 = tpu.vector_load %arg10[%get3A_1617, %get3A_1618, %get3A_1619] {strides = array<i32>} : memref<2x8x128xi32, #tpu.memory_space<vmem>>, vector<16xi32>,
      %broadcast_in_dim3A_1621 = arith.constant true
      %broadcast_in_dim3A_1622 = vector.broadcast %broadcast_in_dim3A_1621 : i1 to vector<16xi1>
      %unique3A_1623, %unique3A_1624 = tpu.scan_count mask(%broadcast_in_dim3A_1622 : vector<16xi1>) value(%get3A_1620 : vector<16xi32>) : vector<16xi1>, vector<16xi32>
      %convert_element_type3A_1625 = arith.sitofp %unique3A_1624 : vector<16xi32> to vector<16xf32>
      tpu.vector_store_idx %arg17[%get3A_1620], %convert_element_type3A_1625 masked %unique3A_1623 {add = true} : memref<10240xf32, #tpu.memory_space<vmem>>[vector<16xi32>], vector<16xf32>, vector<16xi1>
      %get3A_1626 = arith.constant 1 : i32
      %get3A_1627 = arith.constant 4 : i32
      %get3A_1628 = arith.index_cast %get3A_1626 : i32 to index
      %get3A_1629 = arith.index_cast %get3A_1627 : i32 to index
      %get3A_1630 = arith.constant 48 : index
      %get3A_1631 = tpu.vector_load %arg10[%get3A_1628, %get3A_1629, %get3A_1630] {strides = array<i32>} : memref<2x8x128xi32, #tpu.memory_space<vmem>>, vector<16xi32>,
      %broadcast_in_dim3A_1632 = arith.constant true
      %broadcast_in_dim3A_1633 = vector.broadcast %broadcast_in_dim3A_1632 : i1 to vector<16xi1>
      %unique3A_1634, %unique3A_1635 = tpu.scan_count mask(%broadcast_in_dim3A_1633 : vector<16xi1>) value(%get3A_1631 : vector<16xi32>) : vector<16xi1>, vector<16xi32>
      %convert_element_type3A_1636 = arith.sitofp %unique3A_1635 : vector<16xi32> to vector<16xf32>
      tpu.vector_store_idx %arg17[%get3A_1631], %convert_element_type3A_1636 masked %unique3A_1634 {add = true} : memref<10240xf32, #tpu.memory_space<vmem>>[vector<16xi32>], vector<16xf32>, vector<16xi1>
      %get3A_1637 = arith.constant 1 : i32
      %get3A_1638 = arith.constant 4 : i32
      %get3A_1639 = arith.index_cast %get3A_1637 : i32 to index
      %get3A_1640 = arith.index_cast %get3A_1638 : i32 to index
      %get3A_1641 = arith.constant 64 : index
      %get3A_1642 = tpu.vector_load %arg10[%get3A_1639, %get3A_1640, %get3A_1641] {strides = array<i32>} : memref<2x8x128xi32, #tpu.memory_space<vmem>>, vector<16xi32>,
      %broadcast_in_dim3A_1643 = arith.constant true
      %broadcast_in_dim3A_1644 = vector.broadcast %broadcast_in_dim3A_1643 : i1 to vector<16xi1>
      %unique3A_1645, %unique3A_1646 = tpu.scan_count mask(%broadcast_in_dim3A_1644 : vector<16xi1>) value(%get3A_1642 : vector<16xi32>) : vector<16xi1>, vector<16xi32>
      %convert_element_type3A_1647 = arith.sitofp %unique3A_1646 : vector<16xi32> to vector<16xf32>
      tpu.vector_store_idx %arg17[%get3A_1642], %convert_element_type3A_1647 masked %unique3A_1645 {add = true} : memref<10240xf32, #tpu.memory_space<vmem>>[vector<16xi32>], vector<16xf32>, vector<16xi1>
      %get3A_1648 = arith.constant 1 : i32
      %get3A_1649 = arith.constant 4 : i32
      %get3A_1650 = arith.index_cast %get3A_1648 : i32 to index
      %get3A_1651 = arith.index_cast %get3A_1649 : i32 to index
      %get3A_1652 = arith.constant 80 : index
      %get3A_1653 = tpu.vector_load %arg10[%get3A_1650, %get3A_1651, %get3A_1652] {strides = array<i32>} : memref<2x8x128xi32, #tpu.memory_space<vmem>>, vector<16xi32>,
      %broadcast_in_dim3A_1654 = arith.constant true
      %broadcast_in_dim3A_1655 = vector.broadcast %broadcast_in_dim3A_1654 : i1 to vector<16xi1>
      %unique3A_1656, %unique3A_1657 = tpu.scan_count mask(%broadcast_in_dim3A_1655 : vector<16xi1>) value(%get3A_1653 : vector<16xi32>) : vector<16xi1>, vector<16xi32>
      %convert_element_type3A_1658 = arith.sitofp %unique3A_1657 : vector<16xi32> to vector<16xf32>
      tpu.vector_store_idx %arg17[%get3A_1653], %convert_element_type3A_1658 masked %unique3A_1656 {add = true} : memref<10240xf32, #tpu.memory_space<vmem>>[vector<16xi32>], vector<16xf32>, vector<16xi1>
      %get3A_1659 = arith.constant 1 : i32
      %get3A_1660 = arith.constant 4 : i32
      %get3A_1661 = arith.index_cast %get3A_1659 : i32 to index
      %get3A_1662 = arith.index_cast %get3A_1660 : i32 to index
      %get3A_1663 = arith.constant 96 : index
      %get3A_1664 = tpu.vector_load %arg10[%get3A_1661, %get3A_1662, %get3A_1663] {strides = array<i32>} : memref<2x8x128xi32, #tpu.memory_space<vmem>>, vector<16xi32>,
      %broadcast_in_dim3A_1665 = arith.constant true
      %broadcast_in_dim3A_1666 = vector.broadcast %broadcast_in_dim3A_1665 : i1 to vector<16xi1>
      %unique3A_1667, %unique3A_1668 = tpu.scan_count mask(%broadcast_in_dim3A_1666 : vector<16xi1>) value(%get3A_1664 : vector<16xi32>) : vector<16xi1>, vector<16xi32>
      %convert_element_type3A_1669 = arith.sitofp %unique3A_1668 : vector<16xi32> to vector<16xf32>
      tpu.vector_store_idx %arg17[%get3A_1664], %convert_element_type3A_1669 masked %unique3A_1667 {add = true} : memref<10240xf32, #tpu.memory_space<vmem>>[vector<16xi32>], vector<16xf32>, vector<16xi1>
      %get3A_1670 = arith.constant 1 : i32
      %get3A_1671 = arith.constant 4 : i32
      %get3A_1672 = arith.index_cast %get3A_1670 : i32 to index
      %get3A_1673 = arith.index_cast %get3A_1671 : i32 to index
      %get3A_1674 = arith.constant 112 : index
      %get3A_1675 = tpu.vector_load %arg10[%get3A_1672, %get3A_1673, %get3A_1674] {strides = array<i32>} : memref<2x8x128xi32, #tpu.memory_space<vmem>>, vector<16xi32>,
      %broadcast_in_dim3A_1676 = arith.constant true
      %broadcast_in_dim3A_1677 = vector.broadcast %broadcast_in_dim3A_1676 : i1 to vector<16xi1>
      %unique3A_1678, %unique3A_1679 = tpu.scan_count mask(%broadcast_in_dim3A_1677 : vector<16xi1>) value(%get3A_1675 : vector<16xi32>) : vector<16xi1>, vector<16xi32>
      %convert_element_type3A_1680 = arith.sitofp %unique3A_1679 : vector<16xi32> to vector<16xf32>
      tpu.vector_store_idx %arg17[%get3A_1675], %convert_element_type3A_1680 masked %unique3A_1678 {add = true} : memref<10240xf32, #tpu.memory_space<vmem>>[vector<16xi32>], vector<16xf32>, vector<16xi1>
      %get3A_1681 = arith.constant 1 : i32
      %get3A_1682 = arith.constant 5 : i32
      %get3A_1683 = arith.index_cast %get3A_1681 : i32 to index
      %get3A_1684 = arith.index_cast %get3A_1682 : i32 to index
      %get3A_1685 = arith.constant 0 : index
      %get3A_1686 = tpu.vector_load %arg10[%get3A_1683, %get3A_1684, %get3A_1685] {strides = array<i32>} : memref<2x8x128xi32, #tpu.memory_space<vmem>>, vector<16xi32>,
      %broadcast_in_dim3A_1687 = arith.constant true
      %broadcast_in_dim3A_1688 = vector.broadcast %broadcast_in_dim3A_1687 : i1 to vector<16xi1>
      %unique3A_1689, %unique3A_1690 = tpu.scan_count mask(%broadcast_in_dim3A_1688 : vector<16xi1>) value(%get3A_1686 : vector<16xi32>) : vector<16xi1>, vector<16xi32>
      %convert_element_type3A_1691 = arith.sitofp %unique3A_1690 : vector<16xi32> to vector<16xf32>
      tpu.vector_store_idx %arg17[%get3A_1686], %convert_element_type3A_1691 masked %unique3A_1689 {add = true} : memref<10240xf32, #tpu.memory_space<vmem>>[vector<16xi32>], vector<16xf32>, vector<16xi1>
      %get3A_1692 = arith.constant 1 : i32
      %get3A_1693 = arith.constant 5 : i32
      %get3A_1694 = arith.index_cast %get3A_1692 : i32 to index
      %get3A_1695 = arith.index_cast %get3A_1693 : i32 to index
      %get3A_1696 = arith.constant 16 : index
      %get3A_1697 = tpu.vector_load %arg10[%get3A_1694, %get3A_1695, %get3A_1696] {strides = array<i32>} : memref<2x8x128xi32, #tpu.memory_space<vmem>>, vector<16xi32>,
      %broadcast_in_dim3A_1698 = arith.constant true
      %broadcast_in_dim3A_1699 = vector.broadcast %broadcast_in_dim3A_1698 : i1 to vector<16xi1>
      %unique3A_1700, %unique3A_1701 = tpu.scan_count mask(%broadcast_in_dim3A_1699 : vector<16xi1>) value(%get3A_1697 : vector<16xi32>) : vector<16xi1>, vector<16xi32>
      %convert_element_type3A_1702 = arith.sitofp %unique3A_1701 : vector<16xi32> to vector<16xf32>
      tpu.vector_store_idx %arg17[%get3A_1697], %convert_element_type3A_1702 masked %unique3A_1700 {add = true} : memref<10240xf32, #tpu.memory_space<vmem>>[vector<16xi32>], vector<16xf32>, vector<16xi1>
      %get3A_1703 = arith.constant 1 : i32
      %get3A_1704 = arith.constant 5 : i32
      %get3A_1705 = arith.index_cast %get3A_1703 : i32 to index
      %get3A_1706 = arith.index_cast %get3A_1704 : i32 to index
      %get3A_1707 = arith.constant 32 : index
      %get3A_1708 = tpu.vector_load %arg10[%get3A_1705, %get3A_1706, %get3A_1707] {strides = array<i32>} : memref<2x8x128xi32, #tpu.memory_space<vmem>>, vector<16xi32>,
      %broadcast_in_dim3A_1709 = arith.constant true
      %broadcast_in_dim3A_1710 = vector.broadcast %broadcast_in_dim3A_1709 : i1 to vector<16xi1>
      %unique3A_1711, %unique3A_1712 = tpu.scan_count mask(%broadcast_in_dim3A_1710 : vector<16xi1>) value(%get3A_1708 : vector<16xi32>) : vector<16xi1>, vector<16xi32>
      %convert_element_type3A_1713 = arith.sitofp %unique3A_1712 : vector<16xi32> to vector<16xf32>
      tpu.vector_store_idx %arg17[%get3A_1708], %convert_element_type3A_1713 masked %unique3A_1711 {add = true} : memref<10240xf32, #tpu.memory_space<vmem>>[vector<16xi32>], vector<16xf32>, vector<16xi1>
      %get3A_1714 = arith.constant 1 : i32
      %get3A_1715 = arith.constant 5 : i32
      %get3A_1716 = arith.index_cast %get3A_1714 : i32 to index
      %get3A_1717 = arith.index_cast %get3A_1715 : i32 to index
      %get3A_1718 = arith.constant 48 : index
      %get3A_1719 = tpu.vector_load %arg10[%get3A_1716, %get3A_1717, %get3A_1718] {strides = array<i32>} : memref<2x8x128xi32, #tpu.memory_space<vmem>>, vector<16xi32>,
      %broadcast_in_dim3A_1720 = arith.constant true
      %broadcast_in_dim3A_1721 = vector.broadcast %broadcast_in_dim3A_1720 : i1 to vector<16xi1>
      %unique3A_1722, %unique3A_1723 = tpu.scan_count mask(%broadcast_in_dim3A_1721 : vector<16xi1>) value(%get3A_1719 : vector<16xi32>) : vector<16xi1>, vector<16xi32>
      %convert_element_type3A_1724 = arith.sitofp %unique3A_1723 : vector<16xi32> to vector<16xf32>
      tpu.vector_store_idx %arg17[%get3A_1719], %convert_element_type3A_1724 masked %unique3A_1722 {add = true} : memref<10240xf32, #tpu.memory_space<vmem>>[vector<16xi32>], vector<16xf32>, vector<16xi1>
      %get3A_1725 = arith.constant 1 : i32
      %get3A_1726 = arith.constant 5 : i32
      %get3A_1727 = arith.index_cast %get3A_1725 : i32 to index
      %get3A_1728 = arith.index_cast %get3A_1726 : i32 to index
      %get3A_1729 = arith.constant 64 : index
      %get3A_1730 = tpu.vector_load %arg10[%get3A_1727, %get3A_1728, %get3A_1729] {strides = array<i32>} : memref<2x8x128xi32, #tpu.memory_space<vmem>>, vector<16xi32>,
      %broadcast_in_dim3A_1731 = arith.constant true
      %broadcast_in_dim3A_1732 = vector.broadcast %broadcast_in_dim3A_1731 : i1 to vector<16xi1>
      %unique3A_1733, %unique3A_1734 = tpu.scan_count mask(%broadcast_in_dim3A_1732 : vector<16xi1>) value(%get3A_1730 : vector<16xi32>) : vector<16xi1>, vector<16xi32>
      %convert_element_type3A_1735 = arith.sitofp %unique3A_1734 : vector<16xi32> to vector<16xf32>
      tpu.vector_store_idx %arg17[%get3A_1730], %convert_element_type3A_1735 masked %unique3A_1733 {add = true} : memref<10240xf32, #tpu.memory_space<vmem>>[vector<16xi32>], vector<16xf32>, vector<16xi1>
      %get3A_1736 = arith.constant 1 : i32
      %get3A_1737 = arith.constant 5 : i32
      %get3A_1738 = arith.index_cast %get3A_1736 : i32 to index
      %get3A_1739 = arith.index_cast %get3A_1737 : i32 to index
      %get3A_1740 = arith.constant 80 : index
      %get3A_1741 = tpu.vector_load %arg10[%get3A_1738, %get3A_1739, %get3A_1740] {strides = array<i32>} : memref<2x8x128xi32, #tpu.memory_space<vmem>>, vector<16xi32>,
      %broadcast_in_dim3A_1742 = arith.constant true
      %broadcast_in_dim3A_1743 = vector.broadcast %broadcast_in_dim3A_1742 : i1 to vector<16xi1>
      %unique3A_1744, %unique3A_1745 = tpu.scan_count mask(%broadcast_in_dim3A_1743 : vector<16xi1>) value(%get3A_1741 : vector<16xi32>) : vector<16xi1>, vector<16xi32>
      %convert_element_type3A_1746 = arith.sitofp %unique3A_1745 : vector<16xi32> to vector<16xf32>
      tpu.vector_store_idx %arg17[%get3A_1741], %convert_element_type3A_1746 masked %unique3A_1744 {add = true} : memref<10240xf32, #tpu.memory_space<vmem>>[vector<16xi32>], vector<16xf32>, vector<16xi1>
      %get3A_1747 = arith.constant 1 : i32
      %get3A_1748 = arith.constant 5 : i32
      %get3A_1749 = arith.index_cast %get3A_1747 : i32 to index
      %get3A_1750 = arith.index_cast %get3A_1748 : i32 to index
      %get3A_1751 = arith.constant 96 : index
      %get3A_1752 = tpu.vector_load %arg10[%get3A_1749, %get3A_1750, %get3A_1751] {strides = array<i32>} : memref<2x8x128xi32, #tpu.memory_space<vmem>>, vector<16xi32>,
      %broadcast_in_dim3A_1753 = arith.constant true
      %broadcast_in_dim3A_1754 = vector.broadcast %broadcast_in_dim3A_1753 : i1 to vector<16xi1>
      %unique3A_1755, %unique3A_1756 = tpu.scan_count mask(%broadcast_in_dim3A_1754 : vector<16xi1>) value(%get3A_1752 : vector<16xi32>) : vector<16xi1>, vector<16xi32>
      %convert_element_type3A_1757 = arith.sitofp %unique3A_1756 : vector<16xi32> to vector<16xf32>
      tpu.vector_store_idx %arg17[%get3A_1752], %convert_element_type3A_1757 masked %unique3A_1755 {add = true} : memref<10240xf32, #tpu.memory_space<vmem>>[vector<16xi32>], vector<16xf32>, vector<16xi1>
      %get3A_1758 = arith.constant 1 : i32
      %get3A_1759 = arith.constant 5 : i32
      %get3A_1760 = arith.index_cast %get3A_1758 : i32 to index
      %get3A_1761 = arith.index_cast %get3A_1759 : i32 to index
      %get3A_1762 = arith.constant 112 : index
      %get3A_1763 = tpu.vector_load %arg10[%get3A_1760, %get3A_1761, %get3A_1762] {strides = array<i32>} : memref<2x8x128xi32, #tpu.memory_space<vmem>>, vector<16xi32>,
      %broadcast_in_dim3A_1764 = arith.constant true
      %broadcast_in_dim3A_1765 = vector.broadcast %broadcast_in_dim3A_1764 : i1 to vector<16xi1>
      %unique3A_1766, %unique3A_1767 = tpu.scan_count mask(%broadcast_in_dim3A_1765 : vector<16xi1>) value(%get3A_1763 : vector<16xi32>) : vector<16xi1>, vector<16xi32>
      %convert_element_type3A_1768 = arith.sitofp %unique3A_1767 : vector<16xi32> to vector<16xf32>
      tpu.vector_store_idx %arg17[%get3A_1763], %convert_element_type3A_1768 masked %unique3A_1766 {add = true} : memref<10240xf32, #tpu.memory_space<vmem>>[vector<16xi32>], vector<16xf32>, vector<16xi1>
      %get3A_1769 = arith.constant 1 : i32
      %get3A_1770 = arith.constant 6 : i32
      %get3A_1771 = arith.index_cast %get3A_1769 : i32 to index
      %get3A_1772 = arith.index_cast %get3A_1770 : i32 to index
      %get3A_1773 = arith.constant 0 : index
      %get3A_1774 = tpu.vector_load %arg10[%get3A_1771, %get3A_1772, %get3A_1773] {strides = array<i32>} : memref<2x8x128xi32, #tpu.memory_space<vmem>>, vector<16xi32>,
      %broadcast_in_dim3A_1775 = arith.constant true
      %broadcast_in_dim3A_1776 = vector.broadcast %broadcast_in_dim3A_1775 : i1 to vector<16xi1>
      %unique3A_1777, %unique3A_1778 = tpu.scan_count mask(%broadcast_in_dim3A_1776 : vector<16xi1>) value(%get3A_1774 : vector<16xi32>) : vector<16xi1>, vector<16xi32>
      %convert_element_type3A_1779 = arith.sitofp %unique3A_1778 : vector<16xi32> to vector<16xf32>
      tpu.vector_store_idx %arg17[%get3A_1774], %convert_element_type3A_1779 masked %unique3A_1777 {add = true} : memref<10240xf32, #tpu.memory_space<vmem>>[vector<16xi32>], vector<16xf32>, vector<16xi1>
      %get3A_1780 = arith.constant 1 : i32
      %get3A_1781 = arith.constant 6 : i32
      %get3A_1782 = arith.index_cast %get3A_1780 : i32 to index
      %get3A_1783 = arith.index_cast %get3A_1781 : i32 to index
      %get3A_1784 = arith.constant 16 : index
      %get3A_1785 = tpu.vector_load %arg10[%get3A_1782, %get3A_1783, %get3A_1784] {strides = array<i32>} : memref<2x8x128xi32, #tpu.memory_space<vmem>>, vector<16xi32>,
      %broadcast_in_dim3A_1786 = arith.constant true
      %broadcast_in_dim3A_1787 = vector.broadcast %broadcast_in_dim3A_1786 : i1 to vector<16xi1>
      %unique3A_1788, %unique3A_1789 = tpu.scan_count mask(%broadcast_in_dim3A_1787 : vector<16xi1>) value(%get3A_1785 : vector<16xi32>) : vector<16xi1>, vector<16xi32>
      %convert_element_type3A_1790 = arith.sitofp %unique3A_1789 : vector<16xi32> to vector<16xf32>
      tpu.vector_store_idx %arg17[%get3A_1785], %convert_element_type3A_1790 masked %unique3A_1788 {add = true} : memref<10240xf32, #tpu.memory_space<vmem>>[vector<16xi32>], vector<16xf32>, vector<16xi1>
      %get3A_1791 = arith.constant 1 : i32
      %get3A_1792 = arith.constant 6 : i32
      %get3A_1793 = arith.index_cast %get3A_1791 : i32 to index
      %get3A_1794 = arith.index_cast %get3A_1792 : i32 to index
      %get3A_1795 = arith.constant 32 : index
      %get3A_1796 = tpu.vector_load %arg10[%get3A_1793, %get3A_1794, %get3A_1795] {strides = array<i32>} : memref<2x8x128xi32, #tpu.memory_space<vmem>>, vector<16xi32>,
      %broadcast_in_dim3A_1797 = arith.constant true
      %broadcast_in_dim3A_1798 = vector.broadcast %broadcast_in_dim3A_1797 : i1 to vector<16xi1>
      %unique3A_1799, %unique3A_1800 = tpu.scan_count mask(%broadcast_in_dim3A_1798 : vector<16xi1>) value(%get3A_1796 : vector<16xi32>) : vector<16xi1>, vector<16xi32>
      %convert_element_type3A_1801 = arith.sitofp %unique3A_1800 : vector<16xi32> to vector<16xf32>
      tpu.vector_store_idx %arg17[%get3A_1796], %convert_element_type3A_1801 masked %unique3A_1799 {add = true} : memref<10240xf32, #tpu.memory_space<vmem>>[vector<16xi32>], vector<16xf32>, vector<16xi1>
      %get3A_1802 = arith.constant 1 : i32
      %get3A_1803 = arith.constant 6 : i32
      %get3A_1804 = arith.index_cast %get3A_1802 : i32 to index
      %get3A_1805 = arith.index_cast %get3A_1803 : i32 to index
      %get3A_1806 = arith.constant 48 : index
      %get3A_1807 = tpu.vector_load %arg10[%get3A_1804, %get3A_1805, %get3A_1806] {strides = array<i32>} : memref<2x8x128xi32, #tpu.memory_space<vmem>>, vector<16xi32>,
      %broadcast_in_dim3A_1808 = arith.constant true
      %broadcast_in_dim3A_1809 = vector.broadcast %broadcast_in_dim3A_1808 : i1 to vector<16xi1>
      %unique3A_1810, %unique3A_1811 = tpu.scan_count mask(%broadcast_in_dim3A_1809 : vector<16xi1>) value(%get3A_1807 : vector<16xi32>) : vector<16xi1>, vector<16xi32>
      %convert_element_type3A_1812 = arith.sitofp %unique3A_1811 : vector<16xi32> to vector<16xf32>
      tpu.vector_store_idx %arg17[%get3A_1807], %convert_element_type3A_1812 masked %unique3A_1810 {add = true} : memref<10240xf32, #tpu.memory_space<vmem>>[vector<16xi32>], vector<16xf32>, vector<16xi1>
      %get3A_1813 = arith.constant 1 : i32
      %get3A_1814 = arith.constant 6 : i32
      %get3A_1815 = arith.index_cast %get3A_1813 : i32 to index
      %get3A_1816 = arith.index_cast %get3A_1814 : i32 to index
      %get3A_1817 = arith.constant 64 : index
      %get3A_1818 = tpu.vector_load %arg10[%get3A_1815, %get3A_1816, %get3A_1817] {strides = array<i32>} : memref<2x8x128xi32, #tpu.memory_space<vmem>>, vector<16xi32>,
      %broadcast_in_dim3A_1819 = arith.constant true
      %broadcast_in_dim3A_1820 = vector.broadcast %broadcast_in_dim3A_1819 : i1 to vector<16xi1>
      %unique3A_1821, %unique3A_1822 = tpu.scan_count mask(%broadcast_in_dim3A_1820 : vector<16xi1>) value(%get3A_1818 : vector<16xi32>) : vector<16xi1>, vector<16xi32>
      %convert_element_type3A_1823 = arith.sitofp %unique3A_1822 : vector<16xi32> to vector<16xf32>
      tpu.vector_store_idx %arg17[%get3A_1818], %convert_element_type3A_1823 masked %unique3A_1821 {add = true} : memref<10240xf32, #tpu.memory_space<vmem>>[vector<16xi32>], vector<16xf32>, vector<16xi1>
      %get3A_1824 = arith.constant 1 : i32
      %get3A_1825 = arith.constant 6 : i32
      %get3A_1826 = arith.index_cast %get3A_1824 : i32 to index
      %get3A_1827 = arith.index_cast %get3A_1825 : i32 to index
      %get3A_1828 = arith.constant 80 : index
      %get3A_1829 = tpu.vector_load %arg10[%get3A_1826, %get3A_1827, %get3A_1828] {strides = array<i32>} : memref<2x8x128xi32, #tpu.memory_space<vmem>>, vector<16xi32>,
      %broadcast_in_dim3A_1830 = arith.constant true
      %broadcast_in_dim3A_1831 = vector.broadcast %broadcast_in_dim3A_1830 : i1 to vector<16xi1>
      %unique3A_1832, %unique3A_1833 = tpu.scan_count mask(%broadcast_in_dim3A_1831 : vector<16xi1>) value(%get3A_1829 : vector<16xi32>) : vector<16xi1>, vector<16xi32>
      %convert_element_type3A_1834 = arith.sitofp %unique3A_1833 : vector<16xi32> to vector<16xf32>
      tpu.vector_store_idx %arg17[%get3A_1829], %convert_element_type3A_1834 masked %unique3A_1832 {add = true} : memref<10240xf32, #tpu.memory_space<vmem>>[vector<16xi32>], vector<16xf32>, vector<16xi1>
      %get3A_1835 = arith.constant 1 : i32
      %get3A_1836 = arith.constant 6 : i32
      %get3A_1837 = arith.index_cast %get3A_1835 : i32 to index
      %get3A_1838 = arith.index_cast %get3A_1836 : i32 to index
      %get3A_1839 = arith.constant 96 : index
      %get3A_1840 = tpu.vector_load %arg10[%get3A_1837, %get3A_1838, %get3A_1839] {strides = array<i32>} : memref<2x8x128xi32, #tpu.memory_space<vmem>>, vector<16xi32>,
      %broadcast_in_dim3A_1841 = arith.constant true
      %broadcast_in_dim3A_1842 = vector.broadcast %broadcast_in_dim3A_1841 : i1 to vector<16xi1>
      %unique3A_1843, %unique3A_1844 = tpu.scan_count mask(%broadcast_in_dim3A_1842 : vector<16xi1>) value(%get3A_1840 : vector<16xi32>) : vector<16xi1>, vector<16xi32>
      %convert_element_type3A_1845 = arith.sitofp %unique3A_1844 : vector<16xi32> to vector<16xf32>
      tpu.vector_store_idx %arg17[%get3A_1840], %convert_element_type3A_1845 masked %unique3A_1843 {add = true} : memref<10240xf32, #tpu.memory_space<vmem>>[vector<16xi32>], vector<16xf32>, vector<16xi1>
      %get3A_1846 = arith.constant 1 : i32
      %get3A_1847 = arith.constant 6 : i32
      %get3A_1848 = arith.index_cast %get3A_1846 : i32 to index
      %get3A_1849 = arith.index_cast %get3A_1847 : i32 to index
      %get3A_1850 = arith.constant 112 : index
      %get3A_1851 = tpu.vector_load %arg10[%get3A_1848, %get3A_1849, %get3A_1850] {strides = array<i32>} : memref<2x8x128xi32, #tpu.memory_space<vmem>>, vector<16xi32>,
      %broadcast_in_dim3A_1852 = arith.constant true
      %broadcast_in_dim3A_1853 = vector.broadcast %broadcast_in_dim3A_1852 : i1 to vector<16xi1>
      %unique3A_1854, %unique3A_1855 = tpu.scan_count mask(%broadcast_in_dim3A_1853 : vector<16xi1>) value(%get3A_1851 : vector<16xi32>) : vector<16xi1>, vector<16xi32>
      %convert_element_type3A_1856 = arith.sitofp %unique3A_1855 : vector<16xi32> to vector<16xf32>
      tpu.vector_store_idx %arg17[%get3A_1851], %convert_element_type3A_1856 masked %unique3A_1854 {add = true} : memref<10240xf32, #tpu.memory_space<vmem>>[vector<16xi32>], vector<16xf32>, vector<16xi1>
      %get3A_1857 = arith.constant 1 : i32
      %get3A_1858 = arith.constant 7 : i32
      %get3A_1859 = arith.index_cast %get3A_1857 : i32 to index
      %get3A_1860 = arith.index_cast %get3A_1858 : i32 to index
      %get3A_1861 = arith.constant 0 : index
      %get3A_1862 = tpu.vector_load %arg10[%get3A_1859, %get3A_1860, %get3A_1861] {strides = array<i32>} : memref<2x8x128xi32, #tpu.memory_space<vmem>>, vector<16xi32>,
      %broadcast_in_dim3A_1863 = arith.constant true
      %broadcast_in_dim3A_1864 = vector.broadcast %broadcast_in_dim3A_1863 : i1 to vector<16xi1>
      %unique3A_1865, %unique3A_1866 = tpu.scan_count mask(%broadcast_in_dim3A_1864 : vector<16xi1>) value(%get3A_1862 : vector<16xi32>) : vector<16xi1>, vector<16xi32>
      %convert_element_type3A_1867 = arith.sitofp %unique3A_1866 : vector<16xi32> to vector<16xf32>
      tpu.vector_store_idx %arg17[%get3A_1862], %convert_element_type3A_1867 masked %unique3A_1865 {add = true} : memref<10240xf32, #tpu.memory_space<vmem>>[vector<16xi32>], vector<16xf32>, vector<16xi1>
      %get3A_1868 = arith.constant 1 : i32
      %get3A_1869 = arith.constant 7 : i32
      %get3A_1870 = arith.index_cast %get3A_1868 : i32 to index
      %get3A_1871 = arith.index_cast %get3A_1869 : i32 to index
      %get3A_1872 = arith.constant 16 : index
      %get3A_1873 = tpu.vector_load %arg10[%get3A_1870, %get3A_1871, %get3A_1872] {strides = array<i32>} : memref<2x8x128xi32, #tpu.memory_space<vmem>>, vector<16xi32>,
      %broadcast_in_dim3A_1874 = arith.constant true
      %broadcast_in_dim3A_1875 = vector.broadcast %broadcast_in_dim3A_1874 : i1 to vector<16xi1>
      %unique3A_1876, %unique3A_1877 = tpu.scan_count mask(%broadcast_in_dim3A_1875 : vector<16xi1>) value(%get3A_1873 : vector<16xi32>) : vector<16xi1>, vector<16xi32>
      %convert_element_type3A_1878 = arith.sitofp %unique3A_1877 : vector<16xi32> to vector<16xf32>
      tpu.vector_store_idx %arg17[%get3A_1873], %convert_element_type3A_1878 masked %unique3A_1876 {add = true} : memref<10240xf32, #tpu.memory_space<vmem>>[vector<16xi32>], vector<16xf32>, vector<16xi1>
      %get3A_1879 = arith.constant 1 : i32
      %get3A_1880 = arith.constant 7 : i32
      %get3A_1881 = arith.index_cast %get3A_1879 : i32 to index
      %get3A_1882 = arith.index_cast %get3A_1880 : i32 to index
      %get3A_1883 = arith.constant 32 : index
      %get3A_1884 = tpu.vector_load %arg10[%get3A_1881, %get3A_1882, %get3A_1883] {strides = array<i32>} : memref<2x8x128xi32, #tpu.memory_space<vmem>>, vector<16xi32>,
      %broadcast_in_dim3A_1885 = arith.constant true
      %broadcast_in_dim3A_1886 = vector.broadcast %broadcast_in_dim3A_1885 : i1 to vector<16xi1>
      %unique3A_1887, %unique3A_1888 = tpu.scan_count mask(%broadcast_in_dim3A_1886 : vector<16xi1>) value(%get3A_1884 : vector<16xi32>) : vector<16xi1>, vector<16xi32>
      %convert_element_type3A_1889 = arith.sitofp %unique3A_1888 : vector<16xi32> to vector<16xf32>
      tpu.vector_store_idx %arg17[%get3A_1884], %convert_element_type3A_1889 masked %unique3A_1887 {add = true} : memref<10240xf32, #tpu.memory_space<vmem>>[vector<16xi32>], vector<16xf32>, vector<16xi1>
      %get3A_1890 = arith.constant 1 : i32
      %get3A_1891 = arith.constant 7 : i32
      %get3A_1892 = arith.index_cast %get3A_1890 : i32 to index
      %get3A_1893 = arith.index_cast %get3A_1891 : i32 to index
      %get3A_1894 = arith.constant 48 : index
      %get3A_1895 = tpu.vector_load %arg10[%get3A_1892, %get3A_1893, %get3A_1894] {strides = array<i32>} : memref<2x8x128xi32, #tpu.memory_space<vmem>>, vector<16xi32>,
      %broadcast_in_dim3A_1896 = arith.constant true
      %broadcast_in_dim3A_1897 = vector.broadcast %broadcast_in_dim3A_1896 : i1 to vector<16xi1>
      %unique3A_1898, %unique3A_1899 = tpu.scan_count mask(%broadcast_in_dim3A_1897 : vector<16xi1>) value(%get3A_1895 : vector<16xi32>) : vector<16xi1>, vector<16xi32>
      %convert_element_type3A_1900 = arith.sitofp %unique3A_1899 : vector<16xi32> to vector<16xf32>
      tpu.vector_store_idx %arg17[%get3A_1895], %convert_element_type3A_1900 masked %unique3A_1898 {add = true} : memref<10240xf32, #tpu.memory_space<vmem>>[vector<16xi32>], vector<16xf32>, vector<16xi1>
      %get3A_1901 = arith.constant 1 : i32
      %get3A_1902 = arith.constant 7 : i32
      %get3A_1903 = arith.index_cast %get3A_1901 : i32 to index
      %get3A_1904 = arith.index_cast %get3A_1902 : i32 to index
      %get3A_1905 = arith.constant 64 : index
      %get3A_1906 = tpu.vector_load %arg10[%get3A_1903, %get3A_1904, %get3A_1905] {strides = array<i32>} : memref<2x8x128xi32, #tpu.memory_space<vmem>>, vector<16xi32>,
      %broadcast_in_dim3A_1907 = arith.constant true
      %broadcast_in_dim3A_1908 = vector.broadcast %broadcast_in_dim3A_1907 : i1 to vector<16xi1>
      %unique3A_1909, %unique3A_1910 = tpu.scan_count mask(%broadcast_in_dim3A_1908 : vector<16xi1>) value(%get3A_1906 : vector<16xi32>) : vector<16xi1>, vector<16xi32>
      %convert_element_type3A_1911 = arith.sitofp %unique3A_1910 : vector<16xi32> to vector<16xf32>
      tpu.vector_store_idx %arg17[%get3A_1906], %convert_element_type3A_1911 masked %unique3A_1909 {add = true} : memref<10240xf32, #tpu.memory_space<vmem>>[vector<16xi32>], vector<16xf32>, vector<16xi1>
      %get3A_1912 = arith.constant 1 : i32
      %get3A_1913 = arith.constant 7 : i32
      %get3A_1914 = arith.index_cast %get3A_1912 : i32 to index
      %get3A_1915 = arith.index_cast %get3A_1913 : i32 to index
      %get3A_1916 = arith.constant 80 : index
      %get3A_1917 = tpu.vector_load %arg10[%get3A_1914, %get3A_1915, %get3A_1916] {strides = array<i32>} : memref<2x8x128xi32, #tpu.memory_space<vmem>>, vector<16xi32>,
      %broadcast_in_dim3A_1918 = arith.constant true
      %broadcast_in_dim3A_1919 = vector.broadcast %broadcast_in_dim3A_1918 : i1 to vector<16xi1>
      %unique3A_1920, %unique3A_1921 = tpu.scan_count mask(%broadcast_in_dim3A_1919 : vector<16xi1>) value(%get3A_1917 : vector<16xi32>) : vector<16xi1>, vector<16xi32>
      %convert_element_type3A_1922 = arith.sitofp %unique3A_1921 : vector<16xi32> to vector<16xf32>
      tpu.vector_store_idx %arg17[%get3A_1917], %convert_element_type3A_1922 masked %unique3A_1920 {add = true} : memref<10240xf32, #tpu.memory_space<vmem>>[vector<16xi32>], vector<16xf32>, vector<16xi1>
      %get3A_1923 = arith.constant 1 : i32
      %get3A_1924 = arith.constant 7 : i32
      %get3A_1925 = arith.index_cast %get3A_1923 : i32 to index
      %get3A_1926 = arith.index_cast %get3A_1924 : i32 to index
      %get3A_1927 = arith.constant 96 : index
      %get3A_1928 = tpu.vector_load %arg10[%get3A_1925, %get3A_1926, %get3A_1927] {strides = array<i32>} : memref<2x8x128xi32, #tpu.memory_space<vmem>>, vector<16xi32>,
      %broadcast_in_dim3A_1929 = arith.constant true
      %broadcast_in_dim3A_1930 = vector.broadcast %broadcast_in_dim3A_1929 : i1 to vector<16xi1>
      %unique3A_1931, %unique3A_1932 = tpu.scan_count mask(%broadcast_in_dim3A_1930 : vector<16xi1>) value(%get3A_1928 : vector<16xi32>) : vector<16xi1>, vector<16xi32>
      %convert_element_type3A_1933 = arith.sitofp %unique3A_1932 : vector<16xi32> to vector<16xf32>
      tpu.vector_store_idx %arg17[%get3A_1928], %convert_element_type3A_1933 masked %unique3A_1931 {add = true} : memref<10240xf32, #tpu.memory_space<vmem>>[vector<16xi32>], vector<16xf32>, vector<16xi1>
      %get3A_1934 = arith.constant 1 : i32
      %get3A_1935 = arith.constant 7 : i32
      %get3A_1936 = arith.index_cast %get3A_1934 : i32 to index
      %get3A_1937 = arith.index_cast %get3A_1935 : i32 to index
      %get3A_1938 = arith.constant 112 : index
      %get3A_1939 = tpu.vector_load %arg10[%get3A_1936, %get3A_1937, %get3A_1938] {strides = array<i32>} : memref<2x8x128xi32, #tpu.memory_space<vmem>>, vector<16xi32>,
      %broadcast_in_dim3A_1940 = arith.constant true
      %broadcast_in_dim3A_1941 = vector.broadcast %broadcast_in_dim3A_1940 : i1 to vector<16xi1>
      %unique3A_1942, %unique3A_1943 = tpu.scan_count mask(%broadcast_in_dim3A_1941 : vector<16xi1>) value(%get3A_1939 : vector<16xi32>) : vector<16xi1>, vector<16xi32>
      %convert_element_type3A_1944 = arith.sitofp %unique3A_1943 : vector<16xi32> to vector<16xf32>
      tpu.vector_store_idx %arg17[%get3A_1939], %convert_element_type3A_1944 masked %unique3A_1942 {add = true} : memref<10240xf32, #tpu.memory_space<vmem>>[vector<16xi32>], vector<16xf32>, vector<16xi1>
      %dma_start3A_1945 = arith.constant 1 : i32
      %dma_start3A_1946 = arith.constant 0 : i32
      %dma_start3A_1947 = arith.constant 0 : i32
      %dma_start3A_1948 = arith.constant 0 : i32
      %dma_start3A_1949 = arith.constant 0 : i32
      %dma_start3A_1950 = tpu.memref_slice %arg11[%dma_start3A_1947, %dma_start3A_1948, %dma_start3A_1949] : memref<2x128x128xf32, #tpu.memory_space<vmem>> -> memref<1x128x128xf32, #tpu.memory_space<vmem>>
      %dma_start3A_1951 = tpu.memref_squeeze %dma_start3A_1950 : memref<1x128x128xf32, #tpu.memory_space<vmem>> -> memref<128x128xf32, #tpu.memory_space<vmem>>
      %dma_start3A_1952 = arith.constant 0 : i32
      %dma_start3A_1953 = tpu.memref_slice %arg9[%dma_start3A_1945, %dma_start3A_1946, %dma_start3A_1952] : memref<2x8x128xi32, #tpu.memory_space<vmem>> -> memref<1x1x128xi32, #tpu.memory_space<vmem>>
      %dma_start3A_1954 = tpu.memref_squeeze %dma_start3A_1953 : memref<1x1x128xi32, #tpu.memory_space<vmem>> -> memref<128xi32, #tpu.memory_space<vmem>>
      %dma_start3A_1955 = arith.constant 0 : i32
      %dma_start3A_1956 = arith.constant 0 : i32
      %dma_start3A_1957 = tpu.memref_slice %arg2[%dma_start3A_1955, %dma_start3A_1956] : memref<10000x128xf32, #tpu.memory_space<hbm>> -> memref<10000x128xf32, #tpu.memory_space<hbm>>
      tpu.enqueue_indirect_dma source(%dma_start3A_1957 : memref<10000x128xf32, #tpu.memory_space<hbm>>) target(%dma_start3A_1951 : memref<128x128xf32, #tpu.memory_space<vmem>>) offsets(%dma_start3A_1954 : memref<128xi32, #tpu.memory_space<vmem>>) semaphore(%arg15 : memref<!tpu.dma_semaphore, #tpu.memory_space<semaphore_mem>>)
      %dma_start3A_1958 = arith.constant 1 : i32
      %dma_start3A_1959 = arith.constant 1 : i32
      %dma_start3A_1960 = arith.constant 1 : i32
      %dma_start3A_1961 = arith.constant 0 : i32
      %dma_start3A_1962 = arith.constant 0 : i32
      %dma_start3A_1963 = tpu.memref_slice %arg11[%dma_start3A_1960, %dma_start3A_1961, %dma_start3A_1962] : memref<2x128x128xf32, #tpu.memory_space<vmem>> -> memref<1x128x128xf32, #tpu.memory_space<vmem>>
      %dma_start3A_1964 = tpu.memref_squeeze %dma_start3A_1963 : memref<1x128x128xf32, #tpu.memory_space<vmem>> -> memref<128x128xf32, #tpu.memory_space<vmem>>
      %dma_start3A_1965 = arith.constant 0 : i32
      %dma_start3A_1966 = tpu.memref_slice %arg9[%dma_start3A_1958, %dma_start3A_1959, %dma_start3A_1965] : memref<2x8x128xi32, #tpu.memory_space<vmem>> -> memref<1x1x128xi32, #tpu.memory_space<vmem>>
      %dma_start3A_1967 = tpu.memref_squeeze %dma_start3A_1966 : memref<1x1x128xi32, #tpu.memory_space<vmem>> -> memref<128xi32, #tpu.memory_space<vmem>>
      %dma_start3A_1968 = arith.constant 0 : i32
      %dma_start3A_1969 = arith.constant 0 : i32
      %dma_start3A_1970 = tpu.memref_slice %arg2[%dma_start3A_1968, %dma_start3A_1969] : memref<10000x128xf32, #tpu.memory_space<hbm>> -> memref<10000x128xf32, #tpu.memory_space<hbm>>
      tpu.enqueue_indirect_dma source(%dma_start3A_1970 : memref<10000x128xf32, #tpu.memory_space<hbm>>) target(%dma_start3A_1964 : memref<128x128xf32, #tpu.memory_space<vmem>>) offsets(%dma_start3A_1967 : memref<128xi32, #tpu.memory_space<vmem>>) semaphore(%arg16 : memref<!tpu.dma_semaphore, #tpu.memory_space<semaphore_mem>>)
      %dma_wait3A_1971 = arith.constant 1 : i32
      %dma_wait3A_1972 = arith.constant 0 : i32
      %dma_wait3A_1973 = arith.constant 0 : i32
      %dma_wait3A_1974 = arith.constant 0 : i32
      %dma_wait3A_1975 = arith.constant 0 : i32
      %dma_wait3A_1976 = tpu.memref_slice %arg11[%dma_wait3A_1973, %dma_wait3A_1974, %dma_wait3A_1975] : memref<2x128x128xf32, #tpu.memory_space<vmem>> -> memref<1x128x128xf32, #tpu.memory_space<vmem>>
      %dma_wait3A_1977 = tpu.memref_squeeze %dma_wait3A_1976 : memref<1x128x128xf32, #tpu.memory_space<vmem>> -> memref<128x128xf32, #tpu.memory_space<vmem>>
      %dma_wait3A_1978 = arith.constant 0 : i32
      %dma_wait3A_1979 = tpu.memref_slice %arg9[%dma_wait3A_1971, %dma_wait3A_1972, %dma_wait3A_1978] : memref<2x8x128xi32, #tpu.memory_space<vmem>> -> memref<1x1x128xi32, #tpu.memory_space<vmem>>
      %dma_wait3A_1980 = tpu.memref_squeeze %dma_wait3A_1979 : memref<1x1x128xi32, #tpu.memory_space<vmem>> -> memref<128xi32, #tpu.memory_space<vmem>>
      %dma_wait3A_1981 = arith.constant 0 : i32
      %dma_wait3A_1982 = arith.constant 0 : i32
      %dma_wait3A_1983 = tpu.memref_slice %arg2[%dma_wait3A_1981, %dma_wait3A_1982] : memref<10000x128xf32, #tpu.memory_space<hbm>> -> memref<10000x128xf32, #tpu.memory_space<hbm>>
      tpu.wait_indirect_dma semaphore(%arg15 : memref<!tpu.dma_semaphore, #tpu.memory_space<semaphore_mem>>) src(%dma_wait3A_1983 : memref<10000x128xf32, #tpu.memory_space<hbm>>) dst(%dma_wait3A_1977 : memref<128x128xf32, #tpu.memory_space<vmem>>)
      %dma_start3A_1984 = arith.constant 0 : i32
      %dma_start3A_1985 = arith.constant 1 : i32
      %dma_start3A_1986 = arith.constant 0 : i32
      %dma_start3A_1987 = arith.constant 0 : i32
      %dma_start3A_1988 = arith.constant 0 : i32
      %dma_start3A_1989 = tpu.memref_slice %arg11[%dma_start3A_1984, %dma_start3A_1987, %dma_start3A_1988] : memref<2x128x128xf32, #tpu.memory_space<vmem>> -> memref<1x128x128xf32, #tpu.memory_space<vmem>>
      %dma_start3A_1990 = tpu.memref_squeeze %dma_start3A_1989 : memref<1x128x128xf32, #tpu.memory_space<vmem>> -> memref<128x128xf32, #tpu.memory_space<vmem>>
      %dma_start3A_1991 = arith.constant 0 : i32
      %dma_start3A_1992 = tpu.memref_slice %arg10[%dma_start3A_1985, %dma_start3A_1986, %dma_start3A_1991] : memref<2x8x128xi32, #tpu.memory_space<vmem>> -> memref<1x1x128xi32, #tpu.memory_space<vmem>>
      %dma_start3A_1993 = tpu.memref_squeeze %dma_start3A_1992 : memref<1x1x128xi32, #tpu.memory_space<vmem>> -> memref<128xi32, #tpu.memory_space<vmem>>
      %dma_start3A_1994 = arith.constant 0 : i32
      %dma_start3A_1995 = arith.constant 0 : i32
      %dma_start3A_1996 = tpu.memref_slice %arg12[%dma_start3A_1994, %dma_start3A_1995] : memref<10240x128xf32, #tpu.memory_space<vmem_shared>> -> memref<10240x128xf32, #tpu.memory_space<vmem_shared>>
      tpu.enqueue_indirect_dma source(%dma_start3A_1990 : memref<128x128xf32, #tpu.memory_space<vmem>>) target(%dma_start3A_1996 : memref<10240x128xf32, #tpu.memory_space<vmem_shared>>) offsets(%dma_start3A_1993 : memref<128xi32, #tpu.memory_space<vmem>>) semaphore(%arg13 : memref<!tpu.dma_semaphore, #tpu.memory_space<semaphore_mem>>) {add = true}
      %dma_wait3A_1997 = arith.constant 1 : i32
      %dma_wait3A_1998 = arith.constant 1 : i32
      %dma_wait3A_1999 = arith.constant 1 : i32
      %dma_wait3A_2000 = arith.constant 0 : i32
      %dma_wait3A_2001 = arith.constant 0 : i32
      %dma_wait3A_2002 = tpu.memref_slice %arg11[%dma_wait3A_1999, %dma_wait3A_2000, %dma_wait3A_2001] : memref<2x128x128xf32, #tpu.memory_space<vmem>> -> memref<1x128x128xf32, #tpu.memory_space<vmem>>
      %dma_wait3A_2003 = tpu.memref_squeeze %dma_wait3A_2002 : memref<1x128x128xf32, #tpu.memory_space<vmem>> -> memref<128x128xf32, #tpu.memory_space<vmem>>
      %dma_wait3A_2004 = arith.constant 0 : i32
      %dma_wait3A_2005 = tpu.memref_slice %arg9[%dma_wait3A_1997, %dma_wait3A_1998, %dma_wait3A_2004] : memref<2x8x128xi32, #tpu.memory_space<vmem>> -> memref<1x1x128xi32, #tpu.memory_space<vmem>>
      %dma_wait3A_2006 = tpu.memref_squeeze %dma_wait3A_2005 : memref<1x1x128xi32, #tpu.memory_space<vmem>> -> memref<128xi32, #tpu.memory_space<vmem>>
      %dma_wait3A_2007 = arith.constant 0 : i32
      %dma_wait3A_2008 = arith.constant 0 : i32
      %dma_wait3A_2009 = tpu.memref_slice %arg2[%dma_wait3A_2007, %dma_wait3A_2008] : memref<10000x128xf32, #tpu.memory_space<hbm>> -> memref<10000x128xf32, #tpu.memory_space<hbm>>
      tpu.wait_indirect_dma semaphore(%arg16 : memref<!tpu.dma_semaphore, #tpu.memory_space<semaphore_mem>>) src(%dma_wait3A_2009 : memref<10000x128xf32, #tpu.memory_space<hbm>>) dst(%dma_wait3A_2003 : memref<128x128xf32, #tpu.memory_space<vmem>>)
      %dma_start3A_2010 = arith.constant 1 : i32
      %dma_start3A_2011 = arith.constant 1 : i32
      %dma_start3A_2012 = arith.constant 1 : i32
      %dma_start3A_2013 = arith.constant 0 : i32
      %dma_start3A_2014 = arith.constant 0 : i32
      %dma_start3A_2015 = tpu.memref_slice %arg11[%dma_start3A_2010, %dma_start3A_2013, %dma_start3A_2014] : memref<2x128x128xf32, #tpu.memory_space<vmem>> -> memref<1x128x128xf32, #tpu.memory_space<vmem>>
      %dma_start3A_2016 = tpu.memref_squeeze %dma_start3A_2015 : memref<1x128x128xf32, #tpu.memory_space<vmem>> -> memref<128x128xf32, #tpu.memory_space<vmem>>
      %dma_start3A_2017 = arith.constant 0 : i32
      %dma_start3A_2018 = tpu.memref_slice %arg10[%dma_start3A_2011, %dma_start3A_2012, %dma_start3A_2017] : memref<2x8x128xi32, #tpu.memory_space<vmem>> -> memref<1x1x128xi32, #tpu.memory_space<vmem>>
      %dma_start3A_2019 = tpu.memref_squeeze %dma_start3A_2018 : memref<1x1x128xi32, #tpu.memory_space<vmem>> -> memref<128xi32, #tpu.memory_space<vmem>>
      %dma_start3A_2020 = arith.constant 0 : i32
      %dma_start3A_2021 = arith.constant 0 : i32
      %dma_start3A_2022 = tpu.memref_slice %arg12[%dma_start3A_2020, %dma_start3A_2021] : memref<10240x128xf32, #tpu.memory_space<vmem_shared>> -> memref<10240x128xf32, #tpu.memory_space<vmem_shared>>
      tpu.enqueue_indirect_dma source(%dma_start3A_2016 : memref<128x128xf32, #tpu.memory_space<vmem>>) target(%dma_start3A_2022 : memref<10240x128xf32, #tpu.memory_space<vmem_shared>>) offsets(%dma_start3A_2019 : memref<128xi32, #tpu.memory_space<vmem>>) semaphore(%arg13 : memref<!tpu.dma_semaphore, #tpu.memory_space<semaphore_mem>>) {add = true}
      %dma_wait3A_2023 = arith.constant 0 : i32
      %dma_wait3A_2024 = arith.constant 0 : i32
      %dma_wait3A_2025 = arith.constant 0 : i32
      %dma_wait3A_2026 = arith.constant 0 : i32
      %dma_wait3A_2027 = arith.constant 0 : i32
      %dma_wait3A_2028 = tpu.memref_slice %arg11[%dma_wait3A_2023, %dma_wait3A_2026, %dma_wait3A_2027] : memref<2x128x128xf32, #tpu.memory_space<vmem>> -> memref<1x128x128xf32, #tpu.memory_space<vmem>>
      %dma_wait3A_2029 = tpu.memref_squeeze %dma_wait3A_2028 : memref<1x128x128xf32, #tpu.memory_space<vmem>> -> memref<128x128xf32, #tpu.memory_space<vmem>>
      %dma_wait3A_2030 = arith.constant 0 : i32
      %dma_wait3A_2031 = tpu.memref_slice %arg10[%dma_wait3A_2024, %dma_wait3A_2025, %dma_wait3A_2030] : memref<2x8x128xi32, #tpu.memory_space<vmem>> -> memref<1x1x128xi32, #tpu.memory_space<vmem>>
      %dma_wait3A_2032 = tpu.memref_squeeze %dma_wait3A_2031 : memref<1x1x128xi32, #tpu.memory_space<vmem>> -> memref<128xi32, #tpu.memory_space<vmem>>
      %dma_wait3A_2033 = arith.constant 0 : i32
      %dma_wait3A_2034 = arith.constant 0 : i32
      %dma_wait3A_2035 = tpu.memref_slice %arg12[%dma_wait3A_2033, %dma_wait3A_2034] : memref<10240x128xf32, #tpu.memory_space<vmem_shared>> -> memref<10240x128xf32, #tpu.memory_space<vmem_shared>>
      tpu.wait_indirect_dma semaphore(%arg13 : memref<!tpu.dma_semaphore, #tpu.memory_space<semaphore_mem>>) src(%dma_wait3A_2029 : memref<128x128xf32, #tpu.memory_space<vmem>>) dst(%dma_wait3A_2035 : memref<10240x128xf32, #tpu.memory_space<vmem_shared>>)
      %dma_start3A_2036 = arith.constant 1 : i32
      %dma_start3A_2037 = arith.constant 2 : i32
      %dma_start3A_2038 = arith.constant 0 : i32
      %dma_start3A_2039 = arith.constant 0 : i32
      %dma_start3A_2040 = arith.constant 0 : i32
      %dma_start3A_2041 = tpu.memref_slice %arg11[%dma_start3A_2038, %dma_start3A_2039, %dma_start3A_2040] : memref<2x128x128xf32, #tpu.memory_space<vmem>> -> memref<1x128x128xf32, #tpu.memory_space<vmem>>
      %dma_start3A_2042 = tpu.memref_squeeze %dma_start3A_2041 : memref<1x128x128xf32, #tpu.memory_space<vmem>> -> memref<128x128xf32, #tpu.memory_space<vmem>>
      %dma_start3A_2043 = arith.constant 0 : i32
      %dma_start3A_2044 = tpu.memref_slice %arg9[%dma_start3A_2036, %dma_start3A_2037, %dma_start3A_2043] : memref<2x8x128xi32, #tpu.memory_space<vmem>> -> memref<1x1x128xi32, #tpu.memory_space<vmem>>
      %dma_start3A_2045 = tpu.memref_squeeze %dma_start3A_2044 : memref<1x1x128xi32, #tpu.memory_space<vmem>> -> memref<128xi32, #tpu.memory_space<vmem>>
      %dma_start3A_2046 = arith.constant 0 : i32
      %dma_start3A_2047 = arith.constant 0 : i32
      %dma_start3A_2048 = tpu.memref_slice %arg2[%dma_start3A_2046, %dma_start3A_2047] : memref<10000x128xf32, #tpu.memory_space<hbm>> -> memref<10000x128xf32, #tpu.memory_space<hbm>>
      tpu.enqueue_indirect_dma source(%dma_start3A_2048 : memref<10000x128xf32, #tpu.memory_space<hbm>>) target(%dma_start3A_2042 : memref<128x128xf32, #tpu.memory_space<vmem>>) offsets(%dma_start3A_2045 : memref<128xi32, #tpu.memory_space<vmem>>) semaphore(%arg15 : memref<!tpu.dma_semaphore, #tpu.memory_space<semaphore_mem>>)
      %dma_wait3A_2049 = arith.constant 1 : i32
      %dma_wait3A_2050 = arith.constant 0 : i32
      %dma_wait3A_2051 = arith.constant 0 : i32
      %dma_wait3A_2052 = arith.constant 0 : i32
      %dma_wait3A_2053 = arith.constant 0 : i32
      %dma_wait3A_2054 = tpu.memref_slice %arg11[%dma_wait3A_2049, %dma_wait3A_2052, %dma_wait3A_2053] : memref<2x128x128xf32, #tpu.memory_space<vmem>> -> memref<1x128x128xf32, #tpu.memory_space<vmem>>
      %dma_wait3A_2055 = tpu.memref_squeeze %dma_wait3A_2054 : memref<1x128x128xf32, #tpu.memory_space<vmem>> -> memref<128x128xf32, #tpu.memory_space<vmem>>
      %dma_wait3A_2056 = arith.constant 0 : i32
      %dma_wait3A_2057 = tpu.memref_slice %arg10[%dma_wait3A_2050, %dma_wait3A_2051, %dma_wait3A_2056] : memref<2x8x128xi32, #tpu.memory_space<vmem>> -> memref<1x1x128xi32, #tpu.memory_space<vmem>>
      %dma_wait3A_2058 = tpu.memref_squeeze %dma_wait3A_2057 : memref<1x1x128xi32, #tpu.memory_space<vmem>> -> memref<128xi32, #tpu.memory_space<vmem>>
      %dma_wait3A_2059 = arith.constant 0 : i32
      %dma_wait3A_2060 = arith.constant 0 : i32
      %dma_wait3A_2061 = tpu.memref_slice %arg12[%dma_wait3A_2059, %dma_wait3A_2060] : memref<10240x128xf32, #tpu.memory_space<vmem_shared>> -> memref<10240x128xf32, #tpu.memory_space<vmem_shared>>
      tpu.wait_indirect_dma semaphore(%arg13 : memref<!tpu.dma_semaphore, #tpu.memory_space<semaphore_mem>>) src(%dma_wait3A_2055 : memref<128x128xf32, #tpu.memory_space<vmem>>) dst(%dma_wait3A_2061 : memref<10240x128xf32, #tpu.memory_space<vmem_shared>>)
      %dma_start3A_2062 = arith.constant 1 : i32
      %dma_start3A_2063 = arith.constant 3 : i32
      %dma_start3A_2064 = arith.constant 1 : i32
      %dma_start3A_2065 = arith.constant 0 : i32
      %dma_start3A_2066 = arith.constant 0 : i32
      %dma_start3A_2067 = tpu.memref_slice %arg11[%dma_start3A_2064, %dma_start3A_2065, %dma_start3A_2066] : memref<2x128x128xf32, #tpu.memory_space<vmem>> -> memref<1x128x128xf32, #tpu.memory_space<vmem>>
      %dma_start3A_2068 = tpu.memref_squeeze %dma_start3A_2067 : memref<1x128x128xf32, #tpu.memory_space<vmem>> -> memref<128x128xf32, #tpu.memory_space<vmem>>
      %dma_start3A_2069 = arith.constant 0 : i32
      %dma_start3A_2070 = tpu.memref_slice %arg9[%dma_start3A_2062, %dma_start3A_2063, %dma_start3A_2069] : memref<2x8x128xi32, #tpu.memory_space<vmem>> -> memref<1x1x128xi32, #tpu.memory_space<vmem>>
      %dma_start3A_2071 = tpu.memref_squeeze %dma_start3A_2070 : memref<1x1x128xi32, #tpu.memory_space<vmem>> -> memref<128xi32, #tpu.memory_space<vmem>>
      %dma_start3A_2072 = arith.constant 0 : i32
      %dma_start3A_2073 = arith.constant 0 : i32
      %dma_start3A_2074 = tpu.memref_slice %arg2[%dma_start3A_2072, %dma_start3A_2073] : memref<10000x128xf32, #tpu.memory_space<hbm>> -> memref<10000x128xf32, #tpu.memory_space<hbm>>
      tpu.enqueue_indirect_dma source(%dma_start3A_2074 : memref<10000x128xf32, #tpu.memory_space<hbm>>) target(%dma_start3A_2068 : memref<128x128xf32, #tpu.memory_space<vmem>>) offsets(%dma_start3A_2071 : memref<128xi32, #tpu.memory_space<vmem>>) semaphore(%arg16 : memref<!tpu.dma_semaphore, #tpu.memory_space<semaphore_mem>>)
      %dma_wait3A_2075 = arith.constant 1 : i32
      %dma_wait3A_2076 = arith.constant 2 : i32
      %dma_wait3A_2077 = arith.constant 0 : i32
      %dma_wait3A_2078 = arith.constant 0 : i32
      %dma_wait3A_2079 = arith.constant 0 : i32
      %dma_wait3A_2080 = tpu.memref_slice %arg11[%dma_wait3A_2077, %dma_wait3A_2078, %dma_wait3A_2079] : memref<2x128x128xf32, #tpu.memory_space<vmem>> -> memref<1x128x128xf32, #tpu.memory_space<vmem>>
      %dma_wait3A_2081 = tpu.memref_squeeze %dma_wait3A_2080 : memref<1x128x128xf32, #tpu.memory_space<vmem>> -> memref<128x128xf32, #tpu.memory_space<vmem>>
      %dma_wait3A_2082 = arith.constant 0 : i32
      %dma_wait3A_2083 = tpu.memref_slice %arg9[%dma_wait3A_2075, %dma_wait3A_2076, %dma_wait3A_2082] : memref<2x8x128xi32, #tpu.memory_space<vmem>> -> memref<1x1x128xi32, #tpu.memory_space<vmem>>
      %dma_wait3A_2084 = tpu.memref_squeeze %dma_wait3A_2083 : memref<1x1x128xi32, #tpu.memory_space<vmem>> -> memref<128xi32, #tpu.memory_space<vmem>>
      %dma_wait3A_2085 = arith.constant 0 : i32
      %dma_wait3A_2086 = arith.constant 0 : i32
      %dma_wait3A_2087 = tpu.memref_slice %arg2[%dma_wait3A_2085, %dma_wait3A_2086] : memref<10000x128xf32, #tpu.memory_space<hbm>> -> memref<10000x128xf32, #tpu.memory_space<hbm>>
      tpu.wait_indirect_dma semaphore(%arg15 : memref<!tpu.dma_semaphore, #tpu.memory_space<semaphore_mem>>) src(%dma_wait3A_2087 : memref<10000x128xf32, #tpu.memory_space<hbm>>) dst(%dma_wait3A_2081 : memref<128x128xf32, #tpu.memory_space<vmem>>)
      %dma_start3A_2088 = arith.constant 0 : i32
      %dma_start3A_2089 = arith.constant 1 : i32
      %dma_start3A_2090 = arith.constant 2 : i32
      %dma_start3A_2091 = arith.constant 0 : i32
      %dma_start3A_2092 = arith.constant 0 : i32
      %dma_start3A_2093 = tpu.memref_slice %arg11[%dma_start3A_2088, %dma_start3A_2091, %dma_start3A_2092] : memref<2x128x128xf32, #tpu.memory_space<vmem>> -> memref<1x128x128xf32, #tpu.memory_space<vmem>>
      %dma_start3A_2094 = tpu.memref_squeeze %dma_start3A_2093 : memref<1x128x128xf32, #tpu.memory_space<vmem>> -> memref<128x128xf32, #tpu.memory_space<vmem>>
      %dma_start3A_2095 = arith.constant 0 : i32
      %dma_start3A_2096 = tpu.memref_slice %arg10[%dma_start3A_2089, %dma_start3A_2090, %dma_start3A_2095] : memref<2x8x128xi32, #tpu.memory_space<vmem>> -> memref<1x1x128xi32, #tpu.memory_space<vmem>>
      %dma_start3A_2097 = tpu.memref_squeeze %dma_start3A_2096 : memref<1x1x128xi32, #tpu.memory_space<vmem>> -> memref<128xi32, #tpu.memory_space<vmem>>
      %dma_start3A_2098 = arith.constant 0 : i32
      %dma_start3A_2099 = arith.constant 0 : i32
      %dma_start3A_2100 = tpu.memref_slice %arg12[%dma_start3A_2098, %dma_start3A_2099] : memref<10240x128xf32, #tpu.memory_space<vmem_shared>> -> memref<10240x128xf32, #tpu.memory_space<vmem_shared>>
      tpu.enqueue_indirect_dma source(%dma_start3A_2094 : memref<128x128xf32, #tpu.memory_space<vmem>>) target(%dma_start3A_2100 : memref<10240x128xf32, #tpu.memory_space<vmem_shared>>) offsets(%dma_start3A_2097 : memref<128xi32, #tpu.memory_space<vmem>>) semaphore(%arg13 : memref<!tpu.dma_semaphore, #tpu.memory_space<semaphore_mem>>) {add = true}
      %dma_wait3A_2101 = arith.constant 1 : i32
      %dma_wait3A_2102 = arith.constant 3 : i32
      %dma_wait3A_2103 = arith.constant 1 : i32
      %dma_wait3A_2104 = arith.constant 0 : i32
      %dma_wait3A_2105 = arith.constant 0 : i32
      %dma_wait3A_2106 = tpu.memref_slice %arg11[%dma_wait3A_2103, %dma_wait3A_2104, %dma_wait3A_2105] : memref<2x128x128xf32, #tpu.memory_space<vmem>> -> memref<1x128x128xf32, #tpu.memory_space<vmem>>
      %dma_wait3A_2107 = tpu.memref_squeeze %dma_wait3A_2106 : memref<1x128x128xf32, #tpu.memory_space<vmem>> -> memref<128x128xf32, #tpu.memory_space<vmem>>
      %dma_wait3A_2108 = arith.constant 0 : i32
      %dma_wait3A_2109 = tpu.memref_slice %arg9[%dma_wait3A_2101, %dma_wait3A_2102, %dma_wait3A_2108] : memref<2x8x128xi32, #tpu.memory_space<vmem>> -> memref<1x1x128xi32, #tpu.memory_space<vmem>>
      %dma_wait3A_2110 = tpu.memref_squeeze %dma_wait3A_2109 : memref<1x1x128xi32, #tpu.memory_space<vmem>> -> memref<128xi32, #tpu.memory_space<vmem>>
      %dma_wait3A_2111 = arith.constant 0 : i32
      %dma_wait3A_2112 = arith.constant 0 : i32
      %dma_wait3A_2113 = tpu.memref_slice %arg2[%dma_wait3A_2111, %dma_wait3A_2112] : memref<10000x128xf32, #tpu.memory_space<hbm>> -> memref<10000x128xf32, #tpu.memory_space<hbm>>
      tpu.wait_indirect_dma semaphore(%arg16 : memref<!tpu.dma_semaphore, #tpu.memory_space<semaphore_mem>>) src(%dma_wait3A_2113 : memref<10000x128xf32, #tpu.memory_space<hbm>>) dst(%dma_wait3A_2107 : memref<128x128xf32, #tpu.memory_space<vmem>>)
      %dma_start3A_2114 = arith.constant 1 : i32
      %dma_start3A_2115 = arith.constant 1 : i32
      %dma_start3A_2116 = arith.constant 3 : i32
      %dma_start3A_2117 = arith.constant 0 : i32
      %dma_start3A_2118 = arith.constant 0 : i32
      %dma_start3A_2119 = tpu.memref_slice %arg11[%dma_start3A_2114, %dma_start3A_2117, %dma_start3A_2118] : memref<2x128x128xf32, #tpu.memory_space<vmem>> -> memref<1x128x128xf32, #tpu.memory_space<vmem>>
      %dma_start3A_2120 = tpu.memref_squeeze %dma_start3A_2119 : memref<1x128x128xf32, #tpu.memory_space<vmem>> -> memref<128x128xf32, #tpu.memory_space<vmem>>
      %dma_start3A_2121 = arith.constant 0 : i32
      %dma_start3A_2122 = tpu.memref_slice %arg10[%dma_start3A_2115, %dma_start3A_2116, %dma_start3A_2121] : memref<2x8x128xi32, #tpu.memory_space<vmem>> -> memref<1x1x128xi32, #tpu.memory_space<vmem>>
      %dma_start3A_2123 = tpu.memref_squeeze %dma_start3A_2122 : memref<1x1x128xi32, #tpu.memory_space<vmem>> -> memref<128xi32, #tpu.memory_space<vmem>>
      %dma_start3A_2124 = arith.constant 0 : i32
      %dma_start3A_2125 = arith.constant 0 : i32
      %dma_start3A_2126 = tpu.memref_slice %arg12[%dma_start3A_2124, %dma_start3A_2125] : memref<10240x128xf32, #tpu.memory_space<vmem_shared>> -> memref<10240x128xf32, #tpu.memory_space<vmem_shared>>
      tpu.enqueue_indirect_dma source(%dma_start3A_2120 : memref<128x128xf32, #tpu.memory_space<vmem>>) target(%dma_start3A_2126 : memref<10240x128xf32, #tpu.memory_space<vmem_shared>>) offsets(%dma_start3A_2123 : memref<128xi32, #tpu.memory_space<vmem>>) semaphore(%arg13 : memref<!tpu.dma_semaphore, #tpu.memory_space<semaphore_mem>>) {add = true}
      %dma_wait3A_2127 = arith.constant 0 : i32
      %dma_wait3A_2128 = arith.constant 0 : i32
      %dma_wait3A_2129 = arith.constant 0 : i32
      %dma_wait3A_2130 = arith.constant 0 : i32
      %dma_wait3A_2131 = arith.constant 0 : i32
      %dma_wait3A_2132 = tpu.memref_slice %arg11[%dma_wait3A_2127, %dma_wait3A_2130, %dma_wait3A_2131] : memref<2x128x128xf32, #tpu.memory_space<vmem>> -> memref<1x128x128xf32, #tpu.memory_space<vmem>>
      %dma_wait3A_2133 = tpu.memref_squeeze %dma_wait3A_2132 : memref<1x128x128xf32, #tpu.memory_space<vmem>> -> memref<128x128xf32, #tpu.memory_space<vmem>>
      %dma_wait3A_2134 = arith.constant 0 : i32
      %dma_wait3A_2135 = tpu.memref_slice %arg10[%dma_wait3A_2128, %dma_wait3A_2129, %dma_wait3A_2134] : memref<2x8x128xi32, #tpu.memory_space<vmem>> -> memref<1x1x128xi32, #tpu.memory_space<vmem>>
      %dma_wait3A_2136 = tpu.memref_squeeze %dma_wait3A_2135 : memref<1x1x128xi32, #tpu.memory_space<vmem>> -> memref<128xi32, #tpu.memory_space<vmem>>
      %dma_wait3A_2137 = arith.constant 0 : i32
      %dma_wait3A_2138 = arith.constant 0 : i32
      %dma_wait3A_2139 = tpu.memref_slice %arg12[%dma_wait3A_2137, %dma_wait3A_2138] : memref<10240x128xf32, #tpu.memory_space<vmem_shared>> -> memref<10240x128xf32, #tpu.memory_space<vmem_shared>>
      tpu.wait_indirect_dma semaphore(%arg13 : memref<!tpu.dma_semaphore, #tpu.memory_space<semaphore_mem>>) src(%dma_wait3A_2133 : memref<128x128xf32, #tpu.memory_space<vmem>>) dst(%dma_wait3A_2139 : memref<10240x128xf32, #tpu.memory_space<vmem_shared>>)
      %dma_start3A_2140 = arith.constant 1 : i32
      %dma_start3A_2141 = arith.constant 4 : i32
      %dma_start3A_2142 = arith.constant 0 : i32
      %dma_start3A_2143 = arith.constant 0 : i32
      %dma_start3A_2144 = arith.constant 0 : i32
      %dma_start3A_2145 = tpu.memref_slice %arg11[%dma_start3A_2142, %dma_start3A_2143, %dma_start3A_2144] : memref<2x128x128xf32, #tpu.memory_space<vmem>> -> memref<1x128x128xf32, #tpu.memory_space<vmem>>
      %dma_start3A_2146 = tpu.memref_squeeze %dma_start3A_2145 : memref<1x128x128xf32, #tpu.memory_space<vmem>> -> memref<128x128xf32, #tpu.memory_space<vmem>>
      %dma_start3A_2147 = arith.constant 0 : i32
      %dma_start3A_2148 = tpu.memref_slice %arg9[%dma_start3A_2140, %dma_start3A_2141, %dma_start3A_2147] : memref<2x8x128xi32, #tpu.memory_space<vmem>> -> memref<1x1x128xi32, #tpu.memory_space<vmem>>
      %dma_start3A_2149 = tpu.memref_squeeze %dma_start3A_2148 : memref<1x1x128xi32, #tpu.memory_space<vmem>> -> memref<128xi32, #tpu.memory_space<vmem>>
      %dma_start3A_2150 = arith.constant 0 : i32
      %dma_start3A_2151 = arith.constant 0 : i32
      %dma_start3A_2152 = tpu.memref_slice %arg2[%dma_start3A_2150, %dma_start3A_2151] : memref<10000x128xf32, #tpu.memory_space<hbm>> -> memref<10000x128xf32, #tpu.memory_space<hbm>>
      tpu.enqueue_indirect_dma source(%dma_start3A_2152 : memref<10000x128xf32, #tpu.memory_space<hbm>>) target(%dma_start3A_2146 : memref<128x128xf32, #tpu.memory_space<vmem>>) offsets(%dma_start3A_2149 : memref<128xi32, #tpu.memory_space<vmem>>) semaphore(%arg15 : memref<!tpu.dma_semaphore, #tpu.memory_space<semaphore_mem>>)
      %dma_wait3A_2153 = arith.constant 1 : i32
      %dma_wait3A_2154 = arith.constant 0 : i32
      %dma_wait3A_2155 = arith.constant 0 : i32
      %dma_wait3A_2156 = arith.constant 0 : i32
      %dma_wait3A_2157 = arith.constant 0 : i32
      %dma_wait3A_2158 = tpu.memref_slice %arg11[%dma_wait3A_2153, %dma_wait3A_2156, %dma_wait3A_2157] : memref<2x128x128xf32, #tpu.memory_space<vmem>> -> memref<1x128x128xf32, #tpu.memory_space<vmem>>
      %dma_wait3A_2159 = tpu.memref_squeeze %dma_wait3A_2158 : memref<1x128x128xf32, #tpu.memory_space<vmem>> -> memref<128x128xf32, #tpu.memory_space<vmem>>
      %dma_wait3A_2160 = arith.constant 0 : i32
      %dma_wait3A_2161 = tpu.memref_slice %arg10[%dma_wait3A_2154, %dma_wait3A_2155, %dma_wait3A_2160] : memref<2x8x128xi32, #tpu.memory_space<vmem>> -> memref<1x1x128xi32, #tpu.memory_space<vmem>>
      %dma_wait3A_2162 = tpu.memref_squeeze %dma_wait3A_2161 : memref<1x1x128xi32, #tpu.memory_space<vmem>> -> memref<128xi32, #tpu.memory_space<vmem>>
      %dma_wait3A_2163 = arith.constant 0 : i32
      %dma_wait3A_2164 = arith.constant 0 : i32
      %dma_wait3A_2165 = tpu.memref_slice %arg12[%dma_wait3A_2163, %dma_wait3A_2164] : memref<10240x128xf32, #tpu.memory_space<vmem_shared>> -> memref<10240x128xf32, #tpu.memory_space<vmem_shared>>
      tpu.wait_indirect_dma semaphore(%arg13 : memref<!tpu.dma_semaphore, #tpu.memory_space<semaphore_mem>>) src(%dma_wait3A_2159 : memref<128x128xf32, #tpu.memory_space<vmem>>) dst(%dma_wait3A_2165 : memref<10240x128xf32, #tpu.memory_space<vmem_shared>>)
      %dma_start3A_2166 = arith.constant 1 : i32
      %dma_start3A_2167 = arith.constant 5 : i32
      %dma_start3A_2168 = arith.constant 1 : i32
      %dma_start3A_2169 = arith.constant 0 : i32
      %dma_start3A_2170 = arith.constant 0 : i32
      %dma_start3A_2171 = tpu.memref_slice %arg11[%dma_start3A_2168, %dma_start3A_2169, %dma_start3A_2170] : memref<2x128x128xf32, #tpu.memory_space<vmem>> -> memref<1x128x128xf32, #tpu.memory_space<vmem>>
      %dma_start3A_2172 = tpu.memref_squeeze %dma_start3A_2171 : memref<1x128x128xf32, #tpu.memory_space<vmem>> -> memref<128x128xf32, #tpu.memory_space<vmem>>
      %dma_start3A_2173 = arith.constant 0 : i32
      %dma_start3A_2174 = tpu.memref_slice %arg9[%dma_start3A_2166, %dma_start3A_2167, %dma_start3A_2173] : memref<2x8x128xi32, #tpu.memory_space<vmem>> -> memref<1x1x128xi32, #tpu.memory_space<vmem>>
      %dma_start3A_2175 = tpu.memref_squeeze %dma_start3A_2174 : memref<1x1x128xi32, #tpu.memory_space<vmem>> -> memref<128xi32, #tpu.memory_space<vmem>>
      %dma_start3A_2176 = arith.constant 0 : i32
      %dma_start3A_2177 = arith.constant 0 : i32
      %dma_start3A_2178 = tpu.memref_slice %arg2[%dma_start3A_2176, %dma_start3A_2177] : memref<10000x128xf32, #tpu.memory_space<hbm>> -> memref<10000x128xf32, #tpu.memory_space<hbm>>
      tpu.enqueue_indirect_dma source(%dma_start3A_2178 : memref<10000x128xf32, #tpu.memory_space<hbm>>) target(%dma_start3A_2172 : memref<128x128xf32, #tpu.memory_space<vmem>>) offsets(%dma_start3A_2175 : memref<128xi32, #tpu.memory_space<vmem>>) semaphore(%arg16 : memref<!tpu.dma_semaphore, #tpu.memory_space<semaphore_mem>>)
      %dma_wait3A_2179 = arith.constant 1 : i32
      %dma_wait3A_2180 = arith.constant 4 : i32
      %dma_wait3A_2181 = arith.constant 0 : i32
      %dma_wait3A_2182 = arith.constant 0 : i32
      %dma_wait3A_2183 = arith.constant 0 : i32
      %dma_wait3A_2184 = tpu.memref_slice %arg11[%dma_wait3A_2181, %dma_wait3A_2182, %dma_wait3A_2183] : memref<2x128x128xf32, #tpu.memory_space<vmem>> -> memref<1x128x128xf32, #tpu.memory_space<vmem>>
      %dma_wait3A_2185 = tpu.memref_squeeze %dma_wait3A_2184 : memref<1x128x128xf32, #tpu.memory_space<vmem>> -> memref<128x128xf32, #tpu.memory_space<vmem>>
      %dma_wait3A_2186 = arith.constant 0 : i32
      %dma_wait3A_2187 = tpu.memref_slice %arg9[%dma_wait3A_2179, %dma_wait3A_2180, %dma_wait3A_2186] : memref<2x8x128xi32, #tpu.memory_space<vmem>> -> memref<1x1x128xi32, #tpu.memory_space<vmem>>
      %dma_wait3A_2188 = tpu.memref_squeeze %dma_wait3A_2187 : memref<1x1x128xi32, #tpu.memory_space<vmem>> -> memref<128xi32, #tpu.memory_space<vmem>>
      %dma_wait3A_2189 = arith.constant 0 : i32
      %dma_wait3A_2190 = arith.constant 0 : i32
      %dma_wait3A_2191 = tpu.memref_slice %arg2[%dma_wait3A_2189, %dma_wait3A_2190] : memref<10000x128xf32, #tpu.memory_space<hbm>> -> memref<10000x128xf32, #tpu.memory_space<hbm>>
      tpu.wait_indirect_dma semaphore(%arg15 : memref<!tpu.dma_semaphore, #tpu.memory_space<semaphore_mem>>) src(%dma_wait3A_2191 : memref<10000x128xf32, #tpu.memory_space<hbm>>) dst(%dma_wait3A_2185 : memref<128x128xf32, #tpu.memory_space<vmem>>)
      %dma_start3A_2192 = arith.constant 0 : i32
      %dma_start3A_2193 = arith.constant 1 : i32
      %dma_start3A_2194 = arith.constant 4 : i32
      %dma_start3A_2195 = arith.constant 0 : i32
      %dma_start3A_2196 = arith.constant 0 : i32
      %dma_start3A_2197 = tpu.memref_slice %arg11[%dma_start3A_2192, %dma_start3A_2195, %dma_start3A_2196] : memref<2x128x128xf32, #tpu.memory_space<vmem>> -> memref<1x128x128xf32, #tpu.memory_space<vmem>>
      %dma_start3A_2198 = tpu.memref_squeeze %dma_start3A_2197 : memref<1x128x128xf32, #tpu.memory_space<vmem>> -> memref<128x128xf32, #tpu.memory_space<vmem>>
      %dma_start3A_2199 = arith.constant 0 : i32
      %dma_start3A_2200 = tpu.memref_slice %arg10[%dma_start3A_2193, %dma_start3A_2194, %dma_start3A_2199] : memref<2x8x128xi32, #tpu.memory_space<vmem>> -> memref<1x1x128xi32, #tpu.memory_space<vmem>>
      %dma_start3A_2201 = tpu.memref_squeeze %dma_start3A_2200 : memref<1x1x128xi32, #tpu.memory_space<vmem>> -> memref<128xi32, #tpu.memory_space<vmem>>
      %dma_start3A_2202 = arith.constant 0 : i32
      %dma_start3A_2203 = arith.constant 0 : i32
      %dma_start3A_2204 = tpu.memref_slice %arg12[%dma_start3A_2202, %dma_start3A_2203] : memref<10240x128xf32, #tpu.memory_space<vmem_shared>> -> memref<10240x128xf32, #tpu.memory_space<vmem_shared>>
      tpu.enqueue_indirect_dma source(%dma_start3A_2198 : memref<128x128xf32, #tpu.memory_space<vmem>>) target(%dma_start3A_2204 : memref<10240x128xf32, #tpu.memory_space<vmem_shared>>) offsets(%dma_start3A_2201 : memref<128xi32, #tpu.memory_space<vmem>>) semaphore(%arg13 : memref<!tpu.dma_semaphore, #tpu.memory_space<semaphore_mem>>) {add = true}
      %dma_wait3A_2205 = arith.constant 1 : i32
      %dma_wait3A_2206 = arith.constant 5 : i32
      %dma_wait3A_2207 = arith.constant 1 : i32
      %dma_wait3A_2208 = arith.constant 0 : i32
      %dma_wait3A_2209 = arith.constant 0 : i32
      %dma_wait3A_2210 = tpu.memref_slice %arg11[%dma_wait3A_2207, %dma_wait3A_2208, %dma_wait3A_2209] : memref<2x128x128xf32, #tpu.memory_space<vmem>> -> memref<1x128x128xf32, #tpu.memory_space<vmem>>
      %dma_wait3A_2211 = tpu.memref_squeeze %dma_wait3A_2210 : memref<1x128x128xf32, #tpu.memory_space<vmem>> -> memref<128x128xf32, #tpu.memory_space<vmem>>
      %dma_wait3A_2212 = arith.constant 0 : i32
      %dma_wait3A_2213 = tpu.memref_slice %arg9[%dma_wait3A_2205, %dma_wait3A_2206, %dma_wait3A_2212] : memref<2x8x128xi32, #tpu.memory_space<vmem>> -> memref<1x1x128xi32, #tpu.memory_space<vmem>>
      %dma_wait3A_2214 = tpu.memref_squeeze %dma_wait3A_2213 : memref<1x1x128xi32, #tpu.memory_space<vmem>> -> memref<128xi32, #tpu.memory_space<vmem>>
      %dma_wait3A_2215 = arith.constant 0 : i32
      %dma_wait3A_2216 = arith.constant 0 : i32
      %dma_wait3A_2217 = tpu.memref_slice %arg2[%dma_wait3A_2215, %dma_wait3A_2216] : memref<10000x128xf32, #tpu.memory_space<hbm>> -> memref<10000x128xf32, #tpu.memory_space<hbm>>
      tpu.wait_indirect_dma semaphore(%arg16 : memref<!tpu.dma_semaphore, #tpu.memory_space<semaphore_mem>>) src(%dma_wait3A_2217 : memref<10000x128xf32, #tpu.memory_space<hbm>>) dst(%dma_wait3A_2211 : memref<128x128xf32, #tpu.memory_space<vmem>>)
      %dma_start3A_2218 = arith.constant 1 : i32
      %dma_start3A_2219 = arith.constant 1 : i32
      %dma_start3A_2220 = arith.constant 5 : i32
      %dma_start3A_2221 = arith.constant 0 : i32
      %dma_start3A_2222 = arith.constant 0 : i32
      %dma_start3A_2223 = tpu.memref_slice %arg11[%dma_start3A_2218, %dma_start3A_2221, %dma_start3A_2222] : memref<2x128x128xf32, #tpu.memory_space<vmem>> -> memref<1x128x128xf32, #tpu.memory_space<vmem>>
      %dma_start3A_2224 = tpu.memref_squeeze %dma_start3A_2223 : memref<1x128x128xf32, #tpu.memory_space<vmem>> -> memref<128x128xf32, #tpu.memory_space<vmem>>
      %dma_start3A_2225 = arith.constant 0 : i32
      %dma_start3A_2226 = tpu.memref_slice %arg10[%dma_start3A_2219, %dma_start3A_2220, %dma_start3A_2225] : memref<2x8x128xi32, #tpu.memory_space<vmem>> -> memref<1x1x128xi32, #tpu.memory_space<vmem>>
      %dma_start3A_2227 = tpu.memref_squeeze %dma_start3A_2226 : memref<1x1x128xi32, #tpu.memory_space<vmem>> -> memref<128xi32, #tpu.memory_space<vmem>>
      %dma_start3A_2228 = arith.constant 0 : i32
      %dma_start3A_2229 = arith.constant 0 : i32
      %dma_start3A_2230 = tpu.memref_slice %arg12[%dma_start3A_2228, %dma_start3A_2229] : memref<10240x128xf32, #tpu.memory_space<vmem_shared>> -> memref<10240x128xf32, #tpu.memory_space<vmem_shared>>
      tpu.enqueue_indirect_dma source(%dma_start3A_2224 : memref<128x128xf32, #tpu.memory_space<vmem>>) target(%dma_start3A_2230 : memref<10240x128xf32, #tpu.memory_space<vmem_shared>>) offsets(%dma_start3A_2227 : memref<128xi32, #tpu.memory_space<vmem>>) semaphore(%arg13 : memref<!tpu.dma_semaphore, #tpu.memory_space<semaphore_mem>>) {add = true}
      %dma_wait3A_2231 = arith.constant 0 : i32
      %dma_wait3A_2232 = arith.constant 0 : i32
      %dma_wait3A_2233 = arith.constant 0 : i32
      %dma_wait3A_2234 = arith.constant 0 : i32
      %dma_wait3A_2235 = arith.constant 0 : i32
      %dma_wait3A_2236 = tpu.memref_slice %arg11[%dma_wait3A_2231, %dma_wait3A_2234, %dma_wait3A_2235] : memref<2x128x128xf32, #tpu.memory_space<vmem>> -> memref<1x128x128xf32, #tpu.memory_space<vmem>>
      %dma_wait3A_2237 = tpu.memref_squeeze %dma_wait3A_2236 : memref<1x128x128xf32, #tpu.memory_space<vmem>> -> memref<128x128xf32, #tpu.memory_space<vmem>>
      %dma_wait3A_2238 = arith.constant 0 : i32
      %dma_wait3A_2239 = tpu.memref_slice %arg10[%dma_wait3A_2232, %dma_wait3A_2233, %dma_wait3A_2238] : memref<2x8x128xi32, #tpu.memory_space<vmem>> -> memref<1x1x128xi32, #tpu.memory_space<vmem>>
      %dma_wait3A_2240 = tpu.memref_squeeze %dma_wait3A_2239 : memref<1x1x128xi32, #tpu.memory_space<vmem>> -> memref<128xi32, #tpu.memory_space<vmem>>
      %dma_wait3A_2241 = arith.constant 0 : i32
      %dma_wait3A_2242 = arith.constant 0 : i32
      %dma_wait3A_2243 = tpu.memref_slice %arg12[%dma_wait3A_2241, %dma_wait3A_2242] : memref<10240x128xf32, #tpu.memory_space<vmem_shared>> -> memref<10240x128xf32, #tpu.memory_space<vmem_shared>>
      tpu.wait_indirect_dma semaphore(%arg13 : memref<!tpu.dma_semaphore, #tpu.memory_space<semaphore_mem>>) src(%dma_wait3A_2237 : memref<128x128xf32, #tpu.memory_space<vmem>>) dst(%dma_wait3A_2243 : memref<10240x128xf32, #tpu.memory_space<vmem_shared>>)
      %dma_start3A_2244 = arith.constant 1 : i32
      %dma_start3A_2245 = arith.constant 6 : i32
      %dma_start3A_2246 = arith.constant 0 : i32
      %dma_start3A_2247 = arith.constant 0 : i32
      %dma_start3A_2248 = arith.constant 0 : i32
      %dma_start3A_2249 = tpu.memref_slice %arg11[%dma_start3A_2246, %dma_start3A_2247, %dma_start3A_2248] : memref<2x128x128xf32, #tpu.memory_space<vmem>> -> memref<1x128x128xf32, #tpu.memory_space<vmem>>
      %dma_start3A_2250 = tpu.memref_squeeze %dma_start3A_2249 : memref<1x128x128xf32, #tpu.memory_space<vmem>> -> memref<128x128xf32, #tpu.memory_space<vmem>>
      %dma_start3A_2251 = arith.constant 0 : i32
      %dma_start3A_2252 = tpu.memref_slice %arg9[%dma_start3A_2244, %dma_start3A_2245, %dma_start3A_2251] : memref<2x8x128xi32, #tpu.memory_space<vmem>> -> memref<1x1x128xi32, #tpu.memory_space<vmem>>
      %dma_start3A_2253 = tpu.memref_squeeze %dma_start3A_2252 : memref<1x1x128xi32, #tpu.memory_space<vmem>> -> memref<128xi32, #tpu.memory_space<vmem>>
      %dma_start3A_2254 = arith.constant 0 : i32
      %dma_start3A_2255 = arith.constant 0 : i32
      %dma_start3A_2256 = tpu.memref_slice %arg2[%dma_start3A_2254, %dma_start3A_2255] : memref<10000x128xf32, #tpu.memory_space<hbm>> -> memref<10000x128xf32, #tpu.memory_space<hbm>>
      tpu.enqueue_indirect_dma source(%dma_start3A_2256 : memref<10000x128xf32, #tpu.memory_space<hbm>>) target(%dma_start3A_2250 : memref<128x128xf32, #tpu.memory_space<vmem>>) offsets(%dma_start3A_2253 : memref<128xi32, #tpu.memory_space<vmem>>) semaphore(%arg15 : memref<!tpu.dma_semaphore, #tpu.memory_space<semaphore_mem>>)
      %dma_wait3A_2257 = arith.constant 1 : i32
      %dma_wait3A_2258 = arith.constant 0 : i32
      %dma_wait3A_2259 = arith.constant 0 : i32
      %dma_wait3A_2260 = arith.constant 0 : i32
      %dma_wait3A_2261 = arith.constant 0 : i32
      %dma_wait3A_2262 = tpu.memref_slice %arg11[%dma_wait3A_2257, %dma_wait3A_2260, %dma_wait3A_2261] : memref<2x128x128xf32, #tpu.memory_space<vmem>> -> memref<1x128x128xf32, #tpu.memory_space<vmem>>
      %dma_wait3A_2263 = tpu.memref_squeeze %dma_wait3A_2262 : memref<1x128x128xf32, #tpu.memory_space<vmem>> -> memref<128x128xf32, #tpu.memory_space<vmem>>
      %dma_wait3A_2264 = arith.constant 0 : i32
      %dma_wait3A_2265 = tpu.memref_slice %arg10[%dma_wait3A_2258, %dma_wait3A_2259, %dma_wait3A_2264] : memref<2x8x128xi32, #tpu.memory_space<vmem>> -> memref<1x1x128xi32, #tpu.memory_space<vmem>>
      %dma_wait3A_2266 = tpu.memref_squeeze %dma_wait3A_2265 : memref<1x1x128xi32, #tpu.memory_space<vmem>> -> memref<128xi32, #tpu.memory_space<vmem>>
      %dma_wait3A_2267 = arith.constant 0 : i32
      %dma_wait3A_2268 = arith.constant 0 : i32
      %dma_wait3A_2269 = tpu.memref_slice %arg12[%dma_wait3A_2267, %dma_wait3A_2268] : memref<10240x128xf32, #tpu.memory_space<vmem_shared>> -> memref<10240x128xf32, #tpu.memory_space<vmem_shared>>
      tpu.wait_indirect_dma semaphore(%arg13 : memref<!tpu.dma_semaphore, #tpu.memory_space<semaphore_mem>>) src(%dma_wait3A_2263 : memref<128x128xf32, #tpu.memory_space<vmem>>) dst(%dma_wait3A_2269 : memref<10240x128xf32, #tpu.memory_space<vmem_shared>>)
      %dma_start3A_2270 = arith.constant 1 : i32
      %dma_start3A_2271 = arith.constant 7 : i32
      %dma_start3A_2272 = arith.constant 1 : i32
      %dma_start3A_2273 = arith.constant 0 : i32
      %dma_start3A_2274 = arith.constant 0 : i32
      %dma_start3A_2275 = tpu.memref_slice %arg11[%dma_start3A_2272, %dma_start3A_2273, %dma_start3A_2274] : memref<2x128x128xf32, #tpu.memory_space<vmem>> -> memref<1x128x128xf32, #tpu.memory_space<vmem>>
      %dma_start3A_2276 = tpu.memref_squeeze %dma_start3A_2275 : memref<1x128x128xf32, #tpu.memory_space<vmem>> -> memref<128x128xf32, #tpu.memory_space<vmem>>
      %dma_start3A_2277 = arith.constant 0 : i32
      %dma_start3A_2278 = tpu.memref_slice %arg9[%dma_start3A_2270, %dma_start3A_2271, %dma_start3A_2277] : memref<2x8x128xi32, #tpu.memory_space<vmem>> -> memref<1x1x128xi32, #tpu.memory_space<vmem>>
      %dma_start3A_2279 = tpu.memref_squeeze %dma_start3A_2278 : memref<1x1x128xi32, #tpu.memory_space<vmem>> -> memref<128xi32, #tpu.memory_space<vmem>>
      %dma_start3A_2280 = arith.constant 0 : i32
      %dma_start3A_2281 = arith.constant 0 : i32
      %dma_start3A_2282 = tpu.memref_slice %arg2[%dma_start3A_2280, %dma_start3A_2281] : memref<10000x128xf32, #tpu.memory_space<hbm>> -> memref<10000x128xf32, #tpu.memory_space<hbm>>
      tpu.enqueue_indirect_dma source(%dma_start3A_2282 : memref<10000x128xf32, #tpu.memory_space<hbm>>) target(%dma_start3A_2276 : memref<128x128xf32, #tpu.memory_space<vmem>>) offsets(%dma_start3A_2279 : memref<128xi32, #tpu.memory_space<vmem>>) semaphore(%arg16 : memref<!tpu.dma_semaphore, #tpu.memory_space<semaphore_mem>>)
      %dma_wait3A_2283 = arith.constant 1 : i32
      %dma_wait3A_2284 = arith.constant 6 : i32
      %dma_wait3A_2285 = arith.constant 0 : i32
      %dma_wait3A_2286 = arith.constant 0 : i32
      %dma_wait3A_2287 = arith.constant 0 : i32
      %dma_wait3A_2288 = tpu.memref_slice %arg11[%dma_wait3A_2285, %dma_wait3A_2286, %dma_wait3A_2287] : memref<2x128x128xf32, #tpu.memory_space<vmem>> -> memref<1x128x128xf32, #tpu.memory_space<vmem>>
      %dma_wait3A_2289 = tpu.memref_squeeze %dma_wait3A_2288 : memref<1x128x128xf32, #tpu.memory_space<vmem>> -> memref<128x128xf32, #tpu.memory_space<vmem>>
      %dma_wait3A_2290 = arith.constant 0 : i32
      %dma_wait3A_2291 = tpu.memref_slice %arg9[%dma_wait3A_2283, %dma_wait3A_2284, %dma_wait3A_2290] : memref<2x8x128xi32, #tpu.memory_space<vmem>> -> memref<1x1x128xi32, #tpu.memory_space<vmem>>
      %dma_wait3A_2292 = tpu.memref_squeeze %dma_wait3A_2291 : memref<1x1x128xi32, #tpu.memory_space<vmem>> -> memref<128xi32, #tpu.memory_space<vmem>>
      %dma_wait3A_2293 = arith.constant 0 : i32
      %dma_wait3A_2294 = arith.constant 0 : i32
      %dma_wait3A_2295 = tpu.memref_slice %arg2[%dma_wait3A_2293, %dma_wait3A_2294] : memref<10000x128xf32, #tpu.memory_space<hbm>> -> memref<10000x128xf32, #tpu.memory_space<hbm>>
      tpu.wait_indirect_dma semaphore(%arg15 : memref<!tpu.dma_semaphore, #tpu.memory_space<semaphore_mem>>) src(%dma_wait3A_2295 : memref<10000x128xf32, #tpu.memory_space<hbm>>) dst(%dma_wait3A_2289 : memref<128x128xf32, #tpu.memory_space<vmem>>)
      %dma_start3A_2296 = arith.constant 0 : i32
      %dma_start3A_2297 = arith.constant 1 : i32
      %dma_start3A_2298 = arith.constant 6 : i32
      %dma_start3A_2299 = arith.constant 0 : i32
      %dma_start3A_2300 = arith.constant 0 : i32
      %dma_start3A_2301 = tpu.memref_slice %arg11[%dma_start3A_2296, %dma_start3A_2299, %dma_start3A_2300] : memref<2x128x128xf32, #tpu.memory_space<vmem>> -> memref<1x128x128xf32, #tpu.memory_space<vmem>>
      %dma_start3A_2302 = tpu.memref_squeeze %dma_start3A_2301 : memref<1x128x128xf32, #tpu.memory_space<vmem>> -> memref<128x128xf32, #tpu.memory_space<vmem>>
      %dma_start3A_2303 = arith.constant 0 : i32
      %dma_start3A_2304 = tpu.memref_slice %arg10[%dma_start3A_2297, %dma_start3A_2298, %dma_start3A_2303] : memref<2x8x128xi32, #tpu.memory_space<vmem>> -> memref<1x1x128xi32, #tpu.memory_space<vmem>>
      %dma_start3A_2305 = tpu.memref_squeeze %dma_start3A_2304 : memref<1x1x128xi32, #tpu.memory_space<vmem>> -> memref<128xi32, #tpu.memory_space<vmem>>
      %dma_start3A_2306 = arith.constant 0 : i32
      %dma_start3A_2307 = arith.constant 0 : i32
      %dma_start3A_2308 = tpu.memref_slice %arg12[%dma_start3A_2306, %dma_start3A_2307] : memref<10240x128xf32, #tpu.memory_space<vmem_shared>> -> memref<10240x128xf32, #tpu.memory_space<vmem_shared>>
      tpu.enqueue_indirect_dma source(%dma_start3A_2302 : memref<128x128xf32, #tpu.memory_space<vmem>>) target(%dma_start3A_2308 : memref<10240x128xf32, #tpu.memory_space<vmem_shared>>) offsets(%dma_start3A_2305 : memref<128xi32, #tpu.memory_space<vmem>>) semaphore(%arg13 : memref<!tpu.dma_semaphore, #tpu.memory_space<semaphore_mem>>) {add = true}
      %dma_wait3A_2309 = arith.constant 1 : i32
      %dma_wait3A_2310 = arith.constant 7 : i32
      %dma_wait3A_2311 = arith.constant 1 : i32
      %dma_wait3A_2312 = arith.constant 0 : i32
      %dma_wait3A_2313 = arith.constant 0 : i32
      %dma_wait3A_2314 = tpu.memref_slice %arg11[%dma_wait3A_2311, %dma_wait3A_2312, %dma_wait3A_2313] : memref<2x128x128xf32, #tpu.memory_space<vmem>> -> memref<1x128x128xf32, #tpu.memory_space<vmem>>
      %dma_wait3A_2315 = tpu.memref_squeeze %dma_wait3A_2314 : memref<1x128x128xf32, #tpu.memory_space<vmem>> -> memref<128x128xf32, #tpu.memory_space<vmem>>
      %dma_wait3A_2316 = arith.constant 0 : i32
      %dma_wait3A_2317 = tpu.memref_slice %arg9[%dma_wait3A_2309, %dma_wait3A_2310, %dma_wait3A_2316] : memref<2x8x128xi32, #tpu.memory_space<vmem>> -> memref<1x1x128xi32, #tpu.memory_space<vmem>>
      %dma_wait3A_2318 = tpu.memref_squeeze %dma_wait3A_2317 : memref<1x1x128xi32, #tpu.memory_space<vmem>> -> memref<128xi32, #tpu.memory_space<vmem>>
      %dma_wait3A_2319 = arith.constant 0 : i32
      %dma_wait3A_2320 = arith.constant 0 : i32
      %dma_wait3A_2321 = tpu.memref_slice %arg2[%dma_wait3A_2319, %dma_wait3A_2320] : memref<10000x128xf32, #tpu.memory_space<hbm>> -> memref<10000x128xf32, #tpu.memory_space<hbm>>
      tpu.wait_indirect_dma semaphore(%arg16 : memref<!tpu.dma_semaphore, #tpu.memory_space<semaphore_mem>>) src(%dma_wait3A_2321 : memref<10000x128xf32, #tpu.memory_space<hbm>>) dst(%dma_wait3A_2315 : memref<128x128xf32, #tpu.memory_space<vmem>>)
      %dma_start3A_2322 = arith.constant 1 : i32
      %dma_start3A_2323 = arith.constant 1 : i32
      %dma_start3A_2324 = arith.constant 7 : i32
      %dma_start3A_2325 = arith.constant 0 : i32
      %dma_start3A_2326 = arith.constant 0 : i32
      %dma_start3A_2327 = tpu.memref_slice %arg11[%dma_start3A_2322, %dma_start3A_2325, %dma_start3A_2326] : memref<2x128x128xf32, #tpu.memory_space<vmem>> -> memref<1x128x128xf32, #tpu.memory_space<vmem>>
      %dma_start3A_2328 = tpu.memref_squeeze %dma_start3A_2327 : memref<1x128x128xf32, #tpu.memory_space<vmem>> -> memref<128x128xf32, #tpu.memory_space<vmem>>
      %dma_start3A_2329 = arith.constant 0 : i32
      %dma_start3A_2330 = tpu.memref_slice %arg10[%dma_start3A_2323, %dma_start3A_2324, %dma_start3A_2329] : memref<2x8x128xi32, #tpu.memory_space<vmem>> -> memref<1x1x128xi32, #tpu.memory_space<vmem>>
      %dma_start3A_2331 = tpu.memref_squeeze %dma_start3A_2330 : memref<1x1x128xi32, #tpu.memory_space<vmem>> -> memref<128xi32, #tpu.memory_space<vmem>>
      %dma_start3A_2332 = arith.constant 0 : i32
      %dma_start3A_2333 = arith.constant 0 : i32
      %dma_start3A_2334 = tpu.memref_slice %arg12[%dma_start3A_2332, %dma_start3A_2333] : memref<10240x128xf32, #tpu.memory_space<vmem_shared>> -> memref<10240x128xf32, #tpu.memory_space<vmem_shared>>
      tpu.enqueue_indirect_dma source(%dma_start3A_2328 : memref<128x128xf32, #tpu.memory_space<vmem>>) target(%dma_start3A_2334 : memref<10240x128xf32, #tpu.memory_space<vmem_shared>>) offsets(%dma_start3A_2331 : memref<128xi32, #tpu.memory_space<vmem>>) semaphore(%arg13 : memref<!tpu.dma_semaphore, #tpu.memory_space<semaphore_mem>>) {add = true}
    }
    %scan3A_36 = arith.constant 5 : i32
    %dma_wait3A = arith.constant 0 : i32
    %dma_wait3A_37 = arith.constant 0 : i32
    %dma_wait3A_38 = arith.constant 0 : i32
    %dma_wait3A_39 = arith.constant 0 : i32
    %dma_wait3A_40 = arith.constant 0 : i32
    %dma_wait3A_41 = tpu.memref_slice %arg11[%dma_wait3A, %dma_wait3A_39, %dma_wait3A_40] : memref<2x128x128xf32, #tpu.memory_space<vmem>> -> memref<1x128x128xf32, #tpu.memory_space<vmem>>
    %dma_wait3A_42 = tpu.memref_squeeze %dma_wait3A_41 : memref<1x128x128xf32, #tpu.memory_space<vmem>> -> memref<128x128xf32, #tpu.memory_space<vmem>>
    %dma_wait3A_43 = arith.constant 0 : i32
    %dma_wait3A_44 = tpu.memref_slice %arg10[%dma_wait3A_37, %dma_wait3A_38, %dma_wait3A_43] : memref<2x8x128xi32, #tpu.memory_space<vmem>> -> memref<1x1x128xi32, #tpu.memory_space<vmem>>
    %dma_wait3A_45 = tpu.memref_squeeze %dma_wait3A_44 : memref<1x1x128xi32, #tpu.memory_space<vmem>> -> memref<128xi32, #tpu.memory_space<vmem>>
    %dma_wait3A_46 = arith.constant 0 : i32
    %dma_wait3A_47 = arith.constant 0 : i32
    %dma_wait3A_48 = tpu.memref_slice %arg12[%dma_wait3A_46, %dma_wait3A_47] : memref<10240x128xf32, #tpu.memory_space<vmem_shared>> -> memref<10240x128xf32, #tpu.memory_space<vmem_shared>>
    tpu.wait_indirect_dma semaphore(%arg13 : memref<!tpu.dma_semaphore, #tpu.memory_space<semaphore_mem>>) src(%dma_wait3A_42 : memref<128x128xf32, #tpu.memory_space<vmem>>) dst(%dma_wait3A_48 : memref<10240x128xf32, #tpu.memory_space<vmem_shared>>)
    %dma_wait3A_49 = arith.constant 1 : i32
    %dma_wait3A_50 = arith.constant 0 : i32
    %dma_wait3A_51 = arith.constant 0 : i32
    %dma_wait3A_52 = arith.constant 0 : i32
    %dma_wait3A_53 = arith.constant 0 : i32
    %dma_wait3A_54 = tpu.memref_slice %arg11[%dma_wait3A_49, %dma_wait3A_52, %dma_wait3A_53] : memref<2x128x128xf32, #tpu.memory_space<vmem>> -> memref<1x128x128xf32, #tpu.memory_space<vmem>>
    %dma_wait3A_55 = tpu.memref_squeeze %dma_wait3A_54 : memref<1x128x128xf32, #tpu.memory_space<vmem>> -> memref<128x128xf32, #tpu.memory_space<vmem>>
    %dma_wait3A_56 = arith.constant 0 : i32
    %dma_wait3A_57 = tpu.memref_slice %arg10[%dma_wait3A_50, %dma_wait3A_51, %dma_wait3A_56] : memref<2x8x128xi32, #tpu.memory_space<vmem>> -> memref<1x1x128xi32, #tpu.memory_space<vmem>>
    %dma_wait3A_58 = tpu.memref_squeeze %dma_wait3A_57 : memref<1x1x128xi32, #tpu.memory_space<vmem>> -> memref<128xi32, #tpu.memory_space<vmem>>
    %dma_wait3A_59 = arith.constant 0 : i32
    %dma_wait3A_60 = arith.constant 0 : i32
    %dma_wait3A_61 = tpu.memref_slice %arg12[%dma_wait3A_59, %dma_wait3A_60] : memref<10240x128xf32, #tpu.memory_space<vmem_shared>> -> memref<10240x128xf32, #tpu.memory_space<vmem_shared>>
    tpu.wait_indirect_dma semaphore(%arg13 : memref<!tpu.dma_semaphore, #tpu.memory_space<semaphore_mem>>) src(%dma_wait3A_55 : memref<128x128xf32, #tpu.memory_space<vmem>>) dst(%dma_wait3A_61 : memref<10240x128xf32, #tpu.memory_space<vmem_shared>>)
    %barrier3A_62 = arith.constant 0 : index
    tpu.barrier barrier_id(%barrier3A_62)
    "tpu.region"() ({
      %run_scoped3A = tpu.sem_alloc : memref<!tpu.dma_semaphore, #tpu.memory_space<semaphore_mem>>
      %dma_start3A_65 = arith.constant 0 : i32
      %dma_start3A_66 = tpu.memref_slice %arg7[%arg0, %mul3A_2, %dma_start3A_65] : memref<2x10240x128xf32, #tpu.memory_space<hbm>> -> memref<1x640x128xf32, #tpu.memory_space<hbm>>
      %dma_start3A_67 = tpu.memref_squeeze %dma_start3A_66 : memref<1x640x128xf32, #tpu.memory_space<hbm>> -> memref<640x128xf32, #tpu.memory_space<hbm>>
      %dma_start3A_68 = arith.constant 0 : i32
      %dma_start3A_69 = tpu.memref_slice %arg12[%mul3A_2, %dma_start3A_68] : memref<10240x128xf32, #tpu.memory_space<vmem_shared>> -> memref<640x128xf32, #tpu.memory_space<vmem_shared>>
      tpu.enqueue_dma source(%dma_start3A_69 : memref<640x128xf32, #tpu.memory_space<vmem_shared>>) target(%dma_start3A_67 : memref<640x128xf32, #tpu.memory_space<hbm>>) target_semaphore(%run_scoped3A : memref<!tpu.dma_semaphore, #tpu.memory_space<semaphore_mem>>)
      %dma_wait3A_70 = arith.constant 0 : i32
      %dma_wait3A_71 = tpu.memref_slice %arg7[%arg0, %mul3A_2, %dma_wait3A_70] : memref<2x10240x128xf32, #tpu.memory_space<hbm>> -> memref<1x640x128xf32, #tpu.memory_space<hbm>>
      %dma_wait3A_72 = tpu.memref_squeeze %dma_wait3A_71 : memref<1x640x128xf32, #tpu.memory_space<hbm>> -> memref<640x128xf32, #tpu.memory_space<hbm>>
      %dma_wait3A_73 = arith.constant 0 : i32
      %dma_wait3A_74 = tpu.memref_slice %arg12[%mul3A_2, %dma_wait3A_73] : memref<10240x128xf32, #tpu.memory_space<vmem_shared>> -> memref<640x128xf32, #tpu.memory_space<vmem_shared>>
      tpu.wait_dma2 semaphore(%run_scoped3A : memref<!tpu.dma_semaphore, #tpu.memory_space<semaphore_mem>>) src(%dma_wait3A_74 : memref<640x128xf32, #tpu.memory_space<vmem_shared>>) dst(%dma_wait3A_72 : memref<640x128xf32, #tpu.memory_space<hbm>>)
      tpu.yield
    }) : () -> ()
    %mul3A_63 = arith.constant 10240 : i32
    %mul3A_64 = arith.muli %add3A, %mul3A_63 : i32
    "tpu.region"() ({
      %run_scoped3A = tpu.sem_alloc : memref<!tpu.dma_semaphore, #tpu.memory_space<semaphore_mem>>
      %dma_start3A_65 = tpu.memref_slice %arg8[%mul3A_64] : memref<327680xf32, #tpu.memory_space<hbm>> -> memref<10240xf32, #tpu.memory_space<hbm>>
      %dma_start3A_66 = tpu.memref_slice %arg8[%mul3A_64] : memref<327680xf32, #tpu.memory_space<hbm>> -> memref<10240xf32, #tpu.memory_space<hbm>>
      tpu.enqueue_dma source(%arg17 : memref<10240xf32, #tpu.memory_space<vmem>>) target(%dma_start3A_66 : memref<10240xf32, #tpu.memory_space<hbm>>) target_semaphore(%run_scoped3A : memref<!tpu.dma_semaphore, #tpu.memory_space<semaphore_mem>>)
      %dma_wait3A_67 = tpu.memref_slice %arg8[%mul3A_64] : memref<327680xf32, #tpu.memory_space<hbm>> -> memref<10240xf32, #tpu.memory_space<hbm>>
      %dma_wait3A_68 = tpu.memref_slice %arg8[%mul3A_64] : memref<327680xf32, #tpu.memory_space<hbm>> -> memref<10240xf32, #tpu.memory_space<hbm>>
      tpu.wait_dma2 semaphore(%run_scoped3A : memref<!tpu.dma_semaphore, #tpu.memory_space<semaphore_mem>>) src(%arg17 : memref<10240xf32, #tpu.memory_space<vmem>>) dst(%dma_wait3A_68 : memref<10240xf32, #tpu.memory_space<hbm>>)
      tpu.yield
    }) : () -> ()
    return
  }
}

module attributes {stable_mosaic.version = 14 : i64} {
  func.func @_l1_body(%arg0: i32, %arg1: memref<2000x128xf32, #tpu.memory_space<vmem>>, %arg2: memref<2x2000x128xf32, #tpu.memory_space<vmem>>, %arg3: memref<2000x32xf32, #tpu.memory_space<vmem>>, %arg4: memref<128x128xf32, #tpu.memory_space<vmem>>, %arg5: memref<128x128xf32, #tpu.memory_space<vmem>>, %arg6: memref<1x128xf32, #tpu.memory_space<vmem>>, %arg7: memref<2000x128xf32, #tpu.memory_space<vmem>>, %arg8: memref<2000x1xf32, #tpu.memory_space<vmem>>) attributes {dimension_semantics = [#tpu.dimension_semantics<arbitrary>], iteration_bounds = array<i64: 5>, scalar_prefetch = 0 : i64, scratch_operands = 0 : i64, tpu.core_type = #tpu.core_type<tc>, window_params = [{transform_indices = @transform_0, window_bounds = array<i64: 2000, 128>}, {transform_indices = @transform_1, window_bounds = array<i64: 2, 2000, 128>}, {transform_indices = @transform_2, window_bounds = array<i64: 2000, 32>}, {pipeline_mode = #tpu.pipeline_mode<synchronous>, transform_indices = @transform_3, window_bounds = array<i64: 128, 128>}, {pipeline_mode = #tpu.pipeline_mode<synchronous>, transform_indices = @transform_4, window_bounds = array<i64: 128, 128>}, {pipeline_mode = #tpu.pipeline_mode<synchronous>, transform_indices = @transform_5, window_bounds = array<i64: 1, 128>}, {transform_indices = @transform_6, window_bounds = array<i64: 2000, 128>}, {transform_indices = @transform_7, window_bounds = array<i64: 2000, 1>}]} {
    %get3A = arith.constant 0 : index
    %get3A_0 = arith.constant 0 : index
    %get3A_1 = vector.load %arg3[%get3A, %get3A_0] : memref<2000x32xf32, #tpu.memory_space<vmem>>, vector<2000x32xf32>
    %reduce_sum3A = arith.constant dense<0.000000e+00> : vector<2000xf32>
    %reduce_sum3A_2 = vector.multi_reduction <add>, %get3A_1, %reduce_sum3A [1] : vector<2000x32xf32> to vector<2000xf32>
    %max3A = arith.constant 1.000000e+00 : f32
    %max3A_3 = vector.broadcast %max3A : f32 to vector<2000xf32>
    %max3A_4 = arith.maximumf %reduce_sum3A_2, %max3A_3 : vector<2000xf32>
    %div3A = arith.constant 1.000000e+00 : f32
    %div3A_5 = vector.broadcast %div3A : f32 to vector<2000xf32>
    %div3A_6 = arith.divf %div3A_5, %max3A_4 : vector<2000xf32>
    %broadcast_in_dim3A = vector.shape_cast %div3A_6 : vector<2000xf32> to vector<2000x1xf32>
    %get3A_7 = arith.constant 0 : index
    %get3A_8 = arith.constant 0 : index
    %get3A_9 = arith.constant 0 : index
    %get3A_10 = vector.load %arg2[%get3A_7, %get3A_8, %get3A_9] : memref<2x2000x128xf32, #tpu.memory_space<vmem>>, vector<1x2000x128xf32>
    %get3A_11 = vector.shape_cast %get3A_10 : vector<1x2000x128xf32> to vector<2000x128xf32>
    %get3A_12 = arith.constant 1 : index
    %get3A_13 = arith.constant 0 : index
    %get3A_14 = arith.constant 0 : index
    %get3A_15 = vector.load %arg2[%get3A_12, %get3A_13, %get3A_14] : memref<2x2000x128xf32, #tpu.memory_space<vmem>>, vector<1x2000x128xf32>
    %get3A_16 = vector.shape_cast %get3A_15 : vector<1x2000x128xf32> to vector<2000x128xf32>
    %add3A = arith.addf %get3A_11, %get3A_16 : vector<2000x128xf32>
    %mul3A = vector.broadcast %broadcast_in_dim3A : vector<2000x1xf32> to vector<2000x128xf32>
    %mul3A_17 = arith.mulf %add3A, %mul3A : vector<2000x128xf32>
    %get3A_18 = arith.constant 0 : index
    %get3A_19 = arith.constant 0 : index
    %get3A_20 = vector.load %arg1[%get3A_18, %get3A_19] : memref<2000x128xf32, #tpu.memory_space<vmem>>, vector<2000x128xf32>
    %get3A_21 = arith.constant 0 : index
    %get3A_22 = arith.constant 0 : index
    %get3A_23 = vector.load %arg4[%get3A_21, %get3A_22] : memref<128x128xf32, #tpu.memory_space<vmem>>, vector<128x128xf32>
    %dot_general3A = arith.constant dense<0.000000e+00> : vector<2000x128xf32>
    %dot_general3A_24 = tpu.matmul %get3A_20, %get3A_23, %dot_general3A {dimension_numbers = #tpu.dot_dimension_numbers<[1], [0], [0], [1], [0, 0, 1, 1], [], []>, transpose_lhs_hint = false} : vector<2000x128xf32>, vector<128x128xf32>, vector<2000x128xf32> -> vector<2000x128xf32>
    %get3A_25 = arith.constant 0 : index
    %get3A_26 = arith.constant 0 : index
    %get3A_27 = vector.load %arg5[%get3A_25, %get3A_26] : memref<128x128xf32, #tpu.memory_space<vmem>>, vector<128x128xf32>
    %dot_general3A_28 = arith.constant dense<0.000000e+00> : vector<2000x128xf32>
    %dot_general3A_29 = tpu.matmul %mul3A_17, %get3A_27, %dot_general3A_28 {dimension_numbers = #tpu.dot_dimension_numbers<[1], [0], [0], [1], [0, 0, 1, 1], [], []>, transpose_lhs_hint = false} : vector<2000x128xf32>, vector<128x128xf32>, vector<2000x128xf32> -> vector<2000x128xf32>
    %add3A_30 = arith.addf %dot_general3A_24, %dot_general3A_29 : vector<2000x128xf32>
    %get3A_31 = arith.constant 0 : index
    %get3A_32 = arith.constant 0 : index
    %get3A_33 = vector.load %arg6[%get3A_31, %get3A_32] : memref<1x128xf32, #tpu.memory_space<vmem>>, vector<1x128xf32>
    %add3A_34 = vector.broadcast %get3A_33 : vector<1x128xf32> to vector<2000x128xf32>
    %add3A_35 = arith.addf %add3A_30, %add3A_34 : vector<2000x128xf32>
    %max3A_36 = arith.constant 0.000000e+00 : f32
    %max3A_37 = vector.broadcast %max3A_36 : f32 to vector<2000x128xf32>
    %max3A_38 = arith.maximumf %add3A_35, %max3A_37 : vector<2000x128xf32>
    %swap3A = arith.constant 0 : index
    %swap3A_39 = arith.constant 0 : index
    %swap3A_40 = vector.load %arg7[%swap3A, %swap3A_39] : memref<2000x128xf32, #tpu.memory_space<vmem>>, vector<2000x128xf32>
    tpu.vector_store %arg7[%swap3A, %swap3A_39], %max3A_38 {strides = array<i32>} : memref<2000x128xf32, #tpu.memory_space<vmem>>, vector<2000x128xf32>,
    %swap3A_41 = arith.constant 0 : index
    %swap3A_42 = arith.constant 0 : index
    %swap3A_43 = vector.load %arg8[%swap3A_41, %swap3A_42] : memref<2000x1xf32, #tpu.memory_space<vmem>>, vector<2000x1xf32>
    tpu.vector_store %arg8[%swap3A_41, %swap3A_42], %broadcast_in_dim3A {strides = array<i32>} : memref<2000x1xf32, #tpu.memory_space<vmem>>, vector<2000x1xf32>,
    return
  }
  func.func @transform_0(%arg0: i32) -> (i32, i32) {
    %c0_i32 = arith.constant 0 : i32
    %c0_i32_0 = arith.constant 0 : i32
    return %arg0, %c0_i32 : i32, i32
  }
  func.func @transform_1(%arg0: i32) -> (i32, i32, i32) {
    %c0_i32 = arith.constant 0 : i32
    %c0_i32_0 = arith.constant 0 : i32
    %c0_i32_1 = arith.constant 0 : i32
    return %c0_i32, %arg0, %c0_i32_0 : i32, i32, i32
  }
  func.func @transform_2(%arg0: i32) -> (i32, i32) {
    %c0_i32 = arith.constant 0 : i32
    %c0_i32_0 = arith.constant 0 : i32
    return %arg0, %c0_i32 : i32, i32
  }
  func.func @transform_3(%arg0: i32) -> (i32, i32) {
    %c0_i32 = arith.constant 0 : i32
    %c0_i32_0 = arith.constant 0 : i32
    %c0_i32_1 = arith.constant 0 : i32
    return %c0_i32, %c0_i32_0 : i32, i32
  }
  func.func @transform_4(%arg0: i32) -> (i32, i32) {
    %c0_i32 = arith.constant 0 : i32
    %c0_i32_0 = arith.constant 0 : i32
    %c0_i32_1 = arith.constant 0 : i32
    return %c0_i32, %c0_i32_0 : i32, i32
  }
  func.func @transform_5(%arg0: i32) -> (i32, i32) {
    %c0_i32 = arith.constant 0 : i32
    %c0_i32_0 = arith.constant 0 : i32
    %c0_i32_1 = arith.constant 0 : i32
    return %c0_i32, %c0_i32_0 : i32, i32
  }
  func.func @transform_6(%arg0: i32) -> (i32, i32) {
    %c0_i32 = arith.constant 0 : i32
    %c0_i32_0 = arith.constant 0 : i32
    return %arg0, %c0_i32 : i32, i32
  }
  func.func @transform_7(%arg0: i32) -> (i32, i32) {
    %c0_i32 = arith.constant 0 : i32
    %c0_i32_0 = arith.constant 0 : i32
    return %arg0, %c0_i32 : i32, i32
  }
}

module attributes {stable_mosaic.version = 14 : i64} {
  func.func @_l2_body(%arg0: i32, %arg1: memref<2000x128xf32, #tpu.memory_space<vmem>>, %arg2: memref<2x2000x128xf32, #tpu.memory_space<vmem>>, %arg3: memref<2000x1xf32, #tpu.memory_space<vmem>>, %arg4: memref<128x128xf32, #tpu.memory_space<vmem>>, %arg5: memref<128x128xf32, #tpu.memory_space<vmem>>, %arg6: memref<1x128xf32, #tpu.memory_space<vmem>>, %arg7: memref<2000x128xf32, #tpu.memory_space<vmem>>) attributes {dimension_semantics = [#tpu.dimension_semantics<arbitrary>], iteration_bounds = array<i64: 5>, scalar_prefetch = 0 : i64, scratch_operands = 0 : i64, tpu.core_type = #tpu.core_type<tc>, window_params = [{transform_indices = @transform_0, window_bounds = array<i64: 2000, 128>}, {transform_indices = @transform_1, window_bounds = array<i64: 2, 2000, 128>}, {transform_indices = @transform_2, window_bounds = array<i64: 2000, 1>}, {pipeline_mode = #tpu.pipeline_mode<synchronous>, transform_indices = @transform_3, window_bounds = array<i64: 128, 128>}, {pipeline_mode = #tpu.pipeline_mode<synchronous>, transform_indices = @transform_4, window_bounds = array<i64: 128, 128>}, {pipeline_mode = #tpu.pipeline_mode<synchronous>, transform_indices = @transform_5, window_bounds = array<i64: 1, 128>}, {transform_indices = @transform_6, window_bounds = array<i64: 2000, 128>}]} {
    %get3A = arith.constant 0 : index
    %get3A_0 = arith.constant 0 : index
    %get3A_1 = arith.constant 0 : index
    %get3A_2 = vector.load %arg2[%get3A, %get3A_0, %get3A_1] : memref<2x2000x128xf32, #tpu.memory_space<vmem>>, vector<1x2000x128xf32>
    %get3A_3 = vector.shape_cast %get3A_2 : vector<1x2000x128xf32> to vector<2000x128xf32>
    %get3A_4 = arith.constant 1 : index
    %get3A_5 = arith.constant 0 : index
    %get3A_6 = arith.constant 0 : index
    %get3A_7 = vector.load %arg2[%get3A_4, %get3A_5, %get3A_6] : memref<2x2000x128xf32, #tpu.memory_space<vmem>>, vector<1x2000x128xf32>
    %get3A_8 = vector.shape_cast %get3A_7 : vector<1x2000x128xf32> to vector<2000x128xf32>
    %add3A = arith.addf %get3A_3, %get3A_8 : vector<2000x128xf32>
    %get3A_9 = arith.constant 0 : index
    %get3A_10 = arith.constant 0 : index
    %get3A_11 = vector.load %arg3[%get3A_9, %get3A_10] : memref<2000x1xf32, #tpu.memory_space<vmem>>, vector<2000x1xf32>
    %mul3A = vector.broadcast %get3A_11 : vector<2000x1xf32> to vector<2000x128xf32>
    %mul3A_12 = arith.mulf %add3A, %mul3A : vector<2000x128xf32>
    %get3A_13 = arith.constant 0 : index
    %get3A_14 = arith.constant 0 : index
    %get3A_15 = vector.load %arg1[%get3A_13, %get3A_14] : memref<2000x128xf32, #tpu.memory_space<vmem>>, vector<2000x128xf32>
    %get3A_16 = arith.constant 0 : index
    %get3A_17 = arith.constant 0 : index
    %get3A_18 = vector.load %arg4[%get3A_16, %get3A_17] : memref<128x128xf32, #tpu.memory_space<vmem>>, vector<128x128xf32>
    %dot_general3A = arith.constant dense<0.000000e+00> : vector<2000x128xf32>
    %dot_general3A_19 = tpu.matmul %get3A_15, %get3A_18, %dot_general3A {dimension_numbers = #tpu.dot_dimension_numbers<[1], [0], [0], [1], [0, 0, 1, 1], [], []>, transpose_lhs_hint = false} : vector<2000x128xf32>, vector<128x128xf32>, vector<2000x128xf32> -> vector<2000x128xf32>
    %get3A_20 = arith.constant 0 : index
    %get3A_21 = arith.constant 0 : index
    %get3A_22 = vector.load %arg5[%get3A_20, %get3A_21] : memref<128x128xf32, #tpu.memory_space<vmem>>, vector<128x128xf32>
    %dot_general3A_23 = arith.constant dense<0.000000e+00> : vector<2000x128xf32>
    %dot_general3A_24 = tpu.matmul %mul3A_12, %get3A_22, %dot_general3A_23 {dimension_numbers = #tpu.dot_dimension_numbers<[1], [0], [0], [1], [0, 0, 1, 1], [], []>, transpose_lhs_hint = false} : vector<2000x128xf32>, vector<128x128xf32>, vector<2000x128xf32> -> vector<2000x128xf32>
    %add3A_25 = arith.addf %dot_general3A_19, %dot_general3A_24 : vector<2000x128xf32>
    %get3A_26 = arith.constant 0 : index
    %get3A_27 = arith.constant 0 : index
    %get3A_28 = vector.load %arg6[%get3A_26, %get3A_27] : memref<1x128xf32, #tpu.memory_space<vmem>>, vector<1x128xf32>
    %add3A_29 = vector.broadcast %get3A_28 : vector<1x128xf32> to vector<2000x128xf32>
    %add3A_30 = arith.addf %add3A_25, %add3A_29 : vector<2000x128xf32>
    %swap3A = arith.constant 0 : index
    %swap3A_31 = arith.constant 0 : index
    %swap3A_32 = vector.load %arg7[%swap3A, %swap3A_31] : memref<2000x128xf32, #tpu.memory_space<vmem>>, vector<2000x128xf32>
    tpu.vector_store %arg7[%swap3A, %swap3A_31], %add3A_30 {strides = array<i32>} : memref<2000x128xf32, #tpu.memory_space<vmem>>, vector<2000x128xf32>,
    return
  }
  func.func @transform_0(%arg0: i32) -> (i32, i32) {
    %c0_i32 = arith.constant 0 : i32
    %c0_i32_0 = arith.constant 0 : i32
    return %arg0, %c0_i32 : i32, i32
  }
  func.func @transform_1(%arg0: i32) -> (i32, i32, i32) {
    %c0_i32 = arith.constant 0 : i32
    %c0_i32_0 = arith.constant 0 : i32
    %c0_i32_1 = arith.constant 0 : i32
    return %c0_i32, %arg0, %c0_i32_0 : i32, i32, i32
  }
  func.func @transform_2(%arg0: i32) -> (i32, i32) {
    %c0_i32 = arith.constant 0 : i32
    %c0_i32_0 = arith.constant 0 : i32
    return %arg0, %c0_i32 : i32, i32
  }
  func.func @transform_3(%arg0: i32) -> (i32, i32) {
    %c0_i32 = arith.constant 0 : i32
    %c0_i32_0 = arith.constant 0 : i32
    %c0_i32_1 = arith.constant 0 : i32
    return %c0_i32, %c0_i32_0 : i32, i32
  }
  func.func @transform_4(%arg0: i32) -> (i32, i32) {
    %c0_i32 = arith.constant 0 : i32
    %c0_i32_0 = arith.constant 0 : i32
    %c0_i32_1 = arith.constant 0 : i32
    return %c0_i32, %c0_i32_0 : i32, i32
  }
  func.func @transform_5(%arg0: i32) -> (i32, i32) {
    %c0_i32 = arith.constant 0 : i32
    %c0_i32_0 = arith.constant 0 : i32
    %c0_i32_1 = arith.constant 0 : i32
    return %c0_i32, %c0_i32_0 : i32, i32
  }
  func.func @transform_6(%arg0: i32) -> (i32, i32) {
    %c0_i32 = arith.constant 0 : i32
    %c0_i32_0 = arith.constant 0 : i32
    return %arg0, %c0_i32 : i32, i32
  }
}

</mosaic_0001>

<sc_bundles>
// kernel: kernel.6.cloned.1.call-start
scs
__scs_entry_jumppad:
0x0: {  	(pc) =	sbr.rel $0x88, $3  }
0x1: {  	(tag) =	ssettag $0x0;
	lr =	simm.s32 $0x1  }
0x2: {  	[smem:$0x3F99] =	sst lr;
	_ =	strace $0xD0000000  }
0x3: {  	_ = 	snop  }
0x4: {  	_ = 	snop  }
0x5: {  	_ = 	snop  }
0x6: {  	_ = 	snop  }
0x7: {  	_ = 	snop  }
__scs_overlays_trampoline_lowered:
0x8: {  	[smem:$0x3FA8] =	sst s0  }
0x9: {  	[smem:$0x3FA9] =	sst s1  }
0xa: {  	[smem:$0x3FAA] =	sst s2  }
0xb: {  	[smem:$0x3FAB] =	sst s3  }
0xc: {  	[smem:$0x3FAC] =	sst s4  }
0xd: {  	[smem:$0x3FAD] =	sst s5  }
0xe: {  	[smem:$0x3FAE] =	sst s6  }
0xf: {  	[smem:$0x3FAF] =	sst s7  }
0x10: {  	[smem:$0x3FB0] =	sst s8  }
0x11: {  	[smem:$0x3FB1] =	sst s9;
	s0 =	simm.s32 @!p0 $0x0  }
0x12: {  	s1 =	sld [smem:$0x3F97];
	s0 =	simm.s32 @p0 $0x1  }
0x13: {  	[smem:$0x3FB2] =	sst s0;
	s0 =	simm.s32 @!p1 $0x0  }
0x14: {  	s2 =	sld [smem:$0x3F96];
	s0 =	simm.s32 @p1 $0x1  }
0x15: {  	[smem:$0x3FB3] =	sst s0;
	s0 =	simm.s32 @!p2 $0x0  }
0x16: {  	s3 =	sld [smem:$0x3FDB];
	s0 =	simm.s32 @p2 $0x1  }
0x17: {  	s4 =	simm.s32 $0x1BF5;
	[smem:$0x3FB5] =	sst s0  }
0x18: {  	s0 =	sld [smem:$0x3F98];
	_ =	swait.ge [sflag:s4], $0x0  }
0x19: {  	s7 =	sld [smem:$0x3F99]  }
0x1a: {  	s8 =	sadd.s32 $0xFFFFE003, lr  }
0x1b: {  	s9 =	sadd.s32 $0xFFFFFEF7, lr;
	s5 =	simm.s32 $0xFFFFFFFF;
	p2 =	slt.u32 s8, $0xFFFFF086  }
0x1c: {  	p1 =	slt.u32 s9, $0xF7A;
	s5 =	simm.s32 @!p2 $0x0  }
0x1d: {  	s5 =	simm.s32 @p1 $0x1;
	p0 =	seq.s32 s7, s2  }
0x1e: {  	s7 =	smul.u32 @!p0 $0xF7A, s2;
	p2 =	seq.s32 @!p0 s5, $0x0  }
0x1f: {  	s9 =	smul.u32 $0xF7A, s1;
	s8 =	simm.s32 @!p0 $0x1BF5;
	p2 =	por !p2, p0  }
0x20: {  	[sflag:s8] =	ssyncset.s32 @!p0 $0xFFFFF086;
	s6 =	sadd.s32 @!p0 s3, s7;
	s7 =	simm.s32 @!p0 $0x108  }
0x21: {  	s3 =	sadd.s32 s3, s9;
	s6 =	sadd.s32 @!p0 $0x88, s6;
	s7 =	simm.s32 @p2 $0x1082  }
0x22: {  	[simem:s7], [sflag:s8] =	dma.local @!p0 [hbm:s6], $0xF7A  }
0x23: {  	s9 =	sor.u32 $0xD0000000, s2;
	s6 =	simm.s32 $0x108;
	_ =	swait.ge @!p0 [sflag:s8], $0x0  }
0x24: {  	s3 =	sadd.s32 $0x88, s3;
	s6 =	simm.s32 @!p1 $0x1082;
	[sflag:s4] =	ssyncset.s32 $0xFFFFF086  }
0x25: {  	[simem:s6], [sflag:s4] =	dma.local [hbm:s3], $0xF7A  }
0x26: {  	[smem:$0x3F99] =	sst s1;
	(tag) =	ssettag s2;
	_ =	strace s9  }
0x27: {  	s1 =	sld [smem:$0x3FA9]  }
0x28: {  	s2 =	sld [smem:$0x3FAA]  }
0x29: {  	s4 =	sld [smem:$0x3FAC]  }
0x2a: {  	p0 =	seq.s32 s5, $0x0;
	s5 =	sld [smem:$0x3FAD]  }
0x2b: {  	s6 =	sld [smem:$0x3FAE]  }
0x2c: {  	s7 =	sld [smem:$0x3FAF]  }
0x2d: {  	s3 =	simm.s32 $0x108;
	s8 =	sld [smem:$0x3FB0]  }
0x2e: {  	s3 =	simm.s32 @!p0 $0x1082;
	s9 =	sld [smem:$0x3FB1]  }
0x2f: {  	lr =	sadd.s32 s0, s3;
	s0 =	sld [smem:$0x3FA8]  }
0x30: {  	s3 =	sld [smem:$0x3FAB]  }
0x31: {  	[smem:$0x3FB4] =	sst s10  }
0x32: {  	s10 =	sld [smem:$0x3FB2];
	_ =	sdelay $0x3  }
0x33: {  	p0 =	seq.s32 s10, $0x1;
	s10 =	sld [smem:$0x3FB4];
	_ =	sdelay $0x3  }
0x34: {  	[smem:$0x3FB4] =	sst s10  }
0x35: {  	s10 =	sld [smem:$0x3FB3];
	_ =	sdelay $0x3  }
0x36: {  	p1 =	seq.s32 s10, $0x1;
	s10 =	sld [smem:$0x3FB4];
	_ =	sdelay $0x3  }
0x37: {  	[smem:$0x3FB4] =	sst s10  }
0x38: {  	s10 =	sld [smem:$0x3FB5]  }
0x39: {  	_ = 	snop;
	(pc) =	sbr.ind lr, $3  }
0x3a: {  	_ = 	snop  }
0x3b: {  	_ = 	snop  }
0x3c: {  	p2 =	seq.s32 s10, $0x1;
	s10 =	sld [smem:$0x3FB4]  }
0x3d: {  	_ =	shalt  }
0x3e: {  	_ =	shalt  }
0x3f: {  	_ =	shalt  }
0x40: {  	_ =	shalt  }
0x41: {  	_ =	shalt  }
0x42: {  	_ =	shalt  }
0x43: {  	_ =	shalt  }
0x44: {  	_ =	shalt  }
0x45: {  	_ =	shalt  }
0x46: {  	_ =	shalt  }
0x47: {  	_ =	shalt  }
0x48: {  	_ =	shalt  }
0x49: {  	_ =	shalt  }
0x4a: {  	_ =	shalt  }
0x4b: {  	_ =	shalt  }
0x4c: {  	_ =	shalt  }
0x4d: {  	_ =	shalt  }
0x4e: {  	_ =	shalt  }
0x4f: {  	_ =	shalt  }
0x50: {  	_ =	shalt  }
0x51: {  	_ =	shalt  }
0x52: {  	_ =	shalt  }
0x53: {  	_ =	shalt  }
0x54: {  	_ =	shalt  }
0x55: {  	_ =	shalt  }
0x56: {  	_ =	shalt  }
0x57: {  	_ =	shalt  }
0x58: {  	_ =	shalt  }
0x59: {  	_ =	shalt  }
0x5a: {  	_ =	shalt  }
0x5b: {  	_ =	shalt  }
0x5c: {  	_ =	shalt  }
0x5d: {  	_ =	shalt  }
0x5e: {  	_ =	shalt  }
0x5f: {  	_ =	shalt  }
0x60: {  	_ =	shalt  }
0x61: {  	_ =	shalt  }
0x62: {  	_ =	shalt  }
0x63: {  	_ =	shalt  }
0x64: {  	_ =	shalt  }
0x65: {  	_ =	shalt  }
0x66: {  	_ =	shalt  }
0x67: {  	_ =	shalt  }
0x68: {  	_ =	shalt  }
0x69: {  	_ =	shalt  }
0x6a: {  	_ =	shalt  }
0x6b: {  	_ =	shalt  }
0x6c: {  	_ =	shalt  }
0x6d: {  	_ =	shalt  }
0x6e: {  	_ =	shalt  }
0x6f: {  	_ =	shalt  }
0x70: {  	_ =	shalt  }
0x71: {  	_ =	shalt  }
0x72: {  	_ =	shalt  }
0x73: {  	_ =	shalt  }
0x74: {  	_ =	shalt  }
0x75: {  	_ =	shalt  }
0x76: {  	_ =	shalt  }
0x77: {  	_ =	shalt  }
0x78: {  	_ =	shalt  }
0x79: {  	_ =	shalt  }
0x7a: {  	_ =	shalt  }
0x7b: {  	_ =	shalt  }
0x7c: {  	_ =	shalt  }
0x7d: {  	_ =	shalt  }
0x7e: {  	_ =	shalt  }
0x7f: {  	_ =	shalt  }
0x80: {  	_ =	shalt  }
0x81: {  	_ =	shalt  }
0x82: {  	_ =	shalt  }
0x83: {  	_ =	shalt  }
0x84: {  	_ =	shalt  }
0x85: {  	_ =	shalt  }
0x86: {  	_ =	shalt  }
0x87: {  	_ =	shalt  }
.Lfunc_end0:
.L_simem_size_0:
called_computation_lowered:
.L_overlay_start_0:
0x88: {  	s2 =	sld [smem:$0x3FD9]  }
0x89: {  	s3 =	sld [smem:$0x3FFE];
	_ =	sdelay $0x1  }
0x8a: {  	s1 =	srdreg.scid  }
0x8b: {  	s0 =	sand.u32 $0x1, s1  }
0x8c: {  	s17 =	sshll.u32 s0, $0xA;
	s2 =	sadd.s32 s3, s2  }
0x8d: {  	s2 =	sadd.s32 s2, s17  }
0x8e: {  	[smem:$0x3FC0] =	sst s2  }
0x8f: {  	_ = 	snop  }
0x90: {  	s2 =	sld [smem:$0x3FC9]  }
0x91: {  	s18 =	sld [smem:$0x3FD0];
	(tm) =	ssettm $0x1  }
0x92: {  	s4 =	sld [smem:$0x3FFB];
	_ =	sdelay $0x3  }
0x93: {  	_ =	strace s4  }
0x94: {  	s4 =	sld [smem:$0x3FFC];
	_ =	sdelay $0x3  }
0x95: {  	_ =	strace s4  }
0x96: {  	s4 =	sld [smem:$0x3FFD];
	_ =	sdelay $0x3  }
0x97: {  	_ =	strace s4  }
0x98: {  	_ =	strace $0x8FFFFFFF  }
0x99: {  	s19 =	sld [smem:$0x3FDB];
	_ =	sdelay $0x1  }
0x9a: {  	s5 =	simm.s32 $_scs_section_size  }
0x9b: {  	s6 =	simm.s32 $_size__tile_overlayer_lowered;
	s7 =	simm.s32 $_tile_overlayer_lowered  }
0x9c: {  	s22 =	simm.s32 $0x1BFF;
	s21 =	sshll.u32 s7, $0x1;
	s4 =	sadd.s32 s5, s19  }
0x9d: {  	s8 =	simm.s32 $0x0;
	s20 =	sshll.u32 s6, $0x1;
	s6 =	sadd.s32 s21, s4  }
0x9e: {  	[timem:s8], [sflag:s22] =	dma.local [hbm:s6], s20  }
0x9f: {  	_ =	swait.ge [sflag:s22], s20  }
0xa0: {  	s5 =	ssub.s32 $0x0, s20;
	[sflag:s22] =	ssyncset.done $0x0  }
0xa1: {  	[sflag:s22] =	ssyncadd.s32 s5;
	_ =	sdelay $0x1  }
0xa2: {  	s23 =	simm.s32 $0x1B8B  }
0xa3: {  	_ =	swait.ge [sflag:s23], $0x1  }
0xa4: {  	[sflag:s23] =	ssyncset.done $0x0  }
0xa5: {  	s25 =	simm.s32 $0x1B8E;
	s24 =	sld [smem:$0x3FFE];
	[sflag:s23] =	ssyncadd.s32 $0xFFFFFFFF  }
0xa6: {  	s26 =	simm.s32 $execute0_lowered;
	[smem:$0x3FD2] =	sst s25  }
0xa7: {  	s6 =	sshll.u32 s26, $0x1;
	_ =	strace $0x80000046;
	[dreg:$0x1] =	wrdreg $0xFFFFFFFF  }
0xa8: {  	s28 =	simm.s32 $_size_execute0_lowered;
	s4 =	sadd.s32 s4, s6;
	[dreg:$0x0] =	wrdreg $0x0  }
0xa9: {  	s6 =	sshll.u32 s28, $0x1;
	[dreg:$0x2] =	wrdreg s4  }
0xaa: {  	[dreg:$0x3] =	wrdreg s6  }
0xab: {  	[dreg:$0x4] =	wrdreg $0xC0  }
0xac: {  	_ =	task [dreg:s8], $0x5FFFF  }
0xad: {  	[dreg:$0x1] =	wrdreg $0xFFFFFFFF  }
0xae: {  	[dreg:$0x0] =	wrdreg $0x60  }
0xaf: {  	[dreg:$0x2] =	wrdreg s2  }
0xb0: {  	[dreg:$0x3] =	wrdreg s24  }
0xb1: {  	[dreg:$0x4] =	wrdreg s18  }
0xb2: {  	[dreg:$0x5] =	wrdreg $0x90000  }
0xb3: {  	[dreg:$0x6] =	wrdreg $0x9  }
0xb4: {  	_ =	task.clear_ibuf [dreg:s8], $0x7FFFF;
	_ =	strace $0x90000046  }
0xb5: {  	s29 =	simm.s32 $0x9;
	_ =	strace $0x80000048  }
0xb6: {  	_ =	swait.ge [sflag:s29], $0x1  }
0xb7: {  	[sflag:s29] =	ssyncadd.s32 $0xFFFFFFFF  }
0xb8: {  	_ =	strace $0x90000048  }
0xb9: {  	_ =	sfence  }
0xba: {  	s30 =	sld [smem:$0x0];
	_ =	sdelay $0x2  }
0xbb: {  	s31 =	sshll.u32 s1, $0xD;
	s1 =	sshrl.u32 s1, $0x2  }
0xbc: {  	s3 =	sand.u32 $0x4000, s31;
	s1 =	sadd.s32 s1, s30  }
0xbd: {  	s0 =	sor.u32 s3, s0;
	s1 =	sshll.u32 s1, $0x11  }
0xbe: {  	s0 =	sor.u32 s1, s0  }
0xbf: {  	s0 =	sadd.s32 $0x8F2B, s0  }
0xc0: {  	[sflag:s0] =	ssyncadd.remote.s32 $0x1  }
0xc1: {  	_ =	sfence.sel $0xFFFF  }
0xc2: {  	[dreg:$0x0] =	wrdreg $0xFFFFFFFF;
	(pc) =	sbr.abs _section_cstart, $3  }
0xc3: {  	[dreg:$0x1] =	wrdreg $0xFFFFFFFF  }
0xc4: {  	_ =	task.clear_ibuf [dreg:s8], $0x2FFFF;
	_ =	strace $0x9FFFFFFF  }
0xc5: {  	(tm) =	ssettm $0x7FFFFFFF  }
tec
execute0_lowered:
.L_overlay_start_1:
0x0: {  	(tag) =	ssettag $0x1  }
0x1: {  	s1 =	rddreg [dreg:$0x0]  }
0x2: {  	s0 =	rddreg [dreg:$0x1]  }
0x3: {  	s4 =	rddreg [dreg:$0x2]  }
0x4: {  	s2 =	rddreg [dreg:$0x3];
	s3 =	simm.s32 $0x0  }
0x5: {  	s5 =	srdreg.scid;
	s25 =	simm.s32 $0x880;
	s16 =	simm.s32 $0x180  }
0x6: {  	s17 =	simm.s32 $0x900;
	s18 =	simm.s32 $0x980;
	s19 =	simm.s32 $0x200  }
0x7: {  	s21 =	simm.s32 $0xA00;
	[smem:$0x7FF] =	sst s3;
	s6 =	sadd.s32 $0x16E00, s0  }
0x8: {  	s23 =	sadd.s32 $0x16800, s0;
	_ =	strace $0x80000047;
	[dreg:$0x1e] =	wrdreg s6  }
0x9: {  	s22 =	simm.s32 $0xA80;
	s28 =	simm.s32 $0x1;
	[dreg:$0x1f] =	wrdreg s23  }
0xa: {  	s29 =	simm.s32 $0xF00;
	s30 =	simm.s32 $0xF80;
	[dreg:$0x5] =	wrdreg s25  }
0xb: {  	s31 =	simm.s32 $0x0;
	s13 =	sand.u32 $0x1, s5;
	[dreg:$0x7] =	wrdreg s16  }
0xc: {  	s5 =	stileid.u32;
	s14 =	sadd.s32 $0x2800, s0;
	[dreg:$0x8] =	wrdreg s17  }
0xd: {  	s15 =	sadd.s32 $0xC800, s0;
	s7 =	smul.u32 $0x140000, s13;
	[dreg:$0x9] =	wrdreg s18  }
0xe: {  	s8 =	smul.u32 $0x14000, s5;
	s9 =	sshll.u32 s13, $0x4;
	[dreg:$0xa] =	wrdreg s19  }
0xf: {  	s24 =	ssub.s32 $0x2, s13;
	s6 =	simm.s32 $0x100;
	[dreg:$0xc] =	wrdreg s21  }
0x10: {  	s20 =	sshll.u32 s5, $0x6;
	s17 =	simm.s32 $0x280;
	[dreg:$0xd] =	wrdreg s22  }
0x11: {  	s23 =	simm.s32 $0x300;
	s25 =	smul.u32 $0x5000, s13;
	[dreg:$0x6] =	wrdreg s6  }
0x12: {  	s18 =	simm.s32 $0x580;
	s19 =	simm.s32 $0xD00;
	[dreg:$0xb] =	wrdreg s17  }
0x13: {  	s21 =	simm.s32 $0x600;
	s22 =	simm.s32 $0x680;
	[dreg:$0xe] =	wrdreg s23  }
0x14: {  	s9 =	sor.u32 s5, s9;
	s10 =	sshrl.u32 s24, $0x1;
	[dreg:$0x15] =	wrdreg s18  }
0x15: {  	s6 =	simm.s32 $0xB80;
	[dreg:$0x16] =	wrdreg s19;
	s17 =	simm.s32 $0x5  }
0x16: {  	s18 =	simm.s32 $0x1D000;
	[dreg:$0x18] =	wrdreg s21;
	s19 =	simm.s32 $0x400  }
0x17: {  	[dreg:$0x19] =	wrdreg s22;
	s23 =	simm.s32 $0xE00;
	s21 =	simm.s32 $0x2  }
0x18: {  	s22 =	simm.s32 $0x80;
	s7 =	sadd.s32 s8, s7;
	s11 =	smul.u32 $0x500, s9  }
0x19: {  	s12 =	ssub.s32 s24, s10;
	s24 =	simm.s32 $0x380;
	[dreg:$0x11] =	wrdreg s6  }
0x1a: {  	s13 =	sadd.s32 s25, s14;
	[dreg:$0x1a] =	wrdreg s23;
	s23 =	simm.s32 $0x1000  }
0x1b: {  	s7 =	sshrl.u32 s7, $0x3;
	s12 =	smax.u32 s12, $0x1;
	[dreg:$0xf] =	wrdreg s24  }
0x1c: {  	s24 =	simm.s32 $0xE80;
	s0 =	sadd.s32 s7, s0;
	s26 =	sadd.s32 s14, s11  }
0x1d: {  	s7 =	smul.u32 $0x50000, s5;
	s8 =	sadd.s32 s15, s11;
	s11 =	sadd.s32 s4, s11  }
0x1e: {  	s5 =	smul.u32 $0x500, s5;
	s14 =	simm.s32 $0xC80;
	[dreg:$0x1b] =	wrdreg s24  }
0x1f: {  	s4 =	sadd.s32 s25, s15;
	s15 =	simm.s32 $0x500;
	[smem:$0x7FD] =	sst s26  }
0x20: {  	s25 =	simm.s32 $0x700;
	s24 =	simm.s32 $0x5000;
	[dreg:$0x13] =	wrdreg s14  }
0x21: {  	s10 =	sadd.s32 $0x19600, s0;
	s26 =	simm.s32 $0xB00;
	[dreg:$0x14] =	wrdreg s15  }
0x22: {  	s15 =	simm.s32 $0x800;
	[dreg:$0x1c] =	wrdreg s25;
	s25 =	simm.s32 $0x3  }
0x23: {  	s9 =	sshrl.u32 s7, $0x2;
	[dreg:$0x10] =	wrdreg s26;
	s7 =	simm.s32 $0x480  }
0x24: {  	s13 =	sadd.s32 s5, s13;
	s14 =	sadd.s32 s5, s4;
	s26 =	simm.s32 $0x780  }
0x25: {  	s16 =	sadd.s32 s9, s2;
	s9 =	sor.u32 $0x1C05, s20;
	[dreg:$0x12] =	wrdreg s7  }
0x26: {  	s20 =	simm.s32 $0xD80;
	[dreg:$0x1d] =	wrdreg s26;
	s26 =	simm.s32 $0x4  }
0x27: {  	s16 =	sshrl.u32 s16, $0x3;
	[dreg:$0x17] =	wrdreg s20;
	s20 =	simm.s32 $0xC00  }
.LBB2_1:
0x28: {  	s0 =	sld [smem:$0x7FD];
	_ =	sdelay $0x2  }
0x29: {  	[tilespmem:s3], [sflag:$0x2] =	stream.linear.gather [hbm4b:s0+s3], $0x400, $0x38;
	[tilespmem:$0x1F800] =	vst v63  }
0x2a: {  	s6 =	rddreg [dreg:$0x1e]  }
0x2b: {  	[tilespmem:s15], [sflag:$0x2] =	stream.linear.gather [hbm4b:s8+s3], $0x400, $0x38;
	[tilespmem:$0x1F800] =	vst v63  }
0x2c: {  	[spmem:s16], [sflag:s9] =	dma.local [hbm:s6], $0x2800  }
0x2d: {  	_ =	swait.ge [sflag:s17], $0x2800  }
0x2e: {  	[sflag:s17] =	ssyncset.done $0x0  }
0x2f: {  	s7 =	rddreg [dreg:$0x1f];
	[sflag:s17] =	ssyncadd.s32 $0xFFFFD800  }
0x30: {  	[tilespmem:s18], [sflag:$0x5] =	stream.linear.gather [hbm4b:s7+s3], $0x2800, $0x38;
	[tilespmem:$0x1F800] =	vst v63  }
0x31: {  	_ =	swait.ge [sflag:s17], $0x2800  }
0x32: {  	[sflag:s17] =	ssyncset.done $0x0  }
0x33: {  	[sflag:s17] =	ssyncadd.s32 $0xFFFFD800  }
0x34: {  	s4 =	simm.s32 $0x0;
	s0 =	simm.s32 $0x0;
	[bflag:$0x0] =	sbarrier.arrive $0xFFFF  }
.LBB2_2:
0x35: {  	p0 =	seq.s32 s0, $0x0  }
0x36: {  	s5 =	simm.s32 @!p0 $0x1  }
0x37: {  	_ =	swait.ge @!p0 [sflag:s5], $0x4000  }
0x38: {  	[sflag:s5] =	ssyncset.done @!p0 $0x0  }
0x39: {  	[sflag:s5] =	ssyncadd.s32 @!p0 $0xFFFFC000  }
0x3a: {  	_ =	swait.ge @!p0 [sflag:s5], $0x4000  }
0x3b: {  	s6 =	sadd.s32 s0, s13;
	[sflag:s5] =	ssyncset.done @!p0 $0x0  }
0x3c: {  	s7 =	sadd.s32 $0x80, s6;
	s6 =	sadd.s32 s0, s14;
	[sflag:s5] =	ssyncadd.s32 @!p0 $0xFFFFC000  }
0x3d: {  	[tilespmem:s19], [sflag:$0x2] =	stream.linear.gather [hbm4b:s7+s3], $0x400, $0x38;
	[tilespmem:$0x1F800] =	vst v63  }
0x3e: {  	s5 =	sadd.s32 $0x80, s6  }
0x3f: {  	[tilespmem:s20], [sflag:$0x2] =	stream.linear.gather [hbm4b:s5+s3], $0x400, $0x38;
	[tilespmem:$0x1F800] =	vst v63  }
0x40: {  	_ =	swait.ge [sflag:s21], $0x400  }
0x41: {  	[sflag:s21] =	ssyncset.done $0x0  }
0x42: {  	[sflag:s21] =	ssyncadd.s32 $0xFFFFFC00  }
0x43: {  	_ =	swait.ge [sflag:s21], $0x400  }
0x44: {  	[sflag:s21] =	ssyncset.done $0x0  }
0x45: {  	[sflag:s21] =	ssyncadd.s32 $0xFFFFFC00  }
0x46: {  	v0 =	vld [tilespmem:$0x800];
	_ =	sdelay $0x4  }
0x47: {  	(xrf1) =	vunique.msk.u32 $0xffff, v0;
	_ =	sdelay $0xd  }
0x48: {  	_, v1, vm0 =	vpop (xrf1);
	_ =	sdelay $0x3  }
0x49: {  	v1 =	vcvt.s32.f32 v1;
	_ =	sdelay $0x1  }
0x4a: {  	[tilespmem:v0+s18+$0x0] =	vst.idx.add.f32.msk vm0, v1  }
0x4b: {  	v0 =	vld [tilespmem:$0x810];
	_ =	sdelay $0x4  }
0x4c: {  	(xrf1) =	vunique.msk.u32 $0xffff, v0;
	_ =	sdelay $0xd  }
0x4d: {  	_, v1, vm0 =	vpop (xrf1);
	_ =	sdelay $0x3  }
0x4e: {  	v1 =	vcvt.s32.f32 v1;
	_ =	sdelay $0x1  }
0x4f: {  	[tilespmem:v0+s18+$0x0] =	vst.idx.add.f32.msk vm0, v1  }
0x50: {  	v0 =	vld [tilespmem:$0x820];
	_ =	sdelay $0x4  }
0x51: {  	(xrf1) =	vunique.msk.u32 $0xffff, v0;
	_ =	sdelay $0xd  }
0x52: {  	_, v1, vm0 =	vpop (xrf1);
	_ =	sdelay $0x3  }
0x53: {  	v1 =	vcvt.s32.f32 v1;
	_ =	sdelay $0x1  }
0x54: {  	[tilespmem:v0+s18+$0x0] =	vst.idx.add.f32.msk vm0, v1  }
0x55: {  	v0 =	vld [tilespmem:$0x830];
	_ =	sdelay $0x4  }
0x56: {  	(xrf1) =	vunique.msk.u32 $0xffff, v0;
	_ =	sdelay $0xd  }
0x57: {  	_, v1, vm0 =	vpop (xrf1);
	_ =	sdelay $0x3  }
0x58: {  	v1 =	vcvt.s32.f32 v1;
	_ =	sdelay $0x1  }
0x59: {  	[tilespmem:v0+s18+$0x0] =	vst.idx.add.f32.msk vm0, v1  }
0x5a: {  	v0 =	vld [tilespmem:$0x840];
	_ =	sdelay $0x4  }
0x5b: {  	(xrf1) =	vunique.msk.u32 $0xffff, v0;
	_ =	sdelay $0xd  }
0x5c: {  	_, v1, vm0 =	vpop (xrf1);
	_ =	sdelay $0x3  }
0x5d: {  	v1 =	vcvt.s32.f32 v1;
	_ =	sdelay $0x1  }
0x5e: {  	[tilespmem:v0+s18+$0x0] =	vst.idx.add.f32.msk vm0, v1  }
0x5f: {  	v0 =	vld [tilespmem:$0x850];
	_ =	sdelay $0x4  }
0x60: {  	(xrf1) =	vunique.msk.u32 $0xffff, v0;
	_ =	sdelay $0xd  }
0x61: {  	_, v1, vm0 =	vpop (xrf1);
	_ =	sdelay $0x3  }
0x62: {  	v1 =	vcvt.s32.f32 v1;
	_ =	sdelay $0x1  }
0x63: {  	[tilespmem:v0+s18+$0x0] =	vst.idx.add.f32.msk vm0, v1  }
0x64: {  	v0 =	vld [tilespmem:$0x860];
	_ =	sdelay $0x4  }
0x65: {  	(xrf1) =	vunique.msk.u32 $0xffff, v0;
	_ =	sdelay $0xd  }
0x66: {  	_, v1, vm0 =	vpop (xrf1);
	_ =	sdelay $0x3  }
0x67: {  	v1 =	vcvt.s32.f32 v1;
	_ =	sdelay $0x1  }
0x68: {  	[tilespmem:v0+s18+$0x0] =	vst.idx.add.f32.msk vm0, v1  }
0x69: {  	v0 =	vld [tilespmem:$0x870];
	_ =	sdelay $0x4  }
0x6a: {  	(xrf1) =	vunique.msk.u32 $0xffff, v0;
	_ =	sdelay $0xd  }
0x6b: {  	_, v1, vm0 =	vpop (xrf1);
	_ =	sdelay $0x3  }
0x6c: {  	v1 =	vcvt.s32.f32 v1;
	_ =	sdelay $0x1  }
0x6d: {  	[tilespmem:v0+s18+$0x0] =	vst.idx.add.f32.msk vm0, v1  }
0x6e: {  	v0 =	vld [tilespmem:$0x880];
	_ =	sdelay $0x4  }
0x6f: {  	(xrf1) =	vunique.msk.u32 $0xffff, v0;
	_ =	sdelay $0xd  }
0x70: {  	_, v1, vm0 =	vpop (xrf1);
	_ =	sdelay $0x3  }
0x71: {  	v1 =	vcvt.s32.f32 v1;
	_ =	sdelay $0x1  }
0x72: {  	[tilespmem:v0+s18+$0x0] =	vst.idx.add.f32.msk vm0, v1  }
0x73: {  	v0 =	vld [tilespmem:$0x890];
	_ =	sdelay $0x4  }
0x74: {  	(xrf1) =	vunique.msk.u32 $0xffff, v0;
	_ =	sdelay $0xd  }
0x75: {  	_, v1, vm0 =	vpop (xrf1);
	_ =	sdelay $0x3  }
0x76: {  	v1 =	vcvt.s32.f32 v1;
	_ =	sdelay $0x1  }
0x77: {  	[tilespmem:v0+s18+$0x0] =	vst.idx.add.f32.msk vm0, v1  }
0x78: {  	v0 =	vld [tilespmem:$0x8A0];
	_ =	sdelay $0x4  }
0x79: {  	(xrf1) =	vunique.msk.u32 $0xffff, v0;
	_ =	sdelay $0xd  }
0x7a: {  	_, v1, vm0 =	vpop (xrf1);
	_ =	sdelay $0x3  }
0x7b: {  	v1 =	vcvt.s32.f32 v1;
	_ =	sdelay $0x1  }
0x7c: {  	[tilespmem:v0+s18+$0x0] =	vst.idx.add.f32.msk vm0, v1  }
0x7d: {  	v0 =	vld [tilespmem:$0x8B0];
	_ =	sdelay $0x4  }
0x7e: {  	(xrf1) =	vunique.msk.u32 $0xffff, v0;
	_ =	sdelay $0xd  }
0x7f: {  	_, v1, vm0 =	vpop (xrf1);
	_ =	sdelay $0x3  }
0x80: {  	v1 =	vcvt.s32.f32 v1;
	_ =	sdelay $0x1  }
0x81: {  	[tilespmem:v0+s18+$0x0] =	vst.idx.add.f32.msk vm0, v1  }
0x82: {  	v0 =	vld [tilespmem:$0x8C0];
	_ =	sdelay $0x4  }
0x83: {  	(xrf1) =	vunique.msk.u32 $0xffff, v0;
	_ =	sdelay $0xd  }
0x84: {  	_, v1, vm0 =	vpop (xrf1);
	_ =	sdelay $0x3  }
0x85: {  	v1 =	vcvt.s32.f32 v1;
	_ =	sdelay $0x1  }
0x86: {  	[tilespmem:v0+s18+$0x0] =	vst.idx.add.f32.msk vm0, v1  }
0x87: {  	v0 =	vld [tilespmem:$0x8D0];
	_ =	sdelay $0x4  }
0x88: {  	(xrf1) =	vunique.msk.u32 $0xffff, v0;
	_ =	sdelay $0xd  }
0x89: {  	_, v1, vm0 =	vpop (xrf1);
	_ =	sdelay $0x3  }
0x8a: {  	v1 =	vcvt.s32.f32 v1;
	_ =	sdelay $0x1  }
0x8b: {  	[tilespmem:v0+s18+$0x0] =	vst.idx.add.f32.msk vm0, v1  }
0x8c: {  	v0 =	vld [tilespmem:$0x8E0];
	_ =	sdelay $0x4  }
0x8d: {  	(xrf1) =	vunique.msk.u32 $0xffff, v0;
	_ =	sdelay $0xd  }
0x8e: {  	_, v1, vm0 =	vpop (xrf1);
	_ =	sdelay $0x3  }
0x8f: {  	v1 =	vcvt.s32.f32 v1;
	_ =	sdelay $0x1  }
0x90: {  	[tilespmem:v0+s18+$0x0] =	vst.idx.add.f32.msk vm0, v1  }
0x91: {  	v0 =	vld [tilespmem:$0x8F0];
	_ =	sdelay $0x4  }
0x92: {  	(xrf1) =	vunique.msk.u32 $0xffff, v0;
	_ =	sdelay $0xd  }
0x93: {  	_, v1, vm0 =	vpop (xrf1);
	_ =	sdelay $0x3  }
0x94: {  	v1 =	vcvt.s32.f32 v1;
	_ =	sdelay $0x1  }
0x95: {  	[tilespmem:v0+s18+$0x0] =	vst.idx.add.f32.msk vm0, v1  }
0x96: {  	v0 =	vld [tilespmem:$0x900];
	_ =	sdelay $0x4  }
0x97: {  	(xrf1) =	vunique.msk.u32 $0xffff, v0;
	_ =	sdelay $0xd  }
0x98: {  	_, v1, vm0 =	vpop (xrf1);
	_ =	sdelay $0x3  }
0x99: {  	v1 =	vcvt.s32.f32 v1;
	_ =	sdelay $0x1  }
0x9a: {  	[tilespmem:v0+s18+$0x0] =	vst.idx.add.f32.msk vm0, v1  }
0x9b: {  	v0 =	vld [tilespmem:$0x910];
	_ =	sdelay $0x4  }
0x9c: {  	(xrf1) =	vunique.msk.u32 $0xffff, v0;
	_ =	sdelay $0xd  }
0x9d: {  	_, v1, vm0 =	vpop (xrf1);
	_ =	sdelay $0x3  }
0x9e: {  	v1 =	vcvt.s32.f32 v1;
	_ =	sdelay $0x1  }
0x9f: {  	[tilespmem:v0+s18+$0x0] =	vst.idx.add.f32.msk vm0, v1  }
0xa0: {  	v0 =	vld [tilespmem:$0x920];
	_ =	sdelay $0x4  }
0xa1: {  	(xrf1) =	vunique.msk.u32 $0xffff, v0;
	_ =	sdelay $0xd  }
0xa2: {  	_, v1, vm0 =	vpop (xrf1);
	_ =	sdelay $0x3  }
0xa3: {  	v1 =	vcvt.s32.f32 v1;
	_ =	sdelay $0x1  }
0xa4: {  	[tilespmem:v0+s18+$0x0] =	vst.idx.add.f32.msk vm0, v1  }
0xa5: {  	v0 =	vld [tilespmem:$0x930];
	_ =	sdelay $0x4  }
0xa6: {  	(xrf1) =	vunique.msk.u32 $0xffff, v0;
	_ =	sdelay $0xd  }
0xa7: {  	_, v1, vm0 =	vpop (xrf1);
	_ =	sdelay $0x3  }
0xa8: {  	v1 =	vcvt.s32.f32 v1;
	_ =	sdelay $0x1  }
0xa9: {  	[tilespmem:v0+s18+$0x0] =	vst.idx.add.f32.msk vm0, v1  }
0xaa: {  	v0 =	vld [tilespmem:$0x940];
	_ =	sdelay $0x4  }
0xab: {  	(xrf1) =	vunique.msk.u32 $0xffff, v0;
	_ =	sdelay $0xd  }
0xac: {  	_, v1, vm0 =	vpop (xrf1);
	_ =	sdelay $0x3  }
0xad: {  	v1 =	vcvt.s32.f32 v1;
	_ =	sdelay $0x1  }
0xae: {  	[tilespmem:v0+s18+$0x0] =	vst.idx.add.f32.msk vm0, v1  }
0xaf: {  	v0 =	vld [tilespmem:$0x950];
	_ =	sdelay $0x4  }
0xb0: {  	(xrf1) =	vunique.msk.u32 $0xffff, v0;
	_ =	sdelay $0xd  }
0xb1: {  	_, v1, vm0 =	vpop (xrf1);
	_ =	sdelay $0x3  }
0xb2: {  	v1 =	vcvt.s32.f32 v1;
	_ =	sdelay $0x1  }
0xb3: {  	[tilespmem:v0+s18+$0x0] =	vst.idx.add.f32.msk vm0, v1  }
0xb4: {  	v0 =	vld [tilespmem:$0x960];
	_ =	sdelay $0x4  }
0xb5: {  	(xrf1) =	vunique.msk.u32 $0xffff, v0;
	_ =	sdelay $0xd  }
0xb6: {  	_, v1, vm0 =	vpop (xrf1);
	_ =	sdelay $0x3  }
0xb7: {  	v1 =	vcvt.s32.f32 v1;
	_ =	sdelay $0x1  }
0xb8: {  	[tilespmem:v0+s18+$0x0] =	vst.idx.add.f32.msk vm0, v1  }
0xb9: {  	v0 =	vld [tilespmem:$0x970];
	_ =	sdelay $0x4  }
0xba: {  	(xrf1) =	vunique.msk.u32 $0xffff, v0;
	_ =	sdelay $0xd  }
0xbb: {  	_, v1, vm0 =	vpop (xrf1);
	_ =	sdelay $0x3  }
0xbc: {  	v1 =	vcvt.s32.f32 v1;
	_ =	sdelay $0x1  }
0xbd: {  	[tilespmem:v0+s18+$0x0] =	vst.idx.add.f32.msk vm0, v1  }
0xbe: {  	v0 =	vld [tilespmem:$0x980];
	_ =	sdelay $0x4  }
0xbf: {  	(xrf1) =	vunique.msk.u32 $0xffff, v0;
	_ =	sdelay $0xd  }
0xc0: {  	_, v1, vm0 =	vpop (xrf1);
	_ =	sdelay $0x3  }
0xc1: {  	v1 =	vcvt.s32.f32 v1;
	_ =	sdelay $0x1  }
0xc2: {  	[tilespmem:v0+s18+$0x0] =	vst.idx.add.f32.msk vm0, v1  }
0xc3: {  	v0 =	vld [tilespmem:$0x990];
	_ =	sdelay $0x4  }
0xc4: {  	(xrf1) =	vunique.msk.u32 $0xffff, v0;
	_ =	sdelay $0xd  }
0xc5: {  	_, v1, vm0 =	vpop (xrf1);
	_ =	sdelay $0x3  }
0xc6: {  	v1 =	vcvt.s32.f32 v1;
	_ =	sdelay $0x1  }
0xc7: {  	[tilespmem:v0+s18+$0x0] =	vst.idx.add.f32.msk vm0, v1  }
0xc8: {  	v0 =	vld [tilespmem:$0x9A0];
	_ =	sdelay $0x4  }
0xc9: {  	(xrf1) =	vunique.msk.u32 $0xffff, v0;
	_ =	sdelay $0xd  }
0xca: {  	_, v1, vm0 =	vpop (xrf1);
	_ =	sdelay $0x3  }
0xcb: {  	v1 =	vcvt.s32.f32 v1;
	_ =	sdelay $0x1  }
0xcc: {  	[tilespmem:v0+s18+$0x0] =	vst.idx.add.f32.msk vm0, v1  }
0xcd: {  	v0 =	vld [tilespmem:$0x9B0];
	_ =	sdelay $0x4  }
0xce: {  	(xrf1) =	vunique.msk.u32 $0xffff, v0;
	_ =	sdelay $0xd  }
0xcf: {  	_, v1, vm0 =	vpop (xrf1);
	_ =	sdelay $0x3  }
0xd0: {  	v1 =	vcvt.s32.f32 v1;
	_ =	sdelay $0x1  }
0xd1: {  	[tilespmem:v0+s18+$0x0] =	vst.idx.add.f32.msk vm0, v1  }
0xd2: {  	v0 =	vld [tilespmem:$0x9C0];
	_ =	sdelay $0x4  }
0xd3: {  	(xrf1) =	vunique.msk.u32 $0xffff, v0;
	_ =	sdelay $0xd  }
0xd4: {  	_, v1, vm0 =	vpop (xrf1);
	_ =	sdelay $0x3  }
0xd5: {  	v1 =	vcvt.s32.f32 v1;
	_ =	sdelay $0x1  }
0xd6: {  	[tilespmem:v0+s18+$0x0] =	vst.idx.add.f32.msk vm0, v1  }
0xd7: {  	v0 =	vld [tilespmem:$0x9D0];
	_ =	sdelay $0x4  }
0xd8: {  	(xrf1) =	vunique.msk.u32 $0xffff, v0;
	_ =	sdelay $0xd  }
0xd9: {  	_, v1, vm0 =	vpop (xrf1);
	_ =	sdelay $0x3  }
0xda: {  	v1 =	vcvt.s32.f32 v1;
	_ =	sdelay $0x1  }
0xdb: {  	[tilespmem:v0+s18+$0x0] =	vst.idx.add.f32.msk vm0, v1  }
0xdc: {  	v0 =	vld [tilespmem:$0x9E0];
	_ =	sdelay $0x4  }
0xdd: {  	(xrf1) =	vunique.msk.u32 $0xffff, v0;
	_ =	sdelay $0xd  }
0xde: {  	_, v1, vm0 =	vpop (xrf1);
	_ =	sdelay $0x3  }
0xdf: {  	v1 =	vcvt.s32.f32 v1;
	_ =	sdelay $0x1  }
0xe0: {  	[tilespmem:v0+s18+$0x0] =	vst.idx.add.f32.msk vm0, v1  }
0xe1: {  	v0 =	vld [tilespmem:$0x9F0];
	_ =	sdelay $0x4  }
0xe2: {  	(xrf1) =	vunique.msk.u32 $0xffff, v0;
	_ =	sdelay $0xd  }
0xe3: {  	_, v1, vm0 =	vpop (xrf1);
	_ =	sdelay $0x3  }
0xe4: {  	v1 =	vcvt.s32.f32 v1;
	_ =	sdelay $0x1  }
0xe5: {  	[tilespmem:v0+s18+$0x0] =	vst.idx.add.f32.msk vm0, v1  }
0xe6: {  	v0 =	vld [tilespmem:$0xA00];
	_ =	sdelay $0x4  }
0xe7: {  	(xrf1) =	vunique.msk.u32 $0xffff, v0;
	_ =	sdelay $0xd  }
0xe8: {  	_, v1, vm0 =	vpop (xrf1);
	_ =	sdelay $0x3  }
0xe9: {  	v1 =	vcvt.s32.f32 v1;
	_ =	sdelay $0x1  }
0xea: {  	[tilespmem:v0+s18+$0x0] =	vst.idx.add.f32.msk vm0, v1  }
0xeb: {  	v0 =	vld [tilespmem:$0xA10];
	_ =	sdelay $0x4  }
0xec: {  	(xrf1) =	vunique.msk.u32 $0xffff, v0;
	_ =	sdelay $0xd  }
0xed: {  	_, v1, vm0 =	vpop (xrf1);
	_ =	sdelay $0x3  }
0xee: {  	v1 =	vcvt.s32.f32 v1;
	_ =	sdelay $0x1  }
0xef: {  	[tilespmem:v0+s18+$0x0] =	vst.idx.add.f32.msk vm0, v1  }
0xf0: {  	v0 =	vld [tilespmem:$0xA20];
	_ =	sdelay $0x4  }
0xf1: {  	(xrf1) =	vunique.msk.u32 $0xffff, v0;
	_ =	sdelay $0xd  }
0xf2: {  	_, v1, vm0 =	vpop (xrf1);
	_ =	sdelay $0x3  }
0xf3: {  	v1 =	vcvt.s32.f32 v1;
	_ =	sdelay $0x1  }
0xf4: {  	[tilespmem:v0+s18+$0x0] =	vst.idx.add.f32.msk vm0, v1  }
0xf5: {  	v0 =	vld [tilespmem:$0xA30];
	_ =	sdelay $0x4  }
0xf6: {  	(xrf1) =	vunique.msk.u32 $0xffff, v0;
	_ =	sdelay $0xd  }
0xf7: {  	_, v1, vm0 =	vpop (xrf1);
	_ =	sdelay $0x3  }
0xf8: {  	v1 =	vcvt.s32.f32 v1;
	_ =	sdelay $0x1  }
0xf9: {  	[tilespmem:v0+s18+$0x0] =	vst.idx.add.f32.msk vm0, v1  }
0xfa: {  	v0 =	vld [tilespmem:$0xA40];
	_ =	sdelay $0x4  }
0xfb: {  	(xrf1) =	vunique.msk.u32 $0xffff, v0;
	_ =	sdelay $0xd  }
0xfc: {  	_, v1, vm0 =	vpop (xrf1);
	_ =	sdelay $0x3  }
0xfd: {  	v1 =	vcvt.s32.f32 v1;
	_ =	sdelay $0x1  }
0xfe: {  	[tilespmem:v0+s18+$0x0] =	vst.idx.add.f32.msk vm0, v1  }
0xff: {  	v0 =	vld [tilespmem:$0xA50];
	_ =	sdelay $0x4  }
0x100: {  	(xrf1) =	vunique.msk.u32 $0xffff, v0;
	_ =	sdelay $0xd  }
0x101: {  	_, v1, vm0 =	vpop (xrf1);
	_ =	sdelay $0x3  }
0x102: {  	v1 =	vcvt.s32.f32 v1;
	_ =	sdelay $0x1  }
0x103: {  	[tilespmem:v0+s18+$0x0] =	vst.idx.add.f32.msk vm0, v1  }
0x104: {  	v0 =	vld [tilespmem:$0xA60];
	_ =	sdelay $0x4  }
0x105: {  	(xrf1) =	vunique.msk.u32 $0xffff, v0;
	_ =	sdelay $0xd  }
0x106: {  	_, v1, vm0 =	vpop (xrf1);
	_ =	sdelay $0x3  }
0x107: {  	v1 =	vcvt.s32.f32 v1;
	_ =	sdelay $0x1  }
0x108: {  	[tilespmem:v0+s18+$0x0] =	vst.idx.add.f32.msk vm0, v1  }
0x109: {  	v0 =	vld [tilespmem:$0xA70];
	_ =	sdelay $0x4  }
0x10a: {  	(xrf1) =	vunique.msk.u32 $0xffff, v0;
	_ =	sdelay $0xd  }
0x10b: {  	_, v1, vm0 =	vpop (xrf1);
	_ =	sdelay $0x3  }
0x10c: {  	v1 =	vcvt.s32.f32 v1;
	_ =	sdelay $0x1  }
0x10d: {  	[tilespmem:v0+s18+$0x0] =	vst.idx.add.f32.msk vm0, v1  }
0x10e: {  	v0 =	vld [tilespmem:$0xA80];
	_ =	sdelay $0x4  }
0x10f: {  	(xrf1) =	vunique.msk.u32 $0xffff, v0;
	_ =	sdelay $0xd  }
0x110: {  	_, v1, vm0 =	vpop (xrf1);
	_ =	sdelay $0x3  }
0x111: {  	v1 =	vcvt.s32.f32 v1;
	_ =	sdelay $0x1  }
0x112: {  	[tilespmem:v0+s18+$0x0] =	vst.idx.add.f32.msk vm0, v1  }
0x113: {  	v0 =	vld [tilespmem:$0xA90];
	_ =	sdelay $0x4  }
0x114: {  	(xrf1) =	vunique.msk.u32 $0xffff, v0;
	_ =	sdelay $0xd  }
0x115: {  	_, v1, vm0 =	vpop (xrf1);
	_ =	sdelay $0x3  }
0x116: {  	v1 =	vcvt.s32.f32 v1;
	_ =	sdelay $0x1  }
0x117: {  	[tilespmem:v0+s18+$0x0] =	vst.idx.add.f32.msk vm0, v1  }
0x118: {  	v0 =	vld [tilespmem:$0xAA0];
	_ =	sdelay $0x4  }
0x119: {  	(xrf1) =	vunique.msk.u32 $0xffff, v0;
	_ =	sdelay $0xd  }
0x11a: {  	_, v1, vm0 =	vpop (xrf1);
	_ =	sdelay $0x3  }
0x11b: {  	v1 =	vcvt.s32.f32 v1;
	_ =	sdelay $0x1  }
0x11c: {  	[tilespmem:v0+s18+$0x0] =	vst.idx.add.f32.msk vm0, v1  }
0x11d: {  	v0 =	vld [tilespmem:$0xAB0];
	_ =	sdelay $0x4  }
0x11e: {  	(xrf1) =	vunique.msk.u32 $0xffff, v0;
	_ =	sdelay $0xd  }
0x11f: {  	_, v1, vm0 =	vpop (xrf1);
	_ =	sdelay $0x3  }
0x120: {  	v1 =	vcvt.s32.f32 v1;
	_ =	sdelay $0x1  }
0x121: {  	[tilespmem:v0+s18+$0x0] =	vst.idx.add.f32.msk vm0, v1  }
0x122: {  	v0 =	vld [tilespmem:$0xAC0];
	_ =	sdelay $0x4  }
0x123: {  	(xrf1) =	vunique.msk.u32 $0xffff, v0;
	_ =	sdelay $0xd  }
0x124: {  	_, v1, vm0 =	vpop (xrf1);
	_ =	sdelay $0x3  }
0x125: {  	v1 =	vcvt.s32.f32 v1;
	_ =	sdelay $0x1  }
0x126: {  	[tilespmem:v0+s18+$0x0] =	vst.idx.add.f32.msk vm0, v1  }
0x127: {  	v0 =	vld [tilespmem:$0xAD0];
	_ =	sdelay $0x4  }
0x128: {  	(xrf1) =	vunique.msk.u32 $0xffff, v0;
	_ =	sdelay $0xd  }
0x129: {  	_, v1, vm0 =	vpop (xrf1);
	_ =	sdelay $0x3  }
0x12a: {  	v1 =	vcvt.s32.f32 v1;
	_ =	sdelay $0x1  }
0x12b: {  	[tilespmem:v0+s18+$0x0] =	vst.idx.add.f32.msk vm0, v1  }
0x12c: {  	v0 =	vld [tilespmem:$0xAE0];
	_ =	sdelay $0x4  }
0x12d: {  	(xrf1) =	vunique.msk.u32 $0xffff, v0;
	_ =	sdelay $0xd  }
0x12e: {  	_, v1, vm0 =	vpop (xrf1);
	_ =	sdelay $0x3  }
0x12f: {  	v1 =	vcvt.s32.f32 v1;
	_ =	sdelay $0x1  }
0x130: {  	[tilespmem:v0+s18+$0x0] =	vst.idx.add.f32.msk vm0, v1  }
0x131: {  	v0 =	vld [tilespmem:$0xAF0];
	_ =	sdelay $0x4  }
0x132: {  	(xrf1) =	vunique.msk.u32 $0xffff, v0;
	_ =	sdelay $0xd  }
0x133: {  	_, v1, vm0 =	vpop (xrf1);
	_ =	sdelay $0x3  }
0x134: {  	v1 =	vcvt.s32.f32 v1;
	_ =	sdelay $0x1  }
0x135: {  	[tilespmem:v0+s18+$0x0] =	vst.idx.add.f32.msk vm0, v1  }
0x136: {  	v0 =	vld [tilespmem:$0xB00];
	_ =	sdelay $0x4  }
0x137: {  	(xrf1) =	vunique.msk.u32 $0xffff, v0;
	_ =	sdelay $0xd  }
0x138: {  	_, v1, vm0 =	vpop (xrf1);
	_ =	sdelay $0x3  }
0x139: {  	v1 =	vcvt.s32.f32 v1;
	_ =	sdelay $0x1  }
0x13a: {  	[tilespmem:v0+s18+$0x0] =	vst.idx.add.f32.msk vm0, v1  }
0x13b: {  	v0 =	vld [tilespmem:$0xB10];
	_ =	sdelay $0x4  }
0x13c: {  	(xrf1) =	vunique.msk.u32 $0xffff, v0;
	_ =	sdelay $0xd  }
0x13d: {  	_, v1, vm0 =	vpop (xrf1);
	_ =	sdelay $0x3  }
0x13e: {  	v1 =	vcvt.s32.f32 v1;
	_ =	sdelay $0x1  }
0x13f: {  	[tilespmem:v0+s18+$0x0] =	vst.idx.add.f32.msk vm0, v1  }
0x140: {  	v0 =	vld [tilespmem:$0xB20];
	_ =	sdelay $0x4  }
0x141: {  	(xrf1) =	vunique.msk.u32 $0xffff, v0;
	_ =	sdelay $0xd  }
0x142: {  	_, v1, vm0 =	vpop (xrf1);
	_ =	sdelay $0x3  }
0x143: {  	v1 =	vcvt.s32.f32 v1;
	_ =	sdelay $0x1  }
0x144: {  	[tilespmem:v0+s18+$0x0] =	vst.idx.add.f32.msk vm0, v1  }
0x145: {  	v0 =	vld [tilespmem:$0xB30];
	_ =	sdelay $0x4  }
0x146: {  	(xrf1) =	vunique.msk.u32 $0xffff, v0;
	_ =	sdelay $0xd  }
0x147: {  	_, v1, vm0 =	vpop (xrf1);
	_ =	sdelay $0x3  }
0x148: {  	v1 =	vcvt.s32.f32 v1;
	_ =	sdelay $0x1  }
0x149: {  	[tilespmem:v0+s18+$0x0] =	vst.idx.add.f32.msk vm0, v1  }
0x14a: {  	v0 =	vld [tilespmem:$0xB40];
	_ =	sdelay $0x4  }
0x14b: {  	(xrf1) =	vunique.msk.u32 $0xffff, v0;
	_ =	sdelay $0xd  }
0x14c: {  	_, v1, vm0 =	vpop (xrf1);
	_ =	sdelay $0x3  }
0x14d: {  	v1 =	vcvt.s32.f32 v1;
	_ =	sdelay $0x1  }
0x14e: {  	[tilespmem:v0+s18+$0x0] =	vst.idx.add.f32.msk vm0, v1  }
0x14f: {  	v0 =	vld [tilespmem:$0xB50];
	_ =	sdelay $0x4  }
0x150: {  	(xrf1) =	vunique.msk.u32 $0xffff, v0;
	_ =	sdelay $0xd  }
0x151: {  	_, v1, vm0 =	vpop (xrf1);
	_ =	sdelay $0x3  }
0x152: {  	v1 =	vcvt.s32.f32 v1;
	_ =	sdelay $0x1  }
0x153: {  	[tilespmem:v0+s18+$0x0] =	vst.idx.add.f32.msk vm0, v1  }
0x154: {  	v0 =	vld [tilespmem:$0xB60];
	_ =	sdelay $0x4  }
0x155: {  	(xrf1) =	vunique.msk.u32 $0xffff, v0;
	_ =	sdelay $0xd  }
0x156: {  	_, v1, vm0 =	vpop (xrf1);
	_ =	sdelay $0x3  }
0x157: {  	v1 =	vcvt.s32.f32 v1;
	_ =	sdelay $0x1  }
0x158: {  	[tilespmem:v0+s18+$0x0] =	vst.idx.add.f32.msk vm0, v1  }
0x159: {  	v0 =	vld [tilespmem:$0xB70];
	_ =	sdelay $0x4  }
0x15a: {  	(xrf1) =	vunique.msk.u32 $0xffff, v0;
	_ =	sdelay $0xd  }
0x15b: {  	_, v1, vm0 =	vpop (xrf1);
	_ =	sdelay $0x3  }
0x15c: {  	v1 =	vcvt.s32.f32 v1;
	_ =	sdelay $0x1  }
0x15d: {  	[tilespmem:v0+s18+$0x0] =	vst.idx.add.f32.msk vm0, v1  }
0x15e: {  	v0 =	vld [tilespmem:$0xB80];
	_ =	sdelay $0x4  }
0x15f: {  	(xrf1) =	vunique.msk.u32 $0xffff, v0;
	_ =	sdelay $0xd  }
0x160: {  	_, v1, vm0 =	vpop (xrf1);
	_ =	sdelay $0x3  }
0x161: {  	v1 =	vcvt.s32.f32 v1;
	_ =	sdelay $0x1  }
0x162: {  	[tilespmem:v0+s18+$0x0] =	vst.idx.add.f32.msk vm0, v1  }
0x163: {  	v0 =	vld [tilespmem:$0xB90];
	_ =	sdelay $0x4  }
0x164: {  	(xrf1) =	vunique.msk.u32 $0xffff, v0;
	_ =	sdelay $0xd  }
0x165: {  	_, v1, vm0 =	vpop (xrf1);
	_ =	sdelay $0x3  }
0x166: {  	v1 =	vcvt.s32.f32 v1;
	_ =	sdelay $0x1  }
0x167: {  	[tilespmem:v0+s18+$0x0] =	vst.idx.add.f32.msk vm0, v1  }
0x168: {  	v0 =	vld [tilespmem:$0xBA0];
	_ =	sdelay $0x4  }
0x169: {  	(xrf1) =	vunique.msk.u32 $0xffff, v0;
	_ =	sdelay $0xd  }
0x16a: {  	_, v1, vm0 =	vpop (xrf1);
	_ =	sdelay $0x3  }
0x16b: {  	v1 =	vcvt.s32.f32 v1;
	_ =	sdelay $0x1  }
0x16c: {  	[tilespmem:v0+s18+$0x0] =	vst.idx.add.f32.msk vm0, v1  }
0x16d: {  	v0 =	vld [tilespmem:$0xBB0];
	_ =	sdelay $0x4  }
0x16e: {  	(xrf1) =	vunique.msk.u32 $0xffff, v0;
	_ =	sdelay $0xd  }
0x16f: {  	_, v1, vm0 =	vpop (xrf1);
	_ =	sdelay $0x3  }
0x170: {  	v1 =	vcvt.s32.f32 v1;
	_ =	sdelay $0x1  }
0x171: {  	[tilespmem:v0+s18+$0x0] =	vst.idx.add.f32.msk vm0, v1  }
0x172: {  	v0 =	vld [tilespmem:$0xBC0];
	_ =	sdelay $0x4  }
0x173: {  	(xrf1) =	vunique.msk.u32 $0xffff, v0;
	_ =	sdelay $0xd  }
0x174: {  	_, v1, vm0 =	vpop (xrf1);
	_ =	sdelay $0x3  }
0x175: {  	v1 =	vcvt.s32.f32 v1;
	_ =	sdelay $0x1  }
0x176: {  	[tilespmem:v0+s18+$0x0] =	vst.idx.add.f32.msk vm0, v1  }
0x177: {  	v0 =	vld [tilespmem:$0xBD0];
	_ =	sdelay $0x4  }
0x178: {  	(xrf1) =	vunique.msk.u32 $0xffff, v0;
	_ =	sdelay $0xd  }
0x179: {  	_, v1, vm0 =	vpop (xrf1);
	_ =	sdelay $0x3  }
0x17a: {  	v1 =	vcvt.s32.f32 v1;
	_ =	sdelay $0x1  }
0x17b: {  	[tilespmem:v0+s18+$0x0] =	vst.idx.add.f32.msk vm0, v1  }
0x17c: {  	v0 =	vld [tilespmem:$0xBE0];
	_ =	sdelay $0x4  }
0x17d: {  	(xrf1) =	vunique.msk.u32 $0xffff, v0;
	_ =	sdelay $0xd  }
0x17e: {  	_, v1, vm0 =	vpop (xrf1);
	_ =	sdelay $0x3  }
0x17f: {  	v1 =	vcvt.s32.f32 v1;
	_ =	sdelay $0x1  }
0x180: {  	[tilespmem:v0+s18+$0x0] =	vst.idx.add.f32.msk vm0, v1  }
0x181: {  	v0 =	vld [tilespmem:$0xBF0];
	_ =	sdelay $0x4  }
0x182: {  	(xrf1) =	vunique.msk.u32 $0xffff, v0;
	_ =	sdelay $0xd  }
0x183: {  	_, v1, vm0 =	vpop (xrf1);
	_ =	sdelay $0x3  }
0x184: {  	v1 =	vcvt.s32.f32 v1;
	_ =	sdelay $0x1  }
0x185: {  	[tilespmem:v0+s18+$0x0] =	vst.idx.add.f32.msk vm0, v1  }
0x186: {  	[tilespmem:s23], [sflag:$0x3] =	stream.indirect.gather [hbm4b:s1+s22], $0x80, s3, s22, $0xb8;
	[tilespmem:$0x1F800] =	vst v63  }
0x187: {  	_ = 	snop  }
0x188: {  	[tilespmem:s24], [sflag:$0x4] =	stream.indirect.gather [hbm4b:s1+s22], $0x80, s22, s22, $0xb8;
	[tilespmem:$0x1F800] =	vst v63  }
0x189: {  	_ =	swait.ge [sflag:s25], $0x4000  }
0x18a: {  	[sflag:s25] =	ssyncset.done $0x0  }
0x18b: {  	[sflag:s25] =	ssyncadd.s32 $0xFFFFC000  }
0x18c: {  	[spmem:s2] =	stream.indirect.scatter.add.f32 [tilespmem:s23], [sflag:$0x1], $0x80, s15, s22, $0xb8;
	[tilespmem:$0x1F800] =	vst v63  }
0x18d: {  	_ =	swait.ge [sflag:s26], $0x4000  }
0x18e: {  	[sflag:s26] =	ssyncset.done $0x0  }
0x18f: {  	s7 =	rddreg [dreg:$0x5];
	[sflag:s26] =	ssyncadd.s32 $0xFFFFC000  }
0x190: {  	[spmem:s2] =	stream.indirect.scatter.add.f32 [tilespmem:s24], [sflag:$0x1], $0x80, s7, s22, $0xb8;
	[tilespmem:$0x1F800] =	vst v63  }
0x191: {  	_ =	swait.ge [sflag:s28], $0x4000  }
0x192: {  	[sflag:s28] =	ssyncset.done $0x0  }
0x193: {  	s6 =	rddreg [dreg:$0x6];
	[sflag:s28] =	ssyncadd.s32 $0xFFFFC000  }
0x194: {  	[tilespmem:s23], [sflag:$0x3] =	stream.indirect.gather [hbm4b:s1+s22], $0x80, s6, s22, $0xb8;
	[tilespmem:$0x1F800] =	vst v63  }
0x195: {  	_ =	swait.ge [sflag:s28], $0x4000  }
0x196: {  	[sflag:s28] =	ssyncset.done $0x0  }
0x197: {  	s7 =	rddreg [dreg:$0x7];
	[sflag:s28] =	ssyncadd.s32 $0xFFFFC000  }
0x198: {  	[tilespmem:s24], [sflag:$0x4] =	stream.indirect.gather [hbm4b:s1+s22], $0x80, s7, s22, $0xb8;
	[tilespmem:$0x1F800] =	vst v63  }
0x199: {  	_ =	swait.ge [sflag:s25], $0x4000  }
0x19a: {  	[sflag:s25] =	ssyncset.done $0x0  }
0x19b: {  	s6 =	rddreg [dreg:$0x8];
	[sflag:s25] =	ssyncadd.s32 $0xFFFFC000  }
0x19c: {  	[spmem:s2] =	stream.indirect.scatter.add.f32 [tilespmem:s23], [sflag:$0x1], $0x80, s6, s22, $0xb8;
	[tilespmem:$0x1F800] =	vst v63  }
0x19d: {  	_ =	swait.ge [sflag:s26], $0x4000  }
0x19e: {  	[sflag:s26] =	ssyncset.done $0x0  }
0x19f: {  	s7 =	rddreg [dreg:$0x9];
	[sflag:s26] =	ssyncadd.s32 $0xFFFFC000  }
0x1a0: {  	[spmem:s2] =	stream.indirect.scatter.add.f32 [tilespmem:s24], [sflag:$0x1], $0x80, s7, s22, $0xb8;
	[tilespmem:$0x1F800] =	vst v63  }
0x1a1: {  	_ =	swait.ge [sflag:s28], $0x4000  }
0x1a2: {  	[sflag:s28] =	ssyncset.done $0x0  }
0x1a3: {  	s6 =	rddreg [dreg:$0xa];
	[sflag:s28] =	ssyncadd.s32 $0xFFFFC000  }
0x1a4: {  	[tilespmem:s23], [sflag:$0x3] =	stream.indirect.gather [hbm4b:s1+s22], $0x80, s6, s22, $0xb8;
	[tilespmem:$0x1F800] =	vst v63  }
0x1a5: {  	_ =	swait.ge [sflag:s28], $0x4000  }
0x1a6: {  	[sflag:s28] =	ssyncset.done $0x0  }
0x1a7: {  	s7 =	rddreg [dreg:$0xb];
	[sflag:s28] =	ssyncadd.s32 $0xFFFFC000  }
0x1a8: {  	[tilespmem:s24], [sflag:$0x4] =	stream.indirect.gather [hbm4b:s1+s22], $0x80, s7, s22, $0xb8;
	[tilespmem:$0x1F800] =	vst v63  }
0x1a9: {  	_ =	swait.ge [sflag:s25], $0x4000  }
0x1aa: {  	[sflag:s25] =	ssyncset.done $0x0  }
0x1ab: {  	s6 =	rddreg [dreg:$0xc];
	[sflag:s25] =	ssyncadd.s32 $0xFFFFC000  }
0x1ac: {  	[spmem:s2] =	stream.indirect.scatter.add.f32 [tilespmem:s23], [sflag:$0x1], $0x80, s6, s22, $0xb8;
	[tilespmem:$0x1F800] =	vst v63  }
0x1ad: {  	_ =	swait.ge [sflag:s26], $0x4000  }
0x1ae: {  	[sflag:s26] =	ssyncset.done $0x0  }
0x1af: {  	s7 =	rddreg [dreg:$0xd];
	[sflag:s26] =	ssyncadd.s32 $0xFFFFC000  }
0x1b0: {  	[spmem:s2] =	stream.indirect.scatter.add.f32 [tilespmem:s24], [sflag:$0x1], $0x80, s7, s22, $0xb8;
	[tilespmem:$0x1F800] =	vst v63  }
0x1b1: {  	_ =	swait.ge [sflag:s28], $0x4000  }
0x1b2: {  	[sflag:s28] =	ssyncset.done $0x0  }
0x1b3: {  	s6 =	rddreg [dreg:$0xe];
	[sflag:s28] =	ssyncadd.s32 $0xFFFFC000  }
0x1b4: {  	[tilespmem:s23], [sflag:$0x3] =	stream.indirect.gather [hbm4b:s1+s22], $0x80, s6, s22, $0xb8;
	[tilespmem:$0x1F800] =	vst v63  }
0x1b5: {  	_ =	swait.ge [sflag:s28], $0x4000  }
0x1b6: {  	[sflag:s28] =	ssyncset.done $0x0  }
0x1b7: {  	s7 =	rddreg [dreg:$0xf];
	[sflag:s28] =	ssyncadd.s32 $0xFFFFC000  }
0x1b8: {  	[tilespmem:s24], [sflag:$0x4] =	stream.indirect.gather [hbm4b:s1+s22], $0x80, s7, s22, $0xb8;
	[tilespmem:$0x1F800] =	vst v63  }
0x1b9: {  	_ =	swait.ge [sflag:s25], $0x4000  }
0x1ba: {  	[sflag:s25] =	ssyncset.done $0x0  }
0x1bb: {  	s6 =	rddreg [dreg:$0x10];
	[sflag:s25] =	ssyncadd.s32 $0xFFFFC000  }
0x1bc: {  	[spmem:s2] =	stream.indirect.scatter.add.f32 [tilespmem:s23], [sflag:$0x1], $0x80, s6, s22, $0xb8;
	[tilespmem:$0x1F800] =	vst v63  }
0x1bd: {  	_ =	swait.ge [sflag:s26], $0x4000  }
0x1be: {  	[sflag:s26] =	ssyncset.done $0x0  }
0x1bf: {  	s7 =	rddreg [dreg:$0x11];
	[sflag:s26] =	ssyncadd.s32 $0xFFFFC000  }
0x1c0: {  	[spmem:s2] =	stream.indirect.scatter.add.f32 [tilespmem:s24], [sflag:$0x1], $0x80, s7, s22, $0xb8;
	[tilespmem:$0x1F800] =	vst v63  }
0x1c1: {  	_ =	swait.ge [sflag:s28], $0x4000  }
0x1c2: {  	[sflag:s28] =	ssyncset.done $0x0  }
0x1c3: {  	[sflag:s28] =	ssyncadd.s32 $0xFFFFC000  }
0x1c4: {  	p0 =	sgt.u32 s4, $0x3;
	_ =	swait.ge [sflag:s28], $0x4000  }
0x1c5: {  	s5 =	sadd.s32 @!p0 s0, s13;
	[sflag:s28] =	ssyncset.done $0x0  }
0x1c6: {  	s5 =	sadd.s32 @!p0 $0x100, s5;
	s6 =	simm.s32 @!p0 $0x0;
	[sflag:s28] =	ssyncadd.s32 $0xFFFFC000  }
0x1c7: {  	[tilespmem:s6], [sflag:$0x2] =	stream.linear.gather @!p0 [hbm4b:s5+s6], $0x400, $0x38;
	[tilespmem:$0x1F800] =	vst v63  }
0x1c8: {  	s5 =	sadd.s32 @!p0 s0, s14  }
0x1c9: {  	s7 =	simm.s32 @!p0 $0x800;
	s5 =	sadd.s32 @!p0 $0x100, s5  }
0x1ca: {  	[tilespmem:s7], [sflag:$0x2] =	stream.linear.gather @!p0 [hbm4b:s5+s6], $0x400, $0x38;
	[tilespmem:$0x1F800] =	vst v63  }
0x1cb: {  	_ =	swait.ge [sflag:s21], $0x400  }
0x1cc: {  	[sflag:s21] =	ssyncset.done $0x0  }
0x1cd: {  	[sflag:s21] =	ssyncadd.s32 $0xFFFFFC00  }
0x1ce: {  	_ =	swait.ge [sflag:s21], $0x400  }
0x1cf: {  	[sflag:s21] =	ssyncset.done $0x0  }
0x1d0: {  	[sflag:s21] =	ssyncadd.s32 $0xFFFFFC00  }
0x1d1: {  	v63 =	vld [tilespmem:$0xC00];
	_ =	sdelay $0x4  }
0x1d2: {  	(xrf1) =	vunique.msk.u32 $0xffff, v63;
	_ =	sdelay $0xd  }
0x1d3: {  	_, v1, vm0 =	vpop (xrf1);
	_ =	sdelay $0x3  }
0x1d4: {  	v1 =	vcvt.s32.f32 v1;
	_ =	sdelay $0x1  }
0x1d5: {  	[tilespmem:v63+s18+$0x0] =	vst.idx.add.f32.msk vm0, v1  }
0x1d6: {  	v0 =	vld [tilespmem:$0xC10];
	_ =	sdelay $0x4  }
0x1d7: {  	(xrf1) =	vunique.msk.u32 $0xffff, v0;
	_ =	sdelay $0xd  }
0x1d8: {  	_, v1, vm0 =	vpop (xrf1);
	_ =	sdelay $0x3  }
0x1d9: {  	v1 =	vcvt.s32.f32 v1;
	_ =	sdelay $0x1  }
0x1da: {  	[tilespmem:v0+s18+$0x0] =	vst.idx.add.f32.msk vm0, v1  }
0x1db: {  	v0 =	vld [tilespmem:$0xC20];
	_ =	sdelay $0x4  }
0x1dc: {  	(xrf1) =	vunique.msk.u32 $0xffff, v0;
	_ =	sdelay $0xd  }
0x1dd: {  	_, v1, vm0 =	vpop (xrf1);
	_ =	sdelay $0x3  }
0x1de: {  	v1 =	vcvt.s32.f32 v1;
	_ =	sdelay $0x1  }
0x1df: {  	[tilespmem:v0+s18+$0x0] =	vst.idx.add.f32.msk vm0, v1  }
0x1e0: {  	v0 =	vld [tilespmem:$0xC30];
	_ =	sdelay $0x4  }
0x1e1: {  	(xrf1) =	vunique.msk.u32 $0xffff, v0;
	_ =	sdelay $0xd  }
0x1e2: {  	_, v1, vm0 =	vpop (xrf1);
	_ =	sdelay $0x3  }
0x1e3: {  	v1 =	vcvt.s32.f32 v1;
	_ =	sdelay $0x1  }
0x1e4: {  	[tilespmem:v0+s18+$0x0] =	vst.idx.add.f32.msk vm0, v1  }
0x1e5: {  	v0 =	vld [tilespmem:$0xC40];
	_ =	sdelay $0x4  }
0x1e6: {  	(xrf1) =	vunique.msk.u32 $0xffff, v0;
	_ =	sdelay $0xd  }
0x1e7: {  	_, v1, vm0 =	vpop (xrf1);
	_ =	sdelay $0x3  }
0x1e8: {  	v1 =	vcvt.s32.f32 v1;
	_ =	sdelay $0x1  }
0x1e9: {  	[tilespmem:v0+s18+$0x0] =	vst.idx.add.f32.msk vm0, v1  }
0x1ea: {  	v0 =	vld [tilespmem:$0xC50];
	_ =	sdelay $0x4  }
0x1eb: {  	(xrf1) =	vunique.msk.u32 $0xffff, v0;
	_ =	sdelay $0xd  }
0x1ec: {  	_, v1, vm0 =	vpop (xrf1);
	_ =	sdelay $0x3  }
0x1ed: {  	v1 =	vcvt.s32.f32 v1;
	_ =	sdelay $0x1  }
0x1ee: {  	[tilespmem:v0+s18+$0x0] =	vst.idx.add.f32.msk vm0, v1  }
0x1ef: {  	v0 =	vld [tilespmem:$0xC60];
	_ =	sdelay $0x4  }
0x1f0: {  	(xrf1) =	vunique.msk.u32 $0xffff, v0;
	_ =	sdelay $0xd  }
0x1f1: {  	_, v1, vm0 =	vpop (xrf1);
	_ =	sdelay $0x3  }
0x1f2: {  	v1 =	vcvt.s32.f32 v1;
	_ =	sdelay $0x1  }
0x1f3: {  	[tilespmem:v0+s18+$0x0] =	vst.idx.add.f32.msk vm0, v1  }
0x1f4: {  	v0 =	vld [tilespmem:$0xC70];
	_ =	sdelay $0x4  }
0x1f5: {  	(xrf1) =	vunique.msk.u32 $0xffff, v0;
	_ =	sdelay $0xd  }
0x1f6: {  	_, v1, vm0 =	vpop (xrf1);
	_ =	sdelay $0x3  }
0x1f7: {  	v1 =	vcvt.s32.f32 v1;
	_ =	sdelay $0x1  }
0x1f8: {  	[tilespmem:v0+s18+$0x0] =	vst.idx.add.f32.msk vm0, v1  }
0x1f9: {  	v0 =	vld [tilespmem:$0xC80];
	_ =	sdelay $0x4  }
0x1fa: {  	(xrf1) =	vunique.msk.u32 $0xffff, v0;
	_ =	sdelay $0xd  }
0x1fb: {  	_, v1, vm0 =	vpop (xrf1);
	_ =	sdelay $0x3  }
0x1fc: {  	v1 =	vcvt.s32.f32 v1;
	_ =	sdelay $0x1  }
0x1fd: {  	[tilespmem:v0+s18+$0x0] =	vst.idx.add.f32.msk vm0, v1  }
0x1fe: {  	v0 =	vld [tilespmem:$0xC90];
	_ =	sdelay $0x4  }
0x1ff: {  	(xrf1) =	vunique.msk.u32 $0xffff, v0;
	_ =	sdelay $0xd  }
0x200: {  	_, v1, vm0 =	vpop (xrf1);
	_ =	sdelay $0x3  }
0x201: {  	v1 =	vcvt.s32.f32 v1;
	_ =	sdelay $0x1  }
0x202: {  	[tilespmem:v0+s18+$0x0] =	vst.idx.add.f32.msk vm0, v1  }
0x203: {  	v0 =	vld [tilespmem:$0xCA0];
	_ =	sdelay $0x4  }
0x204: {  	(xrf1) =	vunique.msk.u32 $0xffff, v0;
	_ =	sdelay $0xd  }
0x205: {  	_, v1, vm0 =	vpop (xrf1);
	_ =	sdelay $0x3  }
0x206: {  	v1 =	vcvt.s32.f32 v1;
	_ =	sdelay $0x1  }
0x207: {  	[tilespmem:v0+s18+$0x0] =	vst.idx.add.f32.msk vm0, v1  }
0x208: {  	v0 =	vld [tilespmem:$0xCB0];
	_ =	sdelay $0x4  }
0x209: {  	(xrf1) =	vunique.msk.u32 $0xffff, v0;
	_ =	sdelay $0xd  }
0x20a: {  	_, v1, vm0 =	vpop (xrf1);
	_ =	sdelay $0x3  }
0x20b: {  	v1 =	vcvt.s32.f32 v1;
	_ =	sdelay $0x1  }
0x20c: {  	[tilespmem:v0+s18+$0x0] =	vst.idx.add.f32.msk vm0, v1  }
0x20d: {  	v0 =	vld [tilespmem:$0xCC0];
	_ =	sdelay $0x4  }
0x20e: {  	(xrf1) =	vunique.msk.u32 $0xffff, v0;
	_ =	sdelay $0xd  }
0x20f: {  	_, v1, vm0 =	vpop (xrf1);
	_ =	sdelay $0x3  }
0x210: {  	v1 =	vcvt.s32.f32 v1;
	_ =	sdelay $0x1  }
0x211: {  	[tilespmem:v0+s18+$0x0] =	vst.idx.add.f32.msk vm0, v1  }
0x212: {  	v0 =	vld [tilespmem:$0xCD0];
	_ =	sdelay $0x4  }
0x213: {  	(xrf1) =	vunique.msk.u32 $0xffff, v0;
	_ =	sdelay $0xd  }
0x214: {  	_, v1, vm0 =	vpop (xrf1);
	_ =	sdelay $0x3  }
0x215: {  	v1 =	vcvt.s32.f32 v1;
	_ =	sdelay $0x1  }
0x216: {  	[tilespmem:v0+s18+$0x0] =	vst.idx.add.f32.msk vm0, v1  }
0x217: {  	v0 =	vld [tilespmem:$0xCE0];
	_ =	sdelay $0x4  }
0x218: {  	(xrf1) =	vunique.msk.u32 $0xffff, v0;
	_ =	sdelay $0xd  }
0x219: {  	_, v1, vm0 =	vpop (xrf1);
	_ =	sdelay $0x3  }
0x21a: {  	v1 =	vcvt.s32.f32 v1;
	_ =	sdelay $0x1  }
0x21b: {  	[tilespmem:v0+s18+$0x0] =	vst.idx.add.f32.msk vm0, v1  }
0x21c: {  	v0 =	vld [tilespmem:$0xCF0];
	_ =	sdelay $0x4  }
0x21d: {  	(xrf1) =	vunique.msk.u32 $0xffff, v0;
	_ =	sdelay $0xd  }
0x21e: {  	_, v1, vm0 =	vpop (xrf1);
	_ =	sdelay $0x3  }
0x21f: {  	v1 =	vcvt.s32.f32 v1;
	_ =	sdelay $0x1  }
0x220: {  	[tilespmem:v0+s18+$0x0] =	vst.idx.add.f32.msk vm0, v1  }
0x221: {  	v0 =	vld [tilespmem:$0xD00];
	_ =	sdelay $0x4  }
0x222: {  	(xrf1) =	vunique.msk.u32 $0xffff, v0;
	_ =	sdelay $0xd  }
0x223: {  	_, v1, vm0 =	vpop (xrf1);
	_ =	sdelay $0x3  }
0x224: {  	v1 =	vcvt.s32.f32 v1;
	_ =	sdelay $0x1  }
0x225: {  	[tilespmem:v0+s18+$0x0] =	vst.idx.add.f32.msk vm0, v1  }
0x226: {  	v0 =	vld [tilespmem:$0xD10];
	_ =	sdelay $0x4  }
0x227: {  	(xrf1) =	vunique.msk.u32 $0xffff, v0;
	_ =	sdelay $0xd  }
0x228: {  	_, v1, vm0 =	vpop (xrf1);
	_ =	sdelay $0x3  }
0x229: {  	v1 =	vcvt.s32.f32 v1;
	_ =	sdelay $0x1  }
0x22a: {  	[tilespmem:v0+s18+$0x0] =	vst.idx.add.f32.msk vm0, v1  }
0x22b: {  	v0 =	vld [tilespmem:$0xD20];
	_ =	sdelay $0x4  }
0x22c: {  	(xrf1) =	vunique.msk.u32 $0xffff, v0;
	_ =	sdelay $0xd  }
0x22d: {  	_, v1, vm0 =	vpop (xrf1);
	_ =	sdelay $0x3  }
0x22e: {  	v1 =	vcvt.s32.f32 v1;
	_ =	sdelay $0x1  }
0x22f: {  	[tilespmem:v0+s18+$0x0] =	vst.idx.add.f32.msk vm0, v1  }
0x230: {  	v0 =	vld [tilespmem:$0xD30];
	_ =	sdelay $0x4  }
0x231: {  	(xrf1) =	vunique.msk.u32 $0xffff, v0;
	_ =	sdelay $0xd  }
0x232: {  	_, v1, vm0 =	vpop (xrf1);
	_ =	sdelay $0x3  }
0x233: {  	v1 =	vcvt.s32.f32 v1;
	_ =	sdelay $0x1  }
0x234: {  	[tilespmem:v0+s18+$0x0] =	vst.idx.add.f32.msk vm0, v1  }
0x235: {  	v0 =	vld [tilespmem:$0xD40];
	_ =	sdelay $0x4  }
0x236: {  	(xrf1) =	vunique.msk.u32 $0xffff, v0;
	_ =	sdelay $0xd  }
0x237: {  	_, v1, vm0 =	vpop (xrf1);
	_ =	sdelay $0x3  }
0x238: {  	v1 =	vcvt.s32.f32 v1;
	_ =	sdelay $0x1  }
0x239: {  	[tilespmem:v0+s18+$0x0] =	vst.idx.add.f32.msk vm0, v1  }
0x23a: {  	v0 =	vld [tilespmem:$0xD50];
	_ =	sdelay $0x4  }
0x23b: {  	(xrf1) =	vunique.msk.u32 $0xffff, v0;
	_ =	sdelay $0xd  }
0x23c: {  	_, v1, vm0 =	vpop (xrf1);
	_ =	sdelay $0x3  }
0x23d: {  	v1 =	vcvt.s32.f32 v1;
	_ =	sdelay $0x1  }
0x23e: {  	[tilespmem:v0+s18+$0x0] =	vst.idx.add.f32.msk vm0, v1  }
0x23f: {  	v0 =	vld [tilespmem:$0xD60];
	_ =	sdelay $0x4  }
0x240: {  	(xrf1) =	vunique.msk.u32 $0xffff, v0;
	_ =	sdelay $0xd  }
0x241: {  	_, v1, vm0 =	vpop (xrf1);
	_ =	sdelay $0x3  }
0x242: {  	v1 =	vcvt.s32.f32 v1;
	_ =	sdelay $0x1  }
0x243: {  	[tilespmem:v0+s18+$0x0] =	vst.idx.add.f32.msk vm0, v1  }
0x244: {  	v0 =	vld [tilespmem:$0xD70];
	_ =	sdelay $0x4  }
0x245: {  	(xrf1) =	vunique.msk.u32 $0xffff, v0;
	_ =	sdelay $0xd  }
0x246: {  	_, v1, vm0 =	vpop (xrf1);
	_ =	sdelay $0x3  }
0x247: {  	v1 =	vcvt.s32.f32 v1;
	_ =	sdelay $0x1  }
0x248: {  	[tilespmem:v0+s18+$0x0] =	vst.idx.add.f32.msk vm0, v1  }
0x249: {  	v0 =	vld [tilespmem:$0xD80];
	_ =	sdelay $0x4  }
0x24a: {  	(xrf1) =	vunique.msk.u32 $0xffff, v0;
	_ =	sdelay $0xd  }
0x24b: {  	_, v1, vm0 =	vpop (xrf1);
	_ =	sdelay $0x3  }
0x24c: {  	v1 =	vcvt.s32.f32 v1;
	_ =	sdelay $0x1  }
0x24d: {  	[tilespmem:v0+s18+$0x0] =	vst.idx.add.f32.msk vm0, v1  }
0x24e: {  	v0 =	vld [tilespmem:$0xD90];
	_ =	sdelay $0x4  }
0x24f: {  	(xrf1) =	vunique.msk.u32 $0xffff, v0;
	_ =	sdelay $0xd  }
0x250: {  	_, v1, vm0 =	vpop (xrf1);
	_ =	sdelay $0x3  }
0x251: {  	v1 =	vcvt.s32.f32 v1;
	_ =	sdelay $0x1  }
0x252: {  	[tilespmem:v0+s18+$0x0] =	vst.idx.add.f32.msk vm0, v1  }
0x253: {  	v0 =	vld [tilespmem:$0xDA0];
	_ =	sdelay $0x4  }
0x254: {  	(xrf1) =	vunique.msk.u32 $0xffff, v0;
	_ =	sdelay $0xd  }
0x255: {  	_, v1, vm0 =	vpop (xrf1);
	_ =	sdelay $0x3  }
0x256: {  	v1 =	vcvt.s32.f32 v1;
	_ =	sdelay $0x1  }
0x257: {  	[tilespmem:v0+s18+$0x0] =	vst.idx.add.f32.msk vm0, v1  }
0x258: {  	v0 =	vld [tilespmem:$0xDB0];
	_ =	sdelay $0x4  }
0x259: {  	(xrf1) =	vunique.msk.u32 $0xffff, v0;
	_ =	sdelay $0xd  }
0x25a: {  	_, v1, vm0 =	vpop (xrf1);
	_ =	sdelay $0x3  }
0x25b: {  	v1 =	vcvt.s32.f32 v1;
	_ =	sdelay $0x1  }
0x25c: {  	[tilespmem:v0+s18+$0x0] =	vst.idx.add.f32.msk vm0, v1  }
0x25d: {  	v0 =	vld [tilespmem:$0xDC0];
	_ =	sdelay $0x4  }
0x25e: {  	(xrf1) =	vunique.msk.u32 $0xffff, v0;
	_ =	sdelay $0xd  }
0x25f: {  	_, v1, vm0 =	vpop (xrf1);
	_ =	sdelay $0x3  }
0x260: {  	v1 =	vcvt.s32.f32 v1;
	_ =	sdelay $0x1  }
0x261: {  	[tilespmem:v0+s18+$0x0] =	vst.idx.add.f32.msk vm0, v1  }
0x262: {  	v0 =	vld [tilespmem:$0xDD0];
	_ =	sdelay $0x4  }
0x263: {  	(xrf1) =	vunique.msk.u32 $0xffff, v0;
	_ =	sdelay $0xd  }
0x264: {  	_, v1, vm0 =	vpop (xrf1);
	_ =	sdelay $0x3  }
0x265: {  	v1 =	vcvt.s32.f32 v1;
	_ =	sdelay $0x1  }
0x266: {  	[tilespmem:v0+s18+$0x0] =	vst.idx.add.f32.msk vm0, v1  }
0x267: {  	v0 =	vld [tilespmem:$0xDE0];
	_ =	sdelay $0x4  }
0x268: {  	(xrf1) =	vunique.msk.u32 $0xffff, v0;
	_ =	sdelay $0xd  }
0x269: {  	_, v1, vm0 =	vpop (xrf1);
	_ =	sdelay $0x3  }
0x26a: {  	v1 =	vcvt.s32.f32 v1;
	_ =	sdelay $0x1  }
0x26b: {  	[tilespmem:v0+s18+$0x0] =	vst.idx.add.f32.msk vm0, v1  }
0x26c: {  	v0 =	vld [tilespmem:$0xDF0];
	_ =	sdelay $0x4  }
0x26d: {  	(xrf1) =	vunique.msk.u32 $0xffff, v0;
	_ =	sdelay $0xd  }
0x26e: {  	_, v1, vm0 =	vpop (xrf1);
	_ =	sdelay $0x3  }
0x26f: {  	v1 =	vcvt.s32.f32 v1;
	_ =	sdelay $0x1  }
0x270: {  	[tilespmem:v0+s18+$0x0] =	vst.idx.add.f32.msk vm0, v1  }
0x271: {  	v0 =	vld [tilespmem:$0xE00];
	_ =	sdelay $0x4  }
0x272: {  	(xrf1) =	vunique.msk.u32 $0xffff, v0;
	_ =	sdelay $0xd  }
0x273: {  	_, v1, vm0 =	vpop (xrf1);
	_ =	sdelay $0x3  }
0x274: {  	v1 =	vcvt.s32.f32 v1;
	_ =	sdelay $0x1  }
0x275: {  	[tilespmem:v0+s18+$0x0] =	vst.idx.add.f32.msk vm0, v1  }
0x276: {  	v0 =	vld [tilespmem:$0xE10];
	_ =	sdelay $0x4  }
0x277: {  	(xrf1) =	vunique.msk.u32 $0xffff, v0;
	_ =	sdelay $0xd  }
0x278: {  	_, v1, vm0 =	vpop (xrf1);
	_ =	sdelay $0x3  }
0x279: {  	v1 =	vcvt.s32.f32 v1;
	_ =	sdelay $0x1  }
0x27a: {  	[tilespmem:v0+s18+$0x0] =	vst.idx.add.f32.msk vm0, v1  }
0x27b: {  	v0 =	vld [tilespmem:$0xE20];
	_ =	sdelay $0x4  }
0x27c: {  	(xrf1) =	vunique.msk.u32 $0xffff, v0;
	_ =	sdelay $0xd  }
0x27d: {  	_, v1, vm0 =	vpop (xrf1);
	_ =	sdelay $0x3  }
0x27e: {  	v1 =	vcvt.s32.f32 v1;
	_ =	sdelay $0x1  }
0x27f: {  	[tilespmem:v0+s18+$0x0] =	vst.idx.add.f32.msk vm0, v1  }
0x280: {  	v0 =	vld [tilespmem:$0xE30];
	_ =	sdelay $0x4  }
0x281: {  	(xrf1) =	vunique.msk.u32 $0xffff, v0;
	_ =	sdelay $0xd  }
0x282: {  	_, v1, vm0 =	vpop (xrf1);
	_ =	sdelay $0x3  }
0x283: {  	v1 =	vcvt.s32.f32 v1;
	_ =	sdelay $0x1  }
0x284: {  	[tilespmem:v0+s18+$0x0] =	vst.idx.add.f32.msk vm0, v1  }
0x285: {  	v0 =	vld [tilespmem:$0xE40];
	_ =	sdelay $0x4  }
0x286: {  	(xrf1) =	vunique.msk.u32 $0xffff, v0;
	_ =	sdelay $0xd  }
0x287: {  	_, v1, vm0 =	vpop (xrf1);
	_ =	sdelay $0x3  }
0x288: {  	v1 =	vcvt.s32.f32 v1;
	_ =	sdelay $0x1  }
0x289: {  	[tilespmem:v0+s18+$0x0] =	vst.idx.add.f32.msk vm0, v1  }
0x28a: {  	v0 =	vld [tilespmem:$0xE50];
	_ =	sdelay $0x4  }
0x28b: {  	(xrf1) =	vunique.msk.u32 $0xffff, v0;
	_ =	sdelay $0xd  }
0x28c: {  	_, v1, vm0 =	vpop (xrf1);
	_ =	sdelay $0x3  }
0x28d: {  	v1 =	vcvt.s32.f32 v1;
	_ =	sdelay $0x1  }
0x28e: {  	[tilespmem:v0+s18+$0x0] =	vst.idx.add.f32.msk vm0, v1  }
0x28f: {  	v0 =	vld [tilespmem:$0xE60];
	_ =	sdelay $0x4  }
0x290: {  	(xrf1) =	vunique.msk.u32 $0xffff, v0;
	_ =	sdelay $0xd  }
0x291: {  	_, v1, vm0 =	vpop (xrf1);
	_ =	sdelay $0x3  }
0x292: {  	v1 =	vcvt.s32.f32 v1;
	_ =	sdelay $0x1  }
0x293: {  	[tilespmem:v0+s18+$0x0] =	vst.idx.add.f32.msk vm0, v1  }
0x294: {  	v0 =	vld [tilespmem:$0xE70];
	_ =	sdelay $0x4  }
0x295: {  	(xrf1) =	vunique.msk.u32 $0xffff, v0;
	_ =	sdelay $0xd  }
0x296: {  	_, v1, vm0 =	vpop (xrf1);
	_ =	sdelay $0x3  }
0x297: {  	v1 =	vcvt.s32.f32 v1;
	_ =	sdelay $0x1  }
0x298: {  	[tilespmem:v0+s18+$0x0] =	vst.idx.add.f32.msk vm0, v1  }
0x299: {  	v0 =	vld [tilespmem:$0xE80];
	_ =	sdelay $0x4  }
0x29a: {  	(xrf1) =	vunique.msk.u32 $0xffff, v0;
	_ =	sdelay $0xd  }
0x29b: {  	_, v1, vm0 =	vpop (xrf1);
	_ =	sdelay $0x3  }
0x29c: {  	v1 =	vcvt.s32.f32 v1;
	_ =	sdelay $0x1  }
0x29d: {  	[tilespmem:v0+s18+$0x0] =	vst.idx.add.f32.msk vm0, v1  }
0x29e: {  	v0 =	vld [tilespmem:$0xE90];
	_ =	sdelay $0x4  }
0x29f: {  	(xrf1) =	vunique.msk.u32 $0xffff, v0;
	_ =	sdelay $0xd  }
0x2a0: {  	_, v1, vm0 =	vpop (xrf1);
	_ =	sdelay $0x3  }
0x2a1: {  	v1 =	vcvt.s32.f32 v1;
	_ =	sdelay $0x1  }
0x2a2: {  	[tilespmem:v0+s18+$0x0] =	vst.idx.add.f32.msk vm0, v1  }
0x2a3: {  	v0 =	vld [tilespmem:$0xEA0];
	_ =	sdelay $0x4  }
0x2a4: {  	(xrf1) =	vunique.msk.u32 $0xffff, v0;
	_ =	sdelay $0xd  }
0x2a5: {  	_, v1, vm0 =	vpop (xrf1);
	_ =	sdelay $0x3  }
0x2a6: {  	v1 =	vcvt.s32.f32 v1;
	_ =	sdelay $0x1  }
0x2a7: {  	[tilespmem:v0+s18+$0x0] =	vst.idx.add.f32.msk vm0, v1  }
0x2a8: {  	v0 =	vld [tilespmem:$0xEB0];
	_ =	sdelay $0x4  }
0x2a9: {  	(xrf1) =	vunique.msk.u32 $0xffff, v0;
	_ =	sdelay $0xd  }
0x2aa: {  	_, v1, vm0 =	vpop (xrf1);
	_ =	sdelay $0x3  }
0x2ab: {  	v1 =	vcvt.s32.f32 v1;
	_ =	sdelay $0x1  }
0x2ac: {  	[tilespmem:v0+s18+$0x0] =	vst.idx.add.f32.msk vm0, v1  }
0x2ad: {  	v0 =	vld [tilespmem:$0xEC0];
	_ =	sdelay $0x4  }
0x2ae: {  	(xrf1) =	vunique.msk.u32 $0xffff, v0;
	_ =	sdelay $0xd  }
0x2af: {  	_, v1, vm0 =	vpop (xrf1);
	_ =	sdelay $0x3  }
0x2b0: {  	v1 =	vcvt.s32.f32 v1;
	_ =	sdelay $0x1  }
0x2b1: {  	[tilespmem:v0+s18+$0x0] =	vst.idx.add.f32.msk vm0, v1  }
0x2b2: {  	v0 =	vld [tilespmem:$0xED0];
	_ =	sdelay $0x4  }
0x2b3: {  	(xrf1) =	vunique.msk.u32 $0xffff, v0;
	_ =	sdelay $0xd  }
0x2b4: {  	_, v1, vm0 =	vpop (xrf1);
	_ =	sdelay $0x3  }
0x2b5: {  	v1 =	vcvt.s32.f32 v1;
	_ =	sdelay $0x1  }
0x2b6: {  	[tilespmem:v0+s18+$0x0] =	vst.idx.add.f32.msk vm0, v1  }
0x2b7: {  	v0 =	vld [tilespmem:$0xEE0];
	_ =	sdelay $0x4  }
0x2b8: {  	(xrf1) =	vunique.msk.u32 $0xffff, v0;
	_ =	sdelay $0xd  }
0x2b9: {  	_, v1, vm0 =	vpop (xrf1);
	_ =	sdelay $0x3  }
0x2ba: {  	v1 =	vcvt.s32.f32 v1;
	_ =	sdelay $0x1  }
0x2bb: {  	[tilespmem:v0+s18+$0x0] =	vst.idx.add.f32.msk vm0, v1  }
0x2bc: {  	v0 =	vld [tilespmem:$0xEF0];
	_ =	sdelay $0x4  }
0x2bd: {  	(xrf1) =	vunique.msk.u32 $0xffff, v0;
	_ =	sdelay $0xd  }
0x2be: {  	_, v1, vm0 =	vpop (xrf1);
	_ =	sdelay $0x3  }
0x2bf: {  	v1 =	vcvt.s32.f32 v1;
	_ =	sdelay $0x1  }
0x2c0: {  	[tilespmem:v0+s18+$0x0] =	vst.idx.add.f32.msk vm0, v1  }
0x2c1: {  	v0 =	vld [tilespmem:$0xF00];
	_ =	sdelay $0x4  }
0x2c2: {  	(xrf1) =	vunique.msk.u32 $0xffff, v0;
	_ =	sdelay $0xd  }
0x2c3: {  	_, v1, vm0 =	vpop (xrf1);
	_ =	sdelay $0x3  }
0x2c4: {  	v1 =	vcvt.s32.f32 v1;
	_ =	sdelay $0x1  }
0x2c5: {  	[tilespmem:v0+s18+$0x0] =	vst.idx.add.f32.msk vm0, v1  }
0x2c6: {  	v0 =	vld [tilespmem:$0xF10];
	_ =	sdelay $0x4  }
0x2c7: {  	(xrf1) =	vunique.msk.u32 $0xffff, v0;
	_ =	sdelay $0xd  }
0x2c8: {  	_, v1, vm0 =	vpop (xrf1);
	_ =	sdelay $0x3  }
0x2c9: {  	v1 =	vcvt.s32.f32 v1;
	_ =	sdelay $0x1  }
0x2ca: {  	[tilespmem:v0+s18+$0x0] =	vst.idx.add.f32.msk vm0, v1  }
0x2cb: {  	v0 =	vld [tilespmem:$0xF20];
	_ =	sdelay $0x4  }
0x2cc: {  	(xrf1) =	vunique.msk.u32 $0xffff, v0;
	_ =	sdelay $0xd  }
0x2cd: {  	_, v1, vm0 =	vpop (xrf1);
	_ =	sdelay $0x3  }
0x2ce: {  	v1 =	vcvt.s32.f32 v1;
	_ =	sdelay $0x1  }
0x2cf: {  	[tilespmem:v0+s18+$0x0] =	vst.idx.add.f32.msk vm0, v1  }
0x2d0: {  	v0 =	vld [tilespmem:$0xF30];
	_ =	sdelay $0x4  }
0x2d1: {  	(xrf1) =	vunique.msk.u32 $0xffff, v0;
	_ =	sdelay $0xd  }
0x2d2: {  	_, v1, vm0 =	vpop (xrf1);
	_ =	sdelay $0x3  }
0x2d3: {  	v1 =	vcvt.s32.f32 v1;
	_ =	sdelay $0x1  }
0x2d4: {  	[tilespmem:v0+s18+$0x0] =	vst.idx.add.f32.msk vm0, v1  }
0x2d5: {  	v0 =	vld [tilespmem:$0xF40];
	_ =	sdelay $0x4  }
0x2d6: {  	(xrf1) =	vunique.msk.u32 $0xffff, v0;
	_ =	sdelay $0xd  }
0x2d7: {  	_, v1, vm0 =	vpop (xrf1);
	_ =	sdelay $0x3  }
0x2d8: {  	v1 =	vcvt.s32.f32 v1;
	_ =	sdelay $0x1  }
0x2d9: {  	[tilespmem:v0+s18+$0x0] =	vst.idx.add.f32.msk vm0, v1  }
0x2da: {  	v0 =	vld [tilespmem:$0xF50];
	_ =	sdelay $0x4  }
0x2db: {  	(xrf1) =	vunique.msk.u32 $0xffff, v0;
	_ =	sdelay $0xd  }
0x2dc: {  	_, v1, vm0 =	vpop (xrf1);
	_ =	sdelay $0x3  }
0x2dd: {  	v1 =	vcvt.s32.f32 v1;
	_ =	sdelay $0x1  }
0x2de: {  	[tilespmem:v0+s18+$0x0] =	vst.idx.add.f32.msk vm0, v1  }
0x2df: {  	v0 =	vld [tilespmem:$0xF60];
	_ =	sdelay $0x4  }
0x2e0: {  	(xrf1) =	vunique.msk.u32 $0xffff, v0;
	_ =	sdelay $0xd  }
0x2e1: {  	_, v1, vm0 =	vpop (xrf1);
	_ =	sdelay $0x3  }
0x2e2: {  	v1 =	vcvt.s32.f32 v1;
	_ =	sdelay $0x1  }
0x2e3: {  	[tilespmem:v0+s18+$0x0] =	vst.idx.add.f32.msk vm0, v1  }
0x2e4: {  	v0 =	vld [tilespmem:$0xF70];
	_ =	sdelay $0x4  }
0x2e5: {  	(xrf1) =	vunique.msk.u32 $0xffff, v0;
	_ =	sdelay $0xd  }
0x2e6: {  	_, v1, vm0 =	vpop (xrf1);
	_ =	sdelay $0x3  }
0x2e7: {  	v1 =	vcvt.s32.f32 v1;
	_ =	sdelay $0x1  }
0x2e8: {  	[tilespmem:v0+s18+$0x0] =	vst.idx.add.f32.msk vm0, v1  }
0x2e9: {  	v0 =	vld [tilespmem:$0xF80];
	_ =	sdelay $0x4  }
0x2ea: {  	(xrf1) =	vunique.msk.u32 $0xffff, v0;
	_ =	sdelay $0xd  }
0x2eb: {  	_, v1, vm0 =	vpop (xrf1);
	_ =	sdelay $0x3  }
0x2ec: {  	v1 =	vcvt.s32.f32 v1;
	_ =	sdelay $0x1  }
0x2ed: {  	[tilespmem:v0+s18+$0x0] =	vst.idx.add.f32.msk vm0, v1  }
0x2ee: {  	v0 =	vld [tilespmem:$0xF90];
	_ =	sdelay $0x4  }
0x2ef: {  	(xrf1) =	vunique.msk.u32 $0xffff, v0;
	_ =	sdelay $0xd  }
0x2f0: {  	_, v1, vm0 =	vpop (xrf1);
	_ =	sdelay $0x3  }
0x2f1: {  	v1 =	vcvt.s32.f32 v1;
	_ =	sdelay $0x1  }
0x2f2: {  	[tilespmem:v0+s18+$0x0] =	vst.idx.add.f32.msk vm0, v1  }
0x2f3: {  	v0 =	vld [tilespmem:$0xFA0];
	_ =	sdelay $0x4  }
0x2f4: {  	(xrf1) =	vunique.msk.u32 $0xffff, v0;
	_ =	sdelay $0xd  }
0x2f5: {  	_, v1, vm0 =	vpop (xrf1);
	_ =	sdelay $0x3  }
0x2f6: {  	v1 =	vcvt.s32.f32 v1;
	_ =	sdelay $0x1  }
0x2f7: {  	[tilespmem:v0+s18+$0x0] =	vst.idx.add.f32.msk vm0, v1  }
0x2f8: {  	v0 =	vld [tilespmem:$0xFB0];
	_ =	sdelay $0x4  }
0x2f9: {  	(xrf1) =	vunique.msk.u32 $0xffff, v0;
	_ =	sdelay $0xd  }
0x2fa: {  	_, v1, vm0 =	vpop (xrf1);
	_ =	sdelay $0x3  }
0x2fb: {  	v1 =	vcvt.s32.f32 v1;
	_ =	sdelay $0x1  }
0x2fc: {  	[tilespmem:v0+s18+$0x0] =	vst.idx.add.f32.msk vm0, v1  }
0x2fd: {  	v0 =	vld [tilespmem:$0xFC0];
	_ =	sdelay $0x4  }
0x2fe: {  	(xrf1) =	vunique.msk.u32 $0xffff, v0;
	_ =	sdelay $0xd  }
0x2ff: {  	_, v1, vm0 =	vpop (xrf1);
	_ =	sdelay $0x3  }
0x300: {  	v1 =	vcvt.s32.f32 v1;
	_ =	sdelay $0x1  }
0x301: {  	[tilespmem:v0+s18+$0x0] =	vst.idx.add.f32.msk vm0, v1  }
0x302: {  	v0 =	vld [tilespmem:$0xFD0];
	_ =	sdelay $0x4  }
0x303: {  	(xrf1) =	vunique.msk.u32 $0xffff, v0;
	_ =	sdelay $0xd  }
0x304: {  	_, v1, vm0 =	vpop (xrf1);
	_ =	sdelay $0x3  }
0x305: {  	v1 =	vcvt.s32.f32 v1;
	_ =	sdelay $0x1  }
0x306: {  	[tilespmem:v0+s18+$0x0] =	vst.idx.add.f32.msk vm0, v1  }
0x307: {  	v0 =	vld [tilespmem:$0xFE0];
	_ =	sdelay $0x4  }
0x308: {  	(xrf1) =	vunique.msk.u32 $0xffff, v0;
	_ =	sdelay $0xd  }
0x309: {  	_, v1, vm0 =	vpop (xrf1);
	_ =	sdelay $0x3  }
0x30a: {  	v1 =	vcvt.s32.f32 v1;
	_ =	sdelay $0x1  }
0x30b: {  	[tilespmem:v0+s18+$0x0] =	vst.idx.add.f32.msk vm0, v1  }
0x30c: {  	v0 =	vld [tilespmem:$0xFF0];
	_ =	sdelay $0x4  }
0x30d: {  	(xrf1) =	vunique.msk.u32 $0xffff, v0;
	_ =	sdelay $0xd  }
0x30e: {  	_, v1, vm0 =	vpop (xrf1);
	_ =	sdelay $0x3  }
0x30f: {  	v1 =	vcvt.s32.f32 v1;
	_ =	sdelay $0x1  }
0x310: {  	[tilespmem:v0+s18+$0x0] =	vst.idx.add.f32.msk vm0, v1  }
0x311: {  	[tilespmem:s23], [sflag:$0x3] =	stream.indirect.gather [hbm4b:s1+s22], $0x80, s19, s22, $0xb8;
	[tilespmem:$0x1F800] =	vst v63  }
0x312: {  	s6 =	rddreg [dreg:$0x12]  }
0x313: {  	[tilespmem:s24], [sflag:$0x4] =	stream.indirect.gather [hbm4b:s1+s22], $0x80, s6, s22, $0xb8;
	[tilespmem:$0x1F800] =	vst v63  }
0x314: {  	_ =	swait.ge [sflag:s25], $0x4000  }
0x315: {  	[sflag:s25] =	ssyncset.done $0x0  }
0x316: {  	[sflag:s25] =	ssyncadd.s32 $0xFFFFC000  }
0x317: {  	[spmem:s2] =	stream.indirect.scatter.add.f32 [tilespmem:s23], [sflag:$0x1], $0x80, s20, s22, $0xb8;
	[tilespmem:$0x1F800] =	vst v63  }
0x318: {  	_ =	swait.ge [sflag:s26], $0x4000  }
0x319: {  	[sflag:s26] =	ssyncset.done $0x0  }
0x31a: {  	s7 =	rddreg [dreg:$0x13];
	[sflag:s26] =	ssyncadd.s32 $0xFFFFC000  }
0x31b: {  	[spmem:s2] =	stream.indirect.scatter.add.f32 [tilespmem:s24], [sflag:$0x1], $0x80, s7, s22, $0xb8;
	[tilespmem:$0x1F800] =	vst v63  }
0x31c: {  	_ =	swait.ge [sflag:s28], $0x4000  }
0x31d: {  	[sflag:s28] =	ssyncset.done $0x0  }
0x31e: {  	s6 =	rddreg [dreg:$0x14];
	[sflag:s28] =	ssyncadd.s32 $0xFFFFC000  }
0x31f: {  	[tilespmem:s23], [sflag:$0x3] =	stream.indirect.gather [hbm4b:s1+s22], $0x80, s6, s22, $0xb8;
	[tilespmem:$0x1F800] =	vst v63  }
0x320: {  	_ =	swait.ge [sflag:s28], $0x4000  }
0x321: {  	[sflag:s28] =	ssyncset.done $0x0  }
0x322: {  	s7 =	rddreg [dreg:$0x15];
	[sflag:s28] =	ssyncadd.s32 $0xFFFFC000  }
0x323: {  	[tilespmem:s24], [sflag:$0x4] =	stream.indirect.gather [hbm4b:s1+s22], $0x80, s7, s22, $0xb8;
	[tilespmem:$0x1F800] =	vst v63  }
0x324: {  	_ =	swait.ge [sflag:s25], $0x4000  }
0x325: {  	[sflag:s25] =	ssyncset.done $0x0  }
0x326: {  	s6 =	rddreg [dreg:$0x16];
	[sflag:s25] =	ssyncadd.s32 $0xFFFFC000  }
0x327: {  	[spmem:s2] =	stream.indirect.scatter.add.f32 [tilespmem:s23], [sflag:$0x1], $0x80, s6, s22, $0xb8;
	[tilespmem:$0x1F800] =	vst v63  }
0x328: {  	_ =	swait.ge [sflag:s26], $0x4000  }
0x329: {  	[sflag:s26] =	ssyncset.done $0x0  }
0x32a: {  	s7 =	rddreg [dreg:$0x17];
	[sflag:s26] =	ssyncadd.s32 $0xFFFFC000  }
0x32b: {  	[spmem:s2] =	stream.indirect.scatter.add.f32 [tilespmem:s24], [sflag:$0x1], $0x80, s7, s22, $0xb8;
	[tilespmem:$0x1F800] =	vst v63  }
0x32c: {  	_ =	swait.ge [sflag:s28], $0x4000  }
0x32d: {  	[sflag:s28] =	ssyncset.done $0x0  }
0x32e: {  	s6 =	rddreg [dreg:$0x18];
	[sflag:s28] =	ssyncadd.s32 $0xFFFFC000  }
0x32f: {  	[tilespmem:s23], [sflag:$0x3] =	stream.indirect.gather [hbm4b:s1+s22], $0x80, s6, s22, $0xb8;
	[tilespmem:$0x1F800] =	vst v63  }
0x330: {  	_ =	swait.ge [sflag:s28], $0x4000  }
0x331: {  	[sflag:s28] =	ssyncset.done $0x0  }
0x332: {  	s7 =	rddreg [dreg:$0x19];
	[sflag:s28] =	ssyncadd.s32 $0xFFFFC000  }
0x333: {  	[tilespmem:s24], [sflag:$0x4] =	stream.indirect.gather [hbm4b:s1+s22], $0x80, s7, s22, $0xb8;
	[tilespmem:$0x1F800] =	vst v63  }
0x334: {  	_ =	swait.ge [sflag:s25], $0x4000  }
0x335: {  	[sflag:s25] =	ssyncset.done $0x0  }
0x336: {  	s6 =	rddreg [dreg:$0x1a];
	[sflag:s25] =	ssyncadd.s32 $0xFFFFC000  }
0x337: {  	[spmem:s2] =	stream.indirect.scatter.add.f32 [tilespmem:s23], [sflag:$0x1], $0x80, s6, s22, $0xb8;
	[tilespmem:$0x1F800] =	vst v63  }
0x338: {  	_ =	swait.ge [sflag:s26], $0x4000  }
0x339: {  	[sflag:s26] =	ssyncset.done $0x0  }
0x33a: {  	s7 =	rddreg [dreg:$0x1b];
	[sflag:s26] =	ssyncadd.s32 $0xFFFFC000  }
0x33b: {  	[spmem:s2] =	stream.indirect.scatter.add.f32 [tilespmem:s24], [sflag:$0x1], $0x80, s7, s22, $0xb8;
	[tilespmem:$0x1F800] =	vst v63  }
0x33c: {  	_ =	swait.ge [sflag:s28], $0x4000  }
0x33d: {  	[sflag:s28] =	ssyncset.done $0x0  }
0x33e: {  	s6 =	rddreg [dreg:$0x1c];
	[sflag:s28] =	ssyncadd.s32 $0xFFFFC000  }
0x33f: {  	[tilespmem:s23], [sflag:$0x3] =	stream.indirect.gather [hbm4b:s1+s22], $0x80, s6, s22, $0xb8;
	[tilespmem:$0x1F800] =	vst v63  }
0x340: {  	_ =	swait.ge [sflag:s28], $0x4000  }
0x341: {  	[sflag:s28] =	ssyncset.done $0x0  }
0x342: {  	s7 =	rddreg [dreg:$0x1d];
	[sflag:s28] =	ssyncadd.s32 $0xFFFFC000  }
0x343: {  	[tilespmem:s24], [sflag:$0x4] =	stream.indirect.gather [hbm4b:s1+s22], $0x80, s7, s22, $0xb8;
	[tilespmem:$0x1F800] =	vst v63  }
0x344: {  	_ =	swait.ge [sflag:s25], $0x4000  }
0x345: {  	s0 =	sadd.s32 $0x100, s0;
	[sflag:s25] =	ssyncset.done $0x0  }
0x346: {  	p0 =	sne.s32 s0, $0x500;
	[sflag:s25] =	ssyncadd.s32 $0xFFFFC000  }
0x347: {  	[spmem:s2] =	stream.indirect.scatter.add.f32 [tilespmem:s23], [sflag:$0x1], $0x80, s29, s22, $0xb8;
	[tilespmem:$0x1F800] =	vst v63  }
.Ltmp0:
0x348: {  	_ = 	snop;
	(pc) =	sbr.rel @p0 .LBB2_2-.Ltmp0, $4  }
0x349: {  	_ =	swait.ge [sflag:s26], $0x4000  }
0x34a: {  	[sflag:s26] =	ssyncset.done $0x0  }
0x34b: {  	s4 =	sadd.s32 $0x1, s4;
	[sflag:s26] =	ssyncadd.s32 $0xFFFFC000  }
0x34c: {  	[spmem:s2] =	stream.indirect.scatter.add.f32 [tilespmem:s24], [sflag:$0x1], $0x80, s30, s22, $0xb8;
	[tilespmem:$0x1F800] =	vst v63  }
0x34d: {  	_ =	swait.ge [sflag:s28], $0x4000  }
0x34e: {  	[sflag:s28] =	ssyncset.done $0x0  }
0x34f: {  	[sflag:s28] =	ssyncadd.s32 $0xFFFFC000  }
0x350: {  	_ =	swait.ge [sflag:s28], $0x4000  }
0x351: {  	[sflag:s28] =	ssyncset.done $0x0  }
0x352: {  	[sflag:s28] =	ssyncadd.s32 $0xFFFFC000  }
0x353: {  	[bflag:$0x0] =	sbarrier.arrive $0xFFFF  }
0x354: {  	[hbm:s10], [sflag:s9] =	dma.local [spmem:s16], $0x2800  }
0x355: {  	s31 =	sadd.s32 $0x1, s31;
	_ =	swait.ge [sflag:s17], $0x2800  }
0x356: {  	p0 =	sne.s32 s31, s12;
	[sflag:s17] =	ssyncset.done $0x0  }
.Ltmp1:
0x357: {  	[sflag:s17] =	ssyncadd.s32 $0xFFFFD800;
	(pc) =	sbr.rel @p0 .LBB2_1-.Ltmp1, $4  }
0x358: {  	[hbm4b:s11+s3] =	stream.linear.scatter [tilespmem:s18], [sflag:$0x5], $0x2800, $0x38;
	[tilespmem:$0x1F800] =	vst v63  }
0x359: {  	_ =	swait.ge [sflag:s17], $0x2800  }
0x35a: {  	[sflag:s17] =	ssyncset.done $0x0  }
0x35b: {  	[sflag:s17] =	ssyncadd.s32 $0xFFFFD800  }
0x35c: {  	_ =	sfence.sel $0x180000  }
0x35d: {  	[bflag:$0x0] =	sbarrier.arrive $0xFFFF  }
0x35e: {  	_ =	strace $0x90000047  }
0x35f: {  	s0 =	stileid.u32;
	[bflag:$0x2] =	sbarrier.arrive $0xFFFF  }
0x360: {  	p0 =	sne.s32 s0, $0x0;
	s0 =	rddreg [dreg:$0x4]  }
0x361: {  	s0 =	sadd.s32 @!p0 $0x100000, s0  }
0x362: {  	[sflag:s0] =	ssyncadd.tile.s32 @!p0 $0x1;
	_ =	shalt  }
.Lfunc_end2:
_tile_overlayer_lowered:
.L_overlay_start_2:
0x363: {  	(tag) =	ssettag $0x2  }
0x364: {  	s0 =	rddreg [dreg:$0x0];
	s2 =	stileid.u32  }
0x365: {  	s1 =	rddreg [dreg:$0x1];
	p0 =	sne.s32 s2, $0x0  }
0x366: {  	s3 =	rddreg [dreg:$0x2];
	[bflag:$0x3] =	sbarrier.arrive $0xFFFF;
	s2 =	simm.s32 @!p0 $0x1C05  }
0x367: {  	[timem:s3], [sflag:s2] =	dma.local @!p0 [hbm:s0], s1  }
0x368: {  	s0 =	simm.s32 @!p0 $0x5  }
0x369: {  	_ =	swait.ge @!p0 [sflag:s0], s1  }
0x36a: {  	s1 =	ssub.s32 @!p0 $0x0, s1;
	[sflag:s0] =	ssyncset.done @!p0 $0x0  }
0x36b: {  	[sflag:s0] =	ssyncadd.s32 @!p0 s1  }
0x36c: {  	[bflag:$0x3] =	sbarrier.arrive $0xFFFF  }
0x36d: {  	_ =	shalt  }

// kernel: kernel.9.cloned.1.call-start
scs
__scs_entry_jumppad:
0x0: {  	(pc) =	sbr.rel $0x88, $3  }
0x1: {  	(tag) =	ssettag $0x0;
	lr =	simm.s32 $0x1  }
0x2: {  	[smem:$0x3F99] =	sst lr;
	_ =	strace $0xD0000000  }
0x3: {  	_ = 	snop  }
0x4: {  	_ = 	snop  }
0x5: {  	_ = 	snop  }
0x6: {  	_ = 	snop  }
0x7: {  	_ = 	snop  }
__scs_overlays_trampoline_lowered:
0x8: {  	[smem:$0x3FA8] =	sst s0  }
0x9: {  	[smem:$0x3FA9] =	sst s1  }
0xa: {  	[smem:$0x3FAA] =	sst s2  }
0xb: {  	[smem:$0x3FAB] =	sst s3  }
0xc: {  	[smem:$0x3FAC] =	sst s4  }
0xd: {  	[smem:$0x3FAD] =	sst s5  }
0xe: {  	[smem:$0x3FAE] =	sst s6  }
0xf: {  	[smem:$0x3FAF] =	sst s7  }
0x10: {  	[smem:$0x3FB0] =	sst s8  }
0x11: {  	[smem:$0x3FB1] =	sst s9;
	s0 =	simm.s32 @!p0 $0x0  }
0x12: {  	s1 =	sld [smem:$0x3F97];
	s0 =	simm.s32 @p0 $0x1  }
0x13: {  	[smem:$0x3FB2] =	sst s0;
	s0 =	simm.s32 @!p1 $0x0  }
0x14: {  	s2 =	sld [smem:$0x3F96];
	s0 =	simm.s32 @p1 $0x1  }
0x15: {  	[smem:$0x3FB3] =	sst s0;
	s0 =	simm.s32 @!p2 $0x0  }
0x16: {  	s3 =	sld [smem:$0x3FDB];
	s0 =	simm.s32 @p2 $0x1  }
0x17: {  	s4 =	simm.s32 $0x1BF5;
	[smem:$0x3FB5] =	sst s0  }
0x18: {  	s0 =	sld [smem:$0x3F98];
	_ =	swait.ge [sflag:s4], $0x0  }
0x19: {  	s7 =	sld [smem:$0x3F99]  }
0x1a: {  	s8 =	sadd.s32 $0xFFFFE003, lr  }
0x1b: {  	s9 =	sadd.s32 $0xFFFFFEF7, lr;
	s5 =	simm.s32 $0xFFFFFFFF;
	p2 =	slt.u32 s8, $0xFFFFF086  }
0x1c: {  	p1 =	slt.u32 s9, $0xF7A;
	s5 =	simm.s32 @!p2 $0x0  }
0x1d: {  	s5 =	simm.s32 @p1 $0x1;
	p0 =	seq.s32 s7, s2  }
0x1e: {  	s7 =	smul.u32 @!p0 $0xF7A, s2;
	p2 =	seq.s32 @!p0 s5, $0x0  }
0x1f: {  	s9 =	smul.u32 $0xF7A, s1;
	s8 =	simm.s32 @!p0 $0x1BF5;
	p2 =	por !p2, p0  }
0x20: {  	[sflag:s8] =	ssyncset.s32 @!p0 $0xFFFFF086;
	s6 =	sadd.s32 @!p0 s3, s7;
	s7 =	simm.s32 @!p0 $0x108  }
0x21: {  	s3 =	sadd.s32 s3, s9;
	s6 =	sadd.s32 @!p0 $0x88, s6;
	s7 =	simm.s32 @p2 $0x1082  }
0x22: {  	[simem:s7], [sflag:s8] =	dma.local @!p0 [hbm:s6], $0xF7A  }
0x23: {  	s9 =	sor.u32 $0xD0000000, s2;
	s6 =	simm.s32 $0x108;
	_ =	swait.ge @!p0 [sflag:s8], $0x0  }
0x24: {  	s3 =	sadd.s32 $0x88, s3;
	s6 =	simm.s32 @!p1 $0x1082;
	[sflag:s4] =	ssyncset.s32 $0xFFFFF086  }
0x25: {  	[simem:s6], [sflag:s4] =	dma.local [hbm:s3], $0xF7A  }
0x26: {  	[smem:$0x3F99] =	sst s1;
	(tag) =	ssettag s2;
	_ =	strace s9  }
0x27: {  	s1 =	sld [smem:$0x3FA9]  }
0x28: {  	s2 =	sld [smem:$0x3FAA]  }
0x29: {  	s4 =	sld [smem:$0x3FAC]  }
0x2a: {  	p0 =	seq.s32 s5, $0x0;
	s5 =	sld [smem:$0x3FAD]  }
0x2b: {  	s6 =	sld [smem:$0x3FAE]  }
0x2c: {  	s7 =	sld [smem:$0x3FAF]  }
0x2d: {  	s3 =	simm.s32 $0x108;
	s8 =	sld [smem:$0x3FB0]  }
0x2e: {  	s3 =	simm.s32 @!p0 $0x1082;
	s9 =	sld [smem:$0x3FB1]  }
0x2f: {  	lr =	sadd.s32 s0, s3;
	s0 =	sld [smem:$0x3FA8]  }
0x30: {  	s3 =	sld [smem:$0x3FAB]  }
0x31: {  	[smem:$0x3FB4] =	sst s10  }
0x32: {  	s10 =	sld [smem:$0x3FB2];
	_ =	sdelay $0x3  }
0x33: {  	p0 =	seq.s32 s10, $0x1;
	s10 =	sld [smem:$0x3FB4];
	_ =	sdelay $0x3  }
0x34: {  	[smem:$0x3FB4] =	sst s10  }
0x35: {  	s10 =	sld [smem:$0x3FB3];
	_ =	sdelay $0x3  }
0x36: {  	p1 =	seq.s32 s10, $0x1;
	s10 =	sld [smem:$0x3FB4];
	_ =	sdelay $0x3  }
0x37: {  	[smem:$0x3FB4] =	sst s10  }
0x38: {  	s10 =	sld [smem:$0x3FB5]  }
0x39: {  	_ = 	snop;
	(pc) =	sbr.ind lr, $3  }
0x3a: {  	_ = 	snop  }
0x3b: {  	_ = 	snop  }
0x3c: {  	p2 =	seq.s32 s10, $0x1;
	s10 =	sld [smem:$0x3FB4]  }
0x3d: {  	_ =	shalt  }
0x3e: {  	_ =	shalt  }
0x3f: {  	_ =	shalt  }
0x40: {  	_ =	shalt  }
0x41: {  	_ =	shalt  }
0x42: {  	_ =	shalt  }
0x43: {  	_ =	shalt  }
0x44: {  	_ =	shalt  }
0x45: {  	_ =	shalt  }
0x46: {  	_ =	shalt  }
0x47: {  	_ =	shalt  }
0x48: {  	_ =	shalt  }
0x49: {  	_ =	shalt  }
0x4a: {  	_ =	shalt  }
0x4b: {  	_ =	shalt  }
0x4c: {  	_ =	shalt  }
0x4d: {  	_ =	shalt  }
0x4e: {  	_ =	shalt  }
0x4f: {  	_ =	shalt  }
0x50: {  	_ =	shalt  }
0x51: {  	_ =	shalt  }
0x52: {  	_ =	shalt  }
0x53: {  	_ =	shalt  }
0x54: {  	_ =	shalt  }
0x55: {  	_ =	shalt  }
0x56: {  	_ =	shalt  }
0x57: {  	_ =	shalt  }
0x58: {  	_ =	shalt  }
0x59: {  	_ =	shalt  }
0x5a: {  	_ =	shalt  }
0x5b: {  	_ =	shalt  }
0x5c: {  	_ =	shalt  }
0x5d: {  	_ =	shalt  }
0x5e: {  	_ =	shalt  }
0x5f: {  	_ =	shalt  }
0x60: {  	_ =	shalt  }
0x61: {  	_ =	shalt  }
0x62: {  	_ =	shalt  }
0x63: {  	_ =	shalt  }
0x64: {  	_ =	shalt  }
0x65: {  	_ =	shalt  }
0x66: {  	_ =	shalt  }
0x67: {  	_ =	shalt  }
0x68: {  	_ =	shalt  }
0x69: {  	_ =	shalt  }
0x6a: {  	_ =	shalt  }
0x6b: {  	_ =	shalt  }
0x6c: {  	_ =	shalt  }
0x6d: {  	_ =	shalt  }
0x6e: {  	_ =	shalt  }
0x6f: {  	_ =	shalt  }
0x70: {  	_ =	shalt  }
0x71: {  	_ =	shalt  }
0x72: {  	_ =	shalt  }
0x73: {  	_ =	shalt  }
0x74: {  	_ =	shalt  }
0x75: {  	_ =	shalt  }
0x76: {  	_ =	shalt  }
0x77: {  	_ =	shalt  }
0x78: {  	_ =	shalt  }
0x79: {  	_ =	shalt  }
0x7a: {  	_ =	shalt  }
0x7b: {  	_ =	shalt  }
0x7c: {  	_ =	shalt  }
0x7d: {  	_ =	shalt  }
0x7e: {  	_ =	shalt  }
0x7f: {  	_ =	shalt  }
0x80: {  	_ =	shalt  }
0x81: {  	_ =	shalt  }
0x82: {  	_ =	shalt  }
0x83: {  	_ =	shalt  }
0x84: {  	_ =	shalt  }
0x85: {  	_ =	shalt  }
0x86: {  	_ =	shalt  }
0x87: {  	_ =	shalt  }
.Lfunc_end0:
.L_simem_size_0:
called_computation.1_lowered:
.L_overlay_start_0:
0x88: {  	s2 =	sld [smem:$0x3FD9]  }
0x89: {  	s3 =	sld [smem:$0x3FFE];
	_ =	sdelay $0x1  }
0x8a: {  	s1 =	srdreg.scid  }
0x8b: {  	s0 =	sand.u32 $0x1, s1  }
0x8c: {  	s17 =	sshll.u32 s0, $0xA;
	s2 =	sadd.s32 s3, s2  }
0x8d: {  	s2 =	sadd.s32 s2, s17  }
0x8e: {  	[smem:$0x3FC0] =	sst s2  }
0x8f: {  	_ = 	snop  }
0x90: {  	s2 =	sld [smem:$0x3FD0];
	(tm) =	ssettm $0x1  }
0x91: {  	s18 =	sld [smem:$0x3FFB];
	_ =	sdelay $0x3  }
0x92: {  	_ =	strace s18  }
0x93: {  	s3 =	sld [smem:$0x3FFC];
	_ =	sdelay $0x3  }
0x94: {  	_ =	strace s3  }
0x95: {  	s3 =	sld [smem:$0x3FFD];
	_ =	sdelay $0x3  }
0x96: {  	_ =	strace s3  }
0x97: {  	_ =	strace $0x8FFFFFFF  }
0x98: {  	s19 =	sld [smem:$0x3FDB];
	_ =	sdelay $0x1  }
0x99: {  	s4 =	simm.s32 $_scs_section_size  }
0x9a: {  	s5 =	simm.s32 $_size__tile_overlayer_lowered;
	s6 =	simm.s32 $_tile_overlayer_lowered  }
0x9b: {  	s22 =	simm.s32 $0x1BFF;
	s21 =	sshll.u32 s6, $0x1;
	s3 =	sadd.s32 s4, s19  }
0x9c: {  	s7 =	simm.s32 $0x0;
	s20 =	sshll.u32 s5, $0x1;
	s5 =	sadd.s32 s21, s3  }
0x9d: {  	[timem:s7], [sflag:s22] =	dma.local [hbm:s5], s20  }
0x9e: {  	_ =	swait.ge [sflag:s22], s20  }
0x9f: {  	s4 =	ssub.s32 $0x0, s20;
	[sflag:s22] =	ssyncset.done $0x0  }
0xa0: {  	[sflag:s22] =	ssyncadd.s32 s4;
	_ =	sdelay $0x1  }
0xa1: {  	s23 =	simm.s32 $0x1B8B  }
0xa2: {  	_ =	swait.ge [sflag:s23], $0x1  }
0xa3: {  	[sflag:s23] =	ssyncset.done $0x0  }
0xa4: {  	s25 =	simm.s32 $0x1B8E;
	s24 =	sld [smem:$0x3FFE];
	[sflag:s23] =	ssyncadd.s32 $0xFFFFFFFF  }
0xa5: {  	s26 =	simm.s32 $execute0_lowered;
	[smem:$0x3FD2] =	sst s25  }
0xa6: {  	s5 =	sshll.u32 s26, $0x1;
	_ =	strace $0x80000049;
	[dreg:$0x1] =	wrdreg $0xFFFFFFFF  }
0xa7: {  	s28 =	simm.s32 $_size_execute0_lowered;
	s3 =	sadd.s32 s3, s5;
	[dreg:$0x0] =	wrdreg $0x0  }
0xa8: {  	s5 =	sshll.u32 s28, $0x1;
	[dreg:$0x2] =	wrdreg s3  }
0xa9: {  	[dreg:$0x3] =	wrdreg s5  }
0xaa: {  	[dreg:$0x4] =	wrdreg $0xC0  }
0xab: {  	_ =	task [dreg:s7], $0x5FFFF  }
0xac: {  	[dreg:$0x1] =	wrdreg $0xFFFFFFFF  }
0xad: {  	[dreg:$0x0] =	wrdreg $0x60  }
0xae: {  	[dreg:$0x2] =	wrdreg s2  }
0xaf: {  	[dreg:$0x3] =	wrdreg s24  }
0xb0: {  	[dreg:$0x4] =	wrdreg $0x90000  }
0xb1: {  	[dreg:$0x5] =	wrdreg $0x9  }
0xb2: {  	_ =	task.clear_ibuf [dreg:s7], $0x6FFFF;
	_ =	strace $0x90000049  }
0xb3: {  	s29 =	simm.s32 $0x9;
	_ =	strace $0x8000004B  }
0xb4: {  	_ =	swait.ge [sflag:s29], $0x1  }
0xb5: {  	[sflag:s29] =	ssyncadd.s32 $0xFFFFFFFF  }
0xb6: {  	_ =	strace $0x9000004B  }
0xb7: {  	_ =	sfence  }
0xb8: {  	s30 =	sld [smem:$0x0];
	_ =	sdelay $0x2  }
0xb9: {  	s31 =	sshll.u32 s1, $0xD;
	s1 =	sshrl.u32 s1, $0x2  }
0xba: {  	s3 =	sand.u32 $0x4000, s31;
	s1 =	sadd.s32 s1, s30  }
0xbb: {  	s0 =	sor.u32 s3, s0;
	s1 =	sshll.u32 s1, $0x11  }
0xbc: {  	s0 =	sor.u32 s1, s0  }
0xbd: {  	s0 =	sadd.s32 $0x8F2B, s0  }
0xbe: {  	[sflag:s0] =	ssyncadd.remote.s32 $0x1  }
0xbf: {  	_ =	sfence.sel $0xFFFF  }
0xc0: {  	[dreg:$0x0] =	wrdreg $0xFFFFFFFF;
	(pc) =	sbr.abs _section_cstart, $3  }
0xc1: {  	[dreg:$0x1] =	wrdreg $0xFFFFFFFF  }
0xc2: {  	_ =	task.clear_ibuf [dreg:s7], $0x2FFFF;
	_ =	strace $0x9FFFFFFF  }
0xc3: {  	(tm) =	ssettm $0x7FFFFFFF  }
tec
execute0_lowered:
.L_overlay_start_1:
0x0: {  	(tag) =	ssettag $0x1  }
0x1: {  	s1 =	rddreg [dreg:$0x0]  }
0x2: {  	s0 =	rddreg [dreg:$0x1]  }
0x3: {  	s2 =	rddreg [dreg:$0x2]  }
0x4: {  	s4 =	simm.s32 $0x0;
	s3 =	srdreg.scid;
	s5 =	stileid.u32  }
0x5: {  	s21 =	simm.s32 $0x880;
	s22 =	simm.s32 $0x100;
	s23 =	simm.s32 $0x180  }
0x6: {  	s13 =	simm.s32 $0x900;
	[smem:$0x7FF] =	sst s4;
	s8 =	sadd.s32 $0x16E00, s0  }
0x7: {  	s25 =	simm.s32 $0x980;
	_ =	strace $0x8000004A;
	[dreg:$0x1c] =	wrdreg s8  }
0x8: {  	s26 =	simm.s32 $0x200;
	s30 =	simm.s32 $0x280;
	[dreg:$0x4] =	wrdreg s21  }
0x9: {  	s31 =	simm.s32 $0xA00;
	s15 =	simm.s32 $0x380;
	[dreg:$0x5] =	wrdreg s22  }
0xa: {  	s28 =	simm.s32 $0xF80;
	s29 =	simm.s32 $0x0;
	[dreg:$0x6] =	wrdreg s23  }
0xb: {  	s3 =	sand.u32 $0x1, s3;
	s11 =	sadd.s32 $0x2800, s0;
	[dreg:$0x7] =	wrdreg s13  }
0xc: {  	s7 =	smul.u32 $0x14000, s5;
	s12 =	sadd.s32 $0xC800, s0;
	[dreg:$0x8] =	wrdreg s25  }
0xd: {  	s18 =	smul.u32 $0x50000, s5;
	s24 =	sshll.u32 s5, $0x6;
	[dreg:$0x9] =	wrdreg s26  }
0xe: {  	s6 =	smul.u32 $0x140000, s3;
	s16 =	sshll.u32 s3, $0x4;
	[dreg:$0xa] =	wrdreg s30  }
0xf: {  	s17 =	ssub.s32 $0x2, s3;
	s3 =	smul.u32 $0x5000, s3;
	[dreg:$0xb] =	wrdreg s31  }
0x10: {  	[dreg:$0xe] =	wrdreg s15;
	s13 =	simm.s32 $0x800;
	s21 =	simm.s32 $0x580  }
0x11: {  	s15 =	simm.s32 $0x5;
	s22 =	simm.s32 $0xD00;
	[dreg:$0x14] =	wrdreg s21  }
0x12: {  	s23 =	simm.s32 $0xD80;
	s25 =	simm.s32 $0x680;
	[dreg:$0x15] =	wrdreg s22  }
0x13: {  	s26 =	simm.s32 $0xE00;
	s30 =	simm.s32 $0xE80;
	[dreg:$0x16] =	wrdreg s23  }
0x14: {  	s31 =	simm.s32 $0x700;
	s8 =	sor.u32 s5, s16;
	[dreg:$0x18] =	wrdreg s25  }
0x15: {  	s9 =	sshrl.u32 s17, $0x1;
	s5 =	smul.u32 $0x500, s5;
	[dreg:$0x19] =	wrdreg s26  }
0x16: {  	s16 =	simm.s32 $0xB00;
	s21 =	simm.s32 $0x5000;
	[dreg:$0x1a] =	wrdreg s30  }
0x17: {  	s22 =	simm.s32 $0x3;
	s23 =	simm.s32 $0x4;
	[dreg:$0x1b] =	wrdreg s31  }
0x18: {  	s25 =	simm.s32 $0x780;
	s26 =	simm.s32 $0xF00;
	s6 =	sadd.s32 s7, s6  }
0x19: {  	s8 =	smul.u32 $0x500, s8;
	s10 =	ssub.s32 s17, s9;
	s9 =	sshrl.u32 s18, $0x2  }
0x1a: {  	s7 =	simm.s32 $0x300;
	[dreg:$0xf] =	wrdreg s16;
	s17 =	simm.s32 $0xB80  }
0x1b: {  	s18 =	simm.s32 $0x480;
	s16 =	simm.s32 $0x400;
	[dreg:$0xd] =	wrdreg s7  }
0x1c: {  	s6 =	sshrl.u32 s6, $0x3;
	s14 =	sadd.s32 s9, s2;
	[dreg:$0x10] =	wrdreg s17  }
0x1d: {  	s10 =	smax.u32 s10, $0x1;
	[dreg:$0x11] =	wrdreg s18;
	s17 =	simm.s32 $0xC00  }
0x1e: {  	s18 =	simm.s32 $0x2;
	s0 =	sadd.s32 s6, s0;
	s19 =	sadd.s32 s11, s8  }
0x1f: {  	s20 =	sadd.s32 s12, s8;
	s8 =	sor.u32 $0x1C05, s24;
	s6 =	simm.s32 $0xA80  }
0x20: {  	s11 =	sadd.s32 s3, s11;
	s3 =	sadd.s32 s3, s12;
	[dreg:$0x1d] =	wrdreg s19  }
0x21: {  	s14 =	sshrl.u32 s14, $0x3;
	s24 =	simm.s32 $0x600;
	[dreg:$0x1e] =	wrdreg s20  }
0x22: {  	s9 =	sadd.s32 $0x19600, s0;
	[dreg:$0xc] =	wrdreg s6;
	s11 =	sadd.s32 s5, s11  }
0x23: {  	s12 =	sadd.s32 s5, s3;
	s19 =	simm.s32 $0xC80;
	[dreg:$0x17] =	wrdreg s24  }
0x24: {  	s20 =	simm.s32 $0x500;
	s24 =	simm.s32 $0x1;
	[dreg:$0x12] =	wrdreg s19  }
0x25: {  	[dreg:$0x13] =	wrdreg s20;
	s19 =	simm.s32 $0x80;
	s20 =	simm.s32 $0x1000  }
.LBB2_1:
0x26: {  	s0 =	rddreg [dreg:$0x1d]  }
0x27: {  	s7 =	rddreg [dreg:$0x1e]  }
0x28: {  	[tilespmem:s4], [sflag:$0x2] =	stream.linear.gather [hbm4b:s0+s4], $0x400, $0x38;
	[tilespmem:$0x1D000] =	vst v63  }
0x29: {  	s3 =	rddreg [dreg:$0x1c]  }
0x2a: {  	[tilespmem:s13], [sflag:$0x2] =	stream.linear.gather [hbm4b:s7+s4], $0x400, $0x38;
	[tilespmem:$0x1D000] =	vst v63  }
0x2b: {  	[spmem:s14], [sflag:s8] =	dma.local [hbm:s3], $0x2800  }
0x2c: {  	_ =	swait.ge [sflag:s15], $0x2800  }
0x2d: {  	[sflag:s15] =	ssyncset.done $0x0  }
0x2e: {  	p0 =	por $0x1, $0x1;
	[sflag:s15] =	ssyncadd.s32 $0xFFFFD800  }
0x2f: {  	s0 =	simm.s32 @!p0 $0x1;
	[bflag:$0x0] =	sbarrier.arrive $0xFFFF  }
0x30: {  	_ =	swait.ge @!p0 [sflag:s0], $0x4000  }
0x31: {  	[sflag:s0] =	ssyncset.done @!p0 $0x0  }
0x32: {  	[sflag:s0] =	ssyncadd.s32 @!p0 $0xFFFFC000  }
0x33: {  	_ =	swait.ge @!p0 [sflag:s0], $0x4000  }
0x34: {  	s3 =	sadd.s32 $0x0, s11;
	[sflag:s0] =	ssyncset.done @!p0 $0x0  }
0x35: {  	s6 =	sadd.s32 $0x0, s12;
	s5 =	sadd.s32 $0x80, s3;
	[sflag:s0] =	ssyncadd.s32 @!p0 $0xFFFFC000  }
0x36: {  	[tilespmem:s16], [sflag:$0x2] =	stream.linear.gather [hbm4b:s5+s4], $0x400, $0x38;
	[tilespmem:$0x1D000] =	vst v63  }
0x37: {  	s7 =	sadd.s32 $0x80, s6  }
0x38: {  	[tilespmem:s17], [sflag:$0x2] =	stream.linear.gather [hbm4b:s7+s4], $0x400, $0x38;
	[tilespmem:$0x1D000] =	vst v63  }
0x39: {  	_ =	swait.ge [sflag:s18], $0x400  }
0x3a: {  	[sflag:s18] =	ssyncset.done $0x0  }
0x3b: {  	[sflag:s18] =	ssyncadd.s32 $0xFFFFFC00  }
0x3c: {  	_ =	swait.ge [sflag:s18], $0x400  }
0x3d: {  	[sflag:s18] =	ssyncset.done $0x0  }
0x3e: {  	[sflag:s18] =	ssyncadd.s32 $0xFFFFFC00  }
0x3f: {  	[tilespmem:s20], [sflag:$0x3] =	stream.indirect.gather [hbm4b:s1+s19], $0x80, s4, s19, $0xb8;
	[tilespmem:$0x1D000] =	vst v63  }
0x40: {  	_ = 	snop  }
0x41: {  	[tilespmem:s21], [sflag:$0x4] =	stream.indirect.gather [hbm4b:s1+s19], $0x80, s19, s19, $0xb8;
	[tilespmem:$0x1D000] =	vst v63  }
0x42: {  	_ =	swait.ge [sflag:s22], $0x4000  }
0x43: {  	[sflag:s22] =	ssyncset.done $0x0  }
0x44: {  	[sflag:s22] =	ssyncadd.s32 $0xFFFFC000  }
0x45: {  	[spmem:s2] =	stream.indirect.scatter.add.f32 [tilespmem:s20], [sflag:$0x1], $0x80, s13, s19, $0xb8;
	[tilespmem:$0x1D000] =	vst v63  }
0x46: {  	_ =	swait.ge [sflag:s23], $0x4000  }
0x47: {  	[sflag:s23] =	ssyncset.done $0x0  }
0x48: {  	s3 =	rddreg [dreg:$0x4];
	[sflag:s23] =	ssyncadd.s32 $0xFFFFC000  }
0x49: {  	[spmem:s2] =	stream.indirect.scatter.add.f32 [tilespmem:s21], [sflag:$0x1], $0x80, s3, s19, $0xb8;
	[tilespmem:$0x1D000] =	vst v63  }
0x4a: {  	_ =	swait.ge [sflag:s24], $0x4000  }
0x4b: {  	[sflag:s24] =	ssyncset.done $0x0  }
0x4c: {  	s5 =	rddreg [dreg:$0x5];
	[sflag:s24] =	ssyncadd.s32 $0xFFFFC000  }
0x4d: {  	[tilespmem:s20], [sflag:$0x3] =	stream.indirect.gather [hbm4b:s1+s19], $0x80, s5, s19, $0xb8;
	[tilespmem:$0x1D000] =	vst v63  }
0x4e: {  	_ =	swait.ge [sflag:s24], $0x4000  }
0x4f: {  	[sflag:s24] =	ssyncset.done $0x0  }
0x50: {  	s6 =	rddreg [dreg:$0x6];
	[sflag:s24] =	ssyncadd.s32 $0xFFFFC000  }
0x51: {  	[tilespmem:s21], [sflag:$0x4] =	stream.indirect.gather [hbm4b:s1+s19], $0x80, s6, s19, $0xb8;
	[tilespmem:$0x1D000] =	vst v63  }
0x52: {  	_ =	swait.ge [sflag:s22], $0x4000  }
0x53: {  	[sflag:s22] =	ssyncset.done $0x0  }
0x54: {  	s7 =	rddreg [dreg:$0x7];
	[sflag:s22] =	ssyncadd.s32 $0xFFFFC000  }
0x55: {  	[spmem:s2] =	stream.indirect.scatter.add.f32 [tilespmem:s20], [sflag:$0x1], $0x80, s7, s19, $0xb8;
	[tilespmem:$0x1D000] =	vst v63  }
0x56: {  	_ =	swait.ge [sflag:s23], $0x4000  }
0x57: {  	[sflag:s23] =	ssyncset.done $0x0  }
0x58: {  	s3 =	rddreg [dreg:$0x8];
	[sflag:s23] =	ssyncadd.s32 $0xFFFFC000  }
0x59: {  	[spmem:s2] =	stream.indirect.scatter.add.f32 [tilespmem:s21], [sflag:$0x1], $0x80, s3, s19, $0xb8;
	[tilespmem:$0x1D000] =	vst v63  }
0x5a: {  	_ =	swait.ge [sflag:s24], $0x4000  }
0x5b: {  	[sflag:s24] =	ssyncset.done $0x0  }
0x5c: {  	s5 =	rddreg [dreg:$0x9];
	[sflag:s24] =	ssyncadd.s32 $0xFFFFC000  }
0x5d: {  	[tilespmem:s20], [sflag:$0x3] =	stream.indirect.gather [hbm4b:s1+s19], $0x80, s5, s19, $0xb8;
	[tilespmem:$0x1D000] =	vst v63  }
0x5e: {  	_ =	swait.ge [sflag:s24], $0x4000  }
0x5f: {  	[sflag:s24] =	ssyncset.done $0x0  }
0x60: {  	s6 =	rddreg [dreg:$0xa];
	[sflag:s24] =	ssyncadd.s32 $0xFFFFC000  }
0x61: {  	[tilespmem:s21], [sflag:$0x4] =	stream.indirect.gather [hbm4b:s1+s19], $0x80, s6, s19, $0xb8;
	[tilespmem:$0x1D000] =	vst v63  }
0x62: {  	_ =	swait.ge [sflag:s22], $0x4000  }
0x63: {  	[sflag:s22] =	ssyncset.done $0x0  }
0x64: {  	s7 =	rddreg [dreg:$0xb];
	[sflag:s22] =	ssyncadd.s32 $0xFFFFC000  }
0x65: {  	[spmem:s2] =	stream.indirect.scatter.add.f32 [tilespmem:s20], [sflag:$0x1], $0x80, s7, s19, $0xb8;
	[tilespmem:$0x1D000] =	vst v63  }
0x66: {  	_ =	swait.ge [sflag:s23], $0x4000  }
0x67: {  	[sflag:s23] =	ssyncset.done $0x0  }
0x68: {  	s3 =	rddreg [dreg:$0xc];
	[sflag:s23] =	ssyncadd.s32 $0xFFFFC000  }
0x69: {  	[spmem:s2] =	stream.indirect.scatter.add.f32 [tilespmem:s21], [sflag:$0x1], $0x80, s3, s19, $0xb8;
	[tilespmem:$0x1D000] =	vst v63  }
0x6a: {  	_ =	swait.ge [sflag:s24], $0x4000  }
0x6b: {  	[sflag:s24] =	ssyncset.done $0x0  }
0x6c: {  	s5 =	rddreg [dreg:$0xd];
	[sflag:s24] =	ssyncadd.s32 $0xFFFFC000  }
0x6d: {  	[tilespmem:s20], [sflag:$0x3] =	stream.indirect.gather [hbm4b:s1+s19], $0x80, s5, s19, $0xb8;
	[tilespmem:$0x1D000] =	vst v63  }
0x6e: {  	_ =	swait.ge [sflag:s24], $0x4000  }
0x6f: {  	[sflag:s24] =	ssyncset.done $0x0  }
0x70: {  	s6 =	rddreg [dreg:$0xe];
	[sflag:s24] =	ssyncadd.s32 $0xFFFFC000  }
0x71: {  	[tilespmem:s21], [sflag:$0x4] =	stream.indirect.gather [hbm4b:s1+s19], $0x80, s6, s19, $0xb8;
	[tilespmem:$0x1D000] =	vst v63  }
0x72: {  	_ =	swait.ge [sflag:s22], $0x4000  }
0x73: {  	[sflag:s22] =	ssyncset.done $0x0  }
0x74: {  	s7 =	rddreg [dreg:$0xf];
	[sflag:s22] =	ssyncadd.s32 $0xFFFFC000  }
0x75: {  	[spmem:s2] =	stream.indirect.scatter.add.f32 [tilespmem:s20], [sflag:$0x1], $0x80, s7, s19, $0xb8;
	[tilespmem:$0x1D000] =	vst v63  }
0x76: {  	_ =	swait.ge [sflag:s23], $0x4000  }
0x77: {  	[sflag:s23] =	ssyncset.done $0x0  }
0x78: {  	s3 =	rddreg [dreg:$0x10];
	[sflag:s23] =	ssyncadd.s32 $0xFFFFC000  }
0x79: {  	[spmem:s2] =	stream.indirect.scatter.add.f32 [tilespmem:s21], [sflag:$0x1], $0x80, s3, s19, $0xb8;
	[tilespmem:$0x1D000] =	vst v63  }
0x7a: {  	_ =	swait.ge [sflag:s24], $0x4000  }
0x7b: {  	[sflag:s24] =	ssyncset.done $0x0  }
0x7c: {  	[sflag:s24] =	ssyncadd.s32 $0xFFFFC000  }
0x7d: {  	p0 =	por $0x0, $0x0;
	_ =	swait.ge [sflag:s24], $0x4000  }
0x7e: {  	s0 =	sadd.s32 @!p0 $0x0, s11;
	s30 =	simm.s32 @!p0 $0x0;
	[sflag:s24] =	ssyncset.done $0x0  }
0x7f: {  	s0 =	sadd.s32 @!p0 $0x100, s0;
	s3 =	sadd.s32 @!p0 $0x0, s12;
	[sflag:s24] =	ssyncadd.s32 $0xFFFFC000  }
0x80: {  	[tilespmem:s30], [sflag:$0x2] =	stream.linear.gather @!p0 [hbm4b:s0+s30], $0x400, $0x38;
	[tilespmem:$0x1D000] =	vst v63  }
0x81: {  	s0 =	sadd.s32 @!p0 $0x100, s3;
	s3 =	simm.s32 @!p0 $0x800  }
0x82: {  	[tilespmem:s3], [sflag:$0x2] =	stream.linear.gather @!p0 [hbm4b:s0+s30], $0x400, $0x38;
	[tilespmem:$0x1D000] =	vst v63  }
0x83: {  	_ =	swait.ge [sflag:s18], $0x400  }
0x84: {  	[sflag:s18] =	ssyncset.done $0x0  }
0x85: {  	[sflag:s18] =	ssyncadd.s32 $0xFFFFFC00  }
0x86: {  	_ =	swait.ge [sflag:s18], $0x400  }
0x87: {  	[sflag:s18] =	ssyncset.done $0x0  }
0x88: {  	[sflag:s18] =	ssyncadd.s32 $0xFFFFFC00  }
0x89: {  	[tilespmem:s20], [sflag:$0x3] =	stream.indirect.gather [hbm4b:s1+s19], $0x80, s16, s19, $0xb8;
	[tilespmem:$0x1D000] =	vst v63  }
0x8a: {  	s5 =	rddreg [dreg:$0x11]  }
0x8b: {  	[tilespmem:s21], [sflag:$0x4] =	stream.indirect.gather [hbm4b:s1+s19], $0x80, s5, s19, $0xb8;
	[tilespmem:$0x1D000] =	vst v63  }
0x8c: {  	_ =	swait.ge [sflag:s22], $0x4000  }
0x8d: {  	[sflag:s22] =	ssyncset.done $0x0  }
0x8e: {  	[sflag:s22] =	ssyncadd.s32 $0xFFFFC000  }
0x8f: {  	[spmem:s2] =	stream.indirect.scatter.add.f32 [tilespmem:s20], [sflag:$0x1], $0x80, s17, s19, $0xb8;
	[tilespmem:$0x1D000] =	vst v63  }
0x90: {  	_ =	swait.ge [sflag:s23], $0x4000  }
0x91: {  	[sflag:s23] =	ssyncset.done $0x0  }
0x92: {  	s6 =	rddreg [dreg:$0x12];
	[sflag:s23] =	ssyncadd.s32 $0xFFFFC000  }
0x93: {  	[spmem:s2] =	stream.indirect.scatter.add.f32 [tilespmem:s21], [sflag:$0x1], $0x80, s6, s19, $0xb8;
	[tilespmem:$0x1D000] =	vst v63  }
0x94: {  	_ =	swait.ge [sflag:s24], $0x4000  }
0x95: {  	[sflag:s24] =	ssyncset.done $0x0  }
0x96: {  	s7 =	rddreg [dreg:$0x13];
	[sflag:s24] =	ssyncadd.s32 $0xFFFFC000  }
0x97: {  	[tilespmem:s20], [sflag:$0x3] =	stream.indirect.gather [hbm4b:s1+s19], $0x80, s7, s19, $0xb8;
	[tilespmem:$0x1D000] =	vst v63  }
0x98: {  	_ =	swait.ge [sflag:s24], $0x4000  }
0x99: {  	[sflag:s24] =	ssyncset.done $0x0  }
0x9a: {  	s3 =	rddreg [dreg:$0x14];
	[sflag:s24] =	ssyncadd.s32 $0xFFFFC000  }
0x9b: {  	[tilespmem:s21], [sflag:$0x4] =	stream.indirect.gather [hbm4b:s1+s19], $0x80, s3, s19, $0xb8;
	[tilespmem:$0x1D000] =	vst v63  }
0x9c: {  	_ =	swait.ge [sflag:s22], $0x4000  }
0x9d: {  	[sflag:s22] =	ssyncset.done $0x0  }
0x9e: {  	s5 =	rddreg [dreg:$0x15];
	[sflag:s22] =	ssyncadd.s32 $0xFFFFC000  }
0x9f: {  	[spmem:s2] =	stream.indirect.scatter.add.f32 [tilespmem:s20], [sflag:$0x1], $0x80, s5, s19, $0xb8;
	[tilespmem:$0x1D000] =	vst v63  }
0xa0: {  	_ =	swait.ge [sflag:s23], $0x4000  }
0xa1: {  	[sflag:s23] =	ssyncset.done $0x0  }
0xa2: {  	s6 =	rddreg [dreg:$0x16];
	[sflag:s23] =	ssyncadd.s32 $0xFFFFC000  }
0xa3: {  	[spmem:s2] =	stream.indirect.scatter.add.f32 [tilespmem:s21], [sflag:$0x1], $0x80, s6, s19, $0xb8;
	[tilespmem:$0x1D000] =	vst v63  }
0xa4: {  	_ =	swait.ge [sflag:s24], $0x4000  }
0xa5: {  	[sflag:s24] =	ssyncset.done $0x0  }
0xa6: {  	s7 =	rddreg [dreg:$0x17];
	[sflag:s24] =	ssyncadd.s32 $0xFFFFC000  }
0xa7: {  	[tilespmem:s20], [sflag:$0x3] =	stream.indirect.gather [hbm4b:s1+s19], $0x80, s7, s19, $0xb8;
	[tilespmem:$0x1D000] =	vst v63  }
0xa8: {  	_ =	swait.ge [sflag:s24], $0x4000  }
0xa9: {  	[sflag:s24] =	ssyncset.done $0x0  }
0xaa: {  	s3 =	rddreg [dreg:$0x18];
	[sflag:s24] =	ssyncadd.s32 $0xFFFFC000  }
0xab: {  	[tilespmem:s21], [sflag:$0x4] =	stream.indirect.gather [hbm4b:s1+s19], $0x80, s3, s19, $0xb8;
	[tilespmem:$0x1D000] =	vst v63  }
0xac: {  	_ =	swait.ge [sflag:s22], $0x4000  }
0xad: {  	[sflag:s22] =	ssyncset.done $0x0  }
0xae: {  	s5 =	rddreg [dreg:$0x19];
	[sflag:s22] =	ssyncadd.s32 $0xFFFFC000  }
0xaf: {  	[spmem:s2] =	stream.indirect.scatter.add.f32 [tilespmem:s20], [sflag:$0x1], $0x80, s5, s19, $0xb8;
	[tilespmem:$0x1D000] =	vst v63  }
0xb0: {  	_ =	swait.ge [sflag:s23], $0x4000  }
0xb1: {  	[sflag:s23] =	ssyncset.done $0x0  }
0xb2: {  	s6 =	rddreg [dreg:$0x1a];
	[sflag:s23] =	ssyncadd.s32 $0xFFFFC000  }
0xb3: {  	[spmem:s2] =	stream.indirect.scatter.add.f32 [tilespmem:s21], [sflag:$0x1], $0x80, s6, s19, $0xb8;
	[tilespmem:$0x1D000] =	vst v63  }
0xb4: {  	_ =	swait.ge [sflag:s24], $0x4000  }
0xb5: {  	[sflag:s24] =	ssyncset.done $0x0  }
0xb6: {  	s7 =	rddreg [dreg:$0x1b];
	[sflag:s24] =	ssyncadd.s32 $0xFFFFC000  }
0xb7: {  	[tilespmem:s20], [sflag:$0x3] =	stream.indirect.gather [hbm4b:s1+s19], $0x80, s7, s19, $0xb8;
	[tilespmem:$0x1D000] =	vst v63  }
0xb8: {  	_ =	swait.ge [sflag:s24], $0x4000  }
0xb9: {  	[sflag:s24] =	ssyncset.done $0x0  }
0xba: {  	[sflag:s24] =	ssyncadd.s32 $0xFFFFC000  }
0xbb: {  	[tilespmem:s21], [sflag:$0x4] =	stream.indirect.gather [hbm4b:s1+s19], $0x80, s25, s19, $0xb8;
	[tilespmem:$0x1D000] =	vst v63  }
0xbc: {  	_ =	swait.ge [sflag:s22], $0x4000  }
0xbd: {  	[sflag:s22] =	ssyncset.done $0x0  }
0xbe: {  	[sflag:s22] =	ssyncadd.s32 $0xFFFFC000  }
0xbf: {  	[spmem:s2] =	stream.indirect.scatter.add.f32 [tilespmem:s20], [sflag:$0x1], $0x80, s26, s19, $0xb8;
	[tilespmem:$0x1D000] =	vst v63  }
0xc0: {  	s31 =	simm.s32 $0x100;
	p1 =	por $0x0, $0x0;
	_ =	swait.ge [sflag:s23], $0x4000  }
0xc1: {  	s0 =	simm.s32 $0x200;
	s30 =	simm.s32 $0x1;
	[sflag:s23] =	ssyncset.done $0x0  }
.LBB2_2:
0xc2: {  	s5 =	simm.s32 @!p1 $0x1;
	[sflag:s23] =	ssyncadd.s32 $0xFFFFC000  }
0xc3: {  	[spmem:s2] =	stream.indirect.scatter.add.f32 [tilespmem:s21], [sflag:$0x1], $0x80, s28, s19, $0xb8;
	[tilespmem:$0x1D000] =	vst v63  }
0xc4: {  	_ =	swait.ge @!p1 [sflag:s5], $0x4000  }
0xc5: {  	[sflag:s5] =	ssyncset.done @!p1 $0x0  }
0xc6: {  	[sflag:s5] =	ssyncadd.s32 @!p1 $0xFFFFC000  }
0xc7: {  	_ =	swait.ge @!p1 [sflag:s5], $0x4000  }
0xc8: {  	s6 =	sadd.s32 s31, s11;
	[sflag:s5] =	ssyncset.done @!p1 $0x0  }
0xc9: {  	s7 =	sadd.s32 s31, s12;
	s6 =	sadd.s32 $0x80, s6;
	[sflag:s5] =	ssyncadd.s32 @!p1 $0xFFFFC000  }
0xca: {  	[tilespmem:s16], [sflag:$0x2] =	stream.linear.gather [hbm4b:s6+s4], $0x400, $0x38;
	[tilespmem:$0x1D000] =	vst v63  }
0xcb: {  	s6 =	sadd.s32 $0x80, s7  }
0xcc: {  	[tilespmem:s17], [sflag:$0x2] =	stream.linear.gather [hbm4b:s6+s4], $0x400, $0x38;
	[tilespmem:$0x1D000] =	vst v63  }
0xcd: {  	_ =	swait.ge [sflag:s18], $0x400  }
0xce: {  	[sflag:s18] =	ssyncset.done $0x0  }
0xcf: {  	[sflag:s18] =	ssyncadd.s32 $0xFFFFFC00  }
0xd0: {  	_ =	swait.ge [sflag:s18], $0x400  }
0xd1: {  	[sflag:s18] =	ssyncset.done $0x0  }
0xd2: {  	[sflag:s18] =	ssyncadd.s32 $0xFFFFFC00  }
0xd3: {  	[tilespmem:s20], [sflag:$0x3] =	stream.indirect.gather [hbm4b:s1+s19], $0x80, s4, s19, $0xb8;
	[tilespmem:$0x1D000] =	vst v63  }
0xd4: {  	_ = 	snop  }
0xd5: {  	[tilespmem:s21], [sflag:$0x4] =	stream.indirect.gather [hbm4b:s1+s19], $0x80, s19, s19, $0xb8;
	[tilespmem:$0x1D000] =	vst v63  }
0xd6: {  	_ =	swait.ge [sflag:s22], $0x4000  }
0xd7: {  	[sflag:s22] =	ssyncset.done $0x0  }
0xd8: {  	[sflag:s22] =	ssyncadd.s32 $0xFFFFC000  }
0xd9: {  	[spmem:s2] =	stream.indirect.scatter.add.f32 [tilespmem:s20], [sflag:$0x1], $0x80, s13, s19, $0xb8;
	[tilespmem:$0x1D000] =	vst v63  }
0xda: {  	_ =	swait.ge [sflag:s23], $0x4000  }
0xdb: {  	[sflag:s23] =	ssyncset.done $0x0  }
0xdc: {  	s7 =	rddreg [dreg:$0x4];
	[sflag:s23] =	ssyncadd.s32 $0xFFFFC000  }
0xdd: {  	[spmem:s2] =	stream.indirect.scatter.add.f32 [tilespmem:s21], [sflag:$0x1], $0x80, s7, s19, $0xb8;
	[tilespmem:$0x1D000] =	vst v63  }
0xde: {  	_ =	swait.ge [sflag:s24], $0x4000  }
0xdf: {  	[sflag:s24] =	ssyncset.done $0x0  }
0xe0: {  	s6 =	rddreg [dreg:$0x5];
	[sflag:s24] =	ssyncadd.s32 $0xFFFFC000  }
0xe1: {  	[tilespmem:s20], [sflag:$0x3] =	stream.indirect.gather [hbm4b:s1+s19], $0x80, s6, s19, $0xb8;
	[tilespmem:$0x1D000] =	vst v63  }
0xe2: {  	_ =	swait.ge [sflag:s24], $0x4000  }
0xe3: {  	[sflag:s24] =	ssyncset.done $0x0  }
0xe4: {  	s7 =	rddreg [dreg:$0x6];
	[sflag:s24] =	ssyncadd.s32 $0xFFFFC000  }
0xe5: {  	[tilespmem:s21], [sflag:$0x4] =	stream.indirect.gather [hbm4b:s1+s19], $0x80, s7, s19, $0xb8;
	[tilespmem:$0x1D000] =	vst v63  }
0xe6: {  	_ =	swait.ge [sflag:s22], $0x4000  }
0xe7: {  	[sflag:s22] =	ssyncset.done $0x0  }
0xe8: {  	s6 =	rddreg [dreg:$0x7];
	[sflag:s22] =	ssyncadd.s32 $0xFFFFC000  }
0xe9: {  	[spmem:s2] =	stream.indirect.scatter.add.f32 [tilespmem:s20], [sflag:$0x1], $0x80, s6, s19, $0xb8;
	[tilespmem:$0x1D000] =	vst v63  }
0xea: {  	_ =	swait.ge [sflag:s23], $0x4000  }
0xeb: {  	[sflag:s23] =	ssyncset.done $0x0  }
0xec: {  	s7 =	rddreg [dreg:$0x8];
	[sflag:s23] =	ssyncadd.s32 $0xFFFFC000  }
0xed: {  	[spmem:s2] =	stream.indirect.scatter.add.f32 [tilespmem:s21], [sflag:$0x1], $0x80, s7, s19, $0xb8;
	[tilespmem:$0x1D000] =	vst v63  }
0xee: {  	_ =	swait.ge [sflag:s24], $0x4000  }
0xef: {  	[sflag:s24] =	ssyncset.done $0x0  }
0xf0: {  	s6 =	rddreg [dreg:$0x9];
	[sflag:s24] =	ssyncadd.s32 $0xFFFFC000  }
0xf1: {  	[tilespmem:s20], [sflag:$0x3] =	stream.indirect.gather [hbm4b:s1+s19], $0x80, s6, s19, $0xb8;
	[tilespmem:$0x1D000] =	vst v63  }
0xf2: {  	_ =	swait.ge [sflag:s24], $0x4000  }
0xf3: {  	[sflag:s24] =	ssyncset.done $0x0  }
0xf4: {  	s7 =	rddreg [dreg:$0xa];
	[sflag:s24] =	ssyncadd.s32 $0xFFFFC000  }
0xf5: {  	[tilespmem:s21], [sflag:$0x4] =	stream.indirect.gather [hbm4b:s1+s19], $0x80, s7, s19, $0xb8;
	[tilespmem:$0x1D000] =	vst v63  }
0xf6: {  	_ =	swait.ge [sflag:s22], $0x4000  }
0xf7: {  	[sflag:s22] =	ssyncset.done $0x0  }
0xf8: {  	s6 =	rddreg [dreg:$0xb];
	[sflag:s22] =	ssyncadd.s32 $0xFFFFC000  }
0xf9: {  	[spmem:s2] =	stream.indirect.scatter.add.f32 [tilespmem:s20], [sflag:$0x1], $0x80, s6, s19, $0xb8;
	[tilespmem:$0x1D000] =	vst v63  }
0xfa: {  	_ =	swait.ge [sflag:s23], $0x4000  }
0xfb: {  	[sflag:s23] =	ssyncset.done $0x0  }
0xfc: {  	s7 =	rddreg [dreg:$0xc];
	[sflag:s23] =	ssyncadd.s32 $0xFFFFC000  }
0xfd: {  	[spmem:s2] =	stream.indirect.scatter.add.f32 [tilespmem:s21], [sflag:$0x1], $0x80, s7, s19, $0xb8;
	[tilespmem:$0x1D000] =	vst v63  }
0xfe: {  	_ =	swait.ge [sflag:s24], $0x4000  }
0xff: {  	[sflag:s24] =	ssyncset.done $0x0  }
0x100: {  	s6 =	rddreg [dreg:$0xd];
	[sflag:s24] =	ssyncadd.s32 $0xFFFFC000  }
0x101: {  	[tilespmem:s20], [sflag:$0x3] =	stream.indirect.gather [hbm4b:s1+s19], $0x80, s6, s19, $0xb8;
	[tilespmem:$0x1D000] =	vst v63  }
0x102: {  	_ =	swait.ge [sflag:s24], $0x4000  }
0x103: {  	[sflag:s24] =	ssyncset.done $0x0  }
0x104: {  	s7 =	rddreg [dreg:$0xe];
	[sflag:s24] =	ssyncadd.s32 $0xFFFFC000  }
0x105: {  	[tilespmem:s21], [sflag:$0x4] =	stream.indirect.gather [hbm4b:s1+s19], $0x80, s7, s19, $0xb8;
	[tilespmem:$0x1D000] =	vst v63  }
0x106: {  	_ =	swait.ge [sflag:s22], $0x4000  }
0x107: {  	[sflag:s22] =	ssyncset.done $0x0  }
0x108: {  	s6 =	rddreg [dreg:$0xf];
	[sflag:s22] =	ssyncadd.s32 $0xFFFFC000  }
0x109: {  	[spmem:s2] =	stream.indirect.scatter.add.f32 [tilespmem:s20], [sflag:$0x1], $0x80, s6, s19, $0xb8;
	[tilespmem:$0x1D000] =	vst v63  }
0x10a: {  	_ =	swait.ge [sflag:s23], $0x4000  }
0x10b: {  	[sflag:s23] =	ssyncset.done $0x0  }
0x10c: {  	s7 =	rddreg [dreg:$0x10];
	[sflag:s23] =	ssyncadd.s32 $0xFFFFC000  }
0x10d: {  	[spmem:s2] =	stream.indirect.scatter.add.f32 [tilespmem:s21], [sflag:$0x1], $0x80, s7, s19, $0xb8;
	[tilespmem:$0x1D000] =	vst v63  }
0x10e: {  	_ =	swait.ge [sflag:s24], $0x4000  }
0x10f: {  	[sflag:s24] =	ssyncset.done $0x0  }
0x110: {  	p1 =	sgt.u32 s30, $0x3;
	[sflag:s24] =	ssyncadd.s32 $0xFFFFC000  }
0x111: {  	s5 =	sadd.s32 @!p1 s31, s11;
	_ =	swait.ge [sflag:s24], $0x4000  }
0x112: {  	s5 =	sadd.s32 @!p1 $0x100, s5;
	[sflag:s24] =	ssyncset.done $0x0  }
0x113: {  	s6 =	sadd.s32 @!p1 s31, s12;
	s7 =	simm.s32 @!p1 $0x0;
	[sflag:s24] =	ssyncadd.s32 $0xFFFFC000  }
0x114: {  	[tilespmem:s7], [sflag:$0x2] =	stream.linear.gather @!p1 [hbm4b:s5+s7], $0x400, $0x38;
	[tilespmem:$0x1D000] =	vst v63  }
0x115: {  	s5 =	sadd.s32 @!p1 $0x100, s6;
	s6 =	simm.s32 @!p1 $0x800  }
0x116: {  	[tilespmem:s6], [sflag:$0x2] =	stream.linear.gather @!p1 [hbm4b:s5+s7], $0x400, $0x38;
	[tilespmem:$0x1D000] =	vst v63  }
0x117: {  	_ =	swait.ge [sflag:s18], $0x400  }
0x118: {  	[sflag:s18] =	ssyncset.done $0x0  }
0x119: {  	[sflag:s18] =	ssyncadd.s32 $0xFFFFFC00  }
0x11a: {  	_ =	swait.ge [sflag:s18], $0x400  }
0x11b: {  	[sflag:s18] =	ssyncset.done $0x0  }
0x11c: {  	[sflag:s18] =	ssyncadd.s32 $0xFFFFFC00  }
0x11d: {  	[tilespmem:s20], [sflag:$0x3] =	stream.indirect.gather [hbm4b:s1+s19], $0x80, s16, s19, $0xb8;
	[tilespmem:$0x1D000] =	vst v63  }
0x11e: {  	s6 =	rddreg [dreg:$0x11]  }
0x11f: {  	[tilespmem:s21], [sflag:$0x4] =	stream.indirect.gather [hbm4b:s1+s19], $0x80, s6, s19, $0xb8;
	[tilespmem:$0x1D000] =	vst v63  }
0x120: {  	_ =	swait.ge [sflag:s22], $0x4000  }
0x121: {  	[sflag:s22] =	ssyncset.done $0x0  }
0x122: {  	[sflag:s22] =	ssyncadd.s32 $0xFFFFC000  }
0x123: {  	[spmem:s2] =	stream.indirect.scatter.add.f32 [tilespmem:s20], [sflag:$0x1], $0x80, s17, s19, $0xb8;
	[tilespmem:$0x1D000] =	vst v63  }
0x124: {  	_ =	swait.ge [sflag:s23], $0x4000  }
0x125: {  	[sflag:s23] =	ssyncset.done $0x0  }
0x126: {  	s7 =	rddreg [dreg:$0x12];
	[sflag:s23] =	ssyncadd.s32 $0xFFFFC000  }
0x127: {  	[spmem:s2] =	stream.indirect.scatter.add.f32 [tilespmem:s21], [sflag:$0x1], $0x80, s7, s19, $0xb8;
	[tilespmem:$0x1D000] =	vst v63  }
0x128: {  	_ =	swait.ge [sflag:s24], $0x4000  }
0x129: {  	[sflag:s24] =	ssyncset.done $0x0  }
0x12a: {  	s5 =	rddreg [dreg:$0x13];
	[sflag:s24] =	ssyncadd.s32 $0xFFFFC000  }
0x12b: {  	[tilespmem:s20], [sflag:$0x3] =	stream.indirect.gather [hbm4b:s1+s19], $0x80, s5, s19, $0xb8;
	[tilespmem:$0x1D000] =	vst v63  }
0x12c: {  	_ =	swait.ge [sflag:s24], $0x4000  }
0x12d: {  	[sflag:s24] =	ssyncset.done $0x0  }
0x12e: {  	s6 =	rddreg [dreg:$0x14];
	[sflag:s24] =	ssyncadd.s32 $0xFFFFC000  }
0x12f: {  	[tilespmem:s21], [sflag:$0x4] =	stream.indirect.gather [hbm4b:s1+s19], $0x80, s6, s19, $0xb8;
	[tilespmem:$0x1D000] =	vst v63  }
0x130: {  	_ =	swait.ge [sflag:s22], $0x4000  }
0x131: {  	[sflag:s22] =	ssyncset.done $0x0  }
0x132: {  	s7 =	rddreg [dreg:$0x15];
	[sflag:s22] =	ssyncadd.s32 $0xFFFFC000  }
0x133: {  	[spmem:s2] =	stream.indirect.scatter.add.f32 [tilespmem:s20], [sflag:$0x1], $0x80, s7, s19, $0xb8;
	[tilespmem:$0x1D000] =	vst v63  }
0x134: {  	_ =	swait.ge [sflag:s23], $0x4000  }
0x135: {  	[sflag:s23] =	ssyncset.done $0x0  }
0x136: {  	s5 =	rddreg [dreg:$0x16];
	[sflag:s23] =	ssyncadd.s32 $0xFFFFC000  }
0x137: {  	[spmem:s2] =	stream.indirect.scatter.add.f32 [tilespmem:s21], [sflag:$0x1], $0x80, s5, s19, $0xb8;
	[tilespmem:$0x1D000] =	vst v63  }
0x138: {  	_ =	swait.ge [sflag:s24], $0x4000  }
0x139: {  	[sflag:s24] =	ssyncset.done $0x0  }
0x13a: {  	s6 =	rddreg [dreg:$0x17];
	[sflag:s24] =	ssyncadd.s32 $0xFFFFC000  }
0x13b: {  	[tilespmem:s20], [sflag:$0x3] =	stream.indirect.gather [hbm4b:s1+s19], $0x80, s6, s19, $0xb8;
	[tilespmem:$0x1D000] =	vst v63  }
0x13c: {  	_ =	swait.ge [sflag:s24], $0x4000  }
0x13d: {  	[sflag:s24] =	ssyncset.done $0x0  }
0x13e: {  	s7 =	rddreg [dreg:$0x18];
	[sflag:s24] =	ssyncadd.s32 $0xFFFFC000  }
0x13f: {  	[tilespmem:s21], [sflag:$0x4] =	stream.indirect.gather [hbm4b:s1+s19], $0x80, s7, s19, $0xb8;
	[tilespmem:$0x1D000] =	vst v63  }
0x140: {  	_ =	swait.ge [sflag:s22], $0x4000  }
0x141: {  	[sflag:s22] =	ssyncset.done $0x0  }
0x142: {  	s5 =	rddreg [dreg:$0x19];
	[sflag:s22] =	ssyncadd.s32 $0xFFFFC000  }
0x143: {  	[spmem:s2] =	stream.indirect.scatter.add.f32 [tilespmem:s20], [sflag:$0x1], $0x80, s5, s19, $0xb8;
	[tilespmem:$0x1D000] =	vst v63  }
0x144: {  	_ =	swait.ge [sflag:s23], $0x4000  }
0x145: {  	[sflag:s23] =	ssyncset.done $0x0  }
0x146: {  	s6 =	rddreg [dreg:$0x1a];
	[sflag:s23] =	ssyncadd.s32 $0xFFFFC000  }
0x147: {  	[spmem:s2] =	stream.indirect.scatter.add.f32 [tilespmem:s21], [sflag:$0x1], $0x80, s6, s19, $0xb8;
	[tilespmem:$0x1D000] =	vst v63  }
0x148: {  	_ =	swait.ge [sflag:s24], $0x4000  }
0x149: {  	[sflag:s24] =	ssyncset.done $0x0  }
0x14a: {  	s7 =	rddreg [dreg:$0x1b];
	[sflag:s24] =	ssyncadd.s32 $0xFFFFC000  }
0x14b: {  	[tilespmem:s20], [sflag:$0x3] =	stream.indirect.gather [hbm4b:s1+s19], $0x80, s7, s19, $0xb8;
	[tilespmem:$0x1D000] =	vst v63  }
0x14c: {  	_ =	swait.ge [sflag:s24], $0x4000  }
0x14d: {  	[sflag:s24] =	ssyncset.done $0x0  }
0x14e: {  	s3 =	smov.u32 s0;
	s0 =	sadd.s32 $0x100, s0;
	[sflag:s24] =	ssyncadd.s32 $0xFFFFC000  }
0x14f: {  	[tilespmem:s21], [sflag:$0x4] =	stream.indirect.gather [hbm4b:s1+s19], $0x80, s25, s19, $0xb8;
	[tilespmem:$0x1D000] =	vst v63  }
0x150: {  	p0 =	sne.s32 s0, $0x500;
	_ =	swait.ge [sflag:s22], $0x4000  }
.Ltmp0:
0x151: {  	[sflag:s22] =	ssyncset.done $0x0;
	(pc) =	sbr.rel @p0 .LBB2_2-.Ltmp0, $4  }
0x152: {  	[sflag:s22] =	ssyncadd.s32 $0xFFFFC000  }
0x153: {  	[spmem:s2] =	stream.indirect.scatter.add.f32 [tilespmem:s20], [sflag:$0x1], $0x80, s26, s19, $0xb8;
	[tilespmem:$0x1D000] =	vst v63  }
0x154: {  	s31 =	smov.u32 s3;
	_ =	swait.ge [sflag:s23], $0x4000  }
0x155: {  	s30 =	sadd.s32 $0x1, s30;
	p1 =	seq.s32 s31, $0x0;
	[sflag:s23] =	ssyncset.done $0x0  }
0x156: {  	s0 =	simm.s32 @!p1 $0x1;
	[sflag:s23] =	ssyncadd.s32 $0xFFFFC000  }
0x157: {  	[spmem:s2] =	stream.indirect.scatter.add.f32 [tilespmem:s21], [sflag:$0x1], $0x80, s28, s19, $0xb8;
	[tilespmem:$0x1D000] =	vst v63  }
0x158: {  	_ =	swait.ge @!p1 [sflag:s0], $0x4000  }
0x159: {  	[sflag:s0] =	ssyncset.done @!p1 $0x0  }
0x15a: {  	[sflag:s0] =	ssyncadd.s32 @!p1 $0xFFFFC000  }
0x15b: {  	_ =	swait.ge @!p1 [sflag:s0], $0x4000  }
0x15c: {  	s3 =	sadd.s32 s31, s11;
	[sflag:s0] =	ssyncset.done @!p1 $0x0  }
0x15d: {  	s7 =	sadd.s32 s31, s12;
	s6 =	sadd.s32 $0x80, s3;
	[sflag:s0] =	ssyncadd.s32 @!p1 $0xFFFFC000  }
0x15e: {  	[tilespmem:s16], [sflag:$0x2] =	stream.linear.gather [hbm4b:s6+s4], $0x400, $0x38;
	[tilespmem:$0x1D000] =	vst v63  }
0x15f: {  	s0 =	sadd.s32 $0x80, s7  }
0x160: {  	[tilespmem:s17], [sflag:$0x2] =	stream.linear.gather [hbm4b:s0+s4], $0x400, $0x38;
	[tilespmem:$0x1D000] =	vst v63  }
0x161: {  	_ =	swait.ge [sflag:s18], $0x400  }
0x162: {  	[sflag:s18] =	ssyncset.done $0x0  }
0x163: {  	[sflag:s18] =	ssyncadd.s32 $0xFFFFFC00  }
0x164: {  	_ =	swait.ge [sflag:s18], $0x400  }
0x165: {  	[sflag:s18] =	ssyncset.done $0x0  }
0x166: {  	[sflag:s18] =	ssyncadd.s32 $0xFFFFFC00  }
0x167: {  	[tilespmem:s20], [sflag:$0x3] =	stream.indirect.gather [hbm4b:s1+s19], $0x80, s4, s19, $0xb8;
	[tilespmem:$0x1D000] =	vst v63  }
0x168: {  	_ = 	snop  }
0x169: {  	[tilespmem:s21], [sflag:$0x4] =	stream.indirect.gather [hbm4b:s1+s19], $0x80, s19, s19, $0xb8;
	[tilespmem:$0x1D000] =	vst v63  }
0x16a: {  	_ =	swait.ge [sflag:s22], $0x4000  }
0x16b: {  	[sflag:s22] =	ssyncset.done $0x0  }
0x16c: {  	[sflag:s22] =	ssyncadd.s32 $0xFFFFC000  }
0x16d: {  	[spmem:s2] =	stream.indirect.scatter.add.f32 [tilespmem:s20], [sflag:$0x1], $0x80, s13, s19, $0xb8;
	[tilespmem:$0x1D000] =	vst v63  }
0x16e: {  	_ =	swait.ge [sflag:s23], $0x4000  }
0x16f: {  	[sflag:s23] =	ssyncset.done $0x0  }
0x170: {  	s3 =	rddreg [dreg:$0x4];
	[sflag:s23] =	ssyncadd.s32 $0xFFFFC000  }
0x171: {  	[spmem:s2] =	stream.indirect.scatter.add.f32 [tilespmem:s21], [sflag:$0x1], $0x80, s3, s19, $0xb8;
	[tilespmem:$0x1D000] =	vst v63  }
0x172: {  	_ =	swait.ge [sflag:s24], $0x4000  }
0x173: {  	[sflag:s24] =	ssyncset.done $0x0  }
0x174: {  	s5 =	rddreg [dreg:$0x5];
	[sflag:s24] =	ssyncadd.s32 $0xFFFFC000  }
0x175: {  	[tilespmem:s20], [sflag:$0x3] =	stream.indirect.gather [hbm4b:s1+s19], $0x80, s5, s19, $0xb8;
	[tilespmem:$0x1D000] =	vst v63  }
0x176: {  	_ =	swait.ge [sflag:s24], $0x4000  }
0x177: {  	[sflag:s24] =	ssyncset.done $0x0  }
0x178: {  	s6 =	rddreg [dreg:$0x6];
	[sflag:s24] =	ssyncadd.s32 $0xFFFFC000  }
0x179: {  	[tilespmem:s21], [sflag:$0x4] =	stream.indirect.gather [hbm4b:s1+s19], $0x80, s6, s19, $0xb8;
	[tilespmem:$0x1D000] =	vst v63  }
0x17a: {  	_ =	swait.ge [sflag:s22], $0x4000  }
0x17b: {  	[sflag:s22] =	ssyncset.done $0x0  }
0x17c: {  	s7 =	rddreg [dreg:$0x7];
	[sflag:s22] =	ssyncadd.s32 $0xFFFFC000  }
0x17d: {  	[spmem:s2] =	stream.indirect.scatter.add.f32 [tilespmem:s20], [sflag:$0x1], $0x80, s7, s19, $0xb8;
	[tilespmem:$0x1D000] =	vst v63  }
0x17e: {  	_ =	swait.ge [sflag:s23], $0x4000  }
0x17f: {  	[sflag:s23] =	ssyncset.done $0x0  }
0x180: {  	s3 =	rddreg [dreg:$0x8];
	[sflag:s23] =	ssyncadd.s32 $0xFFFFC000  }
0x181: {  	[spmem:s2] =	stream.indirect.scatter.add.f32 [tilespmem:s21], [sflag:$0x1], $0x80, s3, s19, $0xb8;
	[tilespmem:$0x1D000] =	vst v63  }
0x182: {  	_ =	swait.ge [sflag:s24], $0x4000  }
0x183: {  	[sflag:s24] =	ssyncset.done $0x0  }
0x184: {  	s5 =	rddreg [dreg:$0x9];
	[sflag:s24] =	ssyncadd.s32 $0xFFFFC000  }
0x185: {  	[tilespmem:s20], [sflag:$0x3] =	stream.indirect.gather [hbm4b:s1+s19], $0x80, s5, s19, $0xb8;
	[tilespmem:$0x1D000] =	vst v63  }
0x186: {  	_ =	swait.ge [sflag:s24], $0x4000  }
0x187: {  	[sflag:s24] =	ssyncset.done $0x0  }
0x188: {  	s6 =	rddreg [dreg:$0xa];
	[sflag:s24] =	ssyncadd.s32 $0xFFFFC000  }
0x189: {  	[tilespmem:s21], [sflag:$0x4] =	stream.indirect.gather [hbm4b:s1+s19], $0x80, s6, s19, $0xb8;
	[tilespmem:$0x1D000] =	vst v63  }
0x18a: {  	_ =	swait.ge [sflag:s22], $0x4000  }
0x18b: {  	[sflag:s22] =	ssyncset.done $0x0  }
0x18c: {  	s7 =	rddreg [dreg:$0xb];
	[sflag:s22] =	ssyncadd.s32 $0xFFFFC000  }
0x18d: {  	[spmem:s2] =	stream.indirect.scatter.add.f32 [tilespmem:s20], [sflag:$0x1], $0x80, s7, s19, $0xb8;
	[tilespmem:$0x1D000] =	vst v63  }
0x18e: {  	_ =	swait.ge [sflag:s23], $0x4000  }
0x18f: {  	[sflag:s23] =	ssyncset.done $0x0  }
0x190: {  	s3 =	rddreg [dreg:$0xc];
	[sflag:s23] =	ssyncadd.s32 $0xFFFFC000  }
0x191: {  	[spmem:s2] =	stream.indirect.scatter.add.f32 [tilespmem:s21], [sflag:$0x1], $0x80, s3, s19, $0xb8;
	[tilespmem:$0x1D000] =	vst v63  }
0x192: {  	_ =	swait.ge [sflag:s24], $0x4000  }
0x193: {  	[sflag:s24] =	ssyncset.done $0x0  }
0x194: {  	s5 =	rddreg [dreg:$0xd];
	[sflag:s24] =	ssyncadd.s32 $0xFFFFC000  }
0x195: {  	[tilespmem:s20], [sflag:$0x3] =	stream.indirect.gather [hbm4b:s1+s19], $0x80, s5, s19, $0xb8;
	[tilespmem:$0x1D000] =	vst v63  }
0x196: {  	_ =	swait.ge [sflag:s24], $0x4000  }
0x197: {  	[sflag:s24] =	ssyncset.done $0x0  }
0x198: {  	s6 =	rddreg [dreg:$0xe];
	[sflag:s24] =	ssyncadd.s32 $0xFFFFC000  }
0x199: {  	[tilespmem:s21], [sflag:$0x4] =	stream.indirect.gather [hbm4b:s1+s19], $0x80, s6, s19, $0xb8;
	[tilespmem:$0x1D000] =	vst v63  }
0x19a: {  	_ =	swait.ge [sflag:s22], $0x4000  }
0x19b: {  	[sflag:s22] =	ssyncset.done $0x0  }
0x19c: {  	s7 =	rddreg [dreg:$0xf];
	[sflag:s22] =	ssyncadd.s32 $0xFFFFC000  }
0x19d: {  	[spmem:s2] =	stream.indirect.scatter.add.f32 [tilespmem:s20], [sflag:$0x1], $0x80, s7, s19, $0xb8;
	[tilespmem:$0x1D000] =	vst v63  }
0x19e: {  	_ =	swait.ge [sflag:s23], $0x4000  }
0x19f: {  	[sflag:s23] =	ssyncset.done $0x0  }
0x1a0: {  	s3 =	rddreg [dreg:$0x10];
	[sflag:s23] =	ssyncadd.s32 $0xFFFFC000  }
0x1a1: {  	[spmem:s2] =	stream.indirect.scatter.add.f32 [tilespmem:s21], [sflag:$0x1], $0x80, s3, s19, $0xb8;
	[tilespmem:$0x1D000] =	vst v63  }
0x1a2: {  	_ =	swait.ge [sflag:s24], $0x4000  }
0x1a3: {  	[sflag:s24] =	ssyncset.done $0x0  }
0x1a4: {  	p0 =	sgt.u32 s30, $0x3;
	[sflag:s24] =	ssyncadd.s32 $0xFFFFC000  }
0x1a5: {  	s0 =	sadd.s32 @!p0 s31, s11;
	_ =	swait.ge [sflag:s24], $0x4000  }
0x1a6: {  	s0 =	sadd.s32 @!p0 $0x100, s0;
	[sflag:s24] =	ssyncset.done $0x0  }
0x1a7: {  	s5 =	simm.s32 @!p0 $0x0;
	s3 =	sadd.s32 @!p0 s31, s12;
	[sflag:s24] =	ssyncadd.s32 $0xFFFFC000  }
0x1a8: {  	[tilespmem:s5], [sflag:$0x2] =	stream.linear.gather @!p0 [hbm4b:s0+s5], $0x400, $0x38;
	[tilespmem:$0x1D000] =	vst v63  }
0x1a9: {  	s0 =	sadd.s32 @!p0 $0x100, s3;
	s3 =	simm.s32 @!p0 $0x800  }
0x1aa: {  	[tilespmem:s3], [sflag:$0x2] =	stream.linear.gather @!p0 [hbm4b:s0+s5], $0x400, $0x38;
	[tilespmem:$0x1D000] =	vst v63  }
0x1ab: {  	_ =	swait.ge [sflag:s18], $0x400  }
0x1ac: {  	[sflag:s18] =	ssyncset.done $0x0  }
0x1ad: {  	[sflag:s18] =	ssyncadd.s32 $0xFFFFFC00  }
0x1ae: {  	_ =	swait.ge [sflag:s18], $0x400  }
0x1af: {  	[sflag:s18] =	ssyncset.done $0x0  }
0x1b0: {  	[sflag:s18] =	ssyncadd.s32 $0xFFFFFC00  }
0x1b1: {  	[tilespmem:s20], [sflag:$0x3] =	stream.indirect.gather [hbm4b:s1+s19], $0x80, s16, s19, $0xb8;
	[tilespmem:$0x1D000] =	vst v63  }
0x1b2: {  	s5 =	rddreg [dreg:$0x11]  }
0x1b3: {  	[tilespmem:s21], [sflag:$0x4] =	stream.indirect.gather [hbm4b:s1+s19], $0x80, s5, s19, $0xb8;
	[tilespmem:$0x1D000] =	vst v63  }
0x1b4: {  	_ =	swait.ge [sflag:s22], $0x4000  }
0x1b5: {  	[sflag:s22] =	ssyncset.done $0x0  }
0x1b6: {  	[sflag:s22] =	ssyncadd.s32 $0xFFFFC000  }
0x1b7: {  	[spmem:s2] =	stream.indirect.scatter.add.f32 [tilespmem:s20], [sflag:$0x1], $0x80, s17, s19, $0xb8;
	[tilespmem:$0x1D000] =	vst v63  }
0x1b8: {  	_ =	swait.ge [sflag:s23], $0x4000  }
0x1b9: {  	[sflag:s23] =	ssyncset.done $0x0  }
0x1ba: {  	s6 =	rddreg [dreg:$0x12];
	[sflag:s23] =	ssyncadd.s32 $0xFFFFC000  }
0x1bb: {  	[spmem:s2] =	stream.indirect.scatter.add.f32 [tilespmem:s21], [sflag:$0x1], $0x80, s6, s19, $0xb8;
	[tilespmem:$0x1D000] =	vst v63  }
0x1bc: {  	_ =	swait.ge [sflag:s24], $0x4000  }
0x1bd: {  	[sflag:s24] =	ssyncset.done $0x0  }
0x1be: {  	s7 =	rddreg [dreg:$0x13];
	[sflag:s24] =	ssyncadd.s32 $0xFFFFC000  }
0x1bf: {  	[tilespmem:s20], [sflag:$0x3] =	stream.indirect.gather [hbm4b:s1+s19], $0x80, s7, s19, $0xb8;
	[tilespmem:$0x1D000] =	vst v63  }
0x1c0: {  	_ =	swait.ge [sflag:s24], $0x4000  }
0x1c1: {  	[sflag:s24] =	ssyncset.done $0x0  }
0x1c2: {  	s30 =	rddreg [dreg:$0x14];
	[sflag:s24] =	ssyncadd.s32 $0xFFFFC000  }
0x1c3: {  	[tilespmem:s21], [sflag:$0x4] =	stream.indirect.gather [hbm4b:s1+s19], $0x80, s30, s19, $0xb8;
	[tilespmem:$0x1D000] =	vst v63  }
0x1c4: {  	_ =	swait.ge [sflag:s22], $0x4000  }
0x1c5: {  	[sflag:s22] =	ssyncset.done $0x0  }
0x1c6: {  	s31 =	rddreg [dreg:$0x15];
	[sflag:s22] =	ssyncadd.s32 $0xFFFFC000  }
0x1c7: {  	[spmem:s2] =	stream.indirect.scatter.add.f32 [tilespmem:s20], [sflag:$0x1], $0x80, s31, s19, $0xb8;
	[tilespmem:$0x1D000] =	vst v63  }
0x1c8: {  	_ =	swait.ge [sflag:s23], $0x4000  }
0x1c9: {  	[sflag:s23] =	ssyncset.done $0x0  }
0x1ca: {  	s3 =	rddreg [dreg:$0x16];
	[sflag:s23] =	ssyncadd.s32 $0xFFFFC000  }
0x1cb: {  	[spmem:s2] =	stream.indirect.scatter.add.f32 [tilespmem:s21], [sflag:$0x1], $0x80, s3, s19, $0xb8;
	[tilespmem:$0x1D000] =	vst v63  }
0x1cc: {  	_ =	swait.ge [sflag:s24], $0x4000  }
0x1cd: {  	[sflag:s24] =	ssyncset.done $0x0  }
0x1ce: {  	s5 =	rddreg [dreg:$0x17];
	[sflag:s24] =	ssyncadd.s32 $0xFFFFC000  }
0x1cf: {  	[tilespmem:s20], [sflag:$0x3] =	stream.indirect.gather [hbm4b:s1+s19], $0x80, s5, s19, $0xb8;
	[tilespmem:$0x1D000] =	vst v63  }
0x1d0: {  	_ =	swait.ge [sflag:s24], $0x4000  }
0x1d1: {  	[sflag:s24] =	ssyncset.done $0x0  }
0x1d2: {  	s6 =	rddreg [dreg:$0x18];
	[sflag:s24] =	ssyncadd.s32 $0xFFFFC000  }
0x1d3: {  	[tilespmem:s21], [sflag:$0x4] =	stream.indirect.gather [hbm4b:s1+s19], $0x80, s6, s19, $0xb8;
	[tilespmem:$0x1D000] =	vst v63  }
0x1d4: {  	_ =	swait.ge [sflag:s22], $0x4000  }
0x1d5: {  	[sflag:s22] =	ssyncset.done $0x0  }
0x1d6: {  	s7 =	rddreg [dreg:$0x19];
	[sflag:s22] =	ssyncadd.s32 $0xFFFFC000  }
0x1d7: {  	[spmem:s2] =	stream.indirect.scatter.add.f32 [tilespmem:s20], [sflag:$0x1], $0x80, s7, s19, $0xb8;
	[tilespmem:$0x1D000] =	vst v63  }
0x1d8: {  	_ =	swait.ge [sflag:s23], $0x4000  }
0x1d9: {  	[sflag:s23] =	ssyncset.done $0x0  }
0x1da: {  	s30 =	rddreg [dreg:$0x1a];
	[sflag:s23] =	ssyncadd.s32 $0xFFFFC000  }
0x1db: {  	[spmem:s2] =	stream.indirect.scatter.add.f32 [tilespmem:s21], [sflag:$0x1], $0x80, s30, s19, $0xb8;
	[tilespmem:$0x1D000] =	vst v63  }
0x1dc: {  	_ =	swait.ge [sflag:s24], $0x4000  }
0x1dd: {  	[sflag:s24] =	ssyncset.done $0x0  }
0x1de: {  	s31 =	rddreg [dreg:$0x1b];
	[sflag:s24] =	ssyncadd.s32 $0xFFFFC000  }
0x1df: {  	[tilespmem:s20], [sflag:$0x3] =	stream.indirect.gather [hbm4b:s1+s19], $0x80, s31, s19, $0xb8;
	[tilespmem:$0x1D000] =	vst v63  }
0x1e0: {  	_ =	swait.ge [sflag:s24], $0x4000  }
0x1e1: {  	[sflag:s24] =	ssyncset.done $0x0  }
0x1e2: {  	[sflag:s24] =	ssyncadd.s32 $0xFFFFC000  }
0x1e3: {  	[tilespmem:s21], [sflag:$0x4] =	stream.indirect.gather [hbm4b:s1+s19], $0x80, s25, s19, $0xb8;
	[tilespmem:$0x1D000] =	vst v63  }
0x1e4: {  	_ =	swait.ge [sflag:s22], $0x4000  }
0x1e5: {  	[sflag:s22] =	ssyncset.done $0x0  }
0x1e6: {  	[sflag:s22] =	ssyncadd.s32 $0xFFFFC000  }
0x1e7: {  	[spmem:s2] =	stream.indirect.scatter.add.f32 [tilespmem:s20], [sflag:$0x1], $0x80, s26, s19, $0xb8;
	[tilespmem:$0x1D000] =	vst v63  }
0x1e8: {  	_ =	swait.ge [sflag:s23], $0x4000  }
0x1e9: {  	[sflag:s23] =	ssyncset.done $0x0  }
0x1ea: {  	[sflag:s23] =	ssyncadd.s32 $0xFFFFC000  }
0x1eb: {  	[spmem:s2] =	stream.indirect.scatter.add.f32 [tilespmem:s21], [sflag:$0x1], $0x80, s28, s19, $0xb8;
	[tilespmem:$0x1D000] =	vst v63  }
0x1ec: {  	_ =	swait.ge [sflag:s24], $0x4000  }
0x1ed: {  	[sflag:s24] =	ssyncset.done $0x0  }
0x1ee: {  	[sflag:s24] =	ssyncadd.s32 $0xFFFFC000  }
0x1ef: {  	_ =	swait.ge [sflag:s24], $0x4000  }
0x1f0: {  	s29 =	sadd.s32 $0x1, s29;
	[sflag:s24] =	ssyncset.done $0x0  }
0x1f1: {  	p0 =	sne.s32 s29, s10;
	[sflag:s24] =	ssyncadd.s32 $0xFFFFC000  }
.Ltmp1:
0x1f2: {  	[bflag:$0x0] =	sbarrier.arrive $0xFFFF;
	(pc) =	sbr.rel @p0 .LBB2_1-.Ltmp1, $4  }
0x1f3: {  	[hbm:s9], [sflag:s8] =	dma.local [spmem:s14], $0x2800  }
0x1f4: {  	_ =	swait.ge [sflag:s15], $0x2800  }
0x1f5: {  	[sflag:s15] =	ssyncset.done $0x0  }
0x1f6: {  	[sflag:s15] =	ssyncadd.s32 $0xFFFFD800  }
0x1f7: {  	_ =	sfence.sel $0x180000  }
0x1f8: {  	[bflag:$0x0] =	sbarrier.arrive $0xFFFF  }
0x1f9: {  	_ =	strace $0x9000004A  }
0x1fa: {  	s0 =	stileid.u32;
	[bflag:$0x2] =	sbarrier.arrive $0xFFFF  }
0x1fb: {  	p0 =	sne.s32 s0, $0x0;
	s0 =	rddreg [dreg:$0x3]  }
0x1fc: {  	s0 =	sadd.s32 @!p0 $0x100000, s0  }
0x1fd: {  	[sflag:s0] =	ssyncadd.tile.s32 @!p0 $0x1;
	_ =	shalt  }
.Lfunc_end2:
_tile_overlayer_lowered:
.L_overlay_start_2:
0x1fe: {  	(tag) =	ssettag $0x2  }
0x1ff: {  	s0 =	rddreg [dreg:$0x0];
	s2 =	stileid.u32  }
0x200: {  	s1 =	rddreg [dreg:$0x1];
	p0 =	sne.s32 s2, $0x0  }
0x201: {  	s3 =	rddreg [dreg:$0x2];
	[bflag:$0x3] =	sbarrier.arrive $0xFFFF;
	s2 =	simm.s32 @!p0 $0x1C05  }
0x202: {  	[timem:s3], [sflag:s2] =	dma.local @!p0 [hbm:s0], s1  }
0x203: {  	s0 =	simm.s32 @!p0 $0x5  }
0x204: {  	_ =	swait.ge @!p0 [sflag:s0], s1  }
0x205: {  	s1 =	ssub.s32 @!p0 $0x0, s1;
	[sflag:s0] =	ssyncset.done @!p0 $0x0  }
0x206: {  	[sflag:s0] =	ssyncadd.s32 @!p0 s1  }
0x207: {  	[bflag:$0x3] =	sbarrier.arrive $0xFFFF  }
0x208: {  	_ =	shalt  }

</sc_bundles>
